<compile_context>
chip_gen: v7x
topology: tpu7x:2x2x1
jax: 0.10.2.dev20260603
libtpu: 0.0.44.dev20260713+nightly
codegen_flags: <defaults>
</compile_context>

<pallas_src>
import functools

import jax
import jax.numpy as jnp
from jax import lax
from jax.experimental import pallas as pl
from jax.experimental.pallas import tpu as pltpu
from jax.experimental.pallas import tpu_sc as plsc

N = 10000
E = 320000
D = 128
FH = 128
OUTD = 21
OP = 32
NC = 2
NS = 16
NW = NC * NS
NPAD = 10240
ROWS_PER_TILE = NPAD // NS
EPW = E // NW

_MESH = plsc.VectorSubcoreMesh(
    core_axis_name="c", subcore_axis_name="s", num_cores=NC, num_subcores=NS
)


def _rsqrt16(x):
    y = 1.0 / x
    hx = 0.5 * x
    for _ in range(26):
        y = y * (1.5 - hx * y * y)
    return y


KD = 128
NCHUNK = E // KD


@functools.partial(
    pl.kernel,
    out_type=jax.ShapeDtypeStruct((NPAD,), jnp.float32),
    mesh=_MESH,
    compiler_params=pltpu.CompilerParams(use_tc_tiling_on_sc=False),
    scratch_types=[
        pltpu.VMEM_SHARED((NPAD,), jnp.float32),
        pltpu.VMEM((157, KD), jnp.int32),
        pltpu.VMEM((KD,), jnp.float32),
        pltpu.VMEM((NPAD // NS,), jnp.float32),
        pltpu.VMEM((NPAD // NW,), jnp.float32),
    ],
)
def _deg_dis(dst2_hbm, dis_hbm, deg_sp, dv_all, ones_v, zv, wv):
    c = lax.axis_index("c")
    s = lax.axis_index("s")
    for j in range(NPAD // NS // 16):
        zv[pl.ds(j * 16, 16)] = jnp.zeros((16,), jnp.float32)
    for j in range(KD // 16):
        ones_v[pl.ds(j * 16, 16)] = jnp.ones((16,), jnp.float32)
    pltpu.sync_copy(zv, deg_sp.at[pl.ds(s * (NPAD // NS), NPAD // NS)])
    plsc.subcore_barrier()

    cnt = jnp.where(s < 12, 156, 157)
    base = jnp.where(s < 12, s * 156, 1872 + (s - 12) * 157)
    lbase = jnp.minimum(base, NCHUNK - 157)
    off = base - lbase
    pltpu.sync_copy(dst2_hbm.at[pl.ds(lbase, 157)], dv_all)

    def body(j, carry):
        pltpu.sync_copy(ones_v, deg_sp.at[dv_all.at[off + j]], add=True)
        return carry

    lax.fori_loop(0, cnt, body, 0)
    plsc.subcore_barrier()

    w = c * NS + s
    nb = NPAD // NW
    pltpu.sync_copy(deg_sp.at[pl.ds(w * nb, nb)], wv)
    for g in range(nb // 16):
        d = wv[pl.ds(g * 16, 16)] + 1.0
        wv[pl.ds(g * 16, 16)] = _rsqrt16(d)
    pltpu.sync_copy(wv, dis_hbm.at[pl.ds(w * nb, nb)])


def _make_agg(F, K, nlo, clo, chi, tc_tiling=True):
    nchunk_tot = E // K
    assert nlo * clo + (NW - nlo) * chi == nchunk_tot

    @functools.partial(
        pl.kernel,
        out_type=jax.ShapeDtypeStruct((NC, NPAD, F), jnp.float32),
        mesh=_MESH,
        compiler_params=pltpu.CompilerParams(use_tc_tiling_on_sc=tc_tiling),
        scratch_types=[
            pltpu.VMEM_SHARED((NPAD, F), jnp.float32),
            pltpu.VMEM((chi * K,), jnp.int32),
            pltpu.VMEM((chi, K), jnp.int32),
            pltpu.VMEM((K, F), jnp.float32),
            pltpu.VMEM((K, F), jnp.float32),
            pltpu.SemaphoreType.DMA,
            pltpu.SemaphoreType.DMA,
        ],
    )
    def _agg(h_hbm, src_hbm, dst2_hbm, zero_hbm, out_hbm, acc_sp,
             sv_all, dv_all, rows0, rows1, gs0, gs1):
        c = lax.axis_index("c")
        s = lax.axis_index("s")
        pltpu.sync_copy(zero_hbm, acc_sp.at[pl.ds(s * ROWS_PER_TILE, ROWS_PER_TILE)])
        w = c * NS + s
        cnt = jnp.where(w < nlo, clo, chi)
        base = jnp.where(w < nlo, w * clo, nlo * clo + (w - nlo) * chi)
        lbase = jnp.minimum(base, nchunk_tot - chi)
        off = base - lbase
        pltpu.sync_copy(src_hbm.at[pl.ds(lbase * K, chi * K)], sv_all)
        pltpu.sync_copy(dst2_hbm.at[pl.ds(lbase, chi)], dv_all)
        plsc.subcore_barrier()

        def gather(rel, rows, sem):
            return pltpu.async_copy(
                h_hbm.at[sv_all.at[pl.ds((off + rel) * K, K)]], rows, sem
            )

        gather(0, rows0, gs0).wait()

        def body(p, carry):
            r0 = 2 * p
            d_g1 = gather(r0 + 1, rows1, gs1)
            pltpu.sync_copy(rows0, acc_sp.at[dv_all.at[off + r0]], add=True)
            d_g1.wait()
            r2 = jnp.minimum(r0 + 2, cnt - 2)
            d_g0 = gather(r2, rows0, gs0)
            pltpu.sync_copy(rows1, acc_sp.at[dv_all.at[off + r0 + 1]], add=True)
            d_g0.wait()
            return carry

        lax.fori_loop(0, cnt // 2, body, 0)
        plsc.subcore_barrier()
        pltpu.sync_copy(
            acc_sp.at[pl.ds(s * ROWS_PER_TILE, ROWS_PER_TILE)],
            out_hbm.at[c, pl.ds(s * ROWS_PER_TILE, ROWS_PER_TILE)],
        )

    return _agg


_agg128 = _make_agg(FH, 80, 12, 120, 128)
_agg32 = _make_agg(OP, 128, 30, 78, 80, tc_tiling=False)


RB = 1000
GRID = N // RB


def _tc1_body(x_ref, w_ref, d_ref, o_ref):
    m = jnp.dot(x_ref[...], w_ref[...], preferred_element_type=jnp.float32)
    o_ref[...] = m * d_ref[...]


def _tc2_body(p_ref, h_ref, d_ref, b_ref, w_ref, o_ref):
    d = d_ref[...]
    y = jnp.maximum((p_ref[0] + p_ref[1] + h_ref[...]) * d + b_ref[...], 0.0)
    o_ref[...] = jnp.dot(y, w_ref[...], preferred_element_type=jnp.float32) * d


def _tc3_body(p_ref, h_ref, d_ref, b_ref, o_ref):
    full = (p_ref[0] + p_ref[1] + h_ref[...]) * d_ref[...] + b_ref[...]
    o_ref[...] = full[:, :OUTD]


def _row_spec(F):
    return pl.BlockSpec((RB, F), lambda i: (i, 0))


def _full_spec(shape):
    n = len(shape)
    return pl.BlockSpec(shape, lambda i, _n=n: (0,) * _n)


def _parts_spec(F):
    return pl.BlockSpec((NC, RB, F), lambda i: (0, i, 0))


def _tc1(x, W1, dis):
    return pl.pallas_call(
        _tc1_body,
        grid=(GRID,),
        in_specs=[_row_spec(D), _full_spec((D, FH)), _row_spec(1)],
        out_specs=_row_spec(FH),
        out_shape=jax.ShapeDtypeStruct((N, FH), jnp.float32),
    )(x, W1, dis)


def _tc2(p1, h1p, dis, b1r, W2p):
    return pl.pallas_call(
        _tc2_body,
        grid=(GRID,),
        in_specs=[
            _parts_spec(FH),
            _row_spec(FH),
            _row_spec(1),
            _full_spec((1, FH)),
            _full_spec((FH, OP)),
        ],
        out_specs=_row_spec(OP),
        out_shape=jax.ShapeDtypeStruct((N, OP), jnp.float32),
    )(p1, h1p, dis, b1r, W2p)


def _tc3(p2, h2p, dis, b2r):
    return pl.pallas_call(
        _tc3_body,
        grid=(GRID,),
        in_specs=[
            _parts_spec(OP),
            _row_spec(OP),
            _row_spec(1),
            _full_spec((1, OP)),
        ],
        out_specs=_row_spec(OUTD),
        out_shape=jax.ShapeDtypeStruct((N, OUTD), jnp.float32),
    )(p2, h2p, dis, b2r)


def kernel(x, edge_index, W1, b1, W2, b2):
    x = x.astype(jnp.float32)
    src = edge_index[0].astype(jnp.int32)
    dst = edge_index[1].astype(jnp.int32)

    dst2 = dst.reshape(E // 80, 80)
    dst3 = dst.reshape(NCHUNK, KD)
    dis_pad = _deg_dis(dst3)
    dis = dis_pad[:N].reshape(N, 1)
    h1p = _tc1(x, W1, dis)

    z128 = jnp.zeros((ROWS_PER_TILE, FH), jnp.float32)
    p1 = _agg128(h1p, src, dst2, z128)

    b1r = b1.reshape(1, FH)
    W2p = jnp.zeros((FH, OP), jnp.float32).at[:, :OUTD].set(W2)
    h2p = _tc2(p1, h1p, dis, b1r, W2p)

    z32 = jnp.zeros((ROWS_PER_TILE, OP), jnp.float32)
    p2 = _agg32(h2p, src, dst3, z32)

    b2r = jnp.zeros((1, OP), jnp.float32).at[0, :OUTD].set(b2)
    return _tc3(p2, h2p, dis, b2r)

# --- scband reference (transcript-rebuilt; emitter-appended) ---
"""Pipeline reference for scband-baseline-net-81054622810539 (READ-ONLY COPY).

The authoritative reference and input builder live on the scoring server;
editing this copy changes nothing except your own understanding.
"""

import jax, jax.numpy as jnp
import numpy as np

N = 10000
E = 320000
D = 128
F_HID = 128
OUT = 21


def gcn_conv(x, edge_index, W, b):
    n = x.shape[0]
    loop = jnp.arange(n, dtype=edge_index.dtype)
    src = jnp.concatenate([edge_index[0], loop])
    dst = jnp.concatenate([edge_index[1], loop])
    deg = jnp.zeros((n,), dtype=x.dtype).at[dst].add(1.0)
    dis = jnp.where(deg > 0, 1.0 / jnp.sqrt(deg), 0.0)
    norm = dis[src] * dis[dst]
    h = x @ W
    msg = h[src] * norm[:, None]
    out = jnp.zeros((n, W.shape[1]), dtype=x.dtype).at[dst].add(msg)
    return out + b


def setup_inputs(seed: int = 0):
    key = jax.random.key(seed)
    k1, k2, k3, k4 = jax.random.split(key, 4)
    x = jax.random.normal(k1, (N, D), dtype=jnp.float32)
    edge_index = jax.random.randint(k2, (2, E), 0, N)
    W1 = jax.random.normal(k3, (D, F_HID), dtype=jnp.float32) * (1.0 / np.sqrt(D))
    b1 = jnp.zeros((F_HID,), dtype=jnp.float32)
    W2 = jax.random.normal(k4, (F_HID, OUT), dtype=jnp.float32) * (1.0 / np.sqrt(F_HID))
    b2 = jnp.zeros((OUT,), dtype=jnp.float32)
    return {"x": x, "edge_index": edge_index, "W1": W1, "b1": b1, "W2": W2, "b2": b2}


def reference(x, edge_index, W1, b1, W2, b2):
    x = x.astype(jnp.float32)
    h = gcn_conv(x, edge_index, W1, b1)
    h = jax.nn.relu(h)
    out = gcn_conv(h, edge_index, W2, b2)
    return out

if __name__ == "__main__":
    import jax
    _d = setup_inputs()
    print(jax.jit(kernel)(*tuple(_d.values())))

</pallas_src>

<mosaic_0001>
#map = affine_map<(d0, d1) -> (0, 0)>
#map1 = affine_map<(d0, d1) -> (0)>
#map2 = affine_map<(d0, d1) -> (0, 0, 0)>
module attributes {stable_mosaic.version = 14 : i64} {
  func.func @_agg(%arg0: i32, %arg1: i32, %arg2: memref<10000x32xf32, #tpu.memory_space<hbm>>, %arg3: memref<320000xi32, #tpu.memory_space<hbm>>, %arg4: memref<2500x128xi32, #tpu.memory_space<hbm>>, %arg5: memref<640x32xf32, #tpu.memory_space<hbm>>, %arg6: memref<2x10240x32xf32, #tpu.memory_space<hbm>>, %arg7: memref<10240x32xf32, #tpu.memory_space<vmem_shared>>, %arg8: memref<10240xi32, #tpu.memory_space<vmem>>, %arg9: memref<80x128xi32, #tpu.memory_space<vmem>>, %arg10: memref<128x32xf32, #tpu.memory_space<vmem>>, %arg11: memref<128x32xf32, #tpu.memory_space<vmem>>, %arg12: memref<!tpu.dma_semaphore, #tpu.memory_space<semaphore_mem>>, %arg13: memref<!tpu.dma_semaphore, #tpu.memory_space<semaphore_mem>>) attributes {dimension_semantics = [#tpu.dimension_semantics<core_parallel>, #tpu.dimension_semantics<subcore_parallel>], iteration_bounds = array<i64: 2, 16>, scalar_prefetch = 0 : i64, scratch_operands = 7 : i64, tpu.core_type = #tpu.core_type<sc_vector_subcore>, window_params = [{transform_indices = #map}, {transform_indices = #map1}, {transform_indices = #map}, {transform_indices = #map}, {transform_indices = #map2}]} {
    %mul3A = arith.constant 640 : i32
    %mul3A_0 = arith.muli %arg1, %mul3A : i32
    "tpu.region"() ({
      %run_scoped3A = tpu.sem_alloc : memref<!tpu.dma_semaphore, #tpu.memory_space<semaphore_mem>>
      %dma_start3A_62 = arith.constant 0 : i32
      %dma_start3A_63 = tpu.memref_slice %arg7[%mul3A_0, %dma_start3A_62] : memref<10240x32xf32, #tpu.memory_space<vmem_shared>> -> memref<640x32xf32, #tpu.memory_space<vmem_shared>>
      tpu.enqueue_dma source(%arg5 : memref<640x32xf32, #tpu.memory_space<hbm>>) target(%dma_start3A_63 : memref<640x32xf32, #tpu.memory_space<vmem_shared>>) target_semaphore(%run_scoped3A : memref<!tpu.dma_semaphore, #tpu.memory_space<semaphore_mem>>)
      %dma_wait3A_64 = arith.constant 0 : i32
      %dma_wait3A_65 = tpu.memref_slice %arg7[%mul3A_0, %dma_wait3A_64] : memref<10240x32xf32, #tpu.memory_space<vmem_shared>> -> memref<640x32xf32, #tpu.memory_space<vmem_shared>>
      tpu.wait_dma2 semaphore(%run_scoped3A : memref<!tpu.dma_semaphore, #tpu.memory_space<semaphore_mem>>) src(%arg5 : memref<640x32xf32, #tpu.memory_space<hbm>>) dst(%dma_wait3A_65 : memref<640x32xf32, #tpu.memory_space<vmem_shared>>)
      tpu.yield
    }) : () -> ()
    %mul3A_1 = arith.constant 16 : i32
    %mul3A_2 = arith.muli %arg0, %mul3A_1 : i32
    %add3A = arith.addi %mul3A_2, %arg1 : i32
    %lt3A = arith.constant 30 : i32
    %lt3A_3 = arith.cmpi slt, %add3A, %lt3A : i32
    %jit3A = arith.constant 78 : i32
    %jit3A_4 = arith.constant 80 : i32
    %select_n3A = arith.select %lt3A_3, %jit3A, %jit3A_4 : i32
    %lt3A_5 = arith.constant 30 : i32
    %lt3A_6 = arith.cmpi slt, %add3A, %lt3A_5 : i32
    %mul3A_7 = arith.constant 78 : i32
    %mul3A_8 = arith.muli %add3A, %mul3A_7 : i32
    %sub3A = arith.constant 30 : i32
    %sub3A_9 = arith.subi %add3A, %sub3A : i32
    %mul3A_10 = arith.constant 80 : i32
    %mul3A_11 = arith.muli %sub3A_9, %mul3A_10 : i32
    %add3A_12 = arith.constant 2340 : i32
    %add3A_13 = arith.addi %add3A_12, %mul3A_11 : i32
    %select_n3A_14 = arith.select %lt3A_6, %mul3A_8, %add3A_13 : i32
    %min3A = arith.constant 2420 : i32
    %min3A_15 = arith.minsi %select_n3A_14, %min3A : i32
    %sub3A_16 = arith.subi %select_n3A_14, %min3A_15 : i32
    %mul3A_17 = arith.constant 128 : i32
    %mul3A_18 = arith.muli %min3A_15, %mul3A_17 : i32
    "tpu.region"() ({
      %run_scoped3A = tpu.sem_alloc : memref<!tpu.dma_semaphore, #tpu.memory_space<semaphore_mem>>
      %dma_start3A_62 = tpu.memref_slice %arg3[%mul3A_18] : memref<320000xi32, #tpu.memory_space<hbm>> -> memref<10240xi32, #tpu.memory_space<hbm>>
      %dma_start3A_63 = tpu.memref_slice %arg3[%mul3A_18] : memref<320000xi32, #tpu.memory_space<hbm>> -> memref<10240xi32, #tpu.memory_space<hbm>>
      tpu.enqueue_dma source(%dma_start3A_63 : memref<10240xi32, #tpu.memory_space<hbm>>) target(%arg8 : memref<10240xi32, #tpu.memory_space<vmem>>) target_semaphore(%run_scoped3A : memref<!tpu.dma_semaphore, #tpu.memory_space<semaphore_mem>>)
      %dma_wait3A_64 = tpu.memref_slice %arg3[%mul3A_18] : memref<320000xi32, #tpu.memory_space<hbm>> -> memref<10240xi32, #tpu.memory_space<hbm>>
      %dma_wait3A_65 = tpu.memref_slice %arg3[%mul3A_18] : memref<320000xi32, #tpu.memory_space<hbm>> -> memref<10240xi32, #tpu.memory_space<hbm>>
      tpu.wait_dma2 semaphore(%run_scoped3A : memref<!tpu.dma_semaphore, #tpu.memory_space<semaphore_mem>>) src(%dma_wait3A_65 : memref<10240xi32, #tpu.memory_space<hbm>>) dst(%arg8 : memref<10240xi32, #tpu.memory_space<vmem>>)
      tpu.yield
    }) : () -> ()
    "tpu.region"() ({
      %run_scoped3A = tpu.sem_alloc : memref<!tpu.dma_semaphore, #tpu.memory_space<semaphore_mem>>
      %dma_start3A_62 = arith.constant 0 : i32
      %dma_start3A_63 = tpu.memref_slice %arg4[%min3A_15, %dma_start3A_62] : memref<2500x128xi32, #tpu.memory_space<hbm>> -> memref<80x128xi32, #tpu.memory_space<hbm>>
      %dma_start3A_64 = arith.constant 0 : i32
      %dma_start3A_65 = tpu.memref_slice %arg4[%min3A_15, %dma_start3A_64] : memref<2500x128xi32, #tpu.memory_space<hbm>> -> memref<80x128xi32, #tpu.memory_space<hbm>>
      tpu.enqueue_dma source(%dma_start3A_65 : memref<80x128xi32, #tpu.memory_space<hbm>>) target(%arg9 : memref<80x128xi32, #tpu.memory_space<vmem>>) target_semaphore(%run_scoped3A : memref<!tpu.dma_semaphore, #tpu.memory_space<semaphore_mem>>)
      %dma_wait3A_66 = arith.constant 0 : i32
      %dma_wait3A_67 = tpu.memref_slice %arg4[%min3A_15, %dma_wait3A_66] : memref<2500x128xi32, #tpu.memory_space<hbm>> -> memref<80x128xi32, #tpu.memory_space<hbm>>
      %dma_wait3A_68 = arith.constant 0 : i32
      %dma_wait3A_69 = tpu.memref_slice %arg4[%min3A_15, %dma_wait3A_68] : memref<2500x128xi32, #tpu.memory_space<hbm>> -> memref<80x128xi32, #tpu.memory_space<hbm>>
      tpu.wait_dma2 semaphore(%run_scoped3A : memref<!tpu.dma_semaphore, #tpu.memory_space<semaphore_mem>>) src(%dma_wait3A_69 : memref<80x128xi32, #tpu.memory_space<hbm>>) dst(%arg9 : memref<80x128xi32, #tpu.memory_space<vmem>>)
      tpu.yield
    }) : () -> ()
    %barrier3A = arith.constant 0 : index
    tpu.barrier barrier_id(%barrier3A)
    %add3A_19 = arith.constant 0 : i32
    %add3A_20 = arith.addi %sub3A_16, %add3A_19 : i32
    %mul3A_21 = arith.constant 128 : i32
    %mul3A_22 = arith.muli %add3A_20, %mul3A_21 : i32
    %dma_start3A = tpu.memref_slice %arg8[%mul3A_22] : memref<10240xi32, #tpu.memory_space<vmem>> -> memref<128xi32, #tpu.memory_space<vmem>>
    %dma_start3A_23 = arith.constant 0 : i32
    %dma_start3A_24 = arith.constant 0 : i32
    %dma_start3A_25 = tpu.memref_slice %arg2[%dma_start3A_23, %dma_start3A_24] : memref<10000x32xf32, #tpu.memory_space<hbm>> -> memref<10000x32xf32, #tpu.memory_space<hbm>>
    tpu.enqueue_indirect_dma source(%dma_start3A_25 : memref<10000x32xf32, #tpu.memory_space<hbm>>) target(%arg10 : memref<128x32xf32, #tpu.memory_space<vmem>>) offsets(%dma_start3A : memref<128xi32, #tpu.memory_space<vmem>>) semaphore(%arg12 : memref<!tpu.dma_semaphore, #tpu.memory_space<semaphore_mem>>)
    %dma_wait3A = tpu.memref_slice %arg8[%mul3A_22] : memref<10240xi32, #tpu.memory_space<vmem>> -> memref<128xi32, #tpu.memory_space<vmem>>
    %dma_wait3A_26 = arith.constant 0 : i32
    %dma_wait3A_27 = arith.constant 0 : i32
    %dma_wait3A_28 = tpu.memref_slice %arg2[%dma_wait3A_26, %dma_wait3A_27] : memref<10000x32xf32, #tpu.memory_space<hbm>> -> memref<10000x32xf32, #tpu.memory_space<hbm>>
    tpu.wait_indirect_dma semaphore(%arg12 : memref<!tpu.dma_semaphore, #tpu.memory_space<semaphore_mem>>) src(%dma_wait3A_28 : memref<10000x32xf32, #tpu.memory_space<hbm>>) dst(%arg10 : memref<128x32xf32, #tpu.memory_space<vmem>>)
    %jit3A_29 = arith.constant 2 : i32
    %div3A = arith.divsi %select_n3A, %jit3A_29 : i32
    %sign3A = arith.constant 0 : i32
    %sign3A_30 = arith.cmpi sgt, %select_n3A, %sign3A : i32
    %sign3A_31 = arith.extui %sign3A_30 : i1 to i32
    %sign3A_32 = arith.constant 0 : i32
    %sign3A_33 = arith.cmpi slt, %select_n3A, %sign3A_32 : i32
    %sign3A_34 = arith.extui %sign3A_33 : i1 to i32
    %sign3A_35 = arith.subi %sign3A_31, %sign3A_34 : i32
    %sign3A_36 = arith.constant 0 : i32
    %sign3A_37 = arith.cmpi sgt, %jit3A_29, %sign3A_36 : i32
    %sign3A_38 = arith.extui %sign3A_37 : i1 to i32
    %sign3A_39 = arith.constant 0 : i32
    %sign3A_40 = arith.cmpi slt, %jit3A_29, %sign3A_39 : i32
    %sign3A_41 = arith.extui %sign3A_40 : i1 to i32
    %sign3A_42 = arith.subi %sign3A_38, %sign3A_41 : i32
    %ne3A = arith.cmpi ne, %sign3A_35, %sign3A_42 : i32
    %rem3A = arith.remsi %select_n3A, %jit3A_29 : i32
    %ne3A_43 = arith.constant 0 : i32
    %ne3A_44 = arith.cmpi ne, %rem3A, %ne3A_43 : i32
    %and3A = arith.andi %ne3A, %ne3A_44 : i1
    %sub3A_45 = arith.constant 1 : i32
    %sub3A_46 = arith.subi %div3A, %sub3A_45 : i32
    %select_n3A_47 = arith.select %and3A, %sub3A_46, %div3A : i32
    %while3A = arith.constant 0 : i32
    %while3A_48 = arith.constant 0 : i32
    %while3A_49 = arith.subi %select_n3A_47, %while3A_48 : i32
    %while3A_50 = arith.addi %while3A_48, %while3A_49 : i32
    %while3A_51 = arith.constant 1 : i32
    %while3A_52 = arith.divsi %while3A_49, %while3A_51 : i32
    %while3A_53 = arith.muli %while3A_52, %while3A_51 : i32
    %while3A_54 = arith.addi %while3A_48, %while3A_53 : i32
    %while3A_55 = arith.constant 1 : i32
    scf.for %while3A_62 = %while3A_48 to %while3A_54 step %while3A_55  : i32 {
      %mul3A_63 = arith.constant 2 : i32
      %mul3A_64 = arith.muli %mul3A_63, %while3A_62 : i32
      %add3A_65 = arith.constant 1 : i32
      %add3A_66 = arith.addi %mul3A_64, %add3A_65 : i32
      %add3A_67 = arith.addi %sub3A_16, %add3A_66 : i32
      %mul3A_68 = arith.constant 128 : i32
      %mul3A_69 = arith.muli %add3A_67, %mul3A_68 : i32
      %dma_start3A_70 = tpu.memref_slice %arg8[%mul3A_69] : memref<10240xi32, #tpu.memory_space<vmem>> -> memref<128xi32, #tpu.memory_space<vmem>>
      %dma_start3A_71 = arith.constant 0 : i32
      %dma_start3A_72 = arith.constant 0 : i32
      %dma_start3A_73 = tpu.memref_slice %arg2[%dma_start3A_71, %dma_start3A_72] : memref<10000x32xf32, #tpu.memory_space<hbm>> -> memref<10000x32xf32, #tpu.memory_space<hbm>>
      tpu.enqueue_indirect_dma source(%dma_start3A_73 : memref<10000x32xf32, #tpu.memory_space<hbm>>) target(%arg11 : memref<128x32xf32, #tpu.memory_space<vmem>>) offsets(%dma_start3A_70 : memref<128xi32, #tpu.memory_space<vmem>>) semaphore(%arg13 : memref<!tpu.dma_semaphore, #tpu.memory_space<semaphore_mem>>)
      %add3A_74 = arith.addi %sub3A_16, %mul3A_64 : i32
      "tpu.region"() ({
        %run_scoped3A = tpu.sem_alloc : memref<!tpu.dma_semaphore, #tpu.memory_space<semaphore_mem>>
        %dma_start3A_98 = arith.constant 0 : i32
        %dma_start3A_99 = tpu.memref_slice %arg9[%add3A_74, %dma_start3A_98] : memref<80x128xi32, #tpu.memory_space<vmem>> -> memref<1x128xi32, #tpu.memory_space<vmem>>
        %dma_start3A_100 = tpu.memref_squeeze %dma_start3A_99 : memref<1x128xi32, #tpu.memory_space<vmem>> -> memref<128xi32, #tpu.memory_space<vmem>>
        %dma_start3A_101 = arith.constant 0 : i32
        %dma_start3A_102 = arith.constant 0 : i32
        %dma_start3A_103 = tpu.memref_slice %arg7[%dma_start3A_101, %dma_start3A_102] : memref<10240x32xf32, #tpu.memory_space<vmem_shared>> -> memref<10240x32xf32, #tpu.memory_space<vmem_shared>>
        tpu.enqueue_indirect_dma source(%arg10 : memref<128x32xf32, #tpu.memory_space<vmem>>) target(%dma_start3A_103 : memref<10240x32xf32, #tpu.memory_space<vmem_shared>>) offsets(%dma_start3A_100 : memref<128xi32, #tpu.memory_space<vmem>>) semaphore(%run_scoped3A : memref<!tpu.dma_semaphore, #tpu.memory_space<semaphore_mem>>) {add = true}
        %dma_wait3A_104 = arith.constant 0 : i32
        %dma_wait3A_105 = tpu.memref_slice %arg9[%add3A_74, %dma_wait3A_104] : memref<80x128xi32, #tpu.memory_space<vmem>> -> memref<1x128xi32, #tpu.memory_space<vmem>>
        %dma_wait3A_106 = tpu.memref_squeeze %dma_wait3A_105 : memref<1x128xi32, #tpu.memory_space<vmem>> -> memref<128xi32, #tpu.memory_space<vmem>>
        %dma_wait3A_107 = arith.constant 0 : i32
        %dma_wait3A_108 = arith.constant 0 : i32
        %dma_wait3A_109 = tpu.memref_slice %arg7[%dma_wait3A_107, %dma_wait3A_108] : memref<10240x32xf32, #tpu.memory_space<vmem_shared>> -> memref<10240x32xf32, #tpu.memory_space<vmem_shared>>
        tpu.wait_indirect_dma semaphore(%run_scoped3A : memref<!tpu.dma_semaphore, #tpu.memory_space<semaphore_mem>>) src(%arg10 : memref<128x32xf32, #tpu.memory_space<vmem>>) dst(%dma_wait3A_109 : memref<10240x32xf32, #tpu.memory_space<vmem_shared>>)
        tpu.yield
      }) : () -> ()
      %dma_wait3A_75 = tpu.memref_slice %arg8[%mul3A_69] : memref<10240xi32, #tpu.memory_space<vmem>> -> memref<128xi32, #tpu.memory_space<vmem>>
      %dma_wait3A_76 = arith.constant 0 : i32
      %dma_wait3A_77 = arith.constant 0 : i32
      %dma_wait3A_78 = tpu.memref_slice %arg2[%dma_wait3A_76, %dma_wait3A_77] : memref<10000x32xf32, #tpu.memory_space<hbm>> -> memref<10000x32xf32, #tpu.memory_space<hbm>>
      tpu.wait_indirect_dma semaphore(%arg13 : memref<!tpu.dma_semaphore, #tpu.memory_space<semaphore_mem>>) src(%dma_wait3A_78 : memref<10000x32xf32, #tpu.memory_space<hbm>>) dst(%arg11 : memref<128x32xf32, #tpu.memory_space<vmem>>)
      %add3A_79 = arith.constant 2 : i32
      %add3A_80 = arith.addi %mul3A_64, %add3A_79 : i32
      %sub3A_81 = arith.constant 2 : i32
      %sub3A_82 = arith.subi %select_n3A, %sub3A_81 : i32
      %min3A_83 = arith.minsi %add3A_80, %sub3A_82 : i32
      %add3A_84 = arith.addi %sub3A_16, %min3A_83 : i32
      %mul3A_85 = arith.constant 128 : i32
      %mul3A_86 = arith.muli %add3A_84, %mul3A_85 : i32
      %dma_start3A_87 = tpu.memref_slice %arg8[%mul3A_86] : memref<10240xi32, #tpu.memory_space<vmem>> -> memref<128xi32, #tpu.memory_space<vmem>>
      %dma_start3A_88 = arith.constant 0 : i32
      %dma_start3A_89 = arith.constant 0 : i32
      %dma_start3A_90 = tpu.memref_slice %arg2[%dma_start3A_88, %dma_start3A_89] : memref<10000x32xf32, #tpu.memory_space<hbm>> -> memref<10000x32xf32, #tpu.memory_space<hbm>>
      tpu.enqueue_indirect_dma source(%dma_start3A_90 : memref<10000x32xf32, #tpu.memory_space<hbm>>) target(%arg10 : memref<128x32xf32, #tpu.memory_space<vmem>>) offsets(%dma_start3A_87 : memref<128xi32, #tpu.memory_space<vmem>>) semaphore(%arg12 : memref<!tpu.dma_semaphore, #tpu.memory_space<semaphore_mem>>)
      %add3A_91 = arith.addi %sub3A_16, %mul3A_64 : i32
      %add3A_92 = arith.constant 1 : i32
      %add3A_93 = arith.addi %add3A_91, %add3A_92 : i32
      "tpu.region"() ({
        %run_scoped3A = tpu.sem_alloc : memref<!tpu.dma_semaphore, #tpu.memory_space<semaphore_mem>>
        %dma_start3A_98 = arith.constant 0 : i32
        %dma_start3A_99 = tpu.memref_slice %arg9[%add3A_93, %dma_start3A_98] : memref<80x128xi32, #tpu.memory_space<vmem>> -> memref<1x128xi32, #tpu.memory_space<vmem>>
        %dma_start3A_100 = tpu.memref_squeeze %dma_start3A_99 : memref<1x128xi32, #tpu.memory_space<vmem>> -> memref<128xi32, #tpu.memory_space<vmem>>
        %dma_start3A_101 = arith.constant 0 : i32
        %dma_start3A_102 = arith.constant 0 : i32
        %dma_start3A_103 = tpu.memref_slice %arg7[%dma_start3A_101, %dma_start3A_102] : memref<10240x32xf32, #tpu.memory_space<vmem_shared>> -> memref<10240x32xf32, #tpu.memory_space<vmem_shared>>
        tpu.enqueue_indirect_dma source(%arg11 : memref<128x32xf32, #tpu.memory_space<vmem>>) target(%dma_start3A_103 : memref<10240x32xf32, #tpu.memory_space<vmem_shared>>) offsets(%dma_start3A_100 : memref<128xi32, #tpu.memory_space<vmem>>) semaphore(%run_scoped3A : memref<!tpu.dma_semaphore, #tpu.memory_space<semaphore_mem>>) {add = true}
        %dma_wait3A_104 = arith.constant 0 : i32
        %dma_wait3A_105 = tpu.memref_slice %arg9[%add3A_93, %dma_wait3A_104] : memref<80x128xi32, #tpu.memory_space<vmem>> -> memref<1x128xi32, #tpu.memory_space<vmem>>
        %dma_wait3A_106 = tpu.memref_squeeze %dma_wait3A_105 : memref<1x128xi32, #tpu.memory_space<vmem>> -> memref<128xi32, #tpu.memory_space<vmem>>
        %dma_wait3A_107 = arith.constant 0 : i32
        %dma_wait3A_108 = arith.constant 0 : i32
        %dma_wait3A_109 = tpu.memref_slice %arg7[%dma_wait3A_107, %dma_wait3A_108] : memref<10240x32xf32, #tpu.memory_space<vmem_shared>> -> memref<10240x32xf32, #tpu.memory_space<vmem_shared>>
        tpu.wait_indirect_dma semaphore(%run_scoped3A : memref<!tpu.dma_semaphore, #tpu.memory_space<semaphore_mem>>) src(%arg11 : memref<128x32xf32, #tpu.memory_space<vmem>>) dst(%dma_wait3A_109 : memref<10240x32xf32, #tpu.memory_space<vmem_shared>>)
        tpu.yield
      }) : () -> ()
      %dma_wait3A_94 = tpu.memref_slice %arg8[%mul3A_86] : memref<10240xi32, #tpu.memory_space<vmem>> -> memref<128xi32, #tpu.memory_space<vmem>>
      %dma_wait3A_95 = arith.constant 0 : i32
      %dma_wait3A_96 = arith.constant 0 : i32
      %dma_wait3A_97 = tpu.memref_slice %arg2[%dma_wait3A_95, %dma_wait3A_96] : memref<10000x32xf32, #tpu.memory_space<hbm>> -> memref<10000x32xf32, #tpu.memory_space<hbm>>
      tpu.wait_indirect_dma semaphore(%arg12 : memref<!tpu.dma_semaphore, #tpu.memory_space<semaphore_mem>>) src(%dma_wait3A_97 : memref<10000x32xf32, #tpu.memory_space<hbm>>) dst(%arg10 : memref<128x32xf32, #tpu.memory_space<vmem>>)
    }
    %while3A_56 = arith.constant 1 : i32
    scf.for %while3A_62 = %while3A_54 to %while3A_50 step %while3A_56  : i32 {
      %mul3A_63 = arith.constant 2 : i32
      %mul3A_64 = arith.muli %mul3A_63, %while3A_62 : i32
      %add3A_65 = arith.constant 1 : i32
      %add3A_66 = arith.addi %mul3A_64, %add3A_65 : i32
      %add3A_67 = arith.addi %sub3A_16, %add3A_66 : i32
      %mul3A_68 = arith.constant 128 : i32
      %mul3A_69 = arith.muli %add3A_67, %mul3A_68 : i32
      %dma_start3A_70 = tpu.memref_slice %arg8[%mul3A_69] : memref<10240xi32, #tpu.memory_space<vmem>> -> memref<128xi32, #tpu.memory_space<vmem>>
      %dma_start3A_71 = arith.constant 0 : i32
      %dma_start3A_72 = arith.constant 0 : i32
      %dma_start3A_73 = tpu.memref_slice %arg2[%dma_start3A_71, %dma_start3A_72] : memref<10000x32xf32, #tpu.memory_space<hbm>> -> memref<10000x32xf32, #tpu.memory_space<hbm>>
      tpu.enqueue_indirect_dma source(%dma_start3A_73 : memref<10000x32xf32, #tpu.memory_space<hbm>>) target(%arg11 : memref<128x32xf32, #tpu.memory_space<vmem>>) offsets(%dma_start3A_70 : memref<128xi32, #tpu.memory_space<vmem>>) semaphore(%arg13 : memref<!tpu.dma_semaphore, #tpu.memory_space<semaphore_mem>>)
      %add3A_74 = arith.addi %sub3A_16, %mul3A_64 : i32
      "tpu.region"() ({
        %run_scoped3A = tpu.sem_alloc : memref<!tpu.dma_semaphore, #tpu.memory_space<semaphore_mem>>
        %dma_start3A_98 = arith.constant 0 : i32
        %dma_start3A_99 = tpu.memref_slice %arg9[%add3A_74, %dma_start3A_98] : memref<80x128xi32, #tpu.memory_space<vmem>> -> memref<1x128xi32, #tpu.memory_space<vmem>>
        %dma_start3A_100 = tpu.memref_squeeze %dma_start3A_99 : memref<1x128xi32, #tpu.memory_space<vmem>> -> memref<128xi32, #tpu.memory_space<vmem>>
        %dma_start3A_101 = arith.constant 0 : i32
        %dma_start3A_102 = arith.constant 0 : i32
        %dma_start3A_103 = tpu.memref_slice %arg7[%dma_start3A_101, %dma_start3A_102] : memref<10240x32xf32, #tpu.memory_space<vmem_shared>> -> memref<10240x32xf32, #tpu.memory_space<vmem_shared>>
        tpu.enqueue_indirect_dma source(%arg10 : memref<128x32xf32, #tpu.memory_space<vmem>>) target(%dma_start3A_103 : memref<10240x32xf32, #tpu.memory_space<vmem_shared>>) offsets(%dma_start3A_100 : memref<128xi32, #tpu.memory_space<vmem>>) semaphore(%run_scoped3A : memref<!tpu.dma_semaphore, #tpu.memory_space<semaphore_mem>>) {add = true}
        %dma_wait3A_104 = arith.constant 0 : i32
        %dma_wait3A_105 = tpu.memref_slice %arg9[%add3A_74, %dma_wait3A_104] : memref<80x128xi32, #tpu.memory_space<vmem>> -> memref<1x128xi32, #tpu.memory_space<vmem>>
        %dma_wait3A_106 = tpu.memref_squeeze %dma_wait3A_105 : memref<1x128xi32, #tpu.memory_space<vmem>> -> memref<128xi32, #tpu.memory_space<vmem>>
        %dma_wait3A_107 = arith.constant 0 : i32
        %dma_wait3A_108 = arith.constant 0 : i32
        %dma_wait3A_109 = tpu.memref_slice %arg7[%dma_wait3A_107, %dma_wait3A_108] : memref<10240x32xf32, #tpu.memory_space<vmem_shared>> -> memref<10240x32xf32, #tpu.memory_space<vmem_shared>>
        tpu.wait_indirect_dma semaphore(%run_scoped3A : memref<!tpu.dma_semaphore, #tpu.memory_space<semaphore_mem>>) src(%arg10 : memref<128x32xf32, #tpu.memory_space<vmem>>) dst(%dma_wait3A_109 : memref<10240x32xf32, #tpu.memory_space<vmem_shared>>)
        tpu.yield
      }) : () -> ()
      %dma_wait3A_75 = tpu.memref_slice %arg8[%mul3A_69] : memref<10240xi32, #tpu.memory_space<vmem>> -> memref<128xi32, #tpu.memory_space<vmem>>
      %dma_wait3A_76 = arith.constant 0 : i32
      %dma_wait3A_77 = arith.constant 0 : i32
      %dma_wait3A_78 = tpu.memref_slice %arg2[%dma_wait3A_76, %dma_wait3A_77] : memref<10000x32xf32, #tpu.memory_space<hbm>> -> memref<10000x32xf32, #tpu.memory_space<hbm>>
      tpu.wait_indirect_dma semaphore(%arg13 : memref<!tpu.dma_semaphore, #tpu.memory_space<semaphore_mem>>) src(%dma_wait3A_78 : memref<10000x32xf32, #tpu.memory_space<hbm>>) dst(%arg11 : memref<128x32xf32, #tpu.memory_space<vmem>>)
      %add3A_79 = arith.constant 2 : i32
      %add3A_80 = arith.addi %mul3A_64, %add3A_79 : i32
      %sub3A_81 = arith.constant 2 : i32
      %sub3A_82 = arith.subi %select_n3A, %sub3A_81 : i32
      %min3A_83 = arith.minsi %add3A_80, %sub3A_82 : i32
      %add3A_84 = arith.addi %sub3A_16, %min3A_83 : i32
      %mul3A_85 = arith.constant 128 : i32
      %mul3A_86 = arith.muli %add3A_84, %mul3A_85 : i32
      %dma_start3A_87 = tpu.memref_slice %arg8[%mul3A_86] : memref<10240xi32, #tpu.memory_space<vmem>> -> memref<128xi32, #tpu.memory_space<vmem>>
      %dma_start3A_88 = arith.constant 0 : i32
      %dma_start3A_89 = arith.constant 0 : i32
      %dma_start3A_90 = tpu.memref_slice %arg2[%dma_start3A_88, %dma_start3A_89] : memref<10000x32xf32, #tpu.memory_space<hbm>> -> memref<10000x32xf32, #tpu.memory_space<hbm>>
      tpu.enqueue_indirect_dma source(%dma_start3A_90 : memref<10000x32xf32, #tpu.memory_space<hbm>>) target(%arg10 : memref<128x32xf32, #tpu.memory_space<vmem>>) offsets(%dma_start3A_87 : memref<128xi32, #tpu.memory_space<vmem>>) semaphore(%arg12 : memref<!tpu.dma_semaphore, #tpu.memory_space<semaphore_mem>>)
      %add3A_91 = arith.addi %sub3A_16, %mul3A_64 : i32
      %add3A_92 = arith.constant 1 : i32
      %add3A_93 = arith.addi %add3A_91, %add3A_92 : i32
      "tpu.region"() ({
        %run_scoped3A = tpu.sem_alloc : memref<!tpu.dma_semaphore, #tpu.memory_space<semaphore_mem>>
        %dma_start3A_98 = arith.constant 0 : i32
        %dma_start3A_99 = tpu.memref_slice %arg9[%add3A_93, %dma_start3A_98] : memref<80x128xi32, #tpu.memory_space<vmem>> -> memref<1x128xi32, #tpu.memory_space<vmem>>
        %dma_start3A_100 = tpu.memref_squeeze %dma_start3A_99 : memref<1x128xi32, #tpu.memory_space<vmem>> -> memref<128xi32, #tpu.memory_space<vmem>>
        %dma_start3A_101 = arith.constant 0 : i32
        %dma_start3A_102 = arith.constant 0 : i32
        %dma_start3A_103 = tpu.memref_slice %arg7[%dma_start3A_101, %dma_start3A_102] : memref<10240x32xf32, #tpu.memory_space<vmem_shared>> -> memref<10240x32xf32, #tpu.memory_space<vmem_shared>>
        tpu.enqueue_indirect_dma source(%arg11 : memref<128x32xf32, #tpu.memory_space<vmem>>) target(%dma_start3A_103 : memref<10240x32xf32, #tpu.memory_space<vmem_shared>>) offsets(%dma_start3A_100 : memref<128xi32, #tpu.memory_space<vmem>>) semaphore(%run_scoped3A : memref<!tpu.dma_semaphore, #tpu.memory_space<semaphore_mem>>) {add = true}
        %dma_wait3A_104 = arith.constant 0 : i32
        %dma_wait3A_105 = tpu.memref_slice %arg9[%add3A_93, %dma_wait3A_104] : memref<80x128xi32, #tpu.memory_space<vmem>> -> memref<1x128xi32, #tpu.memory_space<vmem>>
        %dma_wait3A_106 = tpu.memref_squeeze %dma_wait3A_105 : memref<1x128xi32, #tpu.memory_space<vmem>> -> memref<128xi32, #tpu.memory_space<vmem>>
        %dma_wait3A_107 = arith.constant 0 : i32
        %dma_wait3A_108 = arith.constant 0 : i32
        %dma_wait3A_109 = tpu.memref_slice %arg7[%dma_wait3A_107, %dma_wait3A_108] : memref<10240x32xf32, #tpu.memory_space<vmem_shared>> -> memref<10240x32xf32, #tpu.memory_space<vmem_shared>>
        tpu.wait_indirect_dma semaphore(%run_scoped3A : memref<!tpu.dma_semaphore, #tpu.memory_space<semaphore_mem>>) src(%arg11 : memref<128x32xf32, #tpu.memory_space<vmem>>) dst(%dma_wait3A_109 : memref<10240x32xf32, #tpu.memory_space<vmem_shared>>)
        tpu.yield
      }) : () -> ()
      %dma_wait3A_94 = tpu.memref_slice %arg8[%mul3A_86] : memref<10240xi32, #tpu.memory_space<vmem>> -> memref<128xi32, #tpu.memory_space<vmem>>
      %dma_wait3A_95 = arith.constant 0 : i32
      %dma_wait3A_96 = arith.constant 0 : i32
      %dma_wait3A_97 = tpu.memref_slice %arg2[%dma_wait3A_95, %dma_wait3A_96] : memref<10000x32xf32, #tpu.memory_space<hbm>> -> memref<10000x32xf32, #tpu.memory_space<hbm>>
      tpu.wait_indirect_dma semaphore(%arg12 : memref<!tpu.dma_semaphore, #tpu.memory_space<semaphore_mem>>) src(%dma_wait3A_97 : memref<10000x32xf32, #tpu.memory_space<hbm>>) dst(%arg10 : memref<128x32xf32, #tpu.memory_space<vmem>>)
    }
    %barrier3A_57 = arith.constant 0 : index
    tpu.barrier barrier_id(%barrier3A_57)
    %mul3A_58 = arith.constant 640 : i32
    %mul3A_59 = arith.muli %arg1, %mul3A_58 : i32
    %mul3A_60 = arith.constant 640 : i32
    %mul3A_61 = arith.muli %arg1, %mul3A_60 : i32
    "tpu.region"() ({
      %run_scoped3A = tpu.sem_alloc : memref<!tpu.dma_semaphore, #tpu.memory_space<semaphore_mem>>
      %dma_start3A_62 = arith.constant 0 : i32
      %dma_start3A_63 = tpu.memref_slice %arg6[%arg0, %mul3A_61, %dma_start3A_62] : memref<2x10240x32xf32, #tpu.memory_space<hbm>> -> memref<1x640x32xf32, #tpu.memory_space<hbm>>
      %dma_start3A_64 = tpu.memref_squeeze %dma_start3A_63 : memref<1x640x32xf32, #tpu.memory_space<hbm>> -> memref<640x32xf32, #tpu.memory_space<hbm>>
      %dma_start3A_65 = arith.constant 0 : i32
      %dma_start3A_66 = tpu.memref_slice %arg7[%mul3A_59, %dma_start3A_65] : memref<10240x32xf32, #tpu.memory_space<vmem_shared>> -> memref<640x32xf32, #tpu.memory_space<vmem_shared>>
      tpu.enqueue_dma source(%dma_start3A_66 : memref<640x32xf32, #tpu.memory_space<vmem_shared>>) target(%dma_start3A_64 : memref<640x32xf32, #tpu.memory_space<hbm>>) target_semaphore(%run_scoped3A : memref<!tpu.dma_semaphore, #tpu.memory_space<semaphore_mem>>)
      %dma_wait3A_67 = arith.constant 0 : i32
      %dma_wait3A_68 = tpu.memref_slice %arg6[%arg0, %mul3A_61, %dma_wait3A_67] : memref<2x10240x32xf32, #tpu.memory_space<hbm>> -> memref<1x640x32xf32, #tpu.memory_space<hbm>>
      %dma_wait3A_69 = tpu.memref_squeeze %dma_wait3A_68 : memref<1x640x32xf32, #tpu.memory_space<hbm>> -> memref<640x32xf32, #tpu.memory_space<hbm>>
      %dma_wait3A_70 = arith.constant 0 : i32
      %dma_wait3A_71 = tpu.memref_slice %arg7[%mul3A_59, %dma_wait3A_70] : memref<10240x32xf32, #tpu.memory_space<vmem_shared>> -> memref<640x32xf32, #tpu.memory_space<vmem_shared>>
      tpu.wait_dma2 semaphore(%run_scoped3A : memref<!tpu.dma_semaphore, #tpu.memory_space<semaphore_mem>>) src(%dma_wait3A_71 : memref<640x32xf32, #tpu.memory_space<vmem_shared>>) dst(%dma_wait3A_69 : memref<640x32xf32, #tpu.memory_space<hbm>>)
      tpu.yield
    }) : () -> ()
    return
  }
}

#map = affine_map<(d0, d1) -> (0, 0)>
#map1 = affine_map<(d0, d1) -> (0)>
module attributes {stable_mosaic.version = 14 : i64} {
  func.func @_deg_dis(%arg0: i32, %arg1: i32, %arg2: memref<2500x128xi32, #tpu.memory_space<hbm>>, %arg3: memref<10240xf32, #tpu.memory_space<hbm>>, %arg4: memref<10240xf32, #tpu.memory_space<vmem_shared>>, %arg5: memref<157x128xi32, #tpu.memory_space<vmem>>, %arg6: memref<128xf32, #tpu.memory_space<vmem>>, %arg7: memref<640xf32, #tpu.memory_space<vmem>>, %arg8: memref<320xf32, #tpu.memory_space<vmem>>) attributes {dimension_semantics = [#tpu.dimension_semantics<core_parallel>, #tpu.dimension_semantics<subcore_parallel>], iteration_bounds = array<i64: 2, 16>, scalar_prefetch = 0 : i64, scratch_operands = 5 : i64, tpu.core_type = #tpu.core_type<sc_vector_subcore>, window_params = [{transform_indices = #map}, {transform_indices = #map1}]} {
    %broadcast_in_dim3A = arith.constant 0.000000e+00 : f32
    %broadcast_in_dim3A_0 = vector.broadcast %broadcast_in_dim3A : f32 to vector<16xf32>
    %swap3A = arith.constant 0 : index
    %swap3A_1 = tpu.vector_load %arg7[%swap3A] {strides = array<i32>} : memref<640xf32, #tpu.memory_space<vmem>>, vector<16xf32>,
    %swap3A_2 = vector.shape_cast %swap3A_1 : vector<16xf32> to vector<16xf32>
    %swap3A_3 = vector.shape_cast %broadcast_in_dim3A_0 : vector<16xf32> to vector<16xf32>
    tpu.vector_store %arg7[%swap3A], %swap3A_3 {strides = array<i32>} : memref<640xf32, #tpu.memory_space<vmem>>, vector<16xf32>,
    %broadcast_in_dim3A_4 = arith.constant 0.000000e+00 : f32
    %broadcast_in_dim3A_5 = vector.broadcast %broadcast_in_dim3A_4 : f32 to vector<16xf32>
    %swap3A_6 = arith.constant 16 : index
    %swap3A_7 = tpu.vector_load %arg7[%swap3A_6] {strides = array<i32>} : memref<640xf32, #tpu.memory_space<vmem>>, vector<16xf32>,
    %swap3A_8 = vector.shape_cast %swap3A_7 : vector<16xf32> to vector<16xf32>
    %swap3A_9 = vector.shape_cast %broadcast_in_dim3A_5 : vector<16xf32> to vector<16xf32>
    tpu.vector_store %arg7[%swap3A_6], %swap3A_9 {strides = array<i32>} : memref<640xf32, #tpu.memory_space<vmem>>, vector<16xf32>,
    %broadcast_in_dim3A_10 = arith.constant 0.000000e+00 : f32
    %broadcast_in_dim3A_11 = vector.broadcast %broadcast_in_dim3A_10 : f32 to vector<16xf32>
    %swap3A_12 = arith.constant 32 : index
    %swap3A_13 = tpu.vector_load %arg7[%swap3A_12] {strides = array<i32>} : memref<640xf32, #tpu.memory_space<vmem>>, vector<16xf32>,
    %swap3A_14 = vector.shape_cast %swap3A_13 : vector<16xf32> to vector<16xf32>
    %swap3A_15 = vector.shape_cast %broadcast_in_dim3A_11 : vector<16xf32> to vector<16xf32>
    tpu.vector_store %arg7[%swap3A_12], %swap3A_15 {strides = array<i32>} : memref<640xf32, #tpu.memory_space<vmem>>, vector<16xf32>,
    %broadcast_in_dim3A_16 = arith.constant 0.000000e+00 : f32
    %broadcast_in_dim3A_17 = vector.broadcast %broadcast_in_dim3A_16 : f32 to vector<16xf32>
    %swap3A_18 = arith.constant 48 : index
    %swap3A_19 = tpu.vector_load %arg7[%swap3A_18] {strides = array<i32>} : memref<640xf32, #tpu.memory_space<vmem>>, vector<16xf32>,
    %swap3A_20 = vector.shape_cast %swap3A_19 : vector<16xf32> to vector<16xf32>
    %swap3A_21 = vector.shape_cast %broadcast_in_dim3A_17 : vector<16xf32> to vector<16xf32>
    tpu.vector_store %arg7[%swap3A_18], %swap3A_21 {strides = array<i32>} : memref<640xf32, #tpu.memory_space<vmem>>, vector<16xf32>,
    %broadcast_in_dim3A_22 = arith.constant 0.000000e+00 : f32
    %broadcast_in_dim3A_23 = vector.broadcast %broadcast_in_dim3A_22 : f32 to vector<16xf32>
    %swap3A_24 = arith.constant 64 : index
    %swap3A_25 = tpu.vector_load %arg7[%swap3A_24] {strides = array<i32>} : memref<640xf32, #tpu.memory_space<vmem>>, vector<16xf32>,
    %swap3A_26 = vector.shape_cast %swap3A_25 : vector<16xf32> to vector<16xf32>
    %swap3A_27 = vector.shape_cast %broadcast_in_dim3A_23 : vector<16xf32> to vector<16xf32>
    tpu.vector_store %arg7[%swap3A_24], %swap3A_27 {strides = array<i32>} : memref<640xf32, #tpu.memory_space<vmem>>, vector<16xf32>,
    %broadcast_in_dim3A_28 = arith.constant 0.000000e+00 : f32
    %broadcast_in_dim3A_29 = vector.broadcast %broadcast_in_dim3A_28 : f32 to vector<16xf32>
    %swap3A_30 = arith.constant 80 : index
    %swap3A_31 = tpu.vector_load %arg7[%swap3A_30] {strides = array<i32>} : memref<640xf32, #tpu.memory_space<vmem>>, vector<16xf32>,
    %swap3A_32 = vector.shape_cast %swap3A_31 : vector<16xf32> to vector<16xf32>
    %swap3A_33 = vector.shape_cast %broadcast_in_dim3A_29 : vector<16xf32> to vector<16xf32>
    tpu.vector_store %arg7[%swap3A_30], %swap3A_33 {strides = array<i32>} : memref<640xf32, #tpu.memory_space<vmem>>, vector<16xf32>,
    %broadcast_in_dim3A_34 = arith.constant 0.000000e+00 : f32
    %broadcast_in_dim3A_35 = vector.broadcast %broadcast_in_dim3A_34 : f32 to vector<16xf32>
    %swap3A_36 = arith.constant 96 : index
    %swap3A_37 = tpu.vector_load %arg7[%swap3A_36] {strides = array<i32>} : memref<640xf32, #tpu.memory_space<vmem>>, vector<16xf32>,
    %swap3A_38 = vector.shape_cast %swap3A_37 : vector<16xf32> to vector<16xf32>
    %swap3A_39 = vector.shape_cast %broadcast_in_dim3A_35 : vector<16xf32> to vector<16xf32>
    tpu.vector_store %arg7[%swap3A_36], %swap3A_39 {strides = array<i32>} : memref<640xf32, #tpu.memory_space<vmem>>, vector<16xf32>,
    %broadcast_in_dim3A_40 = arith.constant 0.000000e+00 : f32
    %broadcast_in_dim3A_41 = vector.broadcast %broadcast_in_dim3A_40 : f32 to vector<16xf32>
    %swap3A_42 = arith.constant 112 : index
    %swap3A_43 = tpu.vector_load %arg7[%swap3A_42] {strides = array<i32>} : memref<640xf32, #tpu.memory_space<vmem>>, vector<16xf32>,
    %swap3A_44 = vector.shape_cast %swap3A_43 : vector<16xf32> to vector<16xf32>
    %swap3A_45 = vector.shape_cast %broadcast_in_dim3A_41 : vector<16xf32> to vector<16xf32>
    tpu.vector_store %arg7[%swap3A_42], %swap3A_45 {strides = array<i32>} : memref<640xf32, #tpu.memory_space<vmem>>, vector<16xf32>,
    %broadcast_in_dim3A_46 = arith.constant 0.000000e+00 : f32
    %broadcast_in_dim3A_47 = vector.broadcast %broadcast_in_dim3A_46 : f32 to vector<16xf32>
    %swap3A_48 = arith.constant 128 : index
    %swap3A_49 = tpu.vector_load %arg7[%swap3A_48] {strides = array<i32>} : memref<640xf32, #tpu.memory_space<vmem>>, vector<16xf32>,
    %swap3A_50 = vector.shape_cast %swap3A_49 : vector<16xf32> to vector<16xf32>
    %swap3A_51 = vector.shape_cast %broadcast_in_dim3A_47 : vector<16xf32> to vector<16xf32>
    tpu.vector_store %arg7[%swap3A_48], %swap3A_51 {strides = array<i32>} : memref<640xf32, #tpu.memory_space<vmem>>, vector<16xf32>,
    %broadcast_in_dim3A_52 = arith.constant 0.000000e+00 : f32
    %broadcast_in_dim3A_53 = vector.broadcast %broadcast_in_dim3A_52 : f32 to vector<16xf32>
    %swap3A_54 = arith.constant 144 : index
    %swap3A_55 = tpu.vector_load %arg7[%swap3A_54] {strides = array<i32>} : memref<640xf32, #tpu.memory_space<vmem>>, vector<16xf32>,
    %swap3A_56 = vector.shape_cast %swap3A_55 : vector<16xf32> to vector<16xf32>
    %swap3A_57 = vector.shape_cast %broadcast_in_dim3A_53 : vector<16xf32> to vector<16xf32>
    tpu.vector_store %arg7[%swap3A_54], %swap3A_57 {strides = array<i32>} : memref<640xf32, #tpu.memory_space<vmem>>, vector<16xf32>,
    %broadcast_in_dim3A_58 = arith.constant 0.000000e+00 : f32
    %broadcast_in_dim3A_59 = vector.broadcast %broadcast_in_dim3A_58 : f32 to vector<16xf32>
    %swap3A_60 = arith.constant 160 : index
    %swap3A_61 = tpu.vector_load %arg7[%swap3A_60] {strides = array<i32>} : memref<640xf32, #tpu.memory_space<vmem>>, vector<16xf32>,
    %swap3A_62 = vector.shape_cast %swap3A_61 : vector<16xf32> to vector<16xf32>
    %swap3A_63 = vector.shape_cast %broadcast_in_dim3A_59 : vector<16xf32> to vector<16xf32>
    tpu.vector_store %arg7[%swap3A_60], %swap3A_63 {strides = array<i32>} : memref<640xf32, #tpu.memory_space<vmem>>, vector<16xf32>,
    %broadcast_in_dim3A_64 = arith.constant 0.000000e+00 : f32
    %broadcast_in_dim3A_65 = vector.broadcast %broadcast_in_dim3A_64 : f32 to vector<16xf32>
    %swap3A_66 = arith.constant 176 : index
    %swap3A_67 = tpu.vector_load %arg7[%swap3A_66] {strides = array<i32>} : memref<640xf32, #tpu.memory_space<vmem>>, vector<16xf32>,
    %swap3A_68 = vector.shape_cast %swap3A_67 : vector<16xf32> to vector<16xf32>
    %swap3A_69 = vector.shape_cast %broadcast_in_dim3A_65 : vector<16xf32> to vector<16xf32>
    tpu.vector_store %arg7[%swap3A_66], %swap3A_69 {strides = array<i32>} : memref<640xf32, #tpu.memory_space<vmem>>, vector<16xf32>,
    %broadcast_in_dim3A_70 = arith.constant 0.000000e+00 : f32
    %broadcast_in_dim3A_71 = vector.broadcast %broadcast_in_dim3A_70 : f32 to vector<16xf32>
    %swap3A_72 = arith.constant 192 : index
    %swap3A_73 = tpu.vector_load %arg7[%swap3A_72] {strides = array<i32>} : memref<640xf32, #tpu.memory_space<vmem>>, vector<16xf32>,
    %swap3A_74 = vector.shape_cast %swap3A_73 : vector<16xf32> to vector<16xf32>
    %swap3A_75 = vector.shape_cast %broadcast_in_dim3A_71 : vector<16xf32> to vector<16xf32>
    tpu.vector_store %arg7[%swap3A_72], %swap3A_75 {strides = array<i32>} : memref<640xf32, #tpu.memory_space<vmem>>, vector<16xf32>,
    %broadcast_in_dim3A_76 = arith.constant 0.000000e+00 : f32
    %broadcast_in_dim3A_77 = vector.broadcast %broadcast_in_dim3A_76 : f32 to vector<16xf32>
    %swap3A_78 = arith.constant 208 : index
    %swap3A_79 = tpu.vector_load %arg7[%swap3A_78] {strides = array<i32>} : memref<640xf32, #tpu.memory_space<vmem>>, vector<16xf32>,
    %swap3A_80 = vector.shape_cast %swap3A_79 : vector<16xf32> to vector<16xf32>
    %swap3A_81 = vector.shape_cast %broadcast_in_dim3A_77 : vector<16xf32> to vector<16xf32>
    tpu.vector_store %arg7[%swap3A_78], %swap3A_81 {strides = array<i32>} : memref<640xf32, #tpu.memory_space<vmem>>, vector<16xf32>,
    %broadcast_in_dim3A_82 = arith.constant 0.000000e+00 : f32
    %broadcast_in_dim3A_83 = vector.broadcast %broadcast_in_dim3A_82 : f32 to vector<16xf32>
    %swap3A_84 = arith.constant 224 : index
    %swap3A_85 = tpu.vector_load %arg7[%swap3A_84] {strides = array<i32>} : memref<640xf32, #tpu.memory_space<vmem>>, vector<16xf32>,
    %swap3A_86 = vector.shape_cast %swap3A_85 : vector<16xf32> to vector<16xf32>
    %swap3A_87 = vector.shape_cast %broadcast_in_dim3A_83 : vector<16xf32> to vector<16xf32>
    tpu.vector_store %arg7[%swap3A_84], %swap3A_87 {strides = array<i32>} : memref<640xf32, #tpu.memory_space<vmem>>, vector<16xf32>,
    %broadcast_in_dim3A_88 = arith.constant 0.000000e+00 : f32
    %broadcast_in_dim3A_89 = vector.broadcast %broadcast_in_dim3A_88 : f32 to vector<16xf32>
    %swap3A_90 = arith.constant 240 : index
    %swap3A_91 = tpu.vector_load %arg7[%swap3A_90] {strides = array<i32>} : memref<640xf32, #tpu.memory_space<vmem>>, vector<16xf32>,
    %swap3A_92 = vector.shape_cast %swap3A_91 : vector<16xf32> to vector<16xf32>
    %swap3A_93 = vector.shape_cast %broadcast_in_dim3A_89 : vector<16xf32> to vector<16xf32>
    tpu.vector_store %arg7[%swap3A_90], %swap3A_93 {strides = array<i32>} : memref<640xf32, #tpu.memory_space<vmem>>, vector<16xf32>,
    %broadcast_in_dim3A_94 = arith.constant 0.000000e+00 : f32
    %broadcast_in_dim3A_95 = vector.broadcast %broadcast_in_dim3A_94 : f32 to vector<16xf32>
    %swap3A_96 = arith.constant 256 : index
    %swap3A_97 = tpu.vector_load %arg7[%swap3A_96] {strides = array<i32>} : memref<640xf32, #tpu.memory_space<vmem>>, vector<16xf32>,
    %swap3A_98 = vector.shape_cast %swap3A_97 : vector<16xf32> to vector<16xf32>
    %swap3A_99 = vector.shape_cast %broadcast_in_dim3A_95 : vector<16xf32> to vector<16xf32>
    tpu.vector_store %arg7[%swap3A_96], %swap3A_99 {strides = array<i32>} : memref<640xf32, #tpu.memory_space<vmem>>, vector<16xf32>,
    %broadcast_in_dim3A_100 = arith.constant 0.000000e+00 : f32
    %broadcast_in_dim3A_101 = vector.broadcast %broadcast_in_dim3A_100 : f32 to vector<16xf32>
    %swap3A_102 = arith.constant 272 : index
    %swap3A_103 = tpu.vector_load %arg7[%swap3A_102] {strides = array<i32>} : memref<640xf32, #tpu.memory_space<vmem>>, vector<16xf32>,
    %swap3A_104 = vector.shape_cast %swap3A_103 : vector<16xf32> to vector<16xf32>
    %swap3A_105 = vector.shape_cast %broadcast_in_dim3A_101 : vector<16xf32> to vector<16xf32>
    tpu.vector_store %arg7[%swap3A_102], %swap3A_105 {strides = array<i32>} : memref<640xf32, #tpu.memory_space<vmem>>, vector<16xf32>,
    %broadcast_in_dim3A_106 = arith.constant 0.000000e+00 : f32
    %broadcast_in_dim3A_107 = vector.broadcast %broadcast_in_dim3A_106 : f32 to vector<16xf32>
    %swap3A_108 = arith.constant 288 : index
    %swap3A_109 = tpu.vector_load %arg7[%swap3A_108] {strides = array<i32>} : memref<640xf32, #tpu.memory_space<vmem>>, vector<16xf32>,
    %swap3A_110 = vector.shape_cast %swap3A_109 : vector<16xf32> to vector<16xf32>
    %swap3A_111 = vector.shape_cast %broadcast_in_dim3A_107 : vector<16xf32> to vector<16xf32>
    tpu.vector_store %arg7[%swap3A_108], %swap3A_111 {strides = array<i32>} : memref<640xf32, #tpu.memory_space<vmem>>, vector<16xf32>,
    %broadcast_in_dim3A_112 = arith.constant 0.000000e+00 : f32
    %broadcast_in_dim3A_113 = vector.broadcast %broadcast_in_dim3A_112 : f32 to vector<16xf32>
    %swap3A_114 = arith.constant 304 : index
    %swap3A_115 = tpu.vector_load %arg7[%swap3A_114] {strides = array<i32>} : memref<640xf32, #tpu.memory_space<vmem>>, vector<16xf32>,
    %swap3A_116 = vector.shape_cast %swap3A_115 : vector<16xf32> to vector<16xf32>
    %swap3A_117 = vector.shape_cast %broadcast_in_dim3A_113 : vector<16xf32> to vector<16xf32>
    tpu.vector_store %arg7[%swap3A_114], %swap3A_117 {strides = array<i32>} : memref<640xf32, #tpu.memory_space<vmem>>, vector<16xf32>,
    %broadcast_in_dim3A_118 = arith.constant 0.000000e+00 : f32
    %broadcast_in_dim3A_119 = vector.broadcast %broadcast_in_dim3A_118 : f32 to vector<16xf32>
    %swap3A_120 = arith.constant 320 : index
    %swap3A_121 = tpu.vector_load %arg7[%swap3A_120] {strides = array<i32>} : memref<640xf32, #tpu.memory_space<vmem>>, vector<16xf32>,
    %swap3A_122 = vector.shape_cast %swap3A_121 : vector<16xf32> to vector<16xf32>
    %swap3A_123 = vector.shape_cast %broadcast_in_dim3A_119 : vector<16xf32> to vector<16xf32>
    tpu.vector_store %arg7[%swap3A_120], %swap3A_123 {strides = array<i32>} : memref<640xf32, #tpu.memory_space<vmem>>, vector<16xf32>,
    %broadcast_in_dim3A_124 = arith.constant 0.000000e+00 : f32
    %broadcast_in_dim3A_125 = vector.broadcast %broadcast_in_dim3A_124 : f32 to vector<16xf32>
    %swap3A_126 = arith.constant 336 : index
    %swap3A_127 = tpu.vector_load %arg7[%swap3A_126] {strides = array<i32>} : memref<640xf32, #tpu.memory_space<vmem>>, vector<16xf32>,
    %swap3A_128 = vector.shape_cast %swap3A_127 : vector<16xf32> to vector<16xf32>
    %swap3A_129 = vector.shape_cast %broadcast_in_dim3A_125 : vector<16xf32> to vector<16xf32>
    tpu.vector_store %arg7[%swap3A_126], %swap3A_129 {strides = array<i32>} : memref<640xf32, #tpu.memory_space<vmem>>, vector<16xf32>,
    %broadcast_in_dim3A_130 = arith.constant 0.000000e+00 : f32
    %broadcast_in_dim3A_131 = vector.broadcast %broadcast_in_dim3A_130 : f32 to vector<16xf32>
    %swap3A_132 = arith.constant 352 : index
    %swap3A_133 = tpu.vector_load %arg7[%swap3A_132] {strides = array<i32>} : memref<640xf32, #tpu.memory_space<vmem>>, vector<16xf32>,
    %swap3A_134 = vector.shape_cast %swap3A_133 : vector<16xf32> to vector<16xf32>
    %swap3A_135 = vector.shape_cast %broadcast_in_dim3A_131 : vector<16xf32> to vector<16xf32>
    tpu.vector_store %arg7[%swap3A_132], %swap3A_135 {strides = array<i32>} : memref<640xf32, #tpu.memory_space<vmem>>, vector<16xf32>,
    %broadcast_in_dim3A_136 = arith.constant 0.000000e+00 : f32
    %broadcast_in_dim3A_137 = vector.broadcast %broadcast_in_dim3A_136 : f32 to vector<16xf32>
    %swap3A_138 = arith.constant 368 : index
    %swap3A_139 = tpu.vector_load %arg7[%swap3A_138] {strides = array<i32>} : memref<640xf32, #tpu.memory_space<vmem>>, vector<16xf32>,
    %swap3A_140 = vector.shape_cast %swap3A_139 : vector<16xf32> to vector<16xf32>
    %swap3A_141 = vector.shape_cast %broadcast_in_dim3A_137 : vector<16xf32> to vector<16xf32>
    tpu.vector_store %arg7[%swap3A_138], %swap3A_141 {strides = array<i32>} : memref<640xf32, #tpu.memory_space<vmem>>, vector<16xf32>,
    %broadcast_in_dim3A_142 = arith.constant 0.000000e+00 : f32
    %broadcast_in_dim3A_143 = vector.broadcast %broadcast_in_dim3A_142 : f32 to vector<16xf32>
    %swap3A_144 = arith.constant 384 : index
    %swap3A_145 = tpu.vector_load %arg7[%swap3A_144] {strides = array<i32>} : memref<640xf32, #tpu.memory_space<vmem>>, vector<16xf32>,
    %swap3A_146 = vector.shape_cast %swap3A_145 : vector<16xf32> to vector<16xf32>
    %swap3A_147 = vector.shape_cast %broadcast_in_dim3A_143 : vector<16xf32> to vector<16xf32>
    tpu.vector_store %arg7[%swap3A_144], %swap3A_147 {strides = array<i32>} : memref<640xf32, #tpu.memory_space<vmem>>, vector<16xf32>,
    %broadcast_in_dim3A_148 = arith.constant 0.000000e+00 : f32
    %broadcast_in_dim3A_149 = vector.broadcast %broadcast_in_dim3A_148 : f32 to vector<16xf32>
    %swap3A_150 = arith.constant 400 : index
    %swap3A_151 = tpu.vector_load %arg7[%swap3A_150] {strides = array<i32>} : memref<640xf32, #tpu.memory_space<vmem>>, vector<16xf32>,
    %swap3A_152 = vector.shape_cast %swap3A_151 : vector<16xf32> to vector<16xf32>
    %swap3A_153 = vector.shape_cast %broadcast_in_dim3A_149 : vector<16xf32> to vector<16xf32>
    tpu.vector_store %arg7[%swap3A_150], %swap3A_153 {strides = array<i32>} : memref<640xf32, #tpu.memory_space<vmem>>, vector<16xf32>,
    %broadcast_in_dim3A_154 = arith.constant 0.000000e+00 : f32
    %broadcast_in_dim3A_155 = vector.broadcast %broadcast_in_dim3A_154 : f32 to vector<16xf32>
    %swap3A_156 = arith.constant 416 : index
    %swap3A_157 = tpu.vector_load %arg7[%swap3A_156] {strides = array<i32>} : memref<640xf32, #tpu.memory_space<vmem>>, vector<16xf32>,
    %swap3A_158 = vector.shape_cast %swap3A_157 : vector<16xf32> to vector<16xf32>
    %swap3A_159 = vector.shape_cast %broadcast_in_dim3A_155 : vector<16xf32> to vector<16xf32>
    tpu.vector_store %arg7[%swap3A_156], %swap3A_159 {strides = array<i32>} : memref<640xf32, #tpu.memory_space<vmem>>, vector<16xf32>,
    %broadcast_in_dim3A_160 = arith.constant 0.000000e+00 : f32
    %broadcast_in_dim3A_161 = vector.broadcast %broadcast_in_dim3A_160 : f32 to vector<16xf32>
    %swap3A_162 = arith.constant 432 : index
    %swap3A_163 = tpu.vector_load %arg7[%swap3A_162] {strides = array<i32>} : memref<640xf32, #tpu.memory_space<vmem>>, vector<16xf32>,
    %swap3A_164 = vector.shape_cast %swap3A_163 : vector<16xf32> to vector<16xf32>
    %swap3A_165 = vector.shape_cast %broadcast_in_dim3A_161 : vector<16xf32> to vector<16xf32>
    tpu.vector_store %arg7[%swap3A_162], %swap3A_165 {strides = array<i32>} : memref<640xf32, #tpu.memory_space<vmem>>, vector<16xf32>,
    %broadcast_in_dim3A_166 = arith.constant 0.000000e+00 : f32
    %broadcast_in_dim3A_167 = vector.broadcast %broadcast_in_dim3A_166 : f32 to vector<16xf32>
    %swap3A_168 = arith.constant 448 : index
    %swap3A_169 = tpu.vector_load %arg7[%swap3A_168] {strides = array<i32>} : memref<640xf32, #tpu.memory_space<vmem>>, vector<16xf32>,
    %swap3A_170 = vector.shape_cast %swap3A_169 : vector<16xf32> to vector<16xf32>
    %swap3A_171 = vector.shape_cast %broadcast_in_dim3A_167 : vector<16xf32> to vector<16xf32>
    tpu.vector_store %arg7[%swap3A_168], %swap3A_171 {strides = array<i32>} : memref<640xf32, #tpu.memory_space<vmem>>, vector<16xf32>,
    %broadcast_in_dim3A_172 = arith.constant 0.000000e+00 : f32
    %broadcast_in_dim3A_173 = vector.broadcast %broadcast_in_dim3A_172 : f32 to vector<16xf32>
    %swap3A_174 = arith.constant 464 : index
    %swap3A_175 = tpu.vector_load %arg7[%swap3A_174] {strides = array<i32>} : memref<640xf32, #tpu.memory_space<vmem>>, vector<16xf32>,
    %swap3A_176 = vector.shape_cast %swap3A_175 : vector<16xf32> to vector<16xf32>
    %swap3A_177 = vector.shape_cast %broadcast_in_dim3A_173 : vector<16xf32> to vector<16xf32>
    tpu.vector_store %arg7[%swap3A_174], %swap3A_177 {strides = array<i32>} : memref<640xf32, #tpu.memory_space<vmem>>, vector<16xf32>,
    %broadcast_in_dim3A_178 = arith.constant 0.000000e+00 : f32
    %broadcast_in_dim3A_179 = vector.broadcast %broadcast_in_dim3A_178 : f32 to vector<16xf32>
    %swap3A_180 = arith.constant 480 : index
    %swap3A_181 = tpu.vector_load %arg7[%swap3A_180] {strides = array<i32>} : memref<640xf32, #tpu.memory_space<vmem>>, vector<16xf32>,
    %swap3A_182 = vector.shape_cast %swap3A_181 : vector<16xf32> to vector<16xf32>
    %swap3A_183 = vector.shape_cast %broadcast_in_dim3A_179 : vector<16xf32> to vector<16xf32>
    tpu.vector_store %arg7[%swap3A_180], %swap3A_183 {strides = array<i32>} : memref<640xf32, #tpu.memory_space<vmem>>, vector<16xf32>,
    %broadcast_in_dim3A_184 = arith.constant 0.000000e+00 : f32
    %broadcast_in_dim3A_185 = vector.broadcast %broadcast_in_dim3A_184 : f32 to vector<16xf32>
    %swap3A_186 = arith.constant 496 : index
    %swap3A_187 = tpu.vector_load %arg7[%swap3A_186] {strides = array<i32>} : memref<640xf32, #tpu.memory_space<vmem>>, vector<16xf32>,
    %swap3A_188 = vector.shape_cast %swap3A_187 : vector<16xf32> to vector<16xf32>
    %swap3A_189 = vector.shape_cast %broadcast_in_dim3A_185 : vector<16xf32> to vector<16xf32>
    tpu.vector_store %arg7[%swap3A_186], %swap3A_189 {strides = array<i32>} : memref<640xf32, #tpu.memory_space<vmem>>, vector<16xf32>,
    %broadcast_in_dim3A_190 = arith.constant 0.000000e+00 : f32
    %broadcast_in_dim3A_191 = vector.broadcast %broadcast_in_dim3A_190 : f32 to vector<16xf32>
    %swap3A_192 = arith.constant 512 : index
    %swap3A_193 = tpu.vector_load %arg7[%swap3A_192] {strides = array<i32>} : memref<640xf32, #tpu.memory_space<vmem>>, vector<16xf32>,
    %swap3A_194 = vector.shape_cast %swap3A_193 : vector<16xf32> to vector<16xf32>
    %swap3A_195 = vector.shape_cast %broadcast_in_dim3A_191 : vector<16xf32> to vector<16xf32>
    tpu.vector_store %arg7[%swap3A_192], %swap3A_195 {strides = array<i32>} : memref<640xf32, #tpu.memory_space<vmem>>, vector<16xf32>,
    %broadcast_in_dim3A_196 = arith.constant 0.000000e+00 : f32
    %broadcast_in_dim3A_197 = vector.broadcast %broadcast_in_dim3A_196 : f32 to vector<16xf32>
    %swap3A_198 = arith.constant 528 : index
    %swap3A_199 = tpu.vector_load %arg7[%swap3A_198] {strides = array<i32>} : memref<640xf32, #tpu.memory_space<vmem>>, vector<16xf32>,
    %swap3A_200 = vector.shape_cast %swap3A_199 : vector<16xf32> to vector<16xf32>
    %swap3A_201 = vector.shape_cast %broadcast_in_dim3A_197 : vector<16xf32> to vector<16xf32>
    tpu.vector_store %arg7[%swap3A_198], %swap3A_201 {strides = array<i32>} : memref<640xf32, #tpu.memory_space<vmem>>, vector<16xf32>,
    %broadcast_in_dim3A_202 = arith.constant 0.000000e+00 : f32
    %broadcast_in_dim3A_203 = vector.broadcast %broadcast_in_dim3A_202 : f32 to vector<16xf32>
    %swap3A_204 = arith.constant 544 : index
    %swap3A_205 = tpu.vector_load %arg7[%swap3A_204] {strides = array<i32>} : memref<640xf32, #tpu.memory_space<vmem>>, vector<16xf32>,
    %swap3A_206 = vector.shape_cast %swap3A_205 : vector<16xf32> to vector<16xf32>
    %swap3A_207 = vector.shape_cast %broadcast_in_dim3A_203 : vector<16xf32> to vector<16xf32>
    tpu.vector_store %arg7[%swap3A_204], %swap3A_207 {strides = array<i32>} : memref<640xf32, #tpu.memory_space<vmem>>, vector<16xf32>,
    %broadcast_in_dim3A_208 = arith.constant 0.000000e+00 : f32
    %broadcast_in_dim3A_209 = vector.broadcast %broadcast_in_dim3A_208 : f32 to vector<16xf32>
    %swap3A_210 = arith.constant 560 : index
    %swap3A_211 = tpu.vector_load %arg7[%swap3A_210] {strides = array<i32>} : memref<640xf32, #tpu.memory_space<vmem>>, vector<16xf32>,
    %swap3A_212 = vector.shape_cast %swap3A_211 : vector<16xf32> to vector<16xf32>
    %swap3A_213 = vector.shape_cast %broadcast_in_dim3A_209 : vector<16xf32> to vector<16xf32>
    tpu.vector_store %arg7[%swap3A_210], %swap3A_213 {strides = array<i32>} : memref<640xf32, #tpu.memory_space<vmem>>, vector<16xf32>,
    %broadcast_in_dim3A_214 = arith.constant 0.000000e+00 : f32
    %broadcast_in_dim3A_215 = vector.broadcast %broadcast_in_dim3A_214 : f32 to vector<16xf32>
    %swap3A_216 = arith.constant 576 : index
    %swap3A_217 = tpu.vector_load %arg7[%swap3A_216] {strides = array<i32>} : memref<640xf32, #tpu.memory_space<vmem>>, vector<16xf32>,
    %swap3A_218 = vector.shape_cast %swap3A_217 : vector<16xf32> to vector<16xf32>
    %swap3A_219 = vector.shape_cast %broadcast_in_dim3A_215 : vector<16xf32> to vector<16xf32>
    tpu.vector_store %arg7[%swap3A_216], %swap3A_219 {strides = array<i32>} : memref<640xf32, #tpu.memory_space<vmem>>, vector<16xf32>,
    %broadcast_in_dim3A_220 = arith.constant 0.000000e+00 : f32
    %broadcast_in_dim3A_221 = vector.broadcast %broadcast_in_dim3A_220 : f32 to vector<16xf32>
    %swap3A_222 = arith.constant 592 : index
    %swap3A_223 = tpu.vector_load %arg7[%swap3A_222] {strides = array<i32>} : memref<640xf32, #tpu.memory_space<vmem>>, vector<16xf32>,
    %swap3A_224 = vector.shape_cast %swap3A_223 : vector<16xf32> to vector<16xf32>
    %swap3A_225 = vector.shape_cast %broadcast_in_dim3A_221 : vector<16xf32> to vector<16xf32>
    tpu.vector_store %arg7[%swap3A_222], %swap3A_225 {strides = array<i32>} : memref<640xf32, #tpu.memory_space<vmem>>, vector<16xf32>,
    %broadcast_in_dim3A_226 = arith.constant 0.000000e+00 : f32
    %broadcast_in_dim3A_227 = vector.broadcast %broadcast_in_dim3A_226 : f32 to vector<16xf32>
    %swap3A_228 = arith.constant 608 : index
    %swap3A_229 = tpu.vector_load %arg7[%swap3A_228] {strides = array<i32>} : memref<640xf32, #tpu.memory_space<vmem>>, vector<16xf32>,
    %swap3A_230 = vector.shape_cast %swap3A_229 : vector<16xf32> to vector<16xf32>
    %swap3A_231 = vector.shape_cast %broadcast_in_dim3A_227 : vector<16xf32> to vector<16xf32>
    tpu.vector_store %arg7[%swap3A_228], %swap3A_231 {strides = array<i32>} : memref<640xf32, #tpu.memory_space<vmem>>, vector<16xf32>,
    %broadcast_in_dim3A_232 = arith.constant 0.000000e+00 : f32
    %broadcast_in_dim3A_233 = vector.broadcast %broadcast_in_dim3A_232 : f32 to vector<16xf32>
    %swap3A_234 = arith.constant 624 : index
    %swap3A_235 = tpu.vector_load %arg7[%swap3A_234] {strides = array<i32>} : memref<640xf32, #tpu.memory_space<vmem>>, vector<16xf32>,
    %swap3A_236 = vector.shape_cast %swap3A_235 : vector<16xf32> to vector<16xf32>
    %swap3A_237 = vector.shape_cast %broadcast_in_dim3A_233 : vector<16xf32> to vector<16xf32>
    tpu.vector_store %arg7[%swap3A_234], %swap3A_237 {strides = array<i32>} : memref<640xf32, #tpu.memory_space<vmem>>, vector<16xf32>,
    %broadcast_in_dim3A_238 = arith.constant 1.000000e+00 : f32
    %broadcast_in_dim3A_239 = vector.broadcast %broadcast_in_dim3A_238 : f32 to vector<16xf32>
    %swap3A_240 = arith.constant 0 : index
    %swap3A_241 = tpu.vector_load %arg6[%swap3A_240] {strides = array<i32>} : memref<128xf32, #tpu.memory_space<vmem>>, vector<16xf32>,
    %swap3A_242 = vector.shape_cast %swap3A_241 : vector<16xf32> to vector<16xf32>
    %swap3A_243 = vector.shape_cast %broadcast_in_dim3A_239 : vector<16xf32> to vector<16xf32>
    tpu.vector_store %arg6[%swap3A_240], %swap3A_243 {strides = array<i32>} : memref<128xf32, #tpu.memory_space<vmem>>, vector<16xf32>,
    %broadcast_in_dim3A_244 = arith.constant 1.000000e+00 : f32
    %broadcast_in_dim3A_245 = vector.broadcast %broadcast_in_dim3A_244 : f32 to vector<16xf32>
    %swap3A_246 = arith.constant 16 : index
    %swap3A_247 = tpu.vector_load %arg6[%swap3A_246] {strides = array<i32>} : memref<128xf32, #tpu.memory_space<vmem>>, vector<16xf32>,
    %swap3A_248 = vector.shape_cast %swap3A_247 : vector<16xf32> to vector<16xf32>
    %swap3A_249 = vector.shape_cast %broadcast_in_dim3A_245 : vector<16xf32> to vector<16xf32>
    tpu.vector_store %arg6[%swap3A_246], %swap3A_249 {strides = array<i32>} : memref<128xf32, #tpu.memory_space<vmem>>, vector<16xf32>,
    %broadcast_in_dim3A_250 = arith.constant 1.000000e+00 : f32
    %broadcast_in_dim3A_251 = vector.broadcast %broadcast_in_dim3A_250 : f32 to vector<16xf32>
    %swap3A_252 = arith.constant 32 : index
    %swap3A_253 = tpu.vector_load %arg6[%swap3A_252] {strides = array<i32>} : memref<128xf32, #tpu.memory_space<vmem>>, vector<16xf32>,
    %swap3A_254 = vector.shape_cast %swap3A_253 : vector<16xf32> to vector<16xf32>
    %swap3A_255 = vector.shape_cast %broadcast_in_dim3A_251 : vector<16xf32> to vector<16xf32>
    tpu.vector_store %arg6[%swap3A_252], %swap3A_255 {strides = array<i32>} : memref<128xf32, #tpu.memory_space<vmem>>, vector<16xf32>,
    %broadcast_in_dim3A_256 = arith.constant 1.000000e+00 : f32
    %broadcast_in_dim3A_257 = vector.broadcast %broadcast_in_dim3A_256 : f32 to vector<16xf32>
    %swap3A_258 = arith.constant 48 : index
    %swap3A_259 = tpu.vector_load %arg6[%swap3A_258] {strides = array<i32>} : memref<128xf32, #tpu.memory_space<vmem>>, vector<16xf32>,
    %swap3A_260 = vector.shape_cast %swap3A_259 : vector<16xf32> to vector<16xf32>
    %swap3A_261 = vector.shape_cast %broadcast_in_dim3A_257 : vector<16xf32> to vector<16xf32>
    tpu.vector_store %arg6[%swap3A_258], %swap3A_261 {strides = array<i32>} : memref<128xf32, #tpu.memory_space<vmem>>, vector<16xf32>,
    %broadcast_in_dim3A_262 = arith.constant 1.000000e+00 : f32
    %broadcast_in_dim3A_263 = vector.broadcast %broadcast_in_dim3A_262 : f32 to vector<16xf32>
    %swap3A_264 = arith.constant 64 : index
    %swap3A_265 = tpu.vector_load %arg6[%swap3A_264] {strides = array<i32>} : memref<128xf32, #tpu.memory_space<vmem>>, vector<16xf32>,
    %swap3A_266 = vector.shape_cast %swap3A_265 : vector<16xf32> to vector<16xf32>
    %swap3A_267 = vector.shape_cast %broadcast_in_dim3A_263 : vector<16xf32> to vector<16xf32>
    tpu.vector_store %arg6[%swap3A_264], %swap3A_267 {strides = array<i32>} : memref<128xf32, #tpu.memory_space<vmem>>, vector<16xf32>,
    %broadcast_in_dim3A_268 = arith.constant 1.000000e+00 : f32
    %broadcast_in_dim3A_269 = vector.broadcast %broadcast_in_dim3A_268 : f32 to vector<16xf32>
    %swap3A_270 = arith.constant 80 : index
    %swap3A_271 = tpu.vector_load %arg6[%swap3A_270] {strides = array<i32>} : memref<128xf32, #tpu.memory_space<vmem>>, vector<16xf32>,
    %swap3A_272 = vector.shape_cast %swap3A_271 : vector<16xf32> to vector<16xf32>
    %swap3A_273 = vector.shape_cast %broadcast_in_dim3A_269 : vector<16xf32> to vector<16xf32>
    tpu.vector_store %arg6[%swap3A_270], %swap3A_273 {strides = array<i32>} : memref<128xf32, #tpu.memory_space<vmem>>, vector<16xf32>,
    %broadcast_in_dim3A_274 = arith.constant 1.000000e+00 : f32
    %broadcast_in_dim3A_275 = vector.broadcast %broadcast_in_dim3A_274 : f32 to vector<16xf32>
    %swap3A_276 = arith.constant 96 : index
    %swap3A_277 = tpu.vector_load %arg6[%swap3A_276] {strides = array<i32>} : memref<128xf32, #tpu.memory_space<vmem>>, vector<16xf32>,
    %swap3A_278 = vector.shape_cast %swap3A_277 : vector<16xf32> to vector<16xf32>
    %swap3A_279 = vector.shape_cast %broadcast_in_dim3A_275 : vector<16xf32> to vector<16xf32>
    tpu.vector_store %arg6[%swap3A_276], %swap3A_279 {strides = array<i32>} : memref<128xf32, #tpu.memory_space<vmem>>, vector<16xf32>,
    %broadcast_in_dim3A_280 = arith.constant 1.000000e+00 : f32
    %broadcast_in_dim3A_281 = vector.broadcast %broadcast_in_dim3A_280 : f32 to vector<16xf32>
    %swap3A_282 = arith.constant 112 : index
    %swap3A_283 = tpu.vector_load %arg6[%swap3A_282] {strides = array<i32>} : memref<128xf32, #tpu.memory_space<vmem>>, vector<16xf32>,
    %swap3A_284 = vector.shape_cast %swap3A_283 : vector<16xf32> to vector<16xf32>
    %swap3A_285 = vector.shape_cast %broadcast_in_dim3A_281 : vector<16xf32> to vector<16xf32>
    tpu.vector_store %arg6[%swap3A_282], %swap3A_285 {strides = array<i32>} : memref<128xf32, #tpu.memory_space<vmem>>, vector<16xf32>,
    %mul3A = arith.constant 640 : i32
    %mul3A_286 = arith.muli %arg1, %mul3A : i32
    "tpu.region"() ({
      %run_scoped3A = tpu.sem_alloc : memref<!tpu.dma_semaphore, #tpu.memory_space<semaphore_mem>>
      %dma_start3A = tpu.memref_slice %arg4[%mul3A_286] : memref<10240xf32, #tpu.memory_space<vmem_shared>> -> memref<640xf32, #tpu.memory_space<vmem_shared>>
      %dma_start3A_3755 = tpu.memref_slice %arg4[%mul3A_286] : memref<10240xf32, #tpu.memory_space<vmem_shared>> -> memref<640xf32, #tpu.memory_space<vmem_shared>>
      tpu.enqueue_dma source(%arg7 : memref<640xf32, #tpu.memory_space<vmem>>) target(%dma_start3A_3755 : memref<640xf32, #tpu.memory_space<vmem_shared>>) target_semaphore(%run_scoped3A : memref<!tpu.dma_semaphore, #tpu.memory_space<semaphore_mem>>)
      %dma_wait3A = tpu.memref_slice %arg4[%mul3A_286] : memref<10240xf32, #tpu.memory_space<vmem_shared>> -> memref<640xf32, #tpu.memory_space<vmem_shared>>
      %dma_wait3A_3756 = tpu.memref_slice %arg4[%mul3A_286] : memref<10240xf32, #tpu.memory_space<vmem_shared>> -> memref<640xf32, #tpu.memory_space<vmem_shared>>
      tpu.wait_dma2 semaphore(%run_scoped3A : memref<!tpu.dma_semaphore, #tpu.memory_space<semaphore_mem>>) src(%arg7 : memref<640xf32, #tpu.memory_space<vmem>>) dst(%dma_wait3A_3756 : memref<640xf32, #tpu.memory_space<vmem_shared>>)
      tpu.yield
    }) : () -> ()
    %barrier3A = arith.constant 0 : index
    tpu.barrier barrier_id(%barrier3A)
    %lt3A = arith.constant 12 : i32
    %lt3A_287 = arith.cmpi slt, %arg1, %lt3A : i32
    %jit3A = arith.constant 156 : i32
    %jit3A_288 = arith.constant 157 : i32
    %select_n3A = arith.select %lt3A_287, %jit3A, %jit3A_288 : i32
    %lt3A_289 = arith.constant 12 : i32
    %lt3A_290 = arith.cmpi slt, %arg1, %lt3A_289 : i32
    %mul3A_291 = arith.constant 156 : i32
    %mul3A_292 = arith.muli %arg1, %mul3A_291 : i32
    %sub3A = arith.constant 12 : i32
    %sub3A_293 = arith.subi %arg1, %sub3A : i32
    %mul3A_294 = arith.constant 157 : i32
    %mul3A_295 = arith.muli %sub3A_293, %mul3A_294 : i32
    %add3A = arith.constant 1872 : i32
    %add3A_296 = arith.addi %add3A, %mul3A_295 : i32
    %select_n3A_297 = arith.select %lt3A_290, %mul3A_292, %add3A_296 : i32
    %min3A = arith.constant 2343 : i32
    %min3A_298 = arith.minsi %select_n3A_297, %min3A : i32
    %sub3A_299 = arith.subi %select_n3A_297, %min3A_298 : i32
    "tpu.region"() ({
      %run_scoped3A = tpu.sem_alloc : memref<!tpu.dma_semaphore, #tpu.memory_space<semaphore_mem>>
      %dma_start3A = arith.constant 0 : i32
      %dma_start3A_3755 = tpu.memref_slice %arg2[%min3A_298, %dma_start3A] : memref<2500x128xi32, #tpu.memory_space<hbm>> -> memref<157x128xi32, #tpu.memory_space<hbm>>
      %dma_start3A_3756 = arith.constant 0 : i32
      %dma_start3A_3757 = tpu.memref_slice %arg2[%min3A_298, %dma_start3A_3756] : memref<2500x128xi32, #tpu.memory_space<hbm>> -> memref<157x128xi32, #tpu.memory_space<hbm>>
      tpu.enqueue_dma source(%dma_start3A_3757 : memref<157x128xi32, #tpu.memory_space<hbm>>) target(%arg5 : memref<157x128xi32, #tpu.memory_space<vmem>>) target_semaphore(%run_scoped3A : memref<!tpu.dma_semaphore, #tpu.memory_space<semaphore_mem>>)
      %dma_wait3A = arith.constant 0 : i32
      %dma_wait3A_3758 = tpu.memref_slice %arg2[%min3A_298, %dma_wait3A] : memref<2500x128xi32, #tpu.memory_space<hbm>> -> memref<157x128xi32, #tpu.memory_space<hbm>>
      %dma_wait3A_3759 = arith.constant 0 : i32
      %dma_wait3A_3760 = tpu.memref_slice %arg2[%min3A_298, %dma_wait3A_3759] : memref<2500x128xi32, #tpu.memory_space<hbm>> -> memref<157x128xi32, #tpu.memory_space<hbm>>
      tpu.wait_dma2 semaphore(%run_scoped3A : memref<!tpu.dma_semaphore, #tpu.memory_space<semaphore_mem>>) src(%dma_wait3A_3760 : memref<157x128xi32, #tpu.memory_space<hbm>>) dst(%arg5 : memref<157x128xi32, #tpu.memory_space<vmem>>)
      tpu.yield
    }) : () -> ()
    %while3A = arith.constant 0 : i32
    %while3A_300 = arith.constant 0 : i32
    %while3A_301 = arith.subi %select_n3A, %while3A_300 : i32
    %while3A_302 = arith.addi %while3A_300, %while3A_301 : i32
    %while3A_303 = arith.constant 1 : i32
    %while3A_304 = arith.divsi %while3A_301, %while3A_303 : i32
    %while3A_305 = arith.muli %while3A_304, %while3A_303 : i32
    %while3A_306 = arith.addi %while3A_300, %while3A_305 : i32
    %while3A_307 = arith.constant 1 : i32
    scf.for %while3A_3755 = %while3A_300 to %while3A_306 step %while3A_307  : i32 {
      %add3A_3756 = arith.addi %sub3A_299, %while3A_3755 : i32
      "tpu.region"() ({
        %run_scoped3A = tpu.sem_alloc : memref<!tpu.dma_semaphore, #tpu.memory_space<semaphore_mem>>
        %dma_start3A = arith.constant 0 : i32
        %dma_start3A_3757 = tpu.memref_slice %arg5[%add3A_3756, %dma_start3A] : memref<157x128xi32, #tpu.memory_space<vmem>> -> memref<1x128xi32, #tpu.memory_space<vmem>>
        %dma_start3A_3758 = tpu.memref_squeeze %dma_start3A_3757 : memref<1x128xi32, #tpu.memory_space<vmem>> -> memref<128xi32, #tpu.memory_space<vmem>>
        %dma_start3A_3759 = arith.constant 0 : i32
        %dma_start3A_3760 = tpu.memref_slice %arg4[%dma_start3A_3759] : memref<10240xf32, #tpu.memory_space<vmem_shared>> -> memref<10240xf32, #tpu.memory_space<vmem_shared>>
        tpu.enqueue_indirect_dma source(%arg6 : memref<128xf32, #tpu.memory_space<vmem>>) target(%dma_start3A_3760 : memref<10240xf32, #tpu.memory_space<vmem_shared>>) offsets(%dma_start3A_3758 : memref<128xi32, #tpu.memory_space<vmem>>) semaphore(%run_scoped3A : memref<!tpu.dma_semaphore, #tpu.memory_space<semaphore_mem>>) {add = true}
        %dma_wait3A = arith.constant 0 : i32
        %dma_wait3A_3761 = tpu.memref_slice %arg5[%add3A_3756, %dma_wait3A] : memref<157x128xi32, #tpu.memory_space<vmem>> -> memref<1x128xi32, #tpu.memory_space<vmem>>
        %dma_wait3A_3762 = tpu.memref_squeeze %dma_wait3A_3761 : memref<1x128xi32, #tpu.memory_space<vmem>> -> memref<128xi32, #tpu.memory_space<vmem>>
        %dma_wait3A_3763 = arith.constant 0 : i32
        %dma_wait3A_3764 = tpu.memref_slice %arg4[%dma_wait3A_3763] : memref<10240xf32, #tpu.memory_space<vmem_shared>> -> memref<10240xf32, #tpu.memory_space<vmem_shared>>
        tpu.wait_indirect_dma semaphore(%run_scoped3A : memref<!tpu.dma_semaphore, #tpu.memory_space<semaphore_mem>>) src(%arg6 : memref<128xf32, #tpu.memory_space<vmem>>) dst(%dma_wait3A_3764 : memref<10240xf32, #tpu.memory_space<vmem_shared>>)
        tpu.yield
      }) : () -> ()
    }
    %while3A_308 = arith.constant 1 : i32
    scf.for %while3A_3755 = %while3A_306 to %while3A_302 step %while3A_308  : i32 {
      %add3A_3756 = arith.addi %sub3A_299, %while3A_3755 : i32
      "tpu.region"() ({
        %run_scoped3A = tpu.sem_alloc : memref<!tpu.dma_semaphore, #tpu.memory_space<semaphore_mem>>
        %dma_start3A = arith.constant 0 : i32
        %dma_start3A_3757 = tpu.memref_slice %arg5[%add3A_3756, %dma_start3A] : memref<157x128xi32, #tpu.memory_space<vmem>> -> memref<1x128xi32, #tpu.memory_space<vmem>>
        %dma_start3A_3758 = tpu.memref_squeeze %dma_start3A_3757 : memref<1x128xi32, #tpu.memory_space<vmem>> -> memref<128xi32, #tpu.memory_space<vmem>>
        %dma_start3A_3759 = arith.constant 0 : i32
        %dma_start3A_3760 = tpu.memref_slice %arg4[%dma_start3A_3759] : memref<10240xf32, #tpu.memory_space<vmem_shared>> -> memref<10240xf32, #tpu.memory_space<vmem_shared>>
        tpu.enqueue_indirect_dma source(%arg6 : memref<128xf32, #tpu.memory_space<vmem>>) target(%dma_start3A_3760 : memref<10240xf32, #tpu.memory_space<vmem_shared>>) offsets(%dma_start3A_3758 : memref<128xi32, #tpu.memory_space<vmem>>) semaphore(%run_scoped3A : memref<!tpu.dma_semaphore, #tpu.memory_space<semaphore_mem>>) {add = true}
        %dma_wait3A = arith.constant 0 : i32
        %dma_wait3A_3761 = tpu.memref_slice %arg5[%add3A_3756, %dma_wait3A] : memref<157x128xi32, #tpu.memory_space<vmem>> -> memref<1x128xi32, #tpu.memory_space<vmem>>
        %dma_wait3A_3762 = tpu.memref_squeeze %dma_wait3A_3761 : memref<1x128xi32, #tpu.memory_space<vmem>> -> memref<128xi32, #tpu.memory_space<vmem>>
        %dma_wait3A_3763 = arith.constant 0 : i32
        %dma_wait3A_3764 = tpu.memref_slice %arg4[%dma_wait3A_3763] : memref<10240xf32, #tpu.memory_space<vmem_shared>> -> memref<10240xf32, #tpu.memory_space<vmem_shared>>
        tpu.wait_indirect_dma semaphore(%run_scoped3A : memref<!tpu.dma_semaphore, #tpu.memory_space<semaphore_mem>>) src(%arg6 : memref<128xf32, #tpu.memory_space<vmem>>) dst(%dma_wait3A_3764 : memref<10240xf32, #tpu.memory_space<vmem_shared>>)
        tpu.yield
      }) : () -> ()
    }
    %barrier3A_309 = arith.constant 0 : index
    tpu.barrier barrier_id(%barrier3A_309)
    %mul3A_310 = arith.constant 16 : i32
    %mul3A_311 = arith.muli %arg0, %mul3A_310 : i32
    %add3A_312 = arith.addi %mul3A_311, %arg1 : i32
    %mul3A_313 = arith.constant 320 : i32
    %mul3A_314 = arith.muli %add3A_312, %mul3A_313 : i32
    "tpu.region"() ({
      %run_scoped3A = tpu.sem_alloc : memref<!tpu.dma_semaphore, #tpu.memory_space<semaphore_mem>>
      %dma_start3A = tpu.memref_slice %arg4[%mul3A_314] : memref<10240xf32, #tpu.memory_space<vmem_shared>> -> memref<320xf32, #tpu.memory_space<vmem_shared>>
      %dma_start3A_3755 = tpu.memref_slice %arg4[%mul3A_314] : memref<10240xf32, #tpu.memory_space<vmem_shared>> -> memref<320xf32, #tpu.memory_space<vmem_shared>>
      tpu.enqueue_dma source(%dma_start3A_3755 : memref<320xf32, #tpu.memory_space<vmem_shared>>) target(%arg8 : memref<320xf32, #tpu.memory_space<vmem>>) target_semaphore(%run_scoped3A : memref<!tpu.dma_semaphore, #tpu.memory_space<semaphore_mem>>)
      %dma_wait3A = tpu.memref_slice %arg4[%mul3A_314] : memref<10240xf32, #tpu.memory_space<vmem_shared>> -> memref<320xf32, #tpu.memory_space<vmem_shared>>
      %dma_wait3A_3756 = tpu.memref_slice %arg4[%mul3A_314] : memref<10240xf32, #tpu.memory_space<vmem_shared>> -> memref<320xf32, #tpu.memory_space<vmem_shared>>
      tpu.wait_dma2 semaphore(%run_scoped3A : memref<!tpu.dma_semaphore, #tpu.memory_space<semaphore_mem>>) src(%dma_wait3A_3756 : memref<320xf32, #tpu.memory_space<vmem_shared>>) dst(%arg8 : memref<320xf32, #tpu.memory_space<vmem>>)
      tpu.yield
    }) : () -> ()
    %get3A = arith.constant 0 : index
    %get3A_315 = tpu.vector_load %arg8[%get3A] {strides = array<i32>} : memref<320xf32, #tpu.memory_space<vmem>>, vector<16xf32>,
    %get3A_316 = vector.shape_cast %get3A_315 : vector<16xf32> to vector<16xf32>
    %add3A_317 = arith.constant 1.000000e+00 : f32
    %add3A_318 = vector.broadcast %add3A_317 : f32 to vector<16xf32>
    %add3A_319 = arith.addf %get3A_316, %add3A_318 : vector<16xf32>
    %div3A = arith.constant 1.000000e+00 : f32
    %div3A_320 = vector.broadcast %div3A : f32 to vector<16xf32>
    %div3A_321 = arith.divf %div3A_320, %add3A_319 : vector<16xf32>
    %mul3A_322 = arith.constant 5.000000e-01 : f32
    %mul3A_323 = vector.broadcast %mul3A_322 : f32 to vector<16xf32>
    %mul3A_324 = arith.mulf %mul3A_323, %add3A_319 : vector<16xf32>
    %mul3A_325 = arith.mulf %mul3A_324, %div3A_321 : vector<16xf32>
    %mul3A_326 = arith.mulf %mul3A_325, %div3A_321 : vector<16xf32>
    %sub3A_327 = arith.constant 1.500000e+00 : f32
    %sub3A_328 = vector.broadcast %sub3A_327 : f32 to vector<16xf32>
    %sub3A_329 = arith.subf %sub3A_328, %mul3A_326 : vector<16xf32>
    %mul3A_330 = arith.mulf %div3A_321, %sub3A_329 : vector<16xf32>
    %mul3A_331 = arith.mulf %mul3A_324, %mul3A_330 : vector<16xf32>
    %mul3A_332 = arith.mulf %mul3A_331, %mul3A_330 : vector<16xf32>
    %sub3A_333 = arith.constant 1.500000e+00 : f32
    %sub3A_334 = vector.broadcast %sub3A_333 : f32 to vector<16xf32>
    %sub3A_335 = arith.subf %sub3A_334, %mul3A_332 : vector<16xf32>
    %mul3A_336 = arith.mulf %mul3A_330, %sub3A_335 : vector<16xf32>
    %mul3A_337 = arith.mulf %mul3A_324, %mul3A_336 : vector<16xf32>
    %mul3A_338 = arith.mulf %mul3A_337, %mul3A_336 : vector<16xf32>
    %sub3A_339 = arith.constant 1.500000e+00 : f32
    %sub3A_340 = vector.broadcast %sub3A_339 : f32 to vector<16xf32>
    %sub3A_341 = arith.subf %sub3A_340, %mul3A_338 : vector<16xf32>
    %mul3A_342 = arith.mulf %mul3A_336, %sub3A_341 : vector<16xf32>
    %mul3A_343 = arith.mulf %mul3A_324, %mul3A_342 : vector<16xf32>
    %mul3A_344 = arith.mulf %mul3A_343, %mul3A_342 : vector<16xf32>
    %sub3A_345 = arith.constant 1.500000e+00 : f32
    %sub3A_346 = vector.broadcast %sub3A_345 : f32 to vector<16xf32>
    %sub3A_347 = arith.subf %sub3A_346, %mul3A_344 : vector<16xf32>
    %mul3A_348 = arith.mulf %mul3A_342, %sub3A_347 : vector<16xf32>
    %mul3A_349 = arith.mulf %mul3A_324, %mul3A_348 : vector<16xf32>
    %mul3A_350 = arith.mulf %mul3A_349, %mul3A_348 : vector<16xf32>
    %sub3A_351 = arith.constant 1.500000e+00 : f32
    %sub3A_352 = vector.broadcast %sub3A_351 : f32 to vector<16xf32>
    %sub3A_353 = arith.subf %sub3A_352, %mul3A_350 : vector<16xf32>
    %mul3A_354 = arith.mulf %mul3A_348, %sub3A_353 : vector<16xf32>
    %mul3A_355 = arith.mulf %mul3A_324, %mul3A_354 : vector<16xf32>
    %mul3A_356 = arith.mulf %mul3A_355, %mul3A_354 : vector<16xf32>
    %sub3A_357 = arith.constant 1.500000e+00 : f32
    %sub3A_358 = vector.broadcast %sub3A_357 : f32 to vector<16xf32>
    %sub3A_359 = arith.subf %sub3A_358, %mul3A_356 : vector<16xf32>
    %mul3A_360 = arith.mulf %mul3A_354, %sub3A_359 : vector<16xf32>
    %mul3A_361 = arith.mulf %mul3A_324, %mul3A_360 : vector<16xf32>
    %mul3A_362 = arith.mulf %mul3A_361, %mul3A_360 : vector<16xf32>
    %sub3A_363 = arith.constant 1.500000e+00 : f32
    %sub3A_364 = vector.broadcast %sub3A_363 : f32 to vector<16xf32>
    %sub3A_365 = arith.subf %sub3A_364, %mul3A_362 : vector<16xf32>
    %mul3A_366 = arith.mulf %mul3A_360, %sub3A_365 : vector<16xf32>
    %mul3A_367 = arith.mulf %mul3A_324, %mul3A_366 : vector<16xf32>
    %mul3A_368 = arith.mulf %mul3A_367, %mul3A_366 : vector<16xf32>
    %sub3A_369 = arith.constant 1.500000e+00 : f32
    %sub3A_370 = vector.broadcast %sub3A_369 : f32 to vector<16xf32>
    %sub3A_371 = arith.subf %sub3A_370, %mul3A_368 : vector<16xf32>
    %mul3A_372 = arith.mulf %mul3A_366, %sub3A_371 : vector<16xf32>
    %mul3A_373 = arith.mulf %mul3A_324, %mul3A_372 : vector<16xf32>
    %mul3A_374 = arith.mulf %mul3A_373, %mul3A_372 : vector<16xf32>
    %sub3A_375 = arith.constant 1.500000e+00 : f32
    %sub3A_376 = vector.broadcast %sub3A_375 : f32 to vector<16xf32>
    %sub3A_377 = arith.subf %sub3A_376, %mul3A_374 : vector<16xf32>
    %mul3A_378 = arith.mulf %mul3A_372, %sub3A_377 : vector<16xf32>
    %mul3A_379 = arith.mulf %mul3A_324, %mul3A_378 : vector<16xf32>
    %mul3A_380 = arith.mulf %mul3A_379, %mul3A_378 : vector<16xf32>
    %sub3A_381 = arith.constant 1.500000e+00 : f32
    %sub3A_382 = vector.broadcast %sub3A_381 : f32 to vector<16xf32>
    %sub3A_383 = arith.subf %sub3A_382, %mul3A_380 : vector<16xf32>
    %mul3A_384 = arith.mulf %mul3A_378, %sub3A_383 : vector<16xf32>
    %mul3A_385 = arith.mulf %mul3A_324, %mul3A_384 : vector<16xf32>
    %mul3A_386 = arith.mulf %mul3A_385, %mul3A_384 : vector<16xf32>
    %sub3A_387 = arith.constant 1.500000e+00 : f32
    %sub3A_388 = vector.broadcast %sub3A_387 : f32 to vector<16xf32>
    %sub3A_389 = arith.subf %sub3A_388, %mul3A_386 : vector<16xf32>
    %mul3A_390 = arith.mulf %mul3A_384, %sub3A_389 : vector<16xf32>
    %mul3A_391 = arith.mulf %mul3A_324, %mul3A_390 : vector<16xf32>
    %mul3A_392 = arith.mulf %mul3A_391, %mul3A_390 : vector<16xf32>
    %sub3A_393 = arith.constant 1.500000e+00 : f32
    %sub3A_394 = vector.broadcast %sub3A_393 : f32 to vector<16xf32>
    %sub3A_395 = arith.subf %sub3A_394, %mul3A_392 : vector<16xf32>
    %mul3A_396 = arith.mulf %mul3A_390, %sub3A_395 : vector<16xf32>
    %mul3A_397 = arith.mulf %mul3A_324, %mul3A_396 : vector<16xf32>
    %mul3A_398 = arith.mulf %mul3A_397, %mul3A_396 : vector<16xf32>
    %sub3A_399 = arith.constant 1.500000e+00 : f32
    %sub3A_400 = vector.broadcast %sub3A_399 : f32 to vector<16xf32>
    %sub3A_401 = arith.subf %sub3A_400, %mul3A_398 : vector<16xf32>
    %mul3A_402 = arith.mulf %mul3A_396, %sub3A_401 : vector<16xf32>
    %mul3A_403 = arith.mulf %mul3A_324, %mul3A_402 : vector<16xf32>
    %mul3A_404 = arith.mulf %mul3A_403, %mul3A_402 : vector<16xf32>
    %sub3A_405 = arith.constant 1.500000e+00 : f32
    %sub3A_406 = vector.broadcast %sub3A_405 : f32 to vector<16xf32>
    %sub3A_407 = arith.subf %sub3A_406, %mul3A_404 : vector<16xf32>
    %mul3A_408 = arith.mulf %mul3A_402, %sub3A_407 : vector<16xf32>
    %mul3A_409 = arith.mulf %mul3A_324, %mul3A_408 : vector<16xf32>
    %mul3A_410 = arith.mulf %mul3A_409, %mul3A_408 : vector<16xf32>
    %sub3A_411 = arith.constant 1.500000e+00 : f32
    %sub3A_412 = vector.broadcast %sub3A_411 : f32 to vector<16xf32>
    %sub3A_413 = arith.subf %sub3A_412, %mul3A_410 : vector<16xf32>
    %mul3A_414 = arith.mulf %mul3A_408, %sub3A_413 : vector<16xf32>
    %mul3A_415 = arith.mulf %mul3A_324, %mul3A_414 : vector<16xf32>
    %mul3A_416 = arith.mulf %mul3A_415, %mul3A_414 : vector<16xf32>
    %sub3A_417 = arith.constant 1.500000e+00 : f32
    %sub3A_418 = vector.broadcast %sub3A_417 : f32 to vector<16xf32>
    %sub3A_419 = arith.subf %sub3A_418, %mul3A_416 : vector<16xf32>
    %mul3A_420 = arith.mulf %mul3A_414, %sub3A_419 : vector<16xf32>
    %mul3A_421 = arith.mulf %mul3A_324, %mul3A_420 : vector<16xf32>
    %mul3A_422 = arith.mulf %mul3A_421, %mul3A_420 : vector<16xf32>
    %sub3A_423 = arith.constant 1.500000e+00 : f32
    %sub3A_424 = vector.broadcast %sub3A_423 : f32 to vector<16xf32>
    %sub3A_425 = arith.subf %sub3A_424, %mul3A_422 : vector<16xf32>
    %mul3A_426 = arith.mulf %mul3A_420, %sub3A_425 : vector<16xf32>
    %mul3A_427 = arith.mulf %mul3A_324, %mul3A_426 : vector<16xf32>
    %mul3A_428 = arith.mulf %mul3A_427, %mul3A_426 : vector<16xf32>
    %sub3A_429 = arith.constant 1.500000e+00 : f32
    %sub3A_430 = vector.broadcast %sub3A_429 : f32 to vector<16xf32>
    %sub3A_431 = arith.subf %sub3A_430, %mul3A_428 : vector<16xf32>
    %mul3A_432 = arith.mulf %mul3A_426, %sub3A_431 : vector<16xf32>
    %mul3A_433 = arith.mulf %mul3A_324, %mul3A_432 : vector<16xf32>
    %mul3A_434 = arith.mulf %mul3A_433, %mul3A_432 : vector<16xf32>
    %sub3A_435 = arith.constant 1.500000e+00 : f32
    %sub3A_436 = vector.broadcast %sub3A_435 : f32 to vector<16xf32>
    %sub3A_437 = arith.subf %sub3A_436, %mul3A_434 : vector<16xf32>
    %mul3A_438 = arith.mulf %mul3A_432, %sub3A_437 : vector<16xf32>
    %mul3A_439 = arith.mulf %mul3A_324, %mul3A_438 : vector<16xf32>
    %mul3A_440 = arith.mulf %mul3A_439, %mul3A_438 : vector<16xf32>
    %sub3A_441 = arith.constant 1.500000e+00 : f32
    %sub3A_442 = vector.broadcast %sub3A_441 : f32 to vector<16xf32>
    %sub3A_443 = arith.subf %sub3A_442, %mul3A_440 : vector<16xf32>
    %mul3A_444 = arith.mulf %mul3A_438, %sub3A_443 : vector<16xf32>
    %mul3A_445 = arith.mulf %mul3A_324, %mul3A_444 : vector<16xf32>
    %mul3A_446 = arith.mulf %mul3A_445, %mul3A_444 : vector<16xf32>
    %sub3A_447 = arith.constant 1.500000e+00 : f32
    %sub3A_448 = vector.broadcast %sub3A_447 : f32 to vector<16xf32>
    %sub3A_449 = arith.subf %sub3A_448, %mul3A_446 : vector<16xf32>
    %mul3A_450 = arith.mulf %mul3A_444, %sub3A_449 : vector<16xf32>
    %mul3A_451 = arith.mulf %mul3A_324, %mul3A_450 : vector<16xf32>
    %mul3A_452 = arith.mulf %mul3A_451, %mul3A_450 : vector<16xf32>
    %sub3A_453 = arith.constant 1.500000e+00 : f32
    %sub3A_454 = vector.broadcast %sub3A_453 : f32 to vector<16xf32>
    %sub3A_455 = arith.subf %sub3A_454, %mul3A_452 : vector<16xf32>
    %mul3A_456 = arith.mulf %mul3A_450, %sub3A_455 : vector<16xf32>
    %mul3A_457 = arith.mulf %mul3A_324, %mul3A_456 : vector<16xf32>
    %mul3A_458 = arith.mulf %mul3A_457, %mul3A_456 : vector<16xf32>
    %sub3A_459 = arith.constant 1.500000e+00 : f32
    %sub3A_460 = vector.broadcast %sub3A_459 : f32 to vector<16xf32>
    %sub3A_461 = arith.subf %sub3A_460, %mul3A_458 : vector<16xf32>
    %mul3A_462 = arith.mulf %mul3A_456, %sub3A_461 : vector<16xf32>
    %mul3A_463 = arith.mulf %mul3A_324, %mul3A_462 : vector<16xf32>
    %mul3A_464 = arith.mulf %mul3A_463, %mul3A_462 : vector<16xf32>
    %sub3A_465 = arith.constant 1.500000e+00 : f32
    %sub3A_466 = vector.broadcast %sub3A_465 : f32 to vector<16xf32>
    %sub3A_467 = arith.subf %sub3A_466, %mul3A_464 : vector<16xf32>
    %mul3A_468 = arith.mulf %mul3A_462, %sub3A_467 : vector<16xf32>
    %mul3A_469 = arith.mulf %mul3A_324, %mul3A_468 : vector<16xf32>
    %mul3A_470 = arith.mulf %mul3A_469, %mul3A_468 : vector<16xf32>
    %sub3A_471 = arith.constant 1.500000e+00 : f32
    %sub3A_472 = vector.broadcast %sub3A_471 : f32 to vector<16xf32>
    %sub3A_473 = arith.subf %sub3A_472, %mul3A_470 : vector<16xf32>
    %mul3A_474 = arith.mulf %mul3A_468, %sub3A_473 : vector<16xf32>
    %mul3A_475 = arith.mulf %mul3A_324, %mul3A_474 : vector<16xf32>
    %mul3A_476 = arith.mulf %mul3A_475, %mul3A_474 : vector<16xf32>
    %sub3A_477 = arith.constant 1.500000e+00 : f32
    %sub3A_478 = vector.broadcast %sub3A_477 : f32 to vector<16xf32>
    %sub3A_479 = arith.subf %sub3A_478, %mul3A_476 : vector<16xf32>
    %mul3A_480 = arith.mulf %mul3A_474, %sub3A_479 : vector<16xf32>
    %swap3A_481 = arith.constant 0 : index
    %swap3A_482 = tpu.vector_load %arg8[%swap3A_481] {strides = array<i32>} : memref<320xf32, #tpu.memory_space<vmem>>, vector<16xf32>,
    %swap3A_483 = vector.shape_cast %swap3A_482 : vector<16xf32> to vector<16xf32>
    %swap3A_484 = vector.shape_cast %mul3A_480 : vector<16xf32> to vector<16xf32>
    tpu.vector_store %arg8[%swap3A_481], %swap3A_484 {strides = array<i32>} : memref<320xf32, #tpu.memory_space<vmem>>, vector<16xf32>,
    %get3A_485 = arith.constant 16 : index
    %get3A_486 = tpu.vector_load %arg8[%get3A_485] {strides = array<i32>} : memref<320xf32, #tpu.memory_space<vmem>>, vector<16xf32>,
    %get3A_487 = vector.shape_cast %get3A_486 : vector<16xf32> to vector<16xf32>
    %add3A_488 = arith.constant 1.000000e+00 : f32
    %add3A_489 = vector.broadcast %add3A_488 : f32 to vector<16xf32>
    %add3A_490 = arith.addf %get3A_487, %add3A_489 : vector<16xf32>
    %div3A_491 = arith.constant 1.000000e+00 : f32
    %div3A_492 = vector.broadcast %div3A_491 : f32 to vector<16xf32>
    %div3A_493 = arith.divf %div3A_492, %add3A_490 : vector<16xf32>
    %mul3A_494 = arith.constant 5.000000e-01 : f32
    %mul3A_495 = vector.broadcast %mul3A_494 : f32 to vector<16xf32>
    %mul3A_496 = arith.mulf %mul3A_495, %add3A_490 : vector<16xf32>
    %mul3A_497 = arith.mulf %mul3A_496, %div3A_493 : vector<16xf32>
    %mul3A_498 = arith.mulf %mul3A_497, %div3A_493 : vector<16xf32>
    %sub3A_499 = arith.constant 1.500000e+00 : f32
    %sub3A_500 = vector.broadcast %sub3A_499 : f32 to vector<16xf32>
    %sub3A_501 = arith.subf %sub3A_500, %mul3A_498 : vector<16xf32>
    %mul3A_502 = arith.mulf %div3A_493, %sub3A_501 : vector<16xf32>
    %mul3A_503 = arith.mulf %mul3A_496, %mul3A_502 : vector<16xf32>
    %mul3A_504 = arith.mulf %mul3A_503, %mul3A_502 : vector<16xf32>
    %sub3A_505 = arith.constant 1.500000e+00 : f32
    %sub3A_506 = vector.broadcast %sub3A_505 : f32 to vector<16xf32>
    %sub3A_507 = arith.subf %sub3A_506, %mul3A_504 : vector<16xf32>
    %mul3A_508 = arith.mulf %mul3A_502, %sub3A_507 : vector<16xf32>
    %mul3A_509 = arith.mulf %mul3A_496, %mul3A_508 : vector<16xf32>
    %mul3A_510 = arith.mulf %mul3A_509, %mul3A_508 : vector<16xf32>
    %sub3A_511 = arith.constant 1.500000e+00 : f32
    %sub3A_512 = vector.broadcast %sub3A_511 : f32 to vector<16xf32>
    %sub3A_513 = arith.subf %sub3A_512, %mul3A_510 : vector<16xf32>
    %mul3A_514 = arith.mulf %mul3A_508, %sub3A_513 : vector<16xf32>
    %mul3A_515 = arith.mulf %mul3A_496, %mul3A_514 : vector<16xf32>
    %mul3A_516 = arith.mulf %mul3A_515, %mul3A_514 : vector<16xf32>
    %sub3A_517 = arith.constant 1.500000e+00 : f32
    %sub3A_518 = vector.broadcast %sub3A_517 : f32 to vector<16xf32>
    %sub3A_519 = arith.subf %sub3A_518, %mul3A_516 : vector<16xf32>
    %mul3A_520 = arith.mulf %mul3A_514, %sub3A_519 : vector<16xf32>
    %mul3A_521 = arith.mulf %mul3A_496, %mul3A_520 : vector<16xf32>
    %mul3A_522 = arith.mulf %mul3A_521, %mul3A_520 : vector<16xf32>
    %sub3A_523 = arith.constant 1.500000e+00 : f32
    %sub3A_524 = vector.broadcast %sub3A_523 : f32 to vector<16xf32>
    %sub3A_525 = arith.subf %sub3A_524, %mul3A_522 : vector<16xf32>
    %mul3A_526 = arith.mulf %mul3A_520, %sub3A_525 : vector<16xf32>
    %mul3A_527 = arith.mulf %mul3A_496, %mul3A_526 : vector<16xf32>
    %mul3A_528 = arith.mulf %mul3A_527, %mul3A_526 : vector<16xf32>
    %sub3A_529 = arith.constant 1.500000e+00 : f32
    %sub3A_530 = vector.broadcast %sub3A_529 : f32 to vector<16xf32>
    %sub3A_531 = arith.subf %sub3A_530, %mul3A_528 : vector<16xf32>
    %mul3A_532 = arith.mulf %mul3A_526, %sub3A_531 : vector<16xf32>
    %mul3A_533 = arith.mulf %mul3A_496, %mul3A_532 : vector<16xf32>
    %mul3A_534 = arith.mulf %mul3A_533, %mul3A_532 : vector<16xf32>
    %sub3A_535 = arith.constant 1.500000e+00 : f32
    %sub3A_536 = vector.broadcast %sub3A_535 : f32 to vector<16xf32>
    %sub3A_537 = arith.subf %sub3A_536, %mul3A_534 : vector<16xf32>
    %mul3A_538 = arith.mulf %mul3A_532, %sub3A_537 : vector<16xf32>
    %mul3A_539 = arith.mulf %mul3A_496, %mul3A_538 : vector<16xf32>
    %mul3A_540 = arith.mulf %mul3A_539, %mul3A_538 : vector<16xf32>
    %sub3A_541 = arith.constant 1.500000e+00 : f32
    %sub3A_542 = vector.broadcast %sub3A_541 : f32 to vector<16xf32>
    %sub3A_543 = arith.subf %sub3A_542, %mul3A_540 : vector<16xf32>
    %mul3A_544 = arith.mulf %mul3A_538, %sub3A_543 : vector<16xf32>
    %mul3A_545 = arith.mulf %mul3A_496, %mul3A_544 : vector<16xf32>
    %mul3A_546 = arith.mulf %mul3A_545, %mul3A_544 : vector<16xf32>
    %sub3A_547 = arith.constant 1.500000e+00 : f32
    %sub3A_548 = vector.broadcast %sub3A_547 : f32 to vector<16xf32>
    %sub3A_549 = arith.subf %sub3A_548, %mul3A_546 : vector<16xf32>
    %mul3A_550 = arith.mulf %mul3A_544, %sub3A_549 : vector<16xf32>
    %mul3A_551 = arith.mulf %mul3A_496, %mul3A_550 : vector<16xf32>
    %mul3A_552 = arith.mulf %mul3A_551, %mul3A_550 : vector<16xf32>
    %sub3A_553 = arith.constant 1.500000e+00 : f32
    %sub3A_554 = vector.broadcast %sub3A_553 : f32 to vector<16xf32>
    %sub3A_555 = arith.subf %sub3A_554, %mul3A_552 : vector<16xf32>
    %mul3A_556 = arith.mulf %mul3A_550, %sub3A_555 : vector<16xf32>
    %mul3A_557 = arith.mulf %mul3A_496, %mul3A_556 : vector<16xf32>
    %mul3A_558 = arith.mulf %mul3A_557, %mul3A_556 : vector<16xf32>
    %sub3A_559 = arith.constant 1.500000e+00 : f32
    %sub3A_560 = vector.broadcast %sub3A_559 : f32 to vector<16xf32>
    %sub3A_561 = arith.subf %sub3A_560, %mul3A_558 : vector<16xf32>
    %mul3A_562 = arith.mulf %mul3A_556, %sub3A_561 : vector<16xf32>
    %mul3A_563 = arith.mulf %mul3A_496, %mul3A_562 : vector<16xf32>
    %mul3A_564 = arith.mulf %mul3A_563, %mul3A_562 : vector<16xf32>
    %sub3A_565 = arith.constant 1.500000e+00 : f32
    %sub3A_566 = vector.broadcast %sub3A_565 : f32 to vector<16xf32>
    %sub3A_567 = arith.subf %sub3A_566, %mul3A_564 : vector<16xf32>
    %mul3A_568 = arith.mulf %mul3A_562, %sub3A_567 : vector<16xf32>
    %mul3A_569 = arith.mulf %mul3A_496, %mul3A_568 : vector<16xf32>
    %mul3A_570 = arith.mulf %mul3A_569, %mul3A_568 : vector<16xf32>
    %sub3A_571 = arith.constant 1.500000e+00 : f32
    %sub3A_572 = vector.broadcast %sub3A_571 : f32 to vector<16xf32>
    %sub3A_573 = arith.subf %sub3A_572, %mul3A_570 : vector<16xf32>
    %mul3A_574 = arith.mulf %mul3A_568, %sub3A_573 : vector<16xf32>
    %mul3A_575 = arith.mulf %mul3A_496, %mul3A_574 : vector<16xf32>
    %mul3A_576 = arith.mulf %mul3A_575, %mul3A_574 : vector<16xf32>
    %sub3A_577 = arith.constant 1.500000e+00 : f32
    %sub3A_578 = vector.broadcast %sub3A_577 : f32 to vector<16xf32>
    %sub3A_579 = arith.subf %sub3A_578, %mul3A_576 : vector<16xf32>
    %mul3A_580 = arith.mulf %mul3A_574, %sub3A_579 : vector<16xf32>
    %mul3A_581 = arith.mulf %mul3A_496, %mul3A_580 : vector<16xf32>
    %mul3A_582 = arith.mulf %mul3A_581, %mul3A_580 : vector<16xf32>
    %sub3A_583 = arith.constant 1.500000e+00 : f32
    %sub3A_584 = vector.broadcast %sub3A_583 : f32 to vector<16xf32>
    %sub3A_585 = arith.subf %sub3A_584, %mul3A_582 : vector<16xf32>
    %mul3A_586 = arith.mulf %mul3A_580, %sub3A_585 : vector<16xf32>
    %mul3A_587 = arith.mulf %mul3A_496, %mul3A_586 : vector<16xf32>
    %mul3A_588 = arith.mulf %mul3A_587, %mul3A_586 : vector<16xf32>
    %sub3A_589 = arith.constant 1.500000e+00 : f32
    %sub3A_590 = vector.broadcast %sub3A_589 : f32 to vector<16xf32>
    %sub3A_591 = arith.subf %sub3A_590, %mul3A_588 : vector<16xf32>
    %mul3A_592 = arith.mulf %mul3A_586, %sub3A_591 : vector<16xf32>
    %mul3A_593 = arith.mulf %mul3A_496, %mul3A_592 : vector<16xf32>
    %mul3A_594 = arith.mulf %mul3A_593, %mul3A_592 : vector<16xf32>
    %sub3A_595 = arith.constant 1.500000e+00 : f32
    %sub3A_596 = vector.broadcast %sub3A_595 : f32 to vector<16xf32>
    %sub3A_597 = arith.subf %sub3A_596, %mul3A_594 : vector<16xf32>
    %mul3A_598 = arith.mulf %mul3A_592, %sub3A_597 : vector<16xf32>
    %mul3A_599 = arith.mulf %mul3A_496, %mul3A_598 : vector<16xf32>
    %mul3A_600 = arith.mulf %mul3A_599, %mul3A_598 : vector<16xf32>
    %sub3A_601 = arith.constant 1.500000e+00 : f32
    %sub3A_602 = vector.broadcast %sub3A_601 : f32 to vector<16xf32>
    %sub3A_603 = arith.subf %sub3A_602, %mul3A_600 : vector<16xf32>
    %mul3A_604 = arith.mulf %mul3A_598, %sub3A_603 : vector<16xf32>
    %mul3A_605 = arith.mulf %mul3A_496, %mul3A_604 : vector<16xf32>
    %mul3A_606 = arith.mulf %mul3A_605, %mul3A_604 : vector<16xf32>
    %sub3A_607 = arith.constant 1.500000e+00 : f32
    %sub3A_608 = vector.broadcast %sub3A_607 : f32 to vector<16xf32>
    %sub3A_609 = arith.subf %sub3A_608, %mul3A_606 : vector<16xf32>
    %mul3A_610 = arith.mulf %mul3A_604, %sub3A_609 : vector<16xf32>
    %mul3A_611 = arith.mulf %mul3A_496, %mul3A_610 : vector<16xf32>
    %mul3A_612 = arith.mulf %mul3A_611, %mul3A_610 : vector<16xf32>
    %sub3A_613 = arith.constant 1.500000e+00 : f32
    %sub3A_614 = vector.broadcast %sub3A_613 : f32 to vector<16xf32>
    %sub3A_615 = arith.subf %sub3A_614, %mul3A_612 : vector<16xf32>
    %mul3A_616 = arith.mulf %mul3A_610, %sub3A_615 : vector<16xf32>
    %mul3A_617 = arith.mulf %mul3A_496, %mul3A_616 : vector<16xf32>
    %mul3A_618 = arith.mulf %mul3A_617, %mul3A_616 : vector<16xf32>
    %sub3A_619 = arith.constant 1.500000e+00 : f32
    %sub3A_620 = vector.broadcast %sub3A_619 : f32 to vector<16xf32>
    %sub3A_621 = arith.subf %sub3A_620, %mul3A_618 : vector<16xf32>
    %mul3A_622 = arith.mulf %mul3A_616, %sub3A_621 : vector<16xf32>
    %mul3A_623 = arith.mulf %mul3A_496, %mul3A_622 : vector<16xf32>
    %mul3A_624 = arith.mulf %mul3A_623, %mul3A_622 : vector<16xf32>
    %sub3A_625 = arith.constant 1.500000e+00 : f32
    %sub3A_626 = vector.broadcast %sub3A_625 : f32 to vector<16xf32>
    %sub3A_627 = arith.subf %sub3A_626, %mul3A_624 : vector<16xf32>
    %mul3A_628 = arith.mulf %mul3A_622, %sub3A_627 : vector<16xf32>
    %mul3A_629 = arith.mulf %mul3A_496, %mul3A_628 : vector<16xf32>
    %mul3A_630 = arith.mulf %mul3A_629, %mul3A_628 : vector<16xf32>
    %sub3A_631 = arith.constant 1.500000e+00 : f32
    %sub3A_632 = vector.broadcast %sub3A_631 : f32 to vector<16xf32>
    %sub3A_633 = arith.subf %sub3A_632, %mul3A_630 : vector<16xf32>
    %mul3A_634 = arith.mulf %mul3A_628, %sub3A_633 : vector<16xf32>
    %mul3A_635 = arith.mulf %mul3A_496, %mul3A_634 : vector<16xf32>
    %mul3A_636 = arith.mulf %mul3A_635, %mul3A_634 : vector<16xf32>
    %sub3A_637 = arith.constant 1.500000e+00 : f32
    %sub3A_638 = vector.broadcast %sub3A_637 : f32 to vector<16xf32>
    %sub3A_639 = arith.subf %sub3A_638, %mul3A_636 : vector<16xf32>
    %mul3A_640 = arith.mulf %mul3A_634, %sub3A_639 : vector<16xf32>
    %mul3A_641 = arith.mulf %mul3A_496, %mul3A_640 : vector<16xf32>
    %mul3A_642 = arith.mulf %mul3A_641, %mul3A_640 : vector<16xf32>
    %sub3A_643 = arith.constant 1.500000e+00 : f32
    %sub3A_644 = vector.broadcast %sub3A_643 : f32 to vector<16xf32>
    %sub3A_645 = arith.subf %sub3A_644, %mul3A_642 : vector<16xf32>
    %mul3A_646 = arith.mulf %mul3A_640, %sub3A_645 : vector<16xf32>
    %mul3A_647 = arith.mulf %mul3A_496, %mul3A_646 : vector<16xf32>
    %mul3A_648 = arith.mulf %mul3A_647, %mul3A_646 : vector<16xf32>
    %sub3A_649 = arith.constant 1.500000e+00 : f32
    %sub3A_650 = vector.broadcast %sub3A_649 : f32 to vector<16xf32>
    %sub3A_651 = arith.subf %sub3A_650, %mul3A_648 : vector<16xf32>
    %mul3A_652 = arith.mulf %mul3A_646, %sub3A_651 : vector<16xf32>
    %swap3A_653 = arith.constant 16 : index
    %swap3A_654 = tpu.vector_load %arg8[%swap3A_653] {strides = array<i32>} : memref<320xf32, #tpu.memory_space<vmem>>, vector<16xf32>,
    %swap3A_655 = vector.shape_cast %swap3A_654 : vector<16xf32> to vector<16xf32>
    %swap3A_656 = vector.shape_cast %mul3A_652 : vector<16xf32> to vector<16xf32>
    tpu.vector_store %arg8[%swap3A_653], %swap3A_656 {strides = array<i32>} : memref<320xf32, #tpu.memory_space<vmem>>, vector<16xf32>,
    %get3A_657 = arith.constant 32 : index
    %get3A_658 = tpu.vector_load %arg8[%get3A_657] {strides = array<i32>} : memref<320xf32, #tpu.memory_space<vmem>>, vector<16xf32>,
    %get3A_659 = vector.shape_cast %get3A_658 : vector<16xf32> to vector<16xf32>
    %add3A_660 = arith.constant 1.000000e+00 : f32
    %add3A_661 = vector.broadcast %add3A_660 : f32 to vector<16xf32>
    %add3A_662 = arith.addf %get3A_659, %add3A_661 : vector<16xf32>
    %div3A_663 = arith.constant 1.000000e+00 : f32
    %div3A_664 = vector.broadcast %div3A_663 : f32 to vector<16xf32>
    %div3A_665 = arith.divf %div3A_664, %add3A_662 : vector<16xf32>
    %mul3A_666 = arith.constant 5.000000e-01 : f32
    %mul3A_667 = vector.broadcast %mul3A_666 : f32 to vector<16xf32>
    %mul3A_668 = arith.mulf %mul3A_667, %add3A_662 : vector<16xf32>
    %mul3A_669 = arith.mulf %mul3A_668, %div3A_665 : vector<16xf32>
    %mul3A_670 = arith.mulf %mul3A_669, %div3A_665 : vector<16xf32>
    %sub3A_671 = arith.constant 1.500000e+00 : f32
    %sub3A_672 = vector.broadcast %sub3A_671 : f32 to vector<16xf32>
    %sub3A_673 = arith.subf %sub3A_672, %mul3A_670 : vector<16xf32>
    %mul3A_674 = arith.mulf %div3A_665, %sub3A_673 : vector<16xf32>
    %mul3A_675 = arith.mulf %mul3A_668, %mul3A_674 : vector<16xf32>
    %mul3A_676 = arith.mulf %mul3A_675, %mul3A_674 : vector<16xf32>
    %sub3A_677 = arith.constant 1.500000e+00 : f32
    %sub3A_678 = vector.broadcast %sub3A_677 : f32 to vector<16xf32>
    %sub3A_679 = arith.subf %sub3A_678, %mul3A_676 : vector<16xf32>
    %mul3A_680 = arith.mulf %mul3A_674, %sub3A_679 : vector<16xf32>
    %mul3A_681 = arith.mulf %mul3A_668, %mul3A_680 : vector<16xf32>
    %mul3A_682 = arith.mulf %mul3A_681, %mul3A_680 : vector<16xf32>
    %sub3A_683 = arith.constant 1.500000e+00 : f32
    %sub3A_684 = vector.broadcast %sub3A_683 : f32 to vector<16xf32>
    %sub3A_685 = arith.subf %sub3A_684, %mul3A_682 : vector<16xf32>
    %mul3A_686 = arith.mulf %mul3A_680, %sub3A_685 : vector<16xf32>
    %mul3A_687 = arith.mulf %mul3A_668, %mul3A_686 : vector<16xf32>
    %mul3A_688 = arith.mulf %mul3A_687, %mul3A_686 : vector<16xf32>
    %sub3A_689 = arith.constant 1.500000e+00 : f32
    %sub3A_690 = vector.broadcast %sub3A_689 : f32 to vector<16xf32>
    %sub3A_691 = arith.subf %sub3A_690, %mul3A_688 : vector<16xf32>
    %mul3A_692 = arith.mulf %mul3A_686, %sub3A_691 : vector<16xf32>
    %mul3A_693 = arith.mulf %mul3A_668, %mul3A_692 : vector<16xf32>
    %mul3A_694 = arith.mulf %mul3A_693, %mul3A_692 : vector<16xf32>
    %sub3A_695 = arith.constant 1.500000e+00 : f32
    %sub3A_696 = vector.broadcast %sub3A_695 : f32 to vector<16xf32>
    %sub3A_697 = arith.subf %sub3A_696, %mul3A_694 : vector<16xf32>
    %mul3A_698 = arith.mulf %mul3A_692, %sub3A_697 : vector<16xf32>
    %mul3A_699 = arith.mulf %mul3A_668, %mul3A_698 : vector<16xf32>
    %mul3A_700 = arith.mulf %mul3A_699, %mul3A_698 : vector<16xf32>
    %sub3A_701 = arith.constant 1.500000e+00 : f32
    %sub3A_702 = vector.broadcast %sub3A_701 : f32 to vector<16xf32>
    %sub3A_703 = arith.subf %sub3A_702, %mul3A_700 : vector<16xf32>
    %mul3A_704 = arith.mulf %mul3A_698, %sub3A_703 : vector<16xf32>
    %mul3A_705 = arith.mulf %mul3A_668, %mul3A_704 : vector<16xf32>
    %mul3A_706 = arith.mulf %mul3A_705, %mul3A_704 : vector<16xf32>
    %sub3A_707 = arith.constant 1.500000e+00 : f32
    %sub3A_708 = vector.broadcast %sub3A_707 : f32 to vector<16xf32>
    %sub3A_709 = arith.subf %sub3A_708, %mul3A_706 : vector<16xf32>
    %mul3A_710 = arith.mulf %mul3A_704, %sub3A_709 : vector<16xf32>
    %mul3A_711 = arith.mulf %mul3A_668, %mul3A_710 : vector<16xf32>
    %mul3A_712 = arith.mulf %mul3A_711, %mul3A_710 : vector<16xf32>
    %sub3A_713 = arith.constant 1.500000e+00 : f32
    %sub3A_714 = vector.broadcast %sub3A_713 : f32 to vector<16xf32>
    %sub3A_715 = arith.subf %sub3A_714, %mul3A_712 : vector<16xf32>
    %mul3A_716 = arith.mulf %mul3A_710, %sub3A_715 : vector<16xf32>
    %mul3A_717 = arith.mulf %mul3A_668, %mul3A_716 : vector<16xf32>
    %mul3A_718 = arith.mulf %mul3A_717, %mul3A_716 : vector<16xf32>
    %sub3A_719 = arith.constant 1.500000e+00 : f32
    %sub3A_720 = vector.broadcast %sub3A_719 : f32 to vector<16xf32>
    %sub3A_721 = arith.subf %sub3A_720, %mul3A_718 : vector<16xf32>
    %mul3A_722 = arith.mulf %mul3A_716, %sub3A_721 : vector<16xf32>
    %mul3A_723 = arith.mulf %mul3A_668, %mul3A_722 : vector<16xf32>
    %mul3A_724 = arith.mulf %mul3A_723, %mul3A_722 : vector<16xf32>
    %sub3A_725 = arith.constant 1.500000e+00 : f32
    %sub3A_726 = vector.broadcast %sub3A_725 : f32 to vector<16xf32>
    %sub3A_727 = arith.subf %sub3A_726, %mul3A_724 : vector<16xf32>
    %mul3A_728 = arith.mulf %mul3A_722, %sub3A_727 : vector<16xf32>
    %mul3A_729 = arith.mulf %mul3A_668, %mul3A_728 : vector<16xf32>
    %mul3A_730 = arith.mulf %mul3A_729, %mul3A_728 : vector<16xf32>
    %sub3A_731 = arith.constant 1.500000e+00 : f32
    %sub3A_732 = vector.broadcast %sub3A_731 : f32 to vector<16xf32>
    %sub3A_733 = arith.subf %sub3A_732, %mul3A_730 : vector<16xf32>
    %mul3A_734 = arith.mulf %mul3A_728, %sub3A_733 : vector<16xf32>
    %mul3A_735 = arith.mulf %mul3A_668, %mul3A_734 : vector<16xf32>
    %mul3A_736 = arith.mulf %mul3A_735, %mul3A_734 : vector<16xf32>
    %sub3A_737 = arith.constant 1.500000e+00 : f32
    %sub3A_738 = vector.broadcast %sub3A_737 : f32 to vector<16xf32>
    %sub3A_739 = arith.subf %sub3A_738, %mul3A_736 : vector<16xf32>
    %mul3A_740 = arith.mulf %mul3A_734, %sub3A_739 : vector<16xf32>
    %mul3A_741 = arith.mulf %mul3A_668, %mul3A_740 : vector<16xf32>
    %mul3A_742 = arith.mulf %mul3A_741, %mul3A_740 : vector<16xf32>
    %sub3A_743 = arith.constant 1.500000e+00 : f32
    %sub3A_744 = vector.broadcast %sub3A_743 : f32 to vector<16xf32>
    %sub3A_745 = arith.subf %sub3A_744, %mul3A_742 : vector<16xf32>
    %mul3A_746 = arith.mulf %mul3A_740, %sub3A_745 : vector<16xf32>
    %mul3A_747 = arith.mulf %mul3A_668, %mul3A_746 : vector<16xf32>
    %mul3A_748 = arith.mulf %mul3A_747, %mul3A_746 : vector<16xf32>
    %sub3A_749 = arith.constant 1.500000e+00 : f32
    %sub3A_750 = vector.broadcast %sub3A_749 : f32 to vector<16xf32>
    %sub3A_751 = arith.subf %sub3A_750, %mul3A_748 : vector<16xf32>
    %mul3A_752 = arith.mulf %mul3A_746, %sub3A_751 : vector<16xf32>
    %mul3A_753 = arith.mulf %mul3A_668, %mul3A_752 : vector<16xf32>
    %mul3A_754 = arith.mulf %mul3A_753, %mul3A_752 : vector<16xf32>
    %sub3A_755 = arith.constant 1.500000e+00 : f32
    %sub3A_756 = vector.broadcast %sub3A_755 : f32 to vector<16xf32>
    %sub3A_757 = arith.subf %sub3A_756, %mul3A_754 : vector<16xf32>
    %mul3A_758 = arith.mulf %mul3A_752, %sub3A_757 : vector<16xf32>
    %mul3A_759 = arith.mulf %mul3A_668, %mul3A_758 : vector<16xf32>
    %mul3A_760 = arith.mulf %mul3A_759, %mul3A_758 : vector<16xf32>
    %sub3A_761 = arith.constant 1.500000e+00 : f32
    %sub3A_762 = vector.broadcast %sub3A_761 : f32 to vector<16xf32>
    %sub3A_763 = arith.subf %sub3A_762, %mul3A_760 : vector<16xf32>
    %mul3A_764 = arith.mulf %mul3A_758, %sub3A_763 : vector<16xf32>
    %mul3A_765 = arith.mulf %mul3A_668, %mul3A_764 : vector<16xf32>
    %mul3A_766 = arith.mulf %mul3A_765, %mul3A_764 : vector<16xf32>
    %sub3A_767 = arith.constant 1.500000e+00 : f32
    %sub3A_768 = vector.broadcast %sub3A_767 : f32 to vector<16xf32>
    %sub3A_769 = arith.subf %sub3A_768, %mul3A_766 : vector<16xf32>
    %mul3A_770 = arith.mulf %mul3A_764, %sub3A_769 : vector<16xf32>
    %mul3A_771 = arith.mulf %mul3A_668, %mul3A_770 : vector<16xf32>
    %mul3A_772 = arith.mulf %mul3A_771, %mul3A_770 : vector<16xf32>
    %sub3A_773 = arith.constant 1.500000e+00 : f32
    %sub3A_774 = vector.broadcast %sub3A_773 : f32 to vector<16xf32>
    %sub3A_775 = arith.subf %sub3A_774, %mul3A_772 : vector<16xf32>
    %mul3A_776 = arith.mulf %mul3A_770, %sub3A_775 : vector<16xf32>
    %mul3A_777 = arith.mulf %mul3A_668, %mul3A_776 : vector<16xf32>
    %mul3A_778 = arith.mulf %mul3A_777, %mul3A_776 : vector<16xf32>
    %sub3A_779 = arith.constant 1.500000e+00 : f32
    %sub3A_780 = vector.broadcast %sub3A_779 : f32 to vector<16xf32>
    %sub3A_781 = arith.subf %sub3A_780, %mul3A_778 : vector<16xf32>
    %mul3A_782 = arith.mulf %mul3A_776, %sub3A_781 : vector<16xf32>
    %mul3A_783 = arith.mulf %mul3A_668, %mul3A_782 : vector<16xf32>
    %mul3A_784 = arith.mulf %mul3A_783, %mul3A_782 : vector<16xf32>
    %sub3A_785 = arith.constant 1.500000e+00 : f32
    %sub3A_786 = vector.broadcast %sub3A_785 : f32 to vector<16xf32>
    %sub3A_787 = arith.subf %sub3A_786, %mul3A_784 : vector<16xf32>
    %mul3A_788 = arith.mulf %mul3A_782, %sub3A_787 : vector<16xf32>
    %mul3A_789 = arith.mulf %mul3A_668, %mul3A_788 : vector<16xf32>
    %mul3A_790 = arith.mulf %mul3A_789, %mul3A_788 : vector<16xf32>
    %sub3A_791 = arith.constant 1.500000e+00 : f32
    %sub3A_792 = vector.broadcast %sub3A_791 : f32 to vector<16xf32>
    %sub3A_793 = arith.subf %sub3A_792, %mul3A_790 : vector<16xf32>
    %mul3A_794 = arith.mulf %mul3A_788, %sub3A_793 : vector<16xf32>
    %mul3A_795 = arith.mulf %mul3A_668, %mul3A_794 : vector<16xf32>
    %mul3A_796 = arith.mulf %mul3A_795, %mul3A_794 : vector<16xf32>
    %sub3A_797 = arith.constant 1.500000e+00 : f32
    %sub3A_798 = vector.broadcast %sub3A_797 : f32 to vector<16xf32>
    %sub3A_799 = arith.subf %sub3A_798, %mul3A_796 : vector<16xf32>
    %mul3A_800 = arith.mulf %mul3A_794, %sub3A_799 : vector<16xf32>
    %mul3A_801 = arith.mulf %mul3A_668, %mul3A_800 : vector<16xf32>
    %mul3A_802 = arith.mulf %mul3A_801, %mul3A_800 : vector<16xf32>
    %sub3A_803 = arith.constant 1.500000e+00 : f32
    %sub3A_804 = vector.broadcast %sub3A_803 : f32 to vector<16xf32>
    %sub3A_805 = arith.subf %sub3A_804, %mul3A_802 : vector<16xf32>
    %mul3A_806 = arith.mulf %mul3A_800, %sub3A_805 : vector<16xf32>
    %mul3A_807 = arith.mulf %mul3A_668, %mul3A_806 : vector<16xf32>
    %mul3A_808 = arith.mulf %mul3A_807, %mul3A_806 : vector<16xf32>
    %sub3A_809 = arith.constant 1.500000e+00 : f32
    %sub3A_810 = vector.broadcast %sub3A_809 : f32 to vector<16xf32>
    %sub3A_811 = arith.subf %sub3A_810, %mul3A_808 : vector<16xf32>
    %mul3A_812 = arith.mulf %mul3A_806, %sub3A_811 : vector<16xf32>
    %mul3A_813 = arith.mulf %mul3A_668, %mul3A_812 : vector<16xf32>
    %mul3A_814 = arith.mulf %mul3A_813, %mul3A_812 : vector<16xf32>
    %sub3A_815 = arith.constant 1.500000e+00 : f32
    %sub3A_816 = vector.broadcast %sub3A_815 : f32 to vector<16xf32>
    %sub3A_817 = arith.subf %sub3A_816, %mul3A_814 : vector<16xf32>
    %mul3A_818 = arith.mulf %mul3A_812, %sub3A_817 : vector<16xf32>
    %mul3A_819 = arith.mulf %mul3A_668, %mul3A_818 : vector<16xf32>
    %mul3A_820 = arith.mulf %mul3A_819, %mul3A_818 : vector<16xf32>
    %sub3A_821 = arith.constant 1.500000e+00 : f32
    %sub3A_822 = vector.broadcast %sub3A_821 : f32 to vector<16xf32>
    %sub3A_823 = arith.subf %sub3A_822, %mul3A_820 : vector<16xf32>
    %mul3A_824 = arith.mulf %mul3A_818, %sub3A_823 : vector<16xf32>
    %swap3A_825 = arith.constant 32 : index
    %swap3A_826 = tpu.vector_load %arg8[%swap3A_825] {strides = array<i32>} : memref<320xf32, #tpu.memory_space<vmem>>, vector<16xf32>,
    %swap3A_827 = vector.shape_cast %swap3A_826 : vector<16xf32> to vector<16xf32>
    %swap3A_828 = vector.shape_cast %mul3A_824 : vector<16xf32> to vector<16xf32>
    tpu.vector_store %arg8[%swap3A_825], %swap3A_828 {strides = array<i32>} : memref<320xf32, #tpu.memory_space<vmem>>, vector<16xf32>,
    %get3A_829 = arith.constant 48 : index
    %get3A_830 = tpu.vector_load %arg8[%get3A_829] {strides = array<i32>} : memref<320xf32, #tpu.memory_space<vmem>>, vector<16xf32>,
    %get3A_831 = vector.shape_cast %get3A_830 : vector<16xf32> to vector<16xf32>
    %add3A_832 = arith.constant 1.000000e+00 : f32
    %add3A_833 = vector.broadcast %add3A_832 : f32 to vector<16xf32>
    %add3A_834 = arith.addf %get3A_831, %add3A_833 : vector<16xf32>
    %div3A_835 = arith.constant 1.000000e+00 : f32
    %div3A_836 = vector.broadcast %div3A_835 : f32 to vector<16xf32>
    %div3A_837 = arith.divf %div3A_836, %add3A_834 : vector<16xf32>
    %mul3A_838 = arith.constant 5.000000e-01 : f32
    %mul3A_839 = vector.broadcast %mul3A_838 : f32 to vector<16xf32>
    %mul3A_840 = arith.mulf %mul3A_839, %add3A_834 : vector<16xf32>
    %mul3A_841 = arith.mulf %mul3A_840, %div3A_837 : vector<16xf32>
    %mul3A_842 = arith.mulf %mul3A_841, %div3A_837 : vector<16xf32>
    %sub3A_843 = arith.constant 1.500000e+00 : f32
    %sub3A_844 = vector.broadcast %sub3A_843 : f32 to vector<16xf32>
    %sub3A_845 = arith.subf %sub3A_844, %mul3A_842 : vector<16xf32>
    %mul3A_846 = arith.mulf %div3A_837, %sub3A_845 : vector<16xf32>
    %mul3A_847 = arith.mulf %mul3A_840, %mul3A_846 : vector<16xf32>
    %mul3A_848 = arith.mulf %mul3A_847, %mul3A_846 : vector<16xf32>
    %sub3A_849 = arith.constant 1.500000e+00 : f32
    %sub3A_850 = vector.broadcast %sub3A_849 : f32 to vector<16xf32>
    %sub3A_851 = arith.subf %sub3A_850, %mul3A_848 : vector<16xf32>
    %mul3A_852 = arith.mulf %mul3A_846, %sub3A_851 : vector<16xf32>
    %mul3A_853 = arith.mulf %mul3A_840, %mul3A_852 : vector<16xf32>
    %mul3A_854 = arith.mulf %mul3A_853, %mul3A_852 : vector<16xf32>
    %sub3A_855 = arith.constant 1.500000e+00 : f32
    %sub3A_856 = vector.broadcast %sub3A_855 : f32 to vector<16xf32>
    %sub3A_857 = arith.subf %sub3A_856, %mul3A_854 : vector<16xf32>
    %mul3A_858 = arith.mulf %mul3A_852, %sub3A_857 : vector<16xf32>
    %mul3A_859 = arith.mulf %mul3A_840, %mul3A_858 : vector<16xf32>
    %mul3A_860 = arith.mulf %mul3A_859, %mul3A_858 : vector<16xf32>
    %sub3A_861 = arith.constant 1.500000e+00 : f32
    %sub3A_862 = vector.broadcast %sub3A_861 : f32 to vector<16xf32>
    %sub3A_863 = arith.subf %sub3A_862, %mul3A_860 : vector<16xf32>
    %mul3A_864 = arith.mulf %mul3A_858, %sub3A_863 : vector<16xf32>
    %mul3A_865 = arith.mulf %mul3A_840, %mul3A_864 : vector<16xf32>
    %mul3A_866 = arith.mulf %mul3A_865, %mul3A_864 : vector<16xf32>
    %sub3A_867 = arith.constant 1.500000e+00 : f32
    %sub3A_868 = vector.broadcast %sub3A_867 : f32 to vector<16xf32>
    %sub3A_869 = arith.subf %sub3A_868, %mul3A_866 : vector<16xf32>
    %mul3A_870 = arith.mulf %mul3A_864, %sub3A_869 : vector<16xf32>
    %mul3A_871 = arith.mulf %mul3A_840, %mul3A_870 : vector<16xf32>
    %mul3A_872 = arith.mulf %mul3A_871, %mul3A_870 : vector<16xf32>
    %sub3A_873 = arith.constant 1.500000e+00 : f32
    %sub3A_874 = vector.broadcast %sub3A_873 : f32 to vector<16xf32>
    %sub3A_875 = arith.subf %sub3A_874, %mul3A_872 : vector<16xf32>
    %mul3A_876 = arith.mulf %mul3A_870, %sub3A_875 : vector<16xf32>
    %mul3A_877 = arith.mulf %mul3A_840, %mul3A_876 : vector<16xf32>
    %mul3A_878 = arith.mulf %mul3A_877, %mul3A_876 : vector<16xf32>
    %sub3A_879 = arith.constant 1.500000e+00 : f32
    %sub3A_880 = vector.broadcast %sub3A_879 : f32 to vector<16xf32>
    %sub3A_881 = arith.subf %sub3A_880, %mul3A_878 : vector<16xf32>
    %mul3A_882 = arith.mulf %mul3A_876, %sub3A_881 : vector<16xf32>
    %mul3A_883 = arith.mulf %mul3A_840, %mul3A_882 : vector<16xf32>
    %mul3A_884 = arith.mulf %mul3A_883, %mul3A_882 : vector<16xf32>
    %sub3A_885 = arith.constant 1.500000e+00 : f32
    %sub3A_886 = vector.broadcast %sub3A_885 : f32 to vector<16xf32>
    %sub3A_887 = arith.subf %sub3A_886, %mul3A_884 : vector<16xf32>
    %mul3A_888 = arith.mulf %mul3A_882, %sub3A_887 : vector<16xf32>
    %mul3A_889 = arith.mulf %mul3A_840, %mul3A_888 : vector<16xf32>
    %mul3A_890 = arith.mulf %mul3A_889, %mul3A_888 : vector<16xf32>
    %sub3A_891 = arith.constant 1.500000e+00 : f32
    %sub3A_892 = vector.broadcast %sub3A_891 : f32 to vector<16xf32>
    %sub3A_893 = arith.subf %sub3A_892, %mul3A_890 : vector<16xf32>
    %mul3A_894 = arith.mulf %mul3A_888, %sub3A_893 : vector<16xf32>
    %mul3A_895 = arith.mulf %mul3A_840, %mul3A_894 : vector<16xf32>
    %mul3A_896 = arith.mulf %mul3A_895, %mul3A_894 : vector<16xf32>
    %sub3A_897 = arith.constant 1.500000e+00 : f32
    %sub3A_898 = vector.broadcast %sub3A_897 : f32 to vector<16xf32>
    %sub3A_899 = arith.subf %sub3A_898, %mul3A_896 : vector<16xf32>
    %mul3A_900 = arith.mulf %mul3A_894, %sub3A_899 : vector<16xf32>
    %mul3A_901 = arith.mulf %mul3A_840, %mul3A_900 : vector<16xf32>
    %mul3A_902 = arith.mulf %mul3A_901, %mul3A_900 : vector<16xf32>
    %sub3A_903 = arith.constant 1.500000e+00 : f32
    %sub3A_904 = vector.broadcast %sub3A_903 : f32 to vector<16xf32>
    %sub3A_905 = arith.subf %sub3A_904, %mul3A_902 : vector<16xf32>
    %mul3A_906 = arith.mulf %mul3A_900, %sub3A_905 : vector<16xf32>
    %mul3A_907 = arith.mulf %mul3A_840, %mul3A_906 : vector<16xf32>
    %mul3A_908 = arith.mulf %mul3A_907, %mul3A_906 : vector<16xf32>
    %sub3A_909 = arith.constant 1.500000e+00 : f32
    %sub3A_910 = vector.broadcast %sub3A_909 : f32 to vector<16xf32>
    %sub3A_911 = arith.subf %sub3A_910, %mul3A_908 : vector<16xf32>
    %mul3A_912 = arith.mulf %mul3A_906, %sub3A_911 : vector<16xf32>
    %mul3A_913 = arith.mulf %mul3A_840, %mul3A_912 : vector<16xf32>
    %mul3A_914 = arith.mulf %mul3A_913, %mul3A_912 : vector<16xf32>
    %sub3A_915 = arith.constant 1.500000e+00 : f32
    %sub3A_916 = vector.broadcast %sub3A_915 : f32 to vector<16xf32>
    %sub3A_917 = arith.subf %sub3A_916, %mul3A_914 : vector<16xf32>
    %mul3A_918 = arith.mulf %mul3A_912, %sub3A_917 : vector<16xf32>
    %mul3A_919 = arith.mulf %mul3A_840, %mul3A_918 : vector<16xf32>
    %mul3A_920 = arith.mulf %mul3A_919, %mul3A_918 : vector<16xf32>
    %sub3A_921 = arith.constant 1.500000e+00 : f32
    %sub3A_922 = vector.broadcast %sub3A_921 : f32 to vector<16xf32>
    %sub3A_923 = arith.subf %sub3A_922, %mul3A_920 : vector<16xf32>
    %mul3A_924 = arith.mulf %mul3A_918, %sub3A_923 : vector<16xf32>
    %mul3A_925 = arith.mulf %mul3A_840, %mul3A_924 : vector<16xf32>
    %mul3A_926 = arith.mulf %mul3A_925, %mul3A_924 : vector<16xf32>
    %sub3A_927 = arith.constant 1.500000e+00 : f32
    %sub3A_928 = vector.broadcast %sub3A_927 : f32 to vector<16xf32>
    %sub3A_929 = arith.subf %sub3A_928, %mul3A_926 : vector<16xf32>
    %mul3A_930 = arith.mulf %mul3A_924, %sub3A_929 : vector<16xf32>
    %mul3A_931 = arith.mulf %mul3A_840, %mul3A_930 : vector<16xf32>
    %mul3A_932 = arith.mulf %mul3A_931, %mul3A_930 : vector<16xf32>
    %sub3A_933 = arith.constant 1.500000e+00 : f32
    %sub3A_934 = vector.broadcast %sub3A_933 : f32 to vector<16xf32>
    %sub3A_935 = arith.subf %sub3A_934, %mul3A_932 : vector<16xf32>
    %mul3A_936 = arith.mulf %mul3A_930, %sub3A_935 : vector<16xf32>
    %mul3A_937 = arith.mulf %mul3A_840, %mul3A_936 : vector<16xf32>
    %mul3A_938 = arith.mulf %mul3A_937, %mul3A_936 : vector<16xf32>
    %sub3A_939 = arith.constant 1.500000e+00 : f32
    %sub3A_940 = vector.broadcast %sub3A_939 : f32 to vector<16xf32>
    %sub3A_941 = arith.subf %sub3A_940, %mul3A_938 : vector<16xf32>
    %mul3A_942 = arith.mulf %mul3A_936, %sub3A_941 : vector<16xf32>
    %mul3A_943 = arith.mulf %mul3A_840, %mul3A_942 : vector<16xf32>
    %mul3A_944 = arith.mulf %mul3A_943, %mul3A_942 : vector<16xf32>
    %sub3A_945 = arith.constant 1.500000e+00 : f32
    %sub3A_946 = vector.broadcast %sub3A_945 : f32 to vector<16xf32>
    %sub3A_947 = arith.subf %sub3A_946, %mul3A_944 : vector<16xf32>
    %mul3A_948 = arith.mulf %mul3A_942, %sub3A_947 : vector<16xf32>
    %mul3A_949 = arith.mulf %mul3A_840, %mul3A_948 : vector<16xf32>
    %mul3A_950 = arith.mulf %mul3A_949, %mul3A_948 : vector<16xf32>
    %sub3A_951 = arith.constant 1.500000e+00 : f32
    %sub3A_952 = vector.broadcast %sub3A_951 : f32 to vector<16xf32>
    %sub3A_953 = arith.subf %sub3A_952, %mul3A_950 : vector<16xf32>
    %mul3A_954 = arith.mulf %mul3A_948, %sub3A_953 : vector<16xf32>
    %mul3A_955 = arith.mulf %mul3A_840, %mul3A_954 : vector<16xf32>
    %mul3A_956 = arith.mulf %mul3A_955, %mul3A_954 : vector<16xf32>
    %sub3A_957 = arith.constant 1.500000e+00 : f32
    %sub3A_958 = vector.broadcast %sub3A_957 : f32 to vector<16xf32>
    %sub3A_959 = arith.subf %sub3A_958, %mul3A_956 : vector<16xf32>
    %mul3A_960 = arith.mulf %mul3A_954, %sub3A_959 : vector<16xf32>
    %mul3A_961 = arith.mulf %mul3A_840, %mul3A_960 : vector<16xf32>
    %mul3A_962 = arith.mulf %mul3A_961, %mul3A_960 : vector<16xf32>
    %sub3A_963 = arith.constant 1.500000e+00 : f32
    %sub3A_964 = vector.broadcast %sub3A_963 : f32 to vector<16xf32>
    %sub3A_965 = arith.subf %sub3A_964, %mul3A_962 : vector<16xf32>
    %mul3A_966 = arith.mulf %mul3A_960, %sub3A_965 : vector<16xf32>
    %mul3A_967 = arith.mulf %mul3A_840, %mul3A_966 : vector<16xf32>
    %mul3A_968 = arith.mulf %mul3A_967, %mul3A_966 : vector<16xf32>
    %sub3A_969 = arith.constant 1.500000e+00 : f32
    %sub3A_970 = vector.broadcast %sub3A_969 : f32 to vector<16xf32>
    %sub3A_971 = arith.subf %sub3A_970, %mul3A_968 : vector<16xf32>
    %mul3A_972 = arith.mulf %mul3A_966, %sub3A_971 : vector<16xf32>
    %mul3A_973 = arith.mulf %mul3A_840, %mul3A_972 : vector<16xf32>
    %mul3A_974 = arith.mulf %mul3A_973, %mul3A_972 : vector<16xf32>
    %sub3A_975 = arith.constant 1.500000e+00 : f32
    %sub3A_976 = vector.broadcast %sub3A_975 : f32 to vector<16xf32>
    %sub3A_977 = arith.subf %sub3A_976, %mul3A_974 : vector<16xf32>
    %mul3A_978 = arith.mulf %mul3A_972, %sub3A_977 : vector<16xf32>
    %mul3A_979 = arith.mulf %mul3A_840, %mul3A_978 : vector<16xf32>
    %mul3A_980 = arith.mulf %mul3A_979, %mul3A_978 : vector<16xf32>
    %sub3A_981 = arith.constant 1.500000e+00 : f32
    %sub3A_982 = vector.broadcast %sub3A_981 : f32 to vector<16xf32>
    %sub3A_983 = arith.subf %sub3A_982, %mul3A_980 : vector<16xf32>
    %mul3A_984 = arith.mulf %mul3A_978, %sub3A_983 : vector<16xf32>
    %mul3A_985 = arith.mulf %mul3A_840, %mul3A_984 : vector<16xf32>
    %mul3A_986 = arith.mulf %mul3A_985, %mul3A_984 : vector<16xf32>
    %sub3A_987 = arith.constant 1.500000e+00 : f32
    %sub3A_988 = vector.broadcast %sub3A_987 : f32 to vector<16xf32>
    %sub3A_989 = arith.subf %sub3A_988, %mul3A_986 : vector<16xf32>
    %mul3A_990 = arith.mulf %mul3A_984, %sub3A_989 : vector<16xf32>
    %mul3A_991 = arith.mulf %mul3A_840, %mul3A_990 : vector<16xf32>
    %mul3A_992 = arith.mulf %mul3A_991, %mul3A_990 : vector<16xf32>
    %sub3A_993 = arith.constant 1.500000e+00 : f32
    %sub3A_994 = vector.broadcast %sub3A_993 : f32 to vector<16xf32>
    %sub3A_995 = arith.subf %sub3A_994, %mul3A_992 : vector<16xf32>
    %mul3A_996 = arith.mulf %mul3A_990, %sub3A_995 : vector<16xf32>
    %swap3A_997 = arith.constant 48 : index
    %swap3A_998 = tpu.vector_load %arg8[%swap3A_997] {strides = array<i32>} : memref<320xf32, #tpu.memory_space<vmem>>, vector<16xf32>,
    %swap3A_999 = vector.shape_cast %swap3A_998 : vector<16xf32> to vector<16xf32>
    %swap3A_1000 = vector.shape_cast %mul3A_996 : vector<16xf32> to vector<16xf32>
    tpu.vector_store %arg8[%swap3A_997], %swap3A_1000 {strides = array<i32>} : memref<320xf32, #tpu.memory_space<vmem>>, vector<16xf32>,
    %get3A_1001 = arith.constant 64 : index
    %get3A_1002 = tpu.vector_load %arg8[%get3A_1001] {strides = array<i32>} : memref<320xf32, #tpu.memory_space<vmem>>, vector<16xf32>,
    %get3A_1003 = vector.shape_cast %get3A_1002 : vector<16xf32> to vector<16xf32>
    %add3A_1004 = arith.constant 1.000000e+00 : f32
    %add3A_1005 = vector.broadcast %add3A_1004 : f32 to vector<16xf32>
    %add3A_1006 = arith.addf %get3A_1003, %add3A_1005 : vector<16xf32>
    %div3A_1007 = arith.constant 1.000000e+00 : f32
    %div3A_1008 = vector.broadcast %div3A_1007 : f32 to vector<16xf32>
    %div3A_1009 = arith.divf %div3A_1008, %add3A_1006 : vector<16xf32>
    %mul3A_1010 = arith.constant 5.000000e-01 : f32
    %mul3A_1011 = vector.broadcast %mul3A_1010 : f32 to vector<16xf32>
    %mul3A_1012 = arith.mulf %mul3A_1011, %add3A_1006 : vector<16xf32>
    %mul3A_1013 = arith.mulf %mul3A_1012, %div3A_1009 : vector<16xf32>
    %mul3A_1014 = arith.mulf %mul3A_1013, %div3A_1009 : vector<16xf32>
    %sub3A_1015 = arith.constant 1.500000e+00 : f32
    %sub3A_1016 = vector.broadcast %sub3A_1015 : f32 to vector<16xf32>
    %sub3A_1017 = arith.subf %sub3A_1016, %mul3A_1014 : vector<16xf32>
    %mul3A_1018 = arith.mulf %div3A_1009, %sub3A_1017 : vector<16xf32>
    %mul3A_1019 = arith.mulf %mul3A_1012, %mul3A_1018 : vector<16xf32>
    %mul3A_1020 = arith.mulf %mul3A_1019, %mul3A_1018 : vector<16xf32>
    %sub3A_1021 = arith.constant 1.500000e+00 : f32
    %sub3A_1022 = vector.broadcast %sub3A_1021 : f32 to vector<16xf32>
    %sub3A_1023 = arith.subf %sub3A_1022, %mul3A_1020 : vector<16xf32>
    %mul3A_1024 = arith.mulf %mul3A_1018, %sub3A_1023 : vector<16xf32>
    %mul3A_1025 = arith.mulf %mul3A_1012, %mul3A_1024 : vector<16xf32>
    %mul3A_1026 = arith.mulf %mul3A_1025, %mul3A_1024 : vector<16xf32>
    %sub3A_1027 = arith.constant 1.500000e+00 : f32
    %sub3A_1028 = vector.broadcast %sub3A_1027 : f32 to vector<16xf32>
    %sub3A_1029 = arith.subf %sub3A_1028, %mul3A_1026 : vector<16xf32>
    %mul3A_1030 = arith.mulf %mul3A_1024, %sub3A_1029 : vector<16xf32>
    %mul3A_1031 = arith.mulf %mul3A_1012, %mul3A_1030 : vector<16xf32>
    %mul3A_1032 = arith.mulf %mul3A_1031, %mul3A_1030 : vector<16xf32>
    %sub3A_1033 = arith.constant 1.500000e+00 : f32
    %sub3A_1034 = vector.broadcast %sub3A_1033 : f32 to vector<16xf32>
    %sub3A_1035 = arith.subf %sub3A_1034, %mul3A_1032 : vector<16xf32>
    %mul3A_1036 = arith.mulf %mul3A_1030, %sub3A_1035 : vector<16xf32>
    %mul3A_1037 = arith.mulf %mul3A_1012, %mul3A_1036 : vector<16xf32>
    %mul3A_1038 = arith.mulf %mul3A_1037, %mul3A_1036 : vector<16xf32>
    %sub3A_1039 = arith.constant 1.500000e+00 : f32
    %sub3A_1040 = vector.broadcast %sub3A_1039 : f32 to vector<16xf32>
    %sub3A_1041 = arith.subf %sub3A_1040, %mul3A_1038 : vector<16xf32>
    %mul3A_1042 = arith.mulf %mul3A_1036, %sub3A_1041 : vector<16xf32>
    %mul3A_1043 = arith.mulf %mul3A_1012, %mul3A_1042 : vector<16xf32>
    %mul3A_1044 = arith.mulf %mul3A_1043, %mul3A_1042 : vector<16xf32>
    %sub3A_1045 = arith.constant 1.500000e+00 : f32
    %sub3A_1046 = vector.broadcast %sub3A_1045 : f32 to vector<16xf32>
    %sub3A_1047 = arith.subf %sub3A_1046, %mul3A_1044 : vector<16xf32>
    %mul3A_1048 = arith.mulf %mul3A_1042, %sub3A_1047 : vector<16xf32>
    %mul3A_1049 = arith.mulf %mul3A_1012, %mul3A_1048 : vector<16xf32>
    %mul3A_1050 = arith.mulf %mul3A_1049, %mul3A_1048 : vector<16xf32>
    %sub3A_1051 = arith.constant 1.500000e+00 : f32
    %sub3A_1052 = vector.broadcast %sub3A_1051 : f32 to vector<16xf32>
    %sub3A_1053 = arith.subf %sub3A_1052, %mul3A_1050 : vector<16xf32>
    %mul3A_1054 = arith.mulf %mul3A_1048, %sub3A_1053 : vector<16xf32>
    %mul3A_1055 = arith.mulf %mul3A_1012, %mul3A_1054 : vector<16xf32>
    %mul3A_1056 = arith.mulf %mul3A_1055, %mul3A_1054 : vector<16xf32>
    %sub3A_1057 = arith.constant 1.500000e+00 : f32
    %sub3A_1058 = vector.broadcast %sub3A_1057 : f32 to vector<16xf32>
    %sub3A_1059 = arith.subf %sub3A_1058, %mul3A_1056 : vector<16xf32>
    %mul3A_1060 = arith.mulf %mul3A_1054, %sub3A_1059 : vector<16xf32>
    %mul3A_1061 = arith.mulf %mul3A_1012, %mul3A_1060 : vector<16xf32>
    %mul3A_1062 = arith.mulf %mul3A_1061, %mul3A_1060 : vector<16xf32>
    %sub3A_1063 = arith.constant 1.500000e+00 : f32
    %sub3A_1064 = vector.broadcast %sub3A_1063 : f32 to vector<16xf32>
    %sub3A_1065 = arith.subf %sub3A_1064, %mul3A_1062 : vector<16xf32>
    %mul3A_1066 = arith.mulf %mul3A_1060, %sub3A_1065 : vector<16xf32>
    %mul3A_1067 = arith.mulf %mul3A_1012, %mul3A_1066 : vector<16xf32>
    %mul3A_1068 = arith.mulf %mul3A_1067, %mul3A_1066 : vector<16xf32>
    %sub3A_1069 = arith.constant 1.500000e+00 : f32
    %sub3A_1070 = vector.broadcast %sub3A_1069 : f32 to vector<16xf32>
    %sub3A_1071 = arith.subf %sub3A_1070, %mul3A_1068 : vector<16xf32>
    %mul3A_1072 = arith.mulf %mul3A_1066, %sub3A_1071 : vector<16xf32>
    %mul3A_1073 = arith.mulf %mul3A_1012, %mul3A_1072 : vector<16xf32>
    %mul3A_1074 = arith.mulf %mul3A_1073, %mul3A_1072 : vector<16xf32>
    %sub3A_1075 = arith.constant 1.500000e+00 : f32
    %sub3A_1076 = vector.broadcast %sub3A_1075 : f32 to vector<16xf32>
    %sub3A_1077 = arith.subf %sub3A_1076, %mul3A_1074 : vector<16xf32>
    %mul3A_1078 = arith.mulf %mul3A_1072, %sub3A_1077 : vector<16xf32>
    %mul3A_1079 = arith.mulf %mul3A_1012, %mul3A_1078 : vector<16xf32>
    %mul3A_1080 = arith.mulf %mul3A_1079, %mul3A_1078 : vector<16xf32>
    %sub3A_1081 = arith.constant 1.500000e+00 : f32
    %sub3A_1082 = vector.broadcast %sub3A_1081 : f32 to vector<16xf32>
    %sub3A_1083 = arith.subf %sub3A_1082, %mul3A_1080 : vector<16xf32>
    %mul3A_1084 = arith.mulf %mul3A_1078, %sub3A_1083 : vector<16xf32>
    %mul3A_1085 = arith.mulf %mul3A_1012, %mul3A_1084 : vector<16xf32>
    %mul3A_1086 = arith.mulf %mul3A_1085, %mul3A_1084 : vector<16xf32>
    %sub3A_1087 = arith.constant 1.500000e+00 : f32
    %sub3A_1088 = vector.broadcast %sub3A_1087 : f32 to vector<16xf32>
    %sub3A_1089 = arith.subf %sub3A_1088, %mul3A_1086 : vector<16xf32>
    %mul3A_1090 = arith.mulf %mul3A_1084, %sub3A_1089 : vector<16xf32>
    %mul3A_1091 = arith.mulf %mul3A_1012, %mul3A_1090 : vector<16xf32>
    %mul3A_1092 = arith.mulf %mul3A_1091, %mul3A_1090 : vector<16xf32>
    %sub3A_1093 = arith.constant 1.500000e+00 : f32
    %sub3A_1094 = vector.broadcast %sub3A_1093 : f32 to vector<16xf32>
    %sub3A_1095 = arith.subf %sub3A_1094, %mul3A_1092 : vector<16xf32>
    %mul3A_1096 = arith.mulf %mul3A_1090, %sub3A_1095 : vector<16xf32>
    %mul3A_1097 = arith.mulf %mul3A_1012, %mul3A_1096 : vector<16xf32>
    %mul3A_1098 = arith.mulf %mul3A_1097, %mul3A_1096 : vector<16xf32>
    %sub3A_1099 = arith.constant 1.500000e+00 : f32
    %sub3A_1100 = vector.broadcast %sub3A_1099 : f32 to vector<16xf32>
    %sub3A_1101 = arith.subf %sub3A_1100, %mul3A_1098 : vector<16xf32>
    %mul3A_1102 = arith.mulf %mul3A_1096, %sub3A_1101 : vector<16xf32>
    %mul3A_1103 = arith.mulf %mul3A_1012, %mul3A_1102 : vector<16xf32>
    %mul3A_1104 = arith.mulf %mul3A_1103, %mul3A_1102 : vector<16xf32>
    %sub3A_1105 = arith.constant 1.500000e+00 : f32
    %sub3A_1106 = vector.broadcast %sub3A_1105 : f32 to vector<16xf32>
    %sub3A_1107 = arith.subf %sub3A_1106, %mul3A_1104 : vector<16xf32>
    %mul3A_1108 = arith.mulf %mul3A_1102, %sub3A_1107 : vector<16xf32>
    %mul3A_1109 = arith.mulf %mul3A_1012, %mul3A_1108 : vector<16xf32>
    %mul3A_1110 = arith.mulf %mul3A_1109, %mul3A_1108 : vector<16xf32>
    %sub3A_1111 = arith.constant 1.500000e+00 : f32
    %sub3A_1112 = vector.broadcast %sub3A_1111 : f32 to vector<16xf32>
    %sub3A_1113 = arith.subf %sub3A_1112, %mul3A_1110 : vector<16xf32>
    %mul3A_1114 = arith.mulf %mul3A_1108, %sub3A_1113 : vector<16xf32>
    %mul3A_1115 = arith.mulf %mul3A_1012, %mul3A_1114 : vector<16xf32>
    %mul3A_1116 = arith.mulf %mul3A_1115, %mul3A_1114 : vector<16xf32>
    %sub3A_1117 = arith.constant 1.500000e+00 : f32
    %sub3A_1118 = vector.broadcast %sub3A_1117 : f32 to vector<16xf32>
    %sub3A_1119 = arith.subf %sub3A_1118, %mul3A_1116 : vector<16xf32>
    %mul3A_1120 = arith.mulf %mul3A_1114, %sub3A_1119 : vector<16xf32>
    %mul3A_1121 = arith.mulf %mul3A_1012, %mul3A_1120 : vector<16xf32>
    %mul3A_1122 = arith.mulf %mul3A_1121, %mul3A_1120 : vector<16xf32>
    %sub3A_1123 = arith.constant 1.500000e+00 : f32
    %sub3A_1124 = vector.broadcast %sub3A_1123 : f32 to vector<16xf32>
    %sub3A_1125 = arith.subf %sub3A_1124, %mul3A_1122 : vector<16xf32>
    %mul3A_1126 = arith.mulf %mul3A_1120, %sub3A_1125 : vector<16xf32>
    %mul3A_1127 = arith.mulf %mul3A_1012, %mul3A_1126 : vector<16xf32>
    %mul3A_1128 = arith.mulf %mul3A_1127, %mul3A_1126 : vector<16xf32>
    %sub3A_1129 = arith.constant 1.500000e+00 : f32
    %sub3A_1130 = vector.broadcast %sub3A_1129 : f32 to vector<16xf32>
    %sub3A_1131 = arith.subf %sub3A_1130, %mul3A_1128 : vector<16xf32>
    %mul3A_1132 = arith.mulf %mul3A_1126, %sub3A_1131 : vector<16xf32>
    %mul3A_1133 = arith.mulf %mul3A_1012, %mul3A_1132 : vector<16xf32>
    %mul3A_1134 = arith.mulf %mul3A_1133, %mul3A_1132 : vector<16xf32>
    %sub3A_1135 = arith.constant 1.500000e+00 : f32
    %sub3A_1136 = vector.broadcast %sub3A_1135 : f32 to vector<16xf32>
    %sub3A_1137 = arith.subf %sub3A_1136, %mul3A_1134 : vector<16xf32>
    %mul3A_1138 = arith.mulf %mul3A_1132, %sub3A_1137 : vector<16xf32>
    %mul3A_1139 = arith.mulf %mul3A_1012, %mul3A_1138 : vector<16xf32>
    %mul3A_1140 = arith.mulf %mul3A_1139, %mul3A_1138 : vector<16xf32>
    %sub3A_1141 = arith.constant 1.500000e+00 : f32
    %sub3A_1142 = vector.broadcast %sub3A_1141 : f32 to vector<16xf32>
    %sub3A_1143 = arith.subf %sub3A_1142, %mul3A_1140 : vector<16xf32>
    %mul3A_1144 = arith.mulf %mul3A_1138, %sub3A_1143 : vector<16xf32>
    %mul3A_1145 = arith.mulf %mul3A_1012, %mul3A_1144 : vector<16xf32>
    %mul3A_1146 = arith.mulf %mul3A_1145, %mul3A_1144 : vector<16xf32>
    %sub3A_1147 = arith.constant 1.500000e+00 : f32
    %sub3A_1148 = vector.broadcast %sub3A_1147 : f32 to vector<16xf32>
    %sub3A_1149 = arith.subf %sub3A_1148, %mul3A_1146 : vector<16xf32>
    %mul3A_1150 = arith.mulf %mul3A_1144, %sub3A_1149 : vector<16xf32>
    %mul3A_1151 = arith.mulf %mul3A_1012, %mul3A_1150 : vector<16xf32>
    %mul3A_1152 = arith.mulf %mul3A_1151, %mul3A_1150 : vector<16xf32>
    %sub3A_1153 = arith.constant 1.500000e+00 : f32
    %sub3A_1154 = vector.broadcast %sub3A_1153 : f32 to vector<16xf32>
    %sub3A_1155 = arith.subf %sub3A_1154, %mul3A_1152 : vector<16xf32>
    %mul3A_1156 = arith.mulf %mul3A_1150, %sub3A_1155 : vector<16xf32>
    %mul3A_1157 = arith.mulf %mul3A_1012, %mul3A_1156 : vector<16xf32>
    %mul3A_1158 = arith.mulf %mul3A_1157, %mul3A_1156 : vector<16xf32>
    %sub3A_1159 = arith.constant 1.500000e+00 : f32
    %sub3A_1160 = vector.broadcast %sub3A_1159 : f32 to vector<16xf32>
    %sub3A_1161 = arith.subf %sub3A_1160, %mul3A_1158 : vector<16xf32>
    %mul3A_1162 = arith.mulf %mul3A_1156, %sub3A_1161 : vector<16xf32>
    %mul3A_1163 = arith.mulf %mul3A_1012, %mul3A_1162 : vector<16xf32>
    %mul3A_1164 = arith.mulf %mul3A_1163, %mul3A_1162 : vector<16xf32>
    %sub3A_1165 = arith.constant 1.500000e+00 : f32
    %sub3A_1166 = vector.broadcast %sub3A_1165 : f32 to vector<16xf32>
    %sub3A_1167 = arith.subf %sub3A_1166, %mul3A_1164 : vector<16xf32>
    %mul3A_1168 = arith.mulf %mul3A_1162, %sub3A_1167 : vector<16xf32>
    %swap3A_1169 = arith.constant 64 : index
    %swap3A_1170 = tpu.vector_load %arg8[%swap3A_1169] {strides = array<i32>} : memref<320xf32, #tpu.memory_space<vmem>>, vector<16xf32>,
    %swap3A_1171 = vector.shape_cast %swap3A_1170 : vector<16xf32> to vector<16xf32>
    %swap3A_1172 = vector.shape_cast %mul3A_1168 : vector<16xf32> to vector<16xf32>
    tpu.vector_store %arg8[%swap3A_1169], %swap3A_1172 {strides = array<i32>} : memref<320xf32, #tpu.memory_space<vmem>>, vector<16xf32>,
    %get3A_1173 = arith.constant 80 : index
    %get3A_1174 = tpu.vector_load %arg8[%get3A_1173] {strides = array<i32>} : memref<320xf32, #tpu.memory_space<vmem>>, vector<16xf32>,
    %get3A_1175 = vector.shape_cast %get3A_1174 : vector<16xf32> to vector<16xf32>
    %add3A_1176 = arith.constant 1.000000e+00 : f32
    %add3A_1177 = vector.broadcast %add3A_1176 : f32 to vector<16xf32>
    %add3A_1178 = arith.addf %get3A_1175, %add3A_1177 : vector<16xf32>
    %div3A_1179 = arith.constant 1.000000e+00 : f32
    %div3A_1180 = vector.broadcast %div3A_1179 : f32 to vector<16xf32>
    %div3A_1181 = arith.divf %div3A_1180, %add3A_1178 : vector<16xf32>
    %mul3A_1182 = arith.constant 5.000000e-01 : f32
    %mul3A_1183 = vector.broadcast %mul3A_1182 : f32 to vector<16xf32>
    %mul3A_1184 = arith.mulf %mul3A_1183, %add3A_1178 : vector<16xf32>
    %mul3A_1185 = arith.mulf %mul3A_1184, %div3A_1181 : vector<16xf32>
    %mul3A_1186 = arith.mulf %mul3A_1185, %div3A_1181 : vector<16xf32>
    %sub3A_1187 = arith.constant 1.500000e+00 : f32
    %sub3A_1188 = vector.broadcast %sub3A_1187 : f32 to vector<16xf32>
    %sub3A_1189 = arith.subf %sub3A_1188, %mul3A_1186 : vector<16xf32>
    %mul3A_1190 = arith.mulf %div3A_1181, %sub3A_1189 : vector<16xf32>
    %mul3A_1191 = arith.mulf %mul3A_1184, %mul3A_1190 : vector<16xf32>
    %mul3A_1192 = arith.mulf %mul3A_1191, %mul3A_1190 : vector<16xf32>
    %sub3A_1193 = arith.constant 1.500000e+00 : f32
    %sub3A_1194 = vector.broadcast %sub3A_1193 : f32 to vector<16xf32>
    %sub3A_1195 = arith.subf %sub3A_1194, %mul3A_1192 : vector<16xf32>
    %mul3A_1196 = arith.mulf %mul3A_1190, %sub3A_1195 : vector<16xf32>
    %mul3A_1197 = arith.mulf %mul3A_1184, %mul3A_1196 : vector<16xf32>
    %mul3A_1198 = arith.mulf %mul3A_1197, %mul3A_1196 : vector<16xf32>
    %sub3A_1199 = arith.constant 1.500000e+00 : f32
    %sub3A_1200 = vector.broadcast %sub3A_1199 : f32 to vector<16xf32>
    %sub3A_1201 = arith.subf %sub3A_1200, %mul3A_1198 : vector<16xf32>
    %mul3A_1202 = arith.mulf %mul3A_1196, %sub3A_1201 : vector<16xf32>
    %mul3A_1203 = arith.mulf %mul3A_1184, %mul3A_1202 : vector<16xf32>
    %mul3A_1204 = arith.mulf %mul3A_1203, %mul3A_1202 : vector<16xf32>
    %sub3A_1205 = arith.constant 1.500000e+00 : f32
    %sub3A_1206 = vector.broadcast %sub3A_1205 : f32 to vector<16xf32>
    %sub3A_1207 = arith.subf %sub3A_1206, %mul3A_1204 : vector<16xf32>
    %mul3A_1208 = arith.mulf %mul3A_1202, %sub3A_1207 : vector<16xf32>
    %mul3A_1209 = arith.mulf %mul3A_1184, %mul3A_1208 : vector<16xf32>
    %mul3A_1210 = arith.mulf %mul3A_1209, %mul3A_1208 : vector<16xf32>
    %sub3A_1211 = arith.constant 1.500000e+00 : f32
    %sub3A_1212 = vector.broadcast %sub3A_1211 : f32 to vector<16xf32>
    %sub3A_1213 = arith.subf %sub3A_1212, %mul3A_1210 : vector<16xf32>
    %mul3A_1214 = arith.mulf %mul3A_1208, %sub3A_1213 : vector<16xf32>
    %mul3A_1215 = arith.mulf %mul3A_1184, %mul3A_1214 : vector<16xf32>
    %mul3A_1216 = arith.mulf %mul3A_1215, %mul3A_1214 : vector<16xf32>
    %sub3A_1217 = arith.constant 1.500000e+00 : f32
    %sub3A_1218 = vector.broadcast %sub3A_1217 : f32 to vector<16xf32>
    %sub3A_1219 = arith.subf %sub3A_1218, %mul3A_1216 : vector<16xf32>
    %mul3A_1220 = arith.mulf %mul3A_1214, %sub3A_1219 : vector<16xf32>
    %mul3A_1221 = arith.mulf %mul3A_1184, %mul3A_1220 : vector<16xf32>
    %mul3A_1222 = arith.mulf %mul3A_1221, %mul3A_1220 : vector<16xf32>
    %sub3A_1223 = arith.constant 1.500000e+00 : f32
    %sub3A_1224 = vector.broadcast %sub3A_1223 : f32 to vector<16xf32>
    %sub3A_1225 = arith.subf %sub3A_1224, %mul3A_1222 : vector<16xf32>
    %mul3A_1226 = arith.mulf %mul3A_1220, %sub3A_1225 : vector<16xf32>
    %mul3A_1227 = arith.mulf %mul3A_1184, %mul3A_1226 : vector<16xf32>
    %mul3A_1228 = arith.mulf %mul3A_1227, %mul3A_1226 : vector<16xf32>
    %sub3A_1229 = arith.constant 1.500000e+00 : f32
    %sub3A_1230 = vector.broadcast %sub3A_1229 : f32 to vector<16xf32>
    %sub3A_1231 = arith.subf %sub3A_1230, %mul3A_1228 : vector<16xf32>
    %mul3A_1232 = arith.mulf %mul3A_1226, %sub3A_1231 : vector<16xf32>
    %mul3A_1233 = arith.mulf %mul3A_1184, %mul3A_1232 : vector<16xf32>
    %mul3A_1234 = arith.mulf %mul3A_1233, %mul3A_1232 : vector<16xf32>
    %sub3A_1235 = arith.constant 1.500000e+00 : f32
    %sub3A_1236 = vector.broadcast %sub3A_1235 : f32 to vector<16xf32>
    %sub3A_1237 = arith.subf %sub3A_1236, %mul3A_1234 : vector<16xf32>
    %mul3A_1238 = arith.mulf %mul3A_1232, %sub3A_1237 : vector<16xf32>
    %mul3A_1239 = arith.mulf %mul3A_1184, %mul3A_1238 : vector<16xf32>
    %mul3A_1240 = arith.mulf %mul3A_1239, %mul3A_1238 : vector<16xf32>
    %sub3A_1241 = arith.constant 1.500000e+00 : f32
    %sub3A_1242 = vector.broadcast %sub3A_1241 : f32 to vector<16xf32>
    %sub3A_1243 = arith.subf %sub3A_1242, %mul3A_1240 : vector<16xf32>
    %mul3A_1244 = arith.mulf %mul3A_1238, %sub3A_1243 : vector<16xf32>
    %mul3A_1245 = arith.mulf %mul3A_1184, %mul3A_1244 : vector<16xf32>
    %mul3A_1246 = arith.mulf %mul3A_1245, %mul3A_1244 : vector<16xf32>
    %sub3A_1247 = arith.constant 1.500000e+00 : f32
    %sub3A_1248 = vector.broadcast %sub3A_1247 : f32 to vector<16xf32>
    %sub3A_1249 = arith.subf %sub3A_1248, %mul3A_1246 : vector<16xf32>
    %mul3A_1250 = arith.mulf %mul3A_1244, %sub3A_1249 : vector<16xf32>
    %mul3A_1251 = arith.mulf %mul3A_1184, %mul3A_1250 : vector<16xf32>
    %mul3A_1252 = arith.mulf %mul3A_1251, %mul3A_1250 : vector<16xf32>
    %sub3A_1253 = arith.constant 1.500000e+00 : f32
    %sub3A_1254 = vector.broadcast %sub3A_1253 : f32 to vector<16xf32>
    %sub3A_1255 = arith.subf %sub3A_1254, %mul3A_1252 : vector<16xf32>
    %mul3A_1256 = arith.mulf %mul3A_1250, %sub3A_1255 : vector<16xf32>
    %mul3A_1257 = arith.mulf %mul3A_1184, %mul3A_1256 : vector<16xf32>
    %mul3A_1258 = arith.mulf %mul3A_1257, %mul3A_1256 : vector<16xf32>
    %sub3A_1259 = arith.constant 1.500000e+00 : f32
    %sub3A_1260 = vector.broadcast %sub3A_1259 : f32 to vector<16xf32>
    %sub3A_1261 = arith.subf %sub3A_1260, %mul3A_1258 : vector<16xf32>
    %mul3A_1262 = arith.mulf %mul3A_1256, %sub3A_1261 : vector<16xf32>
    %mul3A_1263 = arith.mulf %mul3A_1184, %mul3A_1262 : vector<16xf32>
    %mul3A_1264 = arith.mulf %mul3A_1263, %mul3A_1262 : vector<16xf32>
    %sub3A_1265 = arith.constant 1.500000e+00 : f32
    %sub3A_1266 = vector.broadcast %sub3A_1265 : f32 to vector<16xf32>
    %sub3A_1267 = arith.subf %sub3A_1266, %mul3A_1264 : vector<16xf32>
    %mul3A_1268 = arith.mulf %mul3A_1262, %sub3A_1267 : vector<16xf32>
    %mul3A_1269 = arith.mulf %mul3A_1184, %mul3A_1268 : vector<16xf32>
    %mul3A_1270 = arith.mulf %mul3A_1269, %mul3A_1268 : vector<16xf32>
    %sub3A_1271 = arith.constant 1.500000e+00 : f32
    %sub3A_1272 = vector.broadcast %sub3A_1271 : f32 to vector<16xf32>
    %sub3A_1273 = arith.subf %sub3A_1272, %mul3A_1270 : vector<16xf32>
    %mul3A_1274 = arith.mulf %mul3A_1268, %sub3A_1273 : vector<16xf32>
    %mul3A_1275 = arith.mulf %mul3A_1184, %mul3A_1274 : vector<16xf32>
    %mul3A_1276 = arith.mulf %mul3A_1275, %mul3A_1274 : vector<16xf32>
    %sub3A_1277 = arith.constant 1.500000e+00 : f32
    %sub3A_1278 = vector.broadcast %sub3A_1277 : f32 to vector<16xf32>
    %sub3A_1279 = arith.subf %sub3A_1278, %mul3A_1276 : vector<16xf32>
    %mul3A_1280 = arith.mulf %mul3A_1274, %sub3A_1279 : vector<16xf32>
    %mul3A_1281 = arith.mulf %mul3A_1184, %mul3A_1280 : vector<16xf32>
    %mul3A_1282 = arith.mulf %mul3A_1281, %mul3A_1280 : vector<16xf32>
    %sub3A_1283 = arith.constant 1.500000e+00 : f32
    %sub3A_1284 = vector.broadcast %sub3A_1283 : f32 to vector<16xf32>
    %sub3A_1285 = arith.subf %sub3A_1284, %mul3A_1282 : vector<16xf32>
    %mul3A_1286 = arith.mulf %mul3A_1280, %sub3A_1285 : vector<16xf32>
    %mul3A_1287 = arith.mulf %mul3A_1184, %mul3A_1286 : vector<16xf32>
    %mul3A_1288 = arith.mulf %mul3A_1287, %mul3A_1286 : vector<16xf32>
    %sub3A_1289 = arith.constant 1.500000e+00 : f32
    %sub3A_1290 = vector.broadcast %sub3A_1289 : f32 to vector<16xf32>
    %sub3A_1291 = arith.subf %sub3A_1290, %mul3A_1288 : vector<16xf32>
    %mul3A_1292 = arith.mulf %mul3A_1286, %sub3A_1291 : vector<16xf32>
    %mul3A_1293 = arith.mulf %mul3A_1184, %mul3A_1292 : vector<16xf32>
    %mul3A_1294 = arith.mulf %mul3A_1293, %mul3A_1292 : vector<16xf32>
    %sub3A_1295 = arith.constant 1.500000e+00 : f32
    %sub3A_1296 = vector.broadcast %sub3A_1295 : f32 to vector<16xf32>
    %sub3A_1297 = arith.subf %sub3A_1296, %mul3A_1294 : vector<16xf32>
    %mul3A_1298 = arith.mulf %mul3A_1292, %sub3A_1297 : vector<16xf32>
    %mul3A_1299 = arith.mulf %mul3A_1184, %mul3A_1298 : vector<16xf32>
    %mul3A_1300 = arith.mulf %mul3A_1299, %mul3A_1298 : vector<16xf32>
    %sub3A_1301 = arith.constant 1.500000e+00 : f32
    %sub3A_1302 = vector.broadcast %sub3A_1301 : f32 to vector<16xf32>
    %sub3A_1303 = arith.subf %sub3A_1302, %mul3A_1300 : vector<16xf32>
    %mul3A_1304 = arith.mulf %mul3A_1298, %sub3A_1303 : vector<16xf32>
    %mul3A_1305 = arith.mulf %mul3A_1184, %mul3A_1304 : vector<16xf32>
    %mul3A_1306 = arith.mulf %mul3A_1305, %mul3A_1304 : vector<16xf32>
    %sub3A_1307 = arith.constant 1.500000e+00 : f32
    %sub3A_1308 = vector.broadcast %sub3A_1307 : f32 to vector<16xf32>
    %sub3A_1309 = arith.subf %sub3A_1308, %mul3A_1306 : vector<16xf32>
    %mul3A_1310 = arith.mulf %mul3A_1304, %sub3A_1309 : vector<16xf32>
    %mul3A_1311 = arith.mulf %mul3A_1184, %mul3A_1310 : vector<16xf32>
    %mul3A_1312 = arith.mulf %mul3A_1311, %mul3A_1310 : vector<16xf32>
    %sub3A_1313 = arith.constant 1.500000e+00 : f32
    %sub3A_1314 = vector.broadcast %sub3A_1313 : f32 to vector<16xf32>
    %sub3A_1315 = arith.subf %sub3A_1314, %mul3A_1312 : vector<16xf32>
    %mul3A_1316 = arith.mulf %mul3A_1310, %sub3A_1315 : vector<16xf32>
    %mul3A_1317 = arith.mulf %mul3A_1184, %mul3A_1316 : vector<16xf32>
    %mul3A_1318 = arith.mulf %mul3A_1317, %mul3A_1316 : vector<16xf32>
    %sub3A_1319 = arith.constant 1.500000e+00 : f32
    %sub3A_1320 = vector.broadcast %sub3A_1319 : f32 to vector<16xf32>
    %sub3A_1321 = arith.subf %sub3A_1320, %mul3A_1318 : vector<16xf32>
    %mul3A_1322 = arith.mulf %mul3A_1316, %sub3A_1321 : vector<16xf32>
    %mul3A_1323 = arith.mulf %mul3A_1184, %mul3A_1322 : vector<16xf32>
    %mul3A_1324 = arith.mulf %mul3A_1323, %mul3A_1322 : vector<16xf32>
    %sub3A_1325 = arith.constant 1.500000e+00 : f32
    %sub3A_1326 = vector.broadcast %sub3A_1325 : f32 to vector<16xf32>
    %sub3A_1327 = arith.subf %sub3A_1326, %mul3A_1324 : vector<16xf32>
    %mul3A_1328 = arith.mulf %mul3A_1322, %sub3A_1327 : vector<16xf32>
    %mul3A_1329 = arith.mulf %mul3A_1184, %mul3A_1328 : vector<16xf32>
    %mul3A_1330 = arith.mulf %mul3A_1329, %mul3A_1328 : vector<16xf32>
    %sub3A_1331 = arith.constant 1.500000e+00 : f32
    %sub3A_1332 = vector.broadcast %sub3A_1331 : f32 to vector<16xf32>
    %sub3A_1333 = arith.subf %sub3A_1332, %mul3A_1330 : vector<16xf32>
    %mul3A_1334 = arith.mulf %mul3A_1328, %sub3A_1333 : vector<16xf32>
    %mul3A_1335 = arith.mulf %mul3A_1184, %mul3A_1334 : vector<16xf32>
    %mul3A_1336 = arith.mulf %mul3A_1335, %mul3A_1334 : vector<16xf32>
    %sub3A_1337 = arith.constant 1.500000e+00 : f32
    %sub3A_1338 = vector.broadcast %sub3A_1337 : f32 to vector<16xf32>
    %sub3A_1339 = arith.subf %sub3A_1338, %mul3A_1336 : vector<16xf32>
    %mul3A_1340 = arith.mulf %mul3A_1334, %sub3A_1339 : vector<16xf32>
    %swap3A_1341 = arith.constant 80 : index
    %swap3A_1342 = tpu.vector_load %arg8[%swap3A_1341] {strides = array<i32>} : memref<320xf32, #tpu.memory_space<vmem>>, vector<16xf32>,
    %swap3A_1343 = vector.shape_cast %swap3A_1342 : vector<16xf32> to vector<16xf32>
    %swap3A_1344 = vector.shape_cast %mul3A_1340 : vector<16xf32> to vector<16xf32>
    tpu.vector_store %arg8[%swap3A_1341], %swap3A_1344 {strides = array<i32>} : memref<320xf32, #tpu.memory_space<vmem>>, vector<16xf32>,
    %get3A_1345 = arith.constant 96 : index
    %get3A_1346 = tpu.vector_load %arg8[%get3A_1345] {strides = array<i32>} : memref<320xf32, #tpu.memory_space<vmem>>, vector<16xf32>,
    %get3A_1347 = vector.shape_cast %get3A_1346 : vector<16xf32> to vector<16xf32>
    %add3A_1348 = arith.constant 1.000000e+00 : f32
    %add3A_1349 = vector.broadcast %add3A_1348 : f32 to vector<16xf32>
    %add3A_1350 = arith.addf %get3A_1347, %add3A_1349 : vector<16xf32>
    %div3A_1351 = arith.constant 1.000000e+00 : f32
    %div3A_1352 = vector.broadcast %div3A_1351 : f32 to vector<16xf32>
    %div3A_1353 = arith.divf %div3A_1352, %add3A_1350 : vector<16xf32>
    %mul3A_1354 = arith.constant 5.000000e-01 : f32
    %mul3A_1355 = vector.broadcast %mul3A_1354 : f32 to vector<16xf32>
    %mul3A_1356 = arith.mulf %mul3A_1355, %add3A_1350 : vector<16xf32>
    %mul3A_1357 = arith.mulf %mul3A_1356, %div3A_1353 : vector<16xf32>
    %mul3A_1358 = arith.mulf %mul3A_1357, %div3A_1353 : vector<16xf32>
    %sub3A_1359 = arith.constant 1.500000e+00 : f32
    %sub3A_1360 = vector.broadcast %sub3A_1359 : f32 to vector<16xf32>
    %sub3A_1361 = arith.subf %sub3A_1360, %mul3A_1358 : vector<16xf32>
    %mul3A_1362 = arith.mulf %div3A_1353, %sub3A_1361 : vector<16xf32>
    %mul3A_1363 = arith.mulf %mul3A_1356, %mul3A_1362 : vector<16xf32>
    %mul3A_1364 = arith.mulf %mul3A_1363, %mul3A_1362 : vector<16xf32>
    %sub3A_1365 = arith.constant 1.500000e+00 : f32
    %sub3A_1366 = vector.broadcast %sub3A_1365 : f32 to vector<16xf32>
    %sub3A_1367 = arith.subf %sub3A_1366, %mul3A_1364 : vector<16xf32>
    %mul3A_1368 = arith.mulf %mul3A_1362, %sub3A_1367 : vector<16xf32>
    %mul3A_1369 = arith.mulf %mul3A_1356, %mul3A_1368 : vector<16xf32>
    %mul3A_1370 = arith.mulf %mul3A_1369, %mul3A_1368 : vector<16xf32>
    %sub3A_1371 = arith.constant 1.500000e+00 : f32
    %sub3A_1372 = vector.broadcast %sub3A_1371 : f32 to vector<16xf32>
    %sub3A_1373 = arith.subf %sub3A_1372, %mul3A_1370 : vector<16xf32>
    %mul3A_1374 = arith.mulf %mul3A_1368, %sub3A_1373 : vector<16xf32>
    %mul3A_1375 = arith.mulf %mul3A_1356, %mul3A_1374 : vector<16xf32>
    %mul3A_1376 = arith.mulf %mul3A_1375, %mul3A_1374 : vector<16xf32>
    %sub3A_1377 = arith.constant 1.500000e+00 : f32
    %sub3A_1378 = vector.broadcast %sub3A_1377 : f32 to vector<16xf32>
    %sub3A_1379 = arith.subf %sub3A_1378, %mul3A_1376 : vector<16xf32>
    %mul3A_1380 = arith.mulf %mul3A_1374, %sub3A_1379 : vector<16xf32>
    %mul3A_1381 = arith.mulf %mul3A_1356, %mul3A_1380 : vector<16xf32>
    %mul3A_1382 = arith.mulf %mul3A_1381, %mul3A_1380 : vector<16xf32>
    %sub3A_1383 = arith.constant 1.500000e+00 : f32
    %sub3A_1384 = vector.broadcast %sub3A_1383 : f32 to vector<16xf32>
    %sub3A_1385 = arith.subf %sub3A_1384, %mul3A_1382 : vector<16xf32>
    %mul3A_1386 = arith.mulf %mul3A_1380, %sub3A_1385 : vector<16xf32>
    %mul3A_1387 = arith.mulf %mul3A_1356, %mul3A_1386 : vector<16xf32>
    %mul3A_1388 = arith.mulf %mul3A_1387, %mul3A_1386 : vector<16xf32>
    %sub3A_1389 = arith.constant 1.500000e+00 : f32
    %sub3A_1390 = vector.broadcast %sub3A_1389 : f32 to vector<16xf32>
    %sub3A_1391 = arith.subf %sub3A_1390, %mul3A_1388 : vector<16xf32>
    %mul3A_1392 = arith.mulf %mul3A_1386, %sub3A_1391 : vector<16xf32>
    %mul3A_1393 = arith.mulf %mul3A_1356, %mul3A_1392 : vector<16xf32>
    %mul3A_1394 = arith.mulf %mul3A_1393, %mul3A_1392 : vector<16xf32>
    %sub3A_1395 = arith.constant 1.500000e+00 : f32
    %sub3A_1396 = vector.broadcast %sub3A_1395 : f32 to vector<16xf32>
    %sub3A_1397 = arith.subf %sub3A_1396, %mul3A_1394 : vector<16xf32>
    %mul3A_1398 = arith.mulf %mul3A_1392, %sub3A_1397 : vector<16xf32>
    %mul3A_1399 = arith.mulf %mul3A_1356, %mul3A_1398 : vector<16xf32>
    %mul3A_1400 = arith.mulf %mul3A_1399, %mul3A_1398 : vector<16xf32>
    %sub3A_1401 = arith.constant 1.500000e+00 : f32
    %sub3A_1402 = vector.broadcast %sub3A_1401 : f32 to vector<16xf32>
    %sub3A_1403 = arith.subf %sub3A_1402, %mul3A_1400 : vector<16xf32>
    %mul3A_1404 = arith.mulf %mul3A_1398, %sub3A_1403 : vector<16xf32>
    %mul3A_1405 = arith.mulf %mul3A_1356, %mul3A_1404 : vector<16xf32>
    %mul3A_1406 = arith.mulf %mul3A_1405, %mul3A_1404 : vector<16xf32>
    %sub3A_1407 = arith.constant 1.500000e+00 : f32
    %sub3A_1408 = vector.broadcast %sub3A_1407 : f32 to vector<16xf32>
    %sub3A_1409 = arith.subf %sub3A_1408, %mul3A_1406 : vector<16xf32>
    %mul3A_1410 = arith.mulf %mul3A_1404, %sub3A_1409 : vector<16xf32>
    %mul3A_1411 = arith.mulf %mul3A_1356, %mul3A_1410 : vector<16xf32>
    %mul3A_1412 = arith.mulf %mul3A_1411, %mul3A_1410 : vector<16xf32>
    %sub3A_1413 = arith.constant 1.500000e+00 : f32
    %sub3A_1414 = vector.broadcast %sub3A_1413 : f32 to vector<16xf32>
    %sub3A_1415 = arith.subf %sub3A_1414, %mul3A_1412 : vector<16xf32>
    %mul3A_1416 = arith.mulf %mul3A_1410, %sub3A_1415 : vector<16xf32>
    %mul3A_1417 = arith.mulf %mul3A_1356, %mul3A_1416 : vector<16xf32>
    %mul3A_1418 = arith.mulf %mul3A_1417, %mul3A_1416 : vector<16xf32>
    %sub3A_1419 = arith.constant 1.500000e+00 : f32
    %sub3A_1420 = vector.broadcast %sub3A_1419 : f32 to vector<16xf32>
    %sub3A_1421 = arith.subf %sub3A_1420, %mul3A_1418 : vector<16xf32>
    %mul3A_1422 = arith.mulf %mul3A_1416, %sub3A_1421 : vector<16xf32>
    %mul3A_1423 = arith.mulf %mul3A_1356, %mul3A_1422 : vector<16xf32>
    %mul3A_1424 = arith.mulf %mul3A_1423, %mul3A_1422 : vector<16xf32>
    %sub3A_1425 = arith.constant 1.500000e+00 : f32
    %sub3A_1426 = vector.broadcast %sub3A_1425 : f32 to vector<16xf32>
    %sub3A_1427 = arith.subf %sub3A_1426, %mul3A_1424 : vector<16xf32>
    %mul3A_1428 = arith.mulf %mul3A_1422, %sub3A_1427 : vector<16xf32>
    %mul3A_1429 = arith.mulf %mul3A_1356, %mul3A_1428 : vector<16xf32>
    %mul3A_1430 = arith.mulf %mul3A_1429, %mul3A_1428 : vector<16xf32>
    %sub3A_1431 = arith.constant 1.500000e+00 : f32
    %sub3A_1432 = vector.broadcast %sub3A_1431 : f32 to vector<16xf32>
    %sub3A_1433 = arith.subf %sub3A_1432, %mul3A_1430 : vector<16xf32>
    %mul3A_1434 = arith.mulf %mul3A_1428, %sub3A_1433 : vector<16xf32>
    %mul3A_1435 = arith.mulf %mul3A_1356, %mul3A_1434 : vector<16xf32>
    %mul3A_1436 = arith.mulf %mul3A_1435, %mul3A_1434 : vector<16xf32>
    %sub3A_1437 = arith.constant 1.500000e+00 : f32
    %sub3A_1438 = vector.broadcast %sub3A_1437 : f32 to vector<16xf32>
    %sub3A_1439 = arith.subf %sub3A_1438, %mul3A_1436 : vector<16xf32>
    %mul3A_1440 = arith.mulf %mul3A_1434, %sub3A_1439 : vector<16xf32>
    %mul3A_1441 = arith.mulf %mul3A_1356, %mul3A_1440 : vector<16xf32>
    %mul3A_1442 = arith.mulf %mul3A_1441, %mul3A_1440 : vector<16xf32>
    %sub3A_1443 = arith.constant 1.500000e+00 : f32
    %sub3A_1444 = vector.broadcast %sub3A_1443 : f32 to vector<16xf32>
    %sub3A_1445 = arith.subf %sub3A_1444, %mul3A_1442 : vector<16xf32>
    %mul3A_1446 = arith.mulf %mul3A_1440, %sub3A_1445 : vector<16xf32>
    %mul3A_1447 = arith.mulf %mul3A_1356, %mul3A_1446 : vector<16xf32>
    %mul3A_1448 = arith.mulf %mul3A_1447, %mul3A_1446 : vector<16xf32>
    %sub3A_1449 = arith.constant 1.500000e+00 : f32
    %sub3A_1450 = vector.broadcast %sub3A_1449 : f32 to vector<16xf32>
    %sub3A_1451 = arith.subf %sub3A_1450, %mul3A_1448 : vector<16xf32>
    %mul3A_1452 = arith.mulf %mul3A_1446, %sub3A_1451 : vector<16xf32>
    %mul3A_1453 = arith.mulf %mul3A_1356, %mul3A_1452 : vector<16xf32>
    %mul3A_1454 = arith.mulf %mul3A_1453, %mul3A_1452 : vector<16xf32>
    %sub3A_1455 = arith.constant 1.500000e+00 : f32
    %sub3A_1456 = vector.broadcast %sub3A_1455 : f32 to vector<16xf32>
    %sub3A_1457 = arith.subf %sub3A_1456, %mul3A_1454 : vector<16xf32>
    %mul3A_1458 = arith.mulf %mul3A_1452, %sub3A_1457 : vector<16xf32>
    %mul3A_1459 = arith.mulf %mul3A_1356, %mul3A_1458 : vector<16xf32>
    %mul3A_1460 = arith.mulf %mul3A_1459, %mul3A_1458 : vector<16xf32>
    %sub3A_1461 = arith.constant 1.500000e+00 : f32
    %sub3A_1462 = vector.broadcast %sub3A_1461 : f32 to vector<16xf32>
    %sub3A_1463 = arith.subf %sub3A_1462, %mul3A_1460 : vector<16xf32>
    %mul3A_1464 = arith.mulf %mul3A_1458, %sub3A_1463 : vector<16xf32>
    %mul3A_1465 = arith.mulf %mul3A_1356, %mul3A_1464 : vector<16xf32>
    %mul3A_1466 = arith.mulf %mul3A_1465, %mul3A_1464 : vector<16xf32>
    %sub3A_1467 = arith.constant 1.500000e+00 : f32
    %sub3A_1468 = vector.broadcast %sub3A_1467 : f32 to vector<16xf32>
    %sub3A_1469 = arith.subf %sub3A_1468, %mul3A_1466 : vector<16xf32>
    %mul3A_1470 = arith.mulf %mul3A_1464, %sub3A_1469 : vector<16xf32>
    %mul3A_1471 = arith.mulf %mul3A_1356, %mul3A_1470 : vector<16xf32>
    %mul3A_1472 = arith.mulf %mul3A_1471, %mul3A_1470 : vector<16xf32>
    %sub3A_1473 = arith.constant 1.500000e+00 : f32
    %sub3A_1474 = vector.broadcast %sub3A_1473 : f32 to vector<16xf32>
    %sub3A_1475 = arith.subf %sub3A_1474, %mul3A_1472 : vector<16xf32>
    %mul3A_1476 = arith.mulf %mul3A_1470, %sub3A_1475 : vector<16xf32>
    %mul3A_1477 = arith.mulf %mul3A_1356, %mul3A_1476 : vector<16xf32>
    %mul3A_1478 = arith.mulf %mul3A_1477, %mul3A_1476 : vector<16xf32>
    %sub3A_1479 = arith.constant 1.500000e+00 : f32
    %sub3A_1480 = vector.broadcast %sub3A_1479 : f32 to vector<16xf32>
    %sub3A_1481 = arith.subf %sub3A_1480, %mul3A_1478 : vector<16xf32>
    %mul3A_1482 = arith.mulf %mul3A_1476, %sub3A_1481 : vector<16xf32>
    %mul3A_1483 = arith.mulf %mul3A_1356, %mul3A_1482 : vector<16xf32>
    %mul3A_1484 = arith.mulf %mul3A_1483, %mul3A_1482 : vector<16xf32>
    %sub3A_1485 = arith.constant 1.500000e+00 : f32
    %sub3A_1486 = vector.broadcast %sub3A_1485 : f32 to vector<16xf32>
    %sub3A_1487 = arith.subf %sub3A_1486, %mul3A_1484 : vector<16xf32>
    %mul3A_1488 = arith.mulf %mul3A_1482, %sub3A_1487 : vector<16xf32>
    %mul3A_1489 = arith.mulf %mul3A_1356, %mul3A_1488 : vector<16xf32>
    %mul3A_1490 = arith.mulf %mul3A_1489, %mul3A_1488 : vector<16xf32>
    %sub3A_1491 = arith.constant 1.500000e+00 : f32
    %sub3A_1492 = vector.broadcast %sub3A_1491 : f32 to vector<16xf32>
    %sub3A_1493 = arith.subf %sub3A_1492, %mul3A_1490 : vector<16xf32>
    %mul3A_1494 = arith.mulf %mul3A_1488, %sub3A_1493 : vector<16xf32>
    %mul3A_1495 = arith.mulf %mul3A_1356, %mul3A_1494 : vector<16xf32>
    %mul3A_1496 = arith.mulf %mul3A_1495, %mul3A_1494 : vector<16xf32>
    %sub3A_1497 = arith.constant 1.500000e+00 : f32
    %sub3A_1498 = vector.broadcast %sub3A_1497 : f32 to vector<16xf32>
    %sub3A_1499 = arith.subf %sub3A_1498, %mul3A_1496 : vector<16xf32>
    %mul3A_1500 = arith.mulf %mul3A_1494, %sub3A_1499 : vector<16xf32>
    %mul3A_1501 = arith.mulf %mul3A_1356, %mul3A_1500 : vector<16xf32>
    %mul3A_1502 = arith.mulf %mul3A_1501, %mul3A_1500 : vector<16xf32>
    %sub3A_1503 = arith.constant 1.500000e+00 : f32
    %sub3A_1504 = vector.broadcast %sub3A_1503 : f32 to vector<16xf32>
    %sub3A_1505 = arith.subf %sub3A_1504, %mul3A_1502 : vector<16xf32>
    %mul3A_1506 = arith.mulf %mul3A_1500, %sub3A_1505 : vector<16xf32>
    %mul3A_1507 = arith.mulf %mul3A_1356, %mul3A_1506 : vector<16xf32>
    %mul3A_1508 = arith.mulf %mul3A_1507, %mul3A_1506 : vector<16xf32>
    %sub3A_1509 = arith.constant 1.500000e+00 : f32
    %sub3A_1510 = vector.broadcast %sub3A_1509 : f32 to vector<16xf32>
    %sub3A_1511 = arith.subf %sub3A_1510, %mul3A_1508 : vector<16xf32>
    %mul3A_1512 = arith.mulf %mul3A_1506, %sub3A_1511 : vector<16xf32>
    %swap3A_1513 = arith.constant 96 : index
    %swap3A_1514 = tpu.vector_load %arg8[%swap3A_1513] {strides = array<i32>} : memref<320xf32, #tpu.memory_space<vmem>>, vector<16xf32>,
    %swap3A_1515 = vector.shape_cast %swap3A_1514 : vector<16xf32> to vector<16xf32>
    %swap3A_1516 = vector.shape_cast %mul3A_1512 : vector<16xf32> to vector<16xf32>
    tpu.vector_store %arg8[%swap3A_1513], %swap3A_1516 {strides = array<i32>} : memref<320xf32, #tpu.memory_space<vmem>>, vector<16xf32>,
    %get3A_1517 = arith.constant 112 : index
    %get3A_1518 = tpu.vector_load %arg8[%get3A_1517] {strides = array<i32>} : memref<320xf32, #tpu.memory_space<vmem>>, vector<16xf32>,
    %get3A_1519 = vector.shape_cast %get3A_1518 : vector<16xf32> to vector<16xf32>
    %add3A_1520 = arith.constant 1.000000e+00 : f32
    %add3A_1521 = vector.broadcast %add3A_1520 : f32 to vector<16xf32>
    %add3A_1522 = arith.addf %get3A_1519, %add3A_1521 : vector<16xf32>
    %div3A_1523 = arith.constant 1.000000e+00 : f32
    %div3A_1524 = vector.broadcast %div3A_1523 : f32 to vector<16xf32>
    %div3A_1525 = arith.divf %div3A_1524, %add3A_1522 : vector<16xf32>
    %mul3A_1526 = arith.constant 5.000000e-01 : f32
    %mul3A_1527 = vector.broadcast %mul3A_1526 : f32 to vector<16xf32>
    %mul3A_1528 = arith.mulf %mul3A_1527, %add3A_1522 : vector<16xf32>
    %mul3A_1529 = arith.mulf %mul3A_1528, %div3A_1525 : vector<16xf32>
    %mul3A_1530 = arith.mulf %mul3A_1529, %div3A_1525 : vector<16xf32>
    %sub3A_1531 = arith.constant 1.500000e+00 : f32
    %sub3A_1532 = vector.broadcast %sub3A_1531 : f32 to vector<16xf32>
    %sub3A_1533 = arith.subf %sub3A_1532, %mul3A_1530 : vector<16xf32>
    %mul3A_1534 = arith.mulf %div3A_1525, %sub3A_1533 : vector<16xf32>
    %mul3A_1535 = arith.mulf %mul3A_1528, %mul3A_1534 : vector<16xf32>
    %mul3A_1536 = arith.mulf %mul3A_1535, %mul3A_1534 : vector<16xf32>
    %sub3A_1537 = arith.constant 1.500000e+00 : f32
    %sub3A_1538 = vector.broadcast %sub3A_1537 : f32 to vector<16xf32>
    %sub3A_1539 = arith.subf %sub3A_1538, %mul3A_1536 : vector<16xf32>
    %mul3A_1540 = arith.mulf %mul3A_1534, %sub3A_1539 : vector<16xf32>
    %mul3A_1541 = arith.mulf %mul3A_1528, %mul3A_1540 : vector<16xf32>
    %mul3A_1542 = arith.mulf %mul3A_1541, %mul3A_1540 : vector<16xf32>
    %sub3A_1543 = arith.constant 1.500000e+00 : f32
    %sub3A_1544 = vector.broadcast %sub3A_1543 : f32 to vector<16xf32>
    %sub3A_1545 = arith.subf %sub3A_1544, %mul3A_1542 : vector<16xf32>
    %mul3A_1546 = arith.mulf %mul3A_1540, %sub3A_1545 : vector<16xf32>
    %mul3A_1547 = arith.mulf %mul3A_1528, %mul3A_1546 : vector<16xf32>
    %mul3A_1548 = arith.mulf %mul3A_1547, %mul3A_1546 : vector<16xf32>
    %sub3A_1549 = arith.constant 1.500000e+00 : f32
    %sub3A_1550 = vector.broadcast %sub3A_1549 : f32 to vector<16xf32>
    %sub3A_1551 = arith.subf %sub3A_1550, %mul3A_1548 : vector<16xf32>
    %mul3A_1552 = arith.mulf %mul3A_1546, %sub3A_1551 : vector<16xf32>
    %mul3A_1553 = arith.mulf %mul3A_1528, %mul3A_1552 : vector<16xf32>
    %mul3A_1554 = arith.mulf %mul3A_1553, %mul3A_1552 : vector<16xf32>
    %sub3A_1555 = arith.constant 1.500000e+00 : f32
    %sub3A_1556 = vector.broadcast %sub3A_1555 : f32 to vector<16xf32>
    %sub3A_1557 = arith.subf %sub3A_1556, %mul3A_1554 : vector<16xf32>
    %mul3A_1558 = arith.mulf %mul3A_1552, %sub3A_1557 : vector<16xf32>
    %mul3A_1559 = arith.mulf %mul3A_1528, %mul3A_1558 : vector<16xf32>
    %mul3A_1560 = arith.mulf %mul3A_1559, %mul3A_1558 : vector<16xf32>
    %sub3A_1561 = arith.constant 1.500000e+00 : f32
    %sub3A_1562 = vector.broadcast %sub3A_1561 : f32 to vector<16xf32>
    %sub3A_1563 = arith.subf %sub3A_1562, %mul3A_1560 : vector<16xf32>
    %mul3A_1564 = arith.mulf %mul3A_1558, %sub3A_1563 : vector<16xf32>
    %mul3A_1565 = arith.mulf %mul3A_1528, %mul3A_1564 : vector<16xf32>
    %mul3A_1566 = arith.mulf %mul3A_1565, %mul3A_1564 : vector<16xf32>
    %sub3A_1567 = arith.constant 1.500000e+00 : f32
    %sub3A_1568 = vector.broadcast %sub3A_1567 : f32 to vector<16xf32>
    %sub3A_1569 = arith.subf %sub3A_1568, %mul3A_1566 : vector<16xf32>
    %mul3A_1570 = arith.mulf %mul3A_1564, %sub3A_1569 : vector<16xf32>
    %mul3A_1571 = arith.mulf %mul3A_1528, %mul3A_1570 : vector<16xf32>
    %mul3A_1572 = arith.mulf %mul3A_1571, %mul3A_1570 : vector<16xf32>
    %sub3A_1573 = arith.constant 1.500000e+00 : f32
    %sub3A_1574 = vector.broadcast %sub3A_1573 : f32 to vector<16xf32>
    %sub3A_1575 = arith.subf %sub3A_1574, %mul3A_1572 : vector<16xf32>
    %mul3A_1576 = arith.mulf %mul3A_1570, %sub3A_1575 : vector<16xf32>
    %mul3A_1577 = arith.mulf %mul3A_1528, %mul3A_1576 : vector<16xf32>
    %mul3A_1578 = arith.mulf %mul3A_1577, %mul3A_1576 : vector<16xf32>
    %sub3A_1579 = arith.constant 1.500000e+00 : f32
    %sub3A_1580 = vector.broadcast %sub3A_1579 : f32 to vector<16xf32>
    %sub3A_1581 = arith.subf %sub3A_1580, %mul3A_1578 : vector<16xf32>
    %mul3A_1582 = arith.mulf %mul3A_1576, %sub3A_1581 : vector<16xf32>
    %mul3A_1583 = arith.mulf %mul3A_1528, %mul3A_1582 : vector<16xf32>
    %mul3A_1584 = arith.mulf %mul3A_1583, %mul3A_1582 : vector<16xf32>
    %sub3A_1585 = arith.constant 1.500000e+00 : f32
    %sub3A_1586 = vector.broadcast %sub3A_1585 : f32 to vector<16xf32>
    %sub3A_1587 = arith.subf %sub3A_1586, %mul3A_1584 : vector<16xf32>
    %mul3A_1588 = arith.mulf %mul3A_1582, %sub3A_1587 : vector<16xf32>
    %mul3A_1589 = arith.mulf %mul3A_1528, %mul3A_1588 : vector<16xf32>
    %mul3A_1590 = arith.mulf %mul3A_1589, %mul3A_1588 : vector<16xf32>
    %sub3A_1591 = arith.constant 1.500000e+00 : f32
    %sub3A_1592 = vector.broadcast %sub3A_1591 : f32 to vector<16xf32>
    %sub3A_1593 = arith.subf %sub3A_1592, %mul3A_1590 : vector<16xf32>
    %mul3A_1594 = arith.mulf %mul3A_1588, %sub3A_1593 : vector<16xf32>
    %mul3A_1595 = arith.mulf %mul3A_1528, %mul3A_1594 : vector<16xf32>
    %mul3A_1596 = arith.mulf %mul3A_1595, %mul3A_1594 : vector<16xf32>
    %sub3A_1597 = arith.constant 1.500000e+00 : f32
    %sub3A_1598 = vector.broadcast %sub3A_1597 : f32 to vector<16xf32>
    %sub3A_1599 = arith.subf %sub3A_1598, %mul3A_1596 : vector<16xf32>
    %mul3A_1600 = arith.mulf %mul3A_1594, %sub3A_1599 : vector<16xf32>
    %mul3A_1601 = arith.mulf %mul3A_1528, %mul3A_1600 : vector<16xf32>
    %mul3A_1602 = arith.mulf %mul3A_1601, %mul3A_1600 : vector<16xf32>
    %sub3A_1603 = arith.constant 1.500000e+00 : f32
    %sub3A_1604 = vector.broadcast %sub3A_1603 : f32 to vector<16xf32>
    %sub3A_1605 = arith.subf %sub3A_1604, %mul3A_1602 : vector<16xf32>
    %mul3A_1606 = arith.mulf %mul3A_1600, %sub3A_1605 : vector<16xf32>
    %mul3A_1607 = arith.mulf %mul3A_1528, %mul3A_1606 : vector<16xf32>
    %mul3A_1608 = arith.mulf %mul3A_1607, %mul3A_1606 : vector<16xf32>
    %sub3A_1609 = arith.constant 1.500000e+00 : f32
    %sub3A_1610 = vector.broadcast %sub3A_1609 : f32 to vector<16xf32>
    %sub3A_1611 = arith.subf %sub3A_1610, %mul3A_1608 : vector<16xf32>
    %mul3A_1612 = arith.mulf %mul3A_1606, %sub3A_1611 : vector<16xf32>
    %mul3A_1613 = arith.mulf %mul3A_1528, %mul3A_1612 : vector<16xf32>
    %mul3A_1614 = arith.mulf %mul3A_1613, %mul3A_1612 : vector<16xf32>
    %sub3A_1615 = arith.constant 1.500000e+00 : f32
    %sub3A_1616 = vector.broadcast %sub3A_1615 : f32 to vector<16xf32>
    %sub3A_1617 = arith.subf %sub3A_1616, %mul3A_1614 : vector<16xf32>
    %mul3A_1618 = arith.mulf %mul3A_1612, %sub3A_1617 : vector<16xf32>
    %mul3A_1619 = arith.mulf %mul3A_1528, %mul3A_1618 : vector<16xf32>
    %mul3A_1620 = arith.mulf %mul3A_1619, %mul3A_1618 : vector<16xf32>
    %sub3A_1621 = arith.constant 1.500000e+00 : f32
    %sub3A_1622 = vector.broadcast %sub3A_1621 : f32 to vector<16xf32>
    %sub3A_1623 = arith.subf %sub3A_1622, %mul3A_1620 : vector<16xf32>
    %mul3A_1624 = arith.mulf %mul3A_1618, %sub3A_1623 : vector<16xf32>
    %mul3A_1625 = arith.mulf %mul3A_1528, %mul3A_1624 : vector<16xf32>
    %mul3A_1626 = arith.mulf %mul3A_1625, %mul3A_1624 : vector<16xf32>
    %sub3A_1627 = arith.constant 1.500000e+00 : f32
    %sub3A_1628 = vector.broadcast %sub3A_1627 : f32 to vector<16xf32>
    %sub3A_1629 = arith.subf %sub3A_1628, %mul3A_1626 : vector<16xf32>
    %mul3A_1630 = arith.mulf %mul3A_1624, %sub3A_1629 : vector<16xf32>
    %mul3A_1631 = arith.mulf %mul3A_1528, %mul3A_1630 : vector<16xf32>
    %mul3A_1632 = arith.mulf %mul3A_1631, %mul3A_1630 : vector<16xf32>
    %sub3A_1633 = arith.constant 1.500000e+00 : f32
    %sub3A_1634 = vector.broadcast %sub3A_1633 : f32 to vector<16xf32>
    %sub3A_1635 = arith.subf %sub3A_1634, %mul3A_1632 : vector<16xf32>
    %mul3A_1636 = arith.mulf %mul3A_1630, %sub3A_1635 : vector<16xf32>
    %mul3A_1637 = arith.mulf %mul3A_1528, %mul3A_1636 : vector<16xf32>
    %mul3A_1638 = arith.mulf %mul3A_1637, %mul3A_1636 : vector<16xf32>
    %sub3A_1639 = arith.constant 1.500000e+00 : f32
    %sub3A_1640 = vector.broadcast %sub3A_1639 : f32 to vector<16xf32>
    %sub3A_1641 = arith.subf %sub3A_1640, %mul3A_1638 : vector<16xf32>
    %mul3A_1642 = arith.mulf %mul3A_1636, %sub3A_1641 : vector<16xf32>
    %mul3A_1643 = arith.mulf %mul3A_1528, %mul3A_1642 : vector<16xf32>
    %mul3A_1644 = arith.mulf %mul3A_1643, %mul3A_1642 : vector<16xf32>
    %sub3A_1645 = arith.constant 1.500000e+00 : f32
    %sub3A_1646 = vector.broadcast %sub3A_1645 : f32 to vector<16xf32>
    %sub3A_1647 = arith.subf %sub3A_1646, %mul3A_1644 : vector<16xf32>
    %mul3A_1648 = arith.mulf %mul3A_1642, %sub3A_1647 : vector<16xf32>
    %mul3A_1649 = arith.mulf %mul3A_1528, %mul3A_1648 : vector<16xf32>
    %mul3A_1650 = arith.mulf %mul3A_1649, %mul3A_1648 : vector<16xf32>
    %sub3A_1651 = arith.constant 1.500000e+00 : f32
    %sub3A_1652 = vector.broadcast %sub3A_1651 : f32 to vector<16xf32>
    %sub3A_1653 = arith.subf %sub3A_1652, %mul3A_1650 : vector<16xf32>
    %mul3A_1654 = arith.mulf %mul3A_1648, %sub3A_1653 : vector<16xf32>
    %mul3A_1655 = arith.mulf %mul3A_1528, %mul3A_1654 : vector<16xf32>
    %mul3A_1656 = arith.mulf %mul3A_1655, %mul3A_1654 : vector<16xf32>
    %sub3A_1657 = arith.constant 1.500000e+00 : f32
    %sub3A_1658 = vector.broadcast %sub3A_1657 : f32 to vector<16xf32>
    %sub3A_1659 = arith.subf %sub3A_1658, %mul3A_1656 : vector<16xf32>
    %mul3A_1660 = arith.mulf %mul3A_1654, %sub3A_1659 : vector<16xf32>
    %mul3A_1661 = arith.mulf %mul3A_1528, %mul3A_1660 : vector<16xf32>
    %mul3A_1662 = arith.mulf %mul3A_1661, %mul3A_1660 : vector<16xf32>
    %sub3A_1663 = arith.constant 1.500000e+00 : f32
    %sub3A_1664 = vector.broadcast %sub3A_1663 : f32 to vector<16xf32>
    %sub3A_1665 = arith.subf %sub3A_1664, %mul3A_1662 : vector<16xf32>
    %mul3A_1666 = arith.mulf %mul3A_1660, %sub3A_1665 : vector<16xf32>
    %mul3A_1667 = arith.mulf %mul3A_1528, %mul3A_1666 : vector<16xf32>
    %mul3A_1668 = arith.mulf %mul3A_1667, %mul3A_1666 : vector<16xf32>
    %sub3A_1669 = arith.constant 1.500000e+00 : f32
    %sub3A_1670 = vector.broadcast %sub3A_1669 : f32 to vector<16xf32>
    %sub3A_1671 = arith.subf %sub3A_1670, %mul3A_1668 : vector<16xf32>
    %mul3A_1672 = arith.mulf %mul3A_1666, %sub3A_1671 : vector<16xf32>
    %mul3A_1673 = arith.mulf %mul3A_1528, %mul3A_1672 : vector<16xf32>
    %mul3A_1674 = arith.mulf %mul3A_1673, %mul3A_1672 : vector<16xf32>
    %sub3A_1675 = arith.constant 1.500000e+00 : f32
    %sub3A_1676 = vector.broadcast %sub3A_1675 : f32 to vector<16xf32>
    %sub3A_1677 = arith.subf %sub3A_1676, %mul3A_1674 : vector<16xf32>
    %mul3A_1678 = arith.mulf %mul3A_1672, %sub3A_1677 : vector<16xf32>
    %mul3A_1679 = arith.mulf %mul3A_1528, %mul3A_1678 : vector<16xf32>
    %mul3A_1680 = arith.mulf %mul3A_1679, %mul3A_1678 : vector<16xf32>
    %sub3A_1681 = arith.constant 1.500000e+00 : f32
    %sub3A_1682 = vector.broadcast %sub3A_1681 : f32 to vector<16xf32>
    %sub3A_1683 = arith.subf %sub3A_1682, %mul3A_1680 : vector<16xf32>
    %mul3A_1684 = arith.mulf %mul3A_1678, %sub3A_1683 : vector<16xf32>
    %swap3A_1685 = arith.constant 112 : index
    %swap3A_1686 = tpu.vector_load %arg8[%swap3A_1685] {strides = array<i32>} : memref<320xf32, #tpu.memory_space<vmem>>, vector<16xf32>,
    %swap3A_1687 = vector.shape_cast %swap3A_1686 : vector<16xf32> to vector<16xf32>
    %swap3A_1688 = vector.shape_cast %mul3A_1684 : vector<16xf32> to vector<16xf32>
    tpu.vector_store %arg8[%swap3A_1685], %swap3A_1688 {strides = array<i32>} : memref<320xf32, #tpu.memory_space<vmem>>, vector<16xf32>,
    %get3A_1689 = arith.constant 128 : index
    %get3A_1690 = tpu.vector_load %arg8[%get3A_1689] {strides = array<i32>} : memref<320xf32, #tpu.memory_space<vmem>>, vector<16xf32>,
    %get3A_1691 = vector.shape_cast %get3A_1690 : vector<16xf32> to vector<16xf32>
    %add3A_1692 = arith.constant 1.000000e+00 : f32
    %add3A_1693 = vector.broadcast %add3A_1692 : f32 to vector<16xf32>
    %add3A_1694 = arith.addf %get3A_1691, %add3A_1693 : vector<16xf32>
    %div3A_1695 = arith.constant 1.000000e+00 : f32
    %div3A_1696 = vector.broadcast %div3A_1695 : f32 to vector<16xf32>
    %div3A_1697 = arith.divf %div3A_1696, %add3A_1694 : vector<16xf32>
    %mul3A_1698 = arith.constant 5.000000e-01 : f32
    %mul3A_1699 = vector.broadcast %mul3A_1698 : f32 to vector<16xf32>
    %mul3A_1700 = arith.mulf %mul3A_1699, %add3A_1694 : vector<16xf32>
    %mul3A_1701 = arith.mulf %mul3A_1700, %div3A_1697 : vector<16xf32>
    %mul3A_1702 = arith.mulf %mul3A_1701, %div3A_1697 : vector<16xf32>
    %sub3A_1703 = arith.constant 1.500000e+00 : f32
    %sub3A_1704 = vector.broadcast %sub3A_1703 : f32 to vector<16xf32>
    %sub3A_1705 = arith.subf %sub3A_1704, %mul3A_1702 : vector<16xf32>
    %mul3A_1706 = arith.mulf %div3A_1697, %sub3A_1705 : vector<16xf32>
    %mul3A_1707 = arith.mulf %mul3A_1700, %mul3A_1706 : vector<16xf32>
    %mul3A_1708 = arith.mulf %mul3A_1707, %mul3A_1706 : vector<16xf32>
    %sub3A_1709 = arith.constant 1.500000e+00 : f32
    %sub3A_1710 = vector.broadcast %sub3A_1709 : f32 to vector<16xf32>
    %sub3A_1711 = arith.subf %sub3A_1710, %mul3A_1708 : vector<16xf32>
    %mul3A_1712 = arith.mulf %mul3A_1706, %sub3A_1711 : vector<16xf32>
    %mul3A_1713 = arith.mulf %mul3A_1700, %mul3A_1712 : vector<16xf32>
    %mul3A_1714 = arith.mulf %mul3A_1713, %mul3A_1712 : vector<16xf32>
    %sub3A_1715 = arith.constant 1.500000e+00 : f32
    %sub3A_1716 = vector.broadcast %sub3A_1715 : f32 to vector<16xf32>
    %sub3A_1717 = arith.subf %sub3A_1716, %mul3A_1714 : vector<16xf32>
    %mul3A_1718 = arith.mulf %mul3A_1712, %sub3A_1717 : vector<16xf32>
    %mul3A_1719 = arith.mulf %mul3A_1700, %mul3A_1718 : vector<16xf32>
    %mul3A_1720 = arith.mulf %mul3A_1719, %mul3A_1718 : vector<16xf32>
    %sub3A_1721 = arith.constant 1.500000e+00 : f32
    %sub3A_1722 = vector.broadcast %sub3A_1721 : f32 to vector<16xf32>
    %sub3A_1723 = arith.subf %sub3A_1722, %mul3A_1720 : vector<16xf32>
    %mul3A_1724 = arith.mulf %mul3A_1718, %sub3A_1723 : vector<16xf32>
    %mul3A_1725 = arith.mulf %mul3A_1700, %mul3A_1724 : vector<16xf32>
    %mul3A_1726 = arith.mulf %mul3A_1725, %mul3A_1724 : vector<16xf32>
    %sub3A_1727 = arith.constant 1.500000e+00 : f32
    %sub3A_1728 = vector.broadcast %sub3A_1727 : f32 to vector<16xf32>
    %sub3A_1729 = arith.subf %sub3A_1728, %mul3A_1726 : vector<16xf32>
    %mul3A_1730 = arith.mulf %mul3A_1724, %sub3A_1729 : vector<16xf32>
    %mul3A_1731 = arith.mulf %mul3A_1700, %mul3A_1730 : vector<16xf32>
    %mul3A_1732 = arith.mulf %mul3A_1731, %mul3A_1730 : vector<16xf32>
    %sub3A_1733 = arith.constant 1.500000e+00 : f32
    %sub3A_1734 = vector.broadcast %sub3A_1733 : f32 to vector<16xf32>
    %sub3A_1735 = arith.subf %sub3A_1734, %mul3A_1732 : vector<16xf32>
    %mul3A_1736 = arith.mulf %mul3A_1730, %sub3A_1735 : vector<16xf32>
    %mul3A_1737 = arith.mulf %mul3A_1700, %mul3A_1736 : vector<16xf32>
    %mul3A_1738 = arith.mulf %mul3A_1737, %mul3A_1736 : vector<16xf32>
    %sub3A_1739 = arith.constant 1.500000e+00 : f32
    %sub3A_1740 = vector.broadcast %sub3A_1739 : f32 to vector<16xf32>
    %sub3A_1741 = arith.subf %sub3A_1740, %mul3A_1738 : vector<16xf32>
    %mul3A_1742 = arith.mulf %mul3A_1736, %sub3A_1741 : vector<16xf32>
    %mul3A_1743 = arith.mulf %mul3A_1700, %mul3A_1742 : vector<16xf32>
    %mul3A_1744 = arith.mulf %mul3A_1743, %mul3A_1742 : vector<16xf32>
    %sub3A_1745 = arith.constant 1.500000e+00 : f32
    %sub3A_1746 = vector.broadcast %sub3A_1745 : f32 to vector<16xf32>
    %sub3A_1747 = arith.subf %sub3A_1746, %mul3A_1744 : vector<16xf32>
    %mul3A_1748 = arith.mulf %mul3A_1742, %sub3A_1747 : vector<16xf32>
    %mul3A_1749 = arith.mulf %mul3A_1700, %mul3A_1748 : vector<16xf32>
    %mul3A_1750 = arith.mulf %mul3A_1749, %mul3A_1748 : vector<16xf32>
    %sub3A_1751 = arith.constant 1.500000e+00 : f32
    %sub3A_1752 = vector.broadcast %sub3A_1751 : f32 to vector<16xf32>
    %sub3A_1753 = arith.subf %sub3A_1752, %mul3A_1750 : vector<16xf32>
    %mul3A_1754 = arith.mulf %mul3A_1748, %sub3A_1753 : vector<16xf32>
    %mul3A_1755 = arith.mulf %mul3A_1700, %mul3A_1754 : vector<16xf32>
    %mul3A_1756 = arith.mulf %mul3A_1755, %mul3A_1754 : vector<16xf32>
    %sub3A_1757 = arith.constant 1.500000e+00 : f32
    %sub3A_1758 = vector.broadcast %sub3A_1757 : f32 to vector<16xf32>
    %sub3A_1759 = arith.subf %sub3A_1758, %mul3A_1756 : vector<16xf32>
    %mul3A_1760 = arith.mulf %mul3A_1754, %sub3A_1759 : vector<16xf32>
    %mul3A_1761 = arith.mulf %mul3A_1700, %mul3A_1760 : vector<16xf32>
    %mul3A_1762 = arith.mulf %mul3A_1761, %mul3A_1760 : vector<16xf32>
    %sub3A_1763 = arith.constant 1.500000e+00 : f32
    %sub3A_1764 = vector.broadcast %sub3A_1763 : f32 to vector<16xf32>
    %sub3A_1765 = arith.subf %sub3A_1764, %mul3A_1762 : vector<16xf32>
    %mul3A_1766 = arith.mulf %mul3A_1760, %sub3A_1765 : vector<16xf32>
    %mul3A_1767 = arith.mulf %mul3A_1700, %mul3A_1766 : vector<16xf32>
    %mul3A_1768 = arith.mulf %mul3A_1767, %mul3A_1766 : vector<16xf32>
    %sub3A_1769 = arith.constant 1.500000e+00 : f32
    %sub3A_1770 = vector.broadcast %sub3A_1769 : f32 to vector<16xf32>
    %sub3A_1771 = arith.subf %sub3A_1770, %mul3A_1768 : vector<16xf32>
    %mul3A_1772 = arith.mulf %mul3A_1766, %sub3A_1771 : vector<16xf32>
    %mul3A_1773 = arith.mulf %mul3A_1700, %mul3A_1772 : vector<16xf32>
    %mul3A_1774 = arith.mulf %mul3A_1773, %mul3A_1772 : vector<16xf32>
    %sub3A_1775 = arith.constant 1.500000e+00 : f32
    %sub3A_1776 = vector.broadcast %sub3A_1775 : f32 to vector<16xf32>
    %sub3A_1777 = arith.subf %sub3A_1776, %mul3A_1774 : vector<16xf32>
    %mul3A_1778 = arith.mulf %mul3A_1772, %sub3A_1777 : vector<16xf32>
    %mul3A_1779 = arith.mulf %mul3A_1700, %mul3A_1778 : vector<16xf32>
    %mul3A_1780 = arith.mulf %mul3A_1779, %mul3A_1778 : vector<16xf32>
    %sub3A_1781 = arith.constant 1.500000e+00 : f32
    %sub3A_1782 = vector.broadcast %sub3A_1781 : f32 to vector<16xf32>
    %sub3A_1783 = arith.subf %sub3A_1782, %mul3A_1780 : vector<16xf32>
    %mul3A_1784 = arith.mulf %mul3A_1778, %sub3A_1783 : vector<16xf32>
    %mul3A_1785 = arith.mulf %mul3A_1700, %mul3A_1784 : vector<16xf32>
    %mul3A_1786 = arith.mulf %mul3A_1785, %mul3A_1784 : vector<16xf32>
    %sub3A_1787 = arith.constant 1.500000e+00 : f32
    %sub3A_1788 = vector.broadcast %sub3A_1787 : f32 to vector<16xf32>
    %sub3A_1789 = arith.subf %sub3A_1788, %mul3A_1786 : vector<16xf32>
    %mul3A_1790 = arith.mulf %mul3A_1784, %sub3A_1789 : vector<16xf32>
    %mul3A_1791 = arith.mulf %mul3A_1700, %mul3A_1790 : vector<16xf32>
    %mul3A_1792 = arith.mulf %mul3A_1791, %mul3A_1790 : vector<16xf32>
    %sub3A_1793 = arith.constant 1.500000e+00 : f32
    %sub3A_1794 = vector.broadcast %sub3A_1793 : f32 to vector<16xf32>
    %sub3A_1795 = arith.subf %sub3A_1794, %mul3A_1792 : vector<16xf32>
    %mul3A_1796 = arith.mulf %mul3A_1790, %sub3A_1795 : vector<16xf32>
    %mul3A_1797 = arith.mulf %mul3A_1700, %mul3A_1796 : vector<16xf32>
    %mul3A_1798 = arith.mulf %mul3A_1797, %mul3A_1796 : vector<16xf32>
    %sub3A_1799 = arith.constant 1.500000e+00 : f32
    %sub3A_1800 = vector.broadcast %sub3A_1799 : f32 to vector<16xf32>
    %sub3A_1801 = arith.subf %sub3A_1800, %mul3A_1798 : vector<16xf32>
    %mul3A_1802 = arith.mulf %mul3A_1796, %sub3A_1801 : vector<16xf32>
    %mul3A_1803 = arith.mulf %mul3A_1700, %mul3A_1802 : vector<16xf32>
    %mul3A_1804 = arith.mulf %mul3A_1803, %mul3A_1802 : vector<16xf32>
    %sub3A_1805 = arith.constant 1.500000e+00 : f32
    %sub3A_1806 = vector.broadcast %sub3A_1805 : f32 to vector<16xf32>
    %sub3A_1807 = arith.subf %sub3A_1806, %mul3A_1804 : vector<16xf32>
    %mul3A_1808 = arith.mulf %mul3A_1802, %sub3A_1807 : vector<16xf32>
    %mul3A_1809 = arith.mulf %mul3A_1700, %mul3A_1808 : vector<16xf32>
    %mul3A_1810 = arith.mulf %mul3A_1809, %mul3A_1808 : vector<16xf32>
    %sub3A_1811 = arith.constant 1.500000e+00 : f32
    %sub3A_1812 = vector.broadcast %sub3A_1811 : f32 to vector<16xf32>
    %sub3A_1813 = arith.subf %sub3A_1812, %mul3A_1810 : vector<16xf32>
    %mul3A_1814 = arith.mulf %mul3A_1808, %sub3A_1813 : vector<16xf32>
    %mul3A_1815 = arith.mulf %mul3A_1700, %mul3A_1814 : vector<16xf32>
    %mul3A_1816 = arith.mulf %mul3A_1815, %mul3A_1814 : vector<16xf32>
    %sub3A_1817 = arith.constant 1.500000e+00 : f32
    %sub3A_1818 = vector.broadcast %sub3A_1817 : f32 to vector<16xf32>
    %sub3A_1819 = arith.subf %sub3A_1818, %mul3A_1816 : vector<16xf32>
    %mul3A_1820 = arith.mulf %mul3A_1814, %sub3A_1819 : vector<16xf32>
    %mul3A_1821 = arith.mulf %mul3A_1700, %mul3A_1820 : vector<16xf32>
    %mul3A_1822 = arith.mulf %mul3A_1821, %mul3A_1820 : vector<16xf32>
    %sub3A_1823 = arith.constant 1.500000e+00 : f32
    %sub3A_1824 = vector.broadcast %sub3A_1823 : f32 to vector<16xf32>
    %sub3A_1825 = arith.subf %sub3A_1824, %mul3A_1822 : vector<16xf32>
    %mul3A_1826 = arith.mulf %mul3A_1820, %sub3A_1825 : vector<16xf32>
    %mul3A_1827 = arith.mulf %mul3A_1700, %mul3A_1826 : vector<16xf32>
    %mul3A_1828 = arith.mulf %mul3A_1827, %mul3A_1826 : vector<16xf32>
    %sub3A_1829 = arith.constant 1.500000e+00 : f32
    %sub3A_1830 = vector.broadcast %sub3A_1829 : f32 to vector<16xf32>
    %sub3A_1831 = arith.subf %sub3A_1830, %mul3A_1828 : vector<16xf32>
    %mul3A_1832 = arith.mulf %mul3A_1826, %sub3A_1831 : vector<16xf32>
    %mul3A_1833 = arith.mulf %mul3A_1700, %mul3A_1832 : vector<16xf32>
    %mul3A_1834 = arith.mulf %mul3A_1833, %mul3A_1832 : vector<16xf32>
    %sub3A_1835 = arith.constant 1.500000e+00 : f32
    %sub3A_1836 = vector.broadcast %sub3A_1835 : f32 to vector<16xf32>
    %sub3A_1837 = arith.subf %sub3A_1836, %mul3A_1834 : vector<16xf32>
    %mul3A_1838 = arith.mulf %mul3A_1832, %sub3A_1837 : vector<16xf32>
    %mul3A_1839 = arith.mulf %mul3A_1700, %mul3A_1838 : vector<16xf32>
    %mul3A_1840 = arith.mulf %mul3A_1839, %mul3A_1838 : vector<16xf32>
    %sub3A_1841 = arith.constant 1.500000e+00 : f32
    %sub3A_1842 = vector.broadcast %sub3A_1841 : f32 to vector<16xf32>
    %sub3A_1843 = arith.subf %sub3A_1842, %mul3A_1840 : vector<16xf32>
    %mul3A_1844 = arith.mulf %mul3A_1838, %sub3A_1843 : vector<16xf32>
    %mul3A_1845 = arith.mulf %mul3A_1700, %mul3A_1844 : vector<16xf32>
    %mul3A_1846 = arith.mulf %mul3A_1845, %mul3A_1844 : vector<16xf32>
    %sub3A_1847 = arith.constant 1.500000e+00 : f32
    %sub3A_1848 = vector.broadcast %sub3A_1847 : f32 to vector<16xf32>
    %sub3A_1849 = arith.subf %sub3A_1848, %mul3A_1846 : vector<16xf32>
    %mul3A_1850 = arith.mulf %mul3A_1844, %sub3A_1849 : vector<16xf32>
    %mul3A_1851 = arith.mulf %mul3A_1700, %mul3A_1850 : vector<16xf32>
    %mul3A_1852 = arith.mulf %mul3A_1851, %mul3A_1850 : vector<16xf32>
    %sub3A_1853 = arith.constant 1.500000e+00 : f32
    %sub3A_1854 = vector.broadcast %sub3A_1853 : f32 to vector<16xf32>
    %sub3A_1855 = arith.subf %sub3A_1854, %mul3A_1852 : vector<16xf32>
    %mul3A_1856 = arith.mulf %mul3A_1850, %sub3A_1855 : vector<16xf32>
    %swap3A_1857 = arith.constant 128 : index
    %swap3A_1858 = tpu.vector_load %arg8[%swap3A_1857] {strides = array<i32>} : memref<320xf32, #tpu.memory_space<vmem>>, vector<16xf32>,
    %swap3A_1859 = vector.shape_cast %swap3A_1858 : vector<16xf32> to vector<16xf32>
    %swap3A_1860 = vector.shape_cast %mul3A_1856 : vector<16xf32> to vector<16xf32>
    tpu.vector_store %arg8[%swap3A_1857], %swap3A_1860 {strides = array<i32>} : memref<320xf32, #tpu.memory_space<vmem>>, vector<16xf32>,
    %get3A_1861 = arith.constant 144 : index
    %get3A_1862 = tpu.vector_load %arg8[%get3A_1861] {strides = array<i32>} : memref<320xf32, #tpu.memory_space<vmem>>, vector<16xf32>,
    %get3A_1863 = vector.shape_cast %get3A_1862 : vector<16xf32> to vector<16xf32>
    %add3A_1864 = arith.constant 1.000000e+00 : f32
    %add3A_1865 = vector.broadcast %add3A_1864 : f32 to vector<16xf32>
    %add3A_1866 = arith.addf %get3A_1863, %add3A_1865 : vector<16xf32>
    %div3A_1867 = arith.constant 1.000000e+00 : f32
    %div3A_1868 = vector.broadcast %div3A_1867 : f32 to vector<16xf32>
    %div3A_1869 = arith.divf %div3A_1868, %add3A_1866 : vector<16xf32>
    %mul3A_1870 = arith.constant 5.000000e-01 : f32
    %mul3A_1871 = vector.broadcast %mul3A_1870 : f32 to vector<16xf32>
    %mul3A_1872 = arith.mulf %mul3A_1871, %add3A_1866 : vector<16xf32>
    %mul3A_1873 = arith.mulf %mul3A_1872, %div3A_1869 : vector<16xf32>
    %mul3A_1874 = arith.mulf %mul3A_1873, %div3A_1869 : vector<16xf32>
    %sub3A_1875 = arith.constant 1.500000e+00 : f32
    %sub3A_1876 = vector.broadcast %sub3A_1875 : f32 to vector<16xf32>
    %sub3A_1877 = arith.subf %sub3A_1876, %mul3A_1874 : vector<16xf32>
    %mul3A_1878 = arith.mulf %div3A_1869, %sub3A_1877 : vector<16xf32>
    %mul3A_1879 = arith.mulf %mul3A_1872, %mul3A_1878 : vector<16xf32>
    %mul3A_1880 = arith.mulf %mul3A_1879, %mul3A_1878 : vector<16xf32>
    %sub3A_1881 = arith.constant 1.500000e+00 : f32
    %sub3A_1882 = vector.broadcast %sub3A_1881 : f32 to vector<16xf32>
    %sub3A_1883 = arith.subf %sub3A_1882, %mul3A_1880 : vector<16xf32>
    %mul3A_1884 = arith.mulf %mul3A_1878, %sub3A_1883 : vector<16xf32>
    %mul3A_1885 = arith.mulf %mul3A_1872, %mul3A_1884 : vector<16xf32>
    %mul3A_1886 = arith.mulf %mul3A_1885, %mul3A_1884 : vector<16xf32>
    %sub3A_1887 = arith.constant 1.500000e+00 : f32
    %sub3A_1888 = vector.broadcast %sub3A_1887 : f32 to vector<16xf32>
    %sub3A_1889 = arith.subf %sub3A_1888, %mul3A_1886 : vector<16xf32>
    %mul3A_1890 = arith.mulf %mul3A_1884, %sub3A_1889 : vector<16xf32>
    %mul3A_1891 = arith.mulf %mul3A_1872, %mul3A_1890 : vector<16xf32>
    %mul3A_1892 = arith.mulf %mul3A_1891, %mul3A_1890 : vector<16xf32>
    %sub3A_1893 = arith.constant 1.500000e+00 : f32
    %sub3A_1894 = vector.broadcast %sub3A_1893 : f32 to vector<16xf32>
    %sub3A_1895 = arith.subf %sub3A_1894, %mul3A_1892 : vector<16xf32>
    %mul3A_1896 = arith.mulf %mul3A_1890, %sub3A_1895 : vector<16xf32>
    %mul3A_1897 = arith.mulf %mul3A_1872, %mul3A_1896 : vector<16xf32>
    %mul3A_1898 = arith.mulf %mul3A_1897, %mul3A_1896 : vector<16xf32>
    %sub3A_1899 = arith.constant 1.500000e+00 : f32
    %sub3A_1900 = vector.broadcast %sub3A_1899 : f32 to vector<16xf32>
    %sub3A_1901 = arith.subf %sub3A_1900, %mul3A_1898 : vector<16xf32>
    %mul3A_1902 = arith.mulf %mul3A_1896, %sub3A_1901 : vector<16xf32>
    %mul3A_1903 = arith.mulf %mul3A_1872, %mul3A_1902 : vector<16xf32>
    %mul3A_1904 = arith.mulf %mul3A_1903, %mul3A_1902 : vector<16xf32>
    %sub3A_1905 = arith.constant 1.500000e+00 : f32
    %sub3A_1906 = vector.broadcast %sub3A_1905 : f32 to vector<16xf32>
    %sub3A_1907 = arith.subf %sub3A_1906, %mul3A_1904 : vector<16xf32>
    %mul3A_1908 = arith.mulf %mul3A_1902, %sub3A_1907 : vector<16xf32>
    %mul3A_1909 = arith.mulf %mul3A_1872, %mul3A_1908 : vector<16xf32>
    %mul3A_1910 = arith.mulf %mul3A_1909, %mul3A_1908 : vector<16xf32>
    %sub3A_1911 = arith.constant 1.500000e+00 : f32
    %sub3A_1912 = vector.broadcast %sub3A_1911 : f32 to vector<16xf32>
    %sub3A_1913 = arith.subf %sub3A_1912, %mul3A_1910 : vector<16xf32>
    %mul3A_1914 = arith.mulf %mul3A_1908, %sub3A_1913 : vector<16xf32>
    %mul3A_1915 = arith.mulf %mul3A_1872, %mul3A_1914 : vector<16xf32>
    %mul3A_1916 = arith.mulf %mul3A_1915, %mul3A_1914 : vector<16xf32>
    %sub3A_1917 = arith.constant 1.500000e+00 : f32
    %sub3A_1918 = vector.broadcast %sub3A_1917 : f32 to vector<16xf32>
    %sub3A_1919 = arith.subf %sub3A_1918, %mul3A_1916 : vector<16xf32>
    %mul3A_1920 = arith.mulf %mul3A_1914, %sub3A_1919 : vector<16xf32>
    %mul3A_1921 = arith.mulf %mul3A_1872, %mul3A_1920 : vector<16xf32>
    %mul3A_1922 = arith.mulf %mul3A_1921, %mul3A_1920 : vector<16xf32>
    %sub3A_1923 = arith.constant 1.500000e+00 : f32
    %sub3A_1924 = vector.broadcast %sub3A_1923 : f32 to vector<16xf32>
    %sub3A_1925 = arith.subf %sub3A_1924, %mul3A_1922 : vector<16xf32>
    %mul3A_1926 = arith.mulf %mul3A_1920, %sub3A_1925 : vector<16xf32>
    %mul3A_1927 = arith.mulf %mul3A_1872, %mul3A_1926 : vector<16xf32>
    %mul3A_1928 = arith.mulf %mul3A_1927, %mul3A_1926 : vector<16xf32>
    %sub3A_1929 = arith.constant 1.500000e+00 : f32
    %sub3A_1930 = vector.broadcast %sub3A_1929 : f32 to vector<16xf32>
    %sub3A_1931 = arith.subf %sub3A_1930, %mul3A_1928 : vector<16xf32>
    %mul3A_1932 = arith.mulf %mul3A_1926, %sub3A_1931 : vector<16xf32>
    %mul3A_1933 = arith.mulf %mul3A_1872, %mul3A_1932 : vector<16xf32>
    %mul3A_1934 = arith.mulf %mul3A_1933, %mul3A_1932 : vector<16xf32>
    %sub3A_1935 = arith.constant 1.500000e+00 : f32
    %sub3A_1936 = vector.broadcast %sub3A_1935 : f32 to vector<16xf32>
    %sub3A_1937 = arith.subf %sub3A_1936, %mul3A_1934 : vector<16xf32>
    %mul3A_1938 = arith.mulf %mul3A_1932, %sub3A_1937 : vector<16xf32>
    %mul3A_1939 = arith.mulf %mul3A_1872, %mul3A_1938 : vector<16xf32>
    %mul3A_1940 = arith.mulf %mul3A_1939, %mul3A_1938 : vector<16xf32>
    %sub3A_1941 = arith.constant 1.500000e+00 : f32
    %sub3A_1942 = vector.broadcast %sub3A_1941 : f32 to vector<16xf32>
    %sub3A_1943 = arith.subf %sub3A_1942, %mul3A_1940 : vector<16xf32>
    %mul3A_1944 = arith.mulf %mul3A_1938, %sub3A_1943 : vector<16xf32>
    %mul3A_1945 = arith.mulf %mul3A_1872, %mul3A_1944 : vector<16xf32>
    %mul3A_1946 = arith.mulf %mul3A_1945, %mul3A_1944 : vector<16xf32>
    %sub3A_1947 = arith.constant 1.500000e+00 : f32
    %sub3A_1948 = vector.broadcast %sub3A_1947 : f32 to vector<16xf32>
    %sub3A_1949 = arith.subf %sub3A_1948, %mul3A_1946 : vector<16xf32>
    %mul3A_1950 = arith.mulf %mul3A_1944, %sub3A_1949 : vector<16xf32>
    %mul3A_1951 = arith.mulf %mul3A_1872, %mul3A_1950 : vector<16xf32>
    %mul3A_1952 = arith.mulf %mul3A_1951, %mul3A_1950 : vector<16xf32>
    %sub3A_1953 = arith.constant 1.500000e+00 : f32
    %sub3A_1954 = vector.broadcast %sub3A_1953 : f32 to vector<16xf32>
    %sub3A_1955 = arith.subf %sub3A_1954, %mul3A_1952 : vector<16xf32>
    %mul3A_1956 = arith.mulf %mul3A_1950, %sub3A_1955 : vector<16xf32>
    %mul3A_1957 = arith.mulf %mul3A_1872, %mul3A_1956 : vector<16xf32>
    %mul3A_1958 = arith.mulf %mul3A_1957, %mul3A_1956 : vector<16xf32>
    %sub3A_1959 = arith.constant 1.500000e+00 : f32
    %sub3A_1960 = vector.broadcast %sub3A_1959 : f32 to vector<16xf32>
    %sub3A_1961 = arith.subf %sub3A_1960, %mul3A_1958 : vector<16xf32>
    %mul3A_1962 = arith.mulf %mul3A_1956, %sub3A_1961 : vector<16xf32>
    %mul3A_1963 = arith.mulf %mul3A_1872, %mul3A_1962 : vector<16xf32>
    %mul3A_1964 = arith.mulf %mul3A_1963, %mul3A_1962 : vector<16xf32>
    %sub3A_1965 = arith.constant 1.500000e+00 : f32
    %sub3A_1966 = vector.broadcast %sub3A_1965 : f32 to vector<16xf32>
    %sub3A_1967 = arith.subf %sub3A_1966, %mul3A_1964 : vector<16xf32>
    %mul3A_1968 = arith.mulf %mul3A_1962, %sub3A_1967 : vector<16xf32>
    %mul3A_1969 = arith.mulf %mul3A_1872, %mul3A_1968 : vector<16xf32>
    %mul3A_1970 = arith.mulf %mul3A_1969, %mul3A_1968 : vector<16xf32>
    %sub3A_1971 = arith.constant 1.500000e+00 : f32
    %sub3A_1972 = vector.broadcast %sub3A_1971 : f32 to vector<16xf32>
    %sub3A_1973 = arith.subf %sub3A_1972, %mul3A_1970 : vector<16xf32>
    %mul3A_1974 = arith.mulf %mul3A_1968, %sub3A_1973 : vector<16xf32>
    %mul3A_1975 = arith.mulf %mul3A_1872, %mul3A_1974 : vector<16xf32>
    %mul3A_1976 = arith.mulf %mul3A_1975, %mul3A_1974 : vector<16xf32>
    %sub3A_1977 = arith.constant 1.500000e+00 : f32
    %sub3A_1978 = vector.broadcast %sub3A_1977 : f32 to vector<16xf32>
    %sub3A_1979 = arith.subf %sub3A_1978, %mul3A_1976 : vector<16xf32>
    %mul3A_1980 = arith.mulf %mul3A_1974, %sub3A_1979 : vector<16xf32>
    %mul3A_1981 = arith.mulf %mul3A_1872, %mul3A_1980 : vector<16xf32>
    %mul3A_1982 = arith.mulf %mul3A_1981, %mul3A_1980 : vector<16xf32>
    %sub3A_1983 = arith.constant 1.500000e+00 : f32
    %sub3A_1984 = vector.broadcast %sub3A_1983 : f32 to vector<16xf32>
    %sub3A_1985 = arith.subf %sub3A_1984, %mul3A_1982 : vector<16xf32>
    %mul3A_1986 = arith.mulf %mul3A_1980, %sub3A_1985 : vector<16xf32>
    %mul3A_1987 = arith.mulf %mul3A_1872, %mul3A_1986 : vector<16xf32>
    %mul3A_1988 = arith.mulf %mul3A_1987, %mul3A_1986 : vector<16xf32>
    %sub3A_1989 = arith.constant 1.500000e+00 : f32
    %sub3A_1990 = vector.broadcast %sub3A_1989 : f32 to vector<16xf32>
    %sub3A_1991 = arith.subf %sub3A_1990, %mul3A_1988 : vector<16xf32>
    %mul3A_1992 = arith.mulf %mul3A_1986, %sub3A_1991 : vector<16xf32>
    %mul3A_1993 = arith.mulf %mul3A_1872, %mul3A_1992 : vector<16xf32>
    %mul3A_1994 = arith.mulf %mul3A_1993, %mul3A_1992 : vector<16xf32>
    %sub3A_1995 = arith.constant 1.500000e+00 : f32
    %sub3A_1996 = vector.broadcast %sub3A_1995 : f32 to vector<16xf32>
    %sub3A_1997 = arith.subf %sub3A_1996, %mul3A_1994 : vector<16xf32>
    %mul3A_1998 = arith.mulf %mul3A_1992, %sub3A_1997 : vector<16xf32>
    %mul3A_1999 = arith.mulf %mul3A_1872, %mul3A_1998 : vector<16xf32>
    %mul3A_2000 = arith.mulf %mul3A_1999, %mul3A_1998 : vector<16xf32>
    %sub3A_2001 = arith.constant 1.500000e+00 : f32
    %sub3A_2002 = vector.broadcast %sub3A_2001 : f32 to vector<16xf32>
    %sub3A_2003 = arith.subf %sub3A_2002, %mul3A_2000 : vector<16xf32>
    %mul3A_2004 = arith.mulf %mul3A_1998, %sub3A_2003 : vector<16xf32>
    %mul3A_2005 = arith.mulf %mul3A_1872, %mul3A_2004 : vector<16xf32>
    %mul3A_2006 = arith.mulf %mul3A_2005, %mul3A_2004 : vector<16xf32>
    %sub3A_2007 = arith.constant 1.500000e+00 : f32
    %sub3A_2008 = vector.broadcast %sub3A_2007 : f32 to vector<16xf32>
    %sub3A_2009 = arith.subf %sub3A_2008, %mul3A_2006 : vector<16xf32>
    %mul3A_2010 = arith.mulf %mul3A_2004, %sub3A_2009 : vector<16xf32>
    %mul3A_2011 = arith.mulf %mul3A_1872, %mul3A_2010 : vector<16xf32>
    %mul3A_2012 = arith.mulf %mul3A_2011, %mul3A_2010 : vector<16xf32>
    %sub3A_2013 = arith.constant 1.500000e+00 : f32
    %sub3A_2014 = vector.broadcast %sub3A_2013 : f32 to vector<16xf32>
    %sub3A_2015 = arith.subf %sub3A_2014, %mul3A_2012 : vector<16xf32>
    %mul3A_2016 = arith.mulf %mul3A_2010, %sub3A_2015 : vector<16xf32>
    %mul3A_2017 = arith.mulf %mul3A_1872, %mul3A_2016 : vector<16xf32>
    %mul3A_2018 = arith.mulf %mul3A_2017, %mul3A_2016 : vector<16xf32>
    %sub3A_2019 = arith.constant 1.500000e+00 : f32
    %sub3A_2020 = vector.broadcast %sub3A_2019 : f32 to vector<16xf32>
    %sub3A_2021 = arith.subf %sub3A_2020, %mul3A_2018 : vector<16xf32>
    %mul3A_2022 = arith.mulf %mul3A_2016, %sub3A_2021 : vector<16xf32>
    %mul3A_2023 = arith.mulf %mul3A_1872, %mul3A_2022 : vector<16xf32>
    %mul3A_2024 = arith.mulf %mul3A_2023, %mul3A_2022 : vector<16xf32>
    %sub3A_2025 = arith.constant 1.500000e+00 : f32
    %sub3A_2026 = vector.broadcast %sub3A_2025 : f32 to vector<16xf32>
    %sub3A_2027 = arith.subf %sub3A_2026, %mul3A_2024 : vector<16xf32>
    %mul3A_2028 = arith.mulf %mul3A_2022, %sub3A_2027 : vector<16xf32>
    %swap3A_2029 = arith.constant 144 : index
    %swap3A_2030 = tpu.vector_load %arg8[%swap3A_2029] {strides = array<i32>} : memref<320xf32, #tpu.memory_space<vmem>>, vector<16xf32>,
    %swap3A_2031 = vector.shape_cast %swap3A_2030 : vector<16xf32> to vector<16xf32>
    %swap3A_2032 = vector.shape_cast %mul3A_2028 : vector<16xf32> to vector<16xf32>
    tpu.vector_store %arg8[%swap3A_2029], %swap3A_2032 {strides = array<i32>} : memref<320xf32, #tpu.memory_space<vmem>>, vector<16xf32>,
    %get3A_2033 = arith.constant 160 : index
    %get3A_2034 = tpu.vector_load %arg8[%get3A_2033] {strides = array<i32>} : memref<320xf32, #tpu.memory_space<vmem>>, vector<16xf32>,
    %get3A_2035 = vector.shape_cast %get3A_2034 : vector<16xf32> to vector<16xf32>
    %add3A_2036 = arith.constant 1.000000e+00 : f32
    %add3A_2037 = vector.broadcast %add3A_2036 : f32 to vector<16xf32>
    %add3A_2038 = arith.addf %get3A_2035, %add3A_2037 : vector<16xf32>
    %div3A_2039 = arith.constant 1.000000e+00 : f32
    %div3A_2040 = vector.broadcast %div3A_2039 : f32 to vector<16xf32>
    %div3A_2041 = arith.divf %div3A_2040, %add3A_2038 : vector<16xf32>
    %mul3A_2042 = arith.constant 5.000000e-01 : f32
    %mul3A_2043 = vector.broadcast %mul3A_2042 : f32 to vector<16xf32>
    %mul3A_2044 = arith.mulf %mul3A_2043, %add3A_2038 : vector<16xf32>
    %mul3A_2045 = arith.mulf %mul3A_2044, %div3A_2041 : vector<16xf32>
    %mul3A_2046 = arith.mulf %mul3A_2045, %div3A_2041 : vector<16xf32>
    %sub3A_2047 = arith.constant 1.500000e+00 : f32
    %sub3A_2048 = vector.broadcast %sub3A_2047 : f32 to vector<16xf32>
    %sub3A_2049 = arith.subf %sub3A_2048, %mul3A_2046 : vector<16xf32>
    %mul3A_2050 = arith.mulf %div3A_2041, %sub3A_2049 : vector<16xf32>
    %mul3A_2051 = arith.mulf %mul3A_2044, %mul3A_2050 : vector<16xf32>
    %mul3A_2052 = arith.mulf %mul3A_2051, %mul3A_2050 : vector<16xf32>
    %sub3A_2053 = arith.constant 1.500000e+00 : f32
    %sub3A_2054 = vector.broadcast %sub3A_2053 : f32 to vector<16xf32>
    %sub3A_2055 = arith.subf %sub3A_2054, %mul3A_2052 : vector<16xf32>
    %mul3A_2056 = arith.mulf %mul3A_2050, %sub3A_2055 : vector<16xf32>
    %mul3A_2057 = arith.mulf %mul3A_2044, %mul3A_2056 : vector<16xf32>
    %mul3A_2058 = arith.mulf %mul3A_2057, %mul3A_2056 : vector<16xf32>
    %sub3A_2059 = arith.constant 1.500000e+00 : f32
    %sub3A_2060 = vector.broadcast %sub3A_2059 : f32 to vector<16xf32>
    %sub3A_2061 = arith.subf %sub3A_2060, %mul3A_2058 : vector<16xf32>
    %mul3A_2062 = arith.mulf %mul3A_2056, %sub3A_2061 : vector<16xf32>
    %mul3A_2063 = arith.mulf %mul3A_2044, %mul3A_2062 : vector<16xf32>
    %mul3A_2064 = arith.mulf %mul3A_2063, %mul3A_2062 : vector<16xf32>
    %sub3A_2065 = arith.constant 1.500000e+00 : f32
    %sub3A_2066 = vector.broadcast %sub3A_2065 : f32 to vector<16xf32>
    %sub3A_2067 = arith.subf %sub3A_2066, %mul3A_2064 : vector<16xf32>
    %mul3A_2068 = arith.mulf %mul3A_2062, %sub3A_2067 : vector<16xf32>
    %mul3A_2069 = arith.mulf %mul3A_2044, %mul3A_2068 : vector<16xf32>
    %mul3A_2070 = arith.mulf %mul3A_2069, %mul3A_2068 : vector<16xf32>
    %sub3A_2071 = arith.constant 1.500000e+00 : f32
    %sub3A_2072 = vector.broadcast %sub3A_2071 : f32 to vector<16xf32>
    %sub3A_2073 = arith.subf %sub3A_2072, %mul3A_2070 : vector<16xf32>
    %mul3A_2074 = arith.mulf %mul3A_2068, %sub3A_2073 : vector<16xf32>
    %mul3A_2075 = arith.mulf %mul3A_2044, %mul3A_2074 : vector<16xf32>
    %mul3A_2076 = arith.mulf %mul3A_2075, %mul3A_2074 : vector<16xf32>
    %sub3A_2077 = arith.constant 1.500000e+00 : f32
    %sub3A_2078 = vector.broadcast %sub3A_2077 : f32 to vector<16xf32>
    %sub3A_2079 = arith.subf %sub3A_2078, %mul3A_2076 : vector<16xf32>
    %mul3A_2080 = arith.mulf %mul3A_2074, %sub3A_2079 : vector<16xf32>
    %mul3A_2081 = arith.mulf %mul3A_2044, %mul3A_2080 : vector<16xf32>
    %mul3A_2082 = arith.mulf %mul3A_2081, %mul3A_2080 : vector<16xf32>
    %sub3A_2083 = arith.constant 1.500000e+00 : f32
    %sub3A_2084 = vector.broadcast %sub3A_2083 : f32 to vector<16xf32>
    %sub3A_2085 = arith.subf %sub3A_2084, %mul3A_2082 : vector<16xf32>
    %mul3A_2086 = arith.mulf %mul3A_2080, %sub3A_2085 : vector<16xf32>
    %mul3A_2087 = arith.mulf %mul3A_2044, %mul3A_2086 : vector<16xf32>
    %mul3A_2088 = arith.mulf %mul3A_2087, %mul3A_2086 : vector<16xf32>
    %sub3A_2089 = arith.constant 1.500000e+00 : f32
    %sub3A_2090 = vector.broadcast %sub3A_2089 : f32 to vector<16xf32>
    %sub3A_2091 = arith.subf %sub3A_2090, %mul3A_2088 : vector<16xf32>
    %mul3A_2092 = arith.mulf %mul3A_2086, %sub3A_2091 : vector<16xf32>
    %mul3A_2093 = arith.mulf %mul3A_2044, %mul3A_2092 : vector<16xf32>
    %mul3A_2094 = arith.mulf %mul3A_2093, %mul3A_2092 : vector<16xf32>
    %sub3A_2095 = arith.constant 1.500000e+00 : f32
    %sub3A_2096 = vector.broadcast %sub3A_2095 : f32 to vector<16xf32>
    %sub3A_2097 = arith.subf %sub3A_2096, %mul3A_2094 : vector<16xf32>
    %mul3A_2098 = arith.mulf %mul3A_2092, %sub3A_2097 : vector<16xf32>
    %mul3A_2099 = arith.mulf %mul3A_2044, %mul3A_2098 : vector<16xf32>
    %mul3A_2100 = arith.mulf %mul3A_2099, %mul3A_2098 : vector<16xf32>
    %sub3A_2101 = arith.constant 1.500000e+00 : f32
    %sub3A_2102 = vector.broadcast %sub3A_2101 : f32 to vector<16xf32>
    %sub3A_2103 = arith.subf %sub3A_2102, %mul3A_2100 : vector<16xf32>
    %mul3A_2104 = arith.mulf %mul3A_2098, %sub3A_2103 : vector<16xf32>
    %mul3A_2105 = arith.mulf %mul3A_2044, %mul3A_2104 : vector<16xf32>
    %mul3A_2106 = arith.mulf %mul3A_2105, %mul3A_2104 : vector<16xf32>
    %sub3A_2107 = arith.constant 1.500000e+00 : f32
    %sub3A_2108 = vector.broadcast %sub3A_2107 : f32 to vector<16xf32>
    %sub3A_2109 = arith.subf %sub3A_2108, %mul3A_2106 : vector<16xf32>
    %mul3A_2110 = arith.mulf %mul3A_2104, %sub3A_2109 : vector<16xf32>
    %mul3A_2111 = arith.mulf %mul3A_2044, %mul3A_2110 : vector<16xf32>
    %mul3A_2112 = arith.mulf %mul3A_2111, %mul3A_2110 : vector<16xf32>
    %sub3A_2113 = arith.constant 1.500000e+00 : f32
    %sub3A_2114 = vector.broadcast %sub3A_2113 : f32 to vector<16xf32>
    %sub3A_2115 = arith.subf %sub3A_2114, %mul3A_2112 : vector<16xf32>
    %mul3A_2116 = arith.mulf %mul3A_2110, %sub3A_2115 : vector<16xf32>
    %mul3A_2117 = arith.mulf %mul3A_2044, %mul3A_2116 : vector<16xf32>
    %mul3A_2118 = arith.mulf %mul3A_2117, %mul3A_2116 : vector<16xf32>
    %sub3A_2119 = arith.constant 1.500000e+00 : f32
    %sub3A_2120 = vector.broadcast %sub3A_2119 : f32 to vector<16xf32>
    %sub3A_2121 = arith.subf %sub3A_2120, %mul3A_2118 : vector<16xf32>
    %mul3A_2122 = arith.mulf %mul3A_2116, %sub3A_2121 : vector<16xf32>
    %mul3A_2123 = arith.mulf %mul3A_2044, %mul3A_2122 : vector<16xf32>
    %mul3A_2124 = arith.mulf %mul3A_2123, %mul3A_2122 : vector<16xf32>
    %sub3A_2125 = arith.constant 1.500000e+00 : f32
    %sub3A_2126 = vector.broadcast %sub3A_2125 : f32 to vector<16xf32>
    %sub3A_2127 = arith.subf %sub3A_2126, %mul3A_2124 : vector<16xf32>
    %mul3A_2128 = arith.mulf %mul3A_2122, %sub3A_2127 : vector<16xf32>
    %mul3A_2129 = arith.mulf %mul3A_2044, %mul3A_2128 : vector<16xf32>
    %mul3A_2130 = arith.mulf %mul3A_2129, %mul3A_2128 : vector<16xf32>
    %sub3A_2131 = arith.constant 1.500000e+00 : f32
    %sub3A_2132 = vector.broadcast %sub3A_2131 : f32 to vector<16xf32>
    %sub3A_2133 = arith.subf %sub3A_2132, %mul3A_2130 : vector<16xf32>
    %mul3A_2134 = arith.mulf %mul3A_2128, %sub3A_2133 : vector<16xf32>
    %mul3A_2135 = arith.mulf %mul3A_2044, %mul3A_2134 : vector<16xf32>
    %mul3A_2136 = arith.mulf %mul3A_2135, %mul3A_2134 : vector<16xf32>
    %sub3A_2137 = arith.constant 1.500000e+00 : f32
    %sub3A_2138 = vector.broadcast %sub3A_2137 : f32 to vector<16xf32>
    %sub3A_2139 = arith.subf %sub3A_2138, %mul3A_2136 : vector<16xf32>
    %mul3A_2140 = arith.mulf %mul3A_2134, %sub3A_2139 : vector<16xf32>
    %mul3A_2141 = arith.mulf %mul3A_2044, %mul3A_2140 : vector<16xf32>
    %mul3A_2142 = arith.mulf %mul3A_2141, %mul3A_2140 : vector<16xf32>
    %sub3A_2143 = arith.constant 1.500000e+00 : f32
    %sub3A_2144 = vector.broadcast %sub3A_2143 : f32 to vector<16xf32>
    %sub3A_2145 = arith.subf %sub3A_2144, %mul3A_2142 : vector<16xf32>
    %mul3A_2146 = arith.mulf %mul3A_2140, %sub3A_2145 : vector<16xf32>
    %mul3A_2147 = arith.mulf %mul3A_2044, %mul3A_2146 : vector<16xf32>
    %mul3A_2148 = arith.mulf %mul3A_2147, %mul3A_2146 : vector<16xf32>
    %sub3A_2149 = arith.constant 1.500000e+00 : f32
    %sub3A_2150 = vector.broadcast %sub3A_2149 : f32 to vector<16xf32>
    %sub3A_2151 = arith.subf %sub3A_2150, %mul3A_2148 : vector<16xf32>
    %mul3A_2152 = arith.mulf %mul3A_2146, %sub3A_2151 : vector<16xf32>
    %mul3A_2153 = arith.mulf %mul3A_2044, %mul3A_2152 : vector<16xf32>
    %mul3A_2154 = arith.mulf %mul3A_2153, %mul3A_2152 : vector<16xf32>
    %sub3A_2155 = arith.constant 1.500000e+00 : f32
    %sub3A_2156 = vector.broadcast %sub3A_2155 : f32 to vector<16xf32>
    %sub3A_2157 = arith.subf %sub3A_2156, %mul3A_2154 : vector<16xf32>
    %mul3A_2158 = arith.mulf %mul3A_2152, %sub3A_2157 : vector<16xf32>
    %mul3A_2159 = arith.mulf %mul3A_2044, %mul3A_2158 : vector<16xf32>
    %mul3A_2160 = arith.mulf %mul3A_2159, %mul3A_2158 : vector<16xf32>
    %sub3A_2161 = arith.constant 1.500000e+00 : f32
    %sub3A_2162 = vector.broadcast %sub3A_2161 : f32 to vector<16xf32>
    %sub3A_2163 = arith.subf %sub3A_2162, %mul3A_2160 : vector<16xf32>
    %mul3A_2164 = arith.mulf %mul3A_2158, %sub3A_2163 : vector<16xf32>
    %mul3A_2165 = arith.mulf %mul3A_2044, %mul3A_2164 : vector<16xf32>
    %mul3A_2166 = arith.mulf %mul3A_2165, %mul3A_2164 : vector<16xf32>
    %sub3A_2167 = arith.constant 1.500000e+00 : f32
    %sub3A_2168 = vector.broadcast %sub3A_2167 : f32 to vector<16xf32>
    %sub3A_2169 = arith.subf %sub3A_2168, %mul3A_2166 : vector<16xf32>
    %mul3A_2170 = arith.mulf %mul3A_2164, %sub3A_2169 : vector<16xf32>
    %mul3A_2171 = arith.mulf %mul3A_2044, %mul3A_2170 : vector<16xf32>
    %mul3A_2172 = arith.mulf %mul3A_2171, %mul3A_2170 : vector<16xf32>
    %sub3A_2173 = arith.constant 1.500000e+00 : f32
    %sub3A_2174 = vector.broadcast %sub3A_2173 : f32 to vector<16xf32>
    %sub3A_2175 = arith.subf %sub3A_2174, %mul3A_2172 : vector<16xf32>
    %mul3A_2176 = arith.mulf %mul3A_2170, %sub3A_2175 : vector<16xf32>
    %mul3A_2177 = arith.mulf %mul3A_2044, %mul3A_2176 : vector<16xf32>
    %mul3A_2178 = arith.mulf %mul3A_2177, %mul3A_2176 : vector<16xf32>
    %sub3A_2179 = arith.constant 1.500000e+00 : f32
    %sub3A_2180 = vector.broadcast %sub3A_2179 : f32 to vector<16xf32>
    %sub3A_2181 = arith.subf %sub3A_2180, %mul3A_2178 : vector<16xf32>
    %mul3A_2182 = arith.mulf %mul3A_2176, %sub3A_2181 : vector<16xf32>
    %mul3A_2183 = arith.mulf %mul3A_2044, %mul3A_2182 : vector<16xf32>
    %mul3A_2184 = arith.mulf %mul3A_2183, %mul3A_2182 : vector<16xf32>
    %sub3A_2185 = arith.constant 1.500000e+00 : f32
    %sub3A_2186 = vector.broadcast %sub3A_2185 : f32 to vector<16xf32>
    %sub3A_2187 = arith.subf %sub3A_2186, %mul3A_2184 : vector<16xf32>
    %mul3A_2188 = arith.mulf %mul3A_2182, %sub3A_2187 : vector<16xf32>
    %mul3A_2189 = arith.mulf %mul3A_2044, %mul3A_2188 : vector<16xf32>
    %mul3A_2190 = arith.mulf %mul3A_2189, %mul3A_2188 : vector<16xf32>
    %sub3A_2191 = arith.constant 1.500000e+00 : f32
    %sub3A_2192 = vector.broadcast %sub3A_2191 : f32 to vector<16xf32>
    %sub3A_2193 = arith.subf %sub3A_2192, %mul3A_2190 : vector<16xf32>
    %mul3A_2194 = arith.mulf %mul3A_2188, %sub3A_2193 : vector<16xf32>
    %mul3A_2195 = arith.mulf %mul3A_2044, %mul3A_2194 : vector<16xf32>
    %mul3A_2196 = arith.mulf %mul3A_2195, %mul3A_2194 : vector<16xf32>
    %sub3A_2197 = arith.constant 1.500000e+00 : f32
    %sub3A_2198 = vector.broadcast %sub3A_2197 : f32 to vector<16xf32>
    %sub3A_2199 = arith.subf %sub3A_2198, %mul3A_2196 : vector<16xf32>
    %mul3A_2200 = arith.mulf %mul3A_2194, %sub3A_2199 : vector<16xf32>
    %swap3A_2201 = arith.constant 160 : index
    %swap3A_2202 = tpu.vector_load %arg8[%swap3A_2201] {strides = array<i32>} : memref<320xf32, #tpu.memory_space<vmem>>, vector<16xf32>,
    %swap3A_2203 = vector.shape_cast %swap3A_2202 : vector<16xf32> to vector<16xf32>
    %swap3A_2204 = vector.shape_cast %mul3A_2200 : vector<16xf32> to vector<16xf32>
    tpu.vector_store %arg8[%swap3A_2201], %swap3A_2204 {strides = array<i32>} : memref<320xf32, #tpu.memory_space<vmem>>, vector<16xf32>,
    %get3A_2205 = arith.constant 176 : index
    %get3A_2206 = tpu.vector_load %arg8[%get3A_2205] {strides = array<i32>} : memref<320xf32, #tpu.memory_space<vmem>>, vector<16xf32>,
    %get3A_2207 = vector.shape_cast %get3A_2206 : vector<16xf32> to vector<16xf32>
    %add3A_2208 = arith.constant 1.000000e+00 : f32
    %add3A_2209 = vector.broadcast %add3A_2208 : f32 to vector<16xf32>
    %add3A_2210 = arith.addf %get3A_2207, %add3A_2209 : vector<16xf32>
    %div3A_2211 = arith.constant 1.000000e+00 : f32
    %div3A_2212 = vector.broadcast %div3A_2211 : f32 to vector<16xf32>
    %div3A_2213 = arith.divf %div3A_2212, %add3A_2210 : vector<16xf32>
    %mul3A_2214 = arith.constant 5.000000e-01 : f32
    %mul3A_2215 = vector.broadcast %mul3A_2214 : f32 to vector<16xf32>
    %mul3A_2216 = arith.mulf %mul3A_2215, %add3A_2210 : vector<16xf32>
    %mul3A_2217 = arith.mulf %mul3A_2216, %div3A_2213 : vector<16xf32>
    %mul3A_2218 = arith.mulf %mul3A_2217, %div3A_2213 : vector<16xf32>
    %sub3A_2219 = arith.constant 1.500000e+00 : f32
    %sub3A_2220 = vector.broadcast %sub3A_2219 : f32 to vector<16xf32>
    %sub3A_2221 = arith.subf %sub3A_2220, %mul3A_2218 : vector<16xf32>
    %mul3A_2222 = arith.mulf %div3A_2213, %sub3A_2221 : vector<16xf32>
    %mul3A_2223 = arith.mulf %mul3A_2216, %mul3A_2222 : vector<16xf32>
    %mul3A_2224 = arith.mulf %mul3A_2223, %mul3A_2222 : vector<16xf32>
    %sub3A_2225 = arith.constant 1.500000e+00 : f32
    %sub3A_2226 = vector.broadcast %sub3A_2225 : f32 to vector<16xf32>
    %sub3A_2227 = arith.subf %sub3A_2226, %mul3A_2224 : vector<16xf32>
    %mul3A_2228 = arith.mulf %mul3A_2222, %sub3A_2227 : vector<16xf32>
    %mul3A_2229 = arith.mulf %mul3A_2216, %mul3A_2228 : vector<16xf32>
    %mul3A_2230 = arith.mulf %mul3A_2229, %mul3A_2228 : vector<16xf32>
    %sub3A_2231 = arith.constant 1.500000e+00 : f32
    %sub3A_2232 = vector.broadcast %sub3A_2231 : f32 to vector<16xf32>
    %sub3A_2233 = arith.subf %sub3A_2232, %mul3A_2230 : vector<16xf32>
    %mul3A_2234 = arith.mulf %mul3A_2228, %sub3A_2233 : vector<16xf32>
    %mul3A_2235 = arith.mulf %mul3A_2216, %mul3A_2234 : vector<16xf32>
    %mul3A_2236 = arith.mulf %mul3A_2235, %mul3A_2234 : vector<16xf32>
    %sub3A_2237 = arith.constant 1.500000e+00 : f32
    %sub3A_2238 = vector.broadcast %sub3A_2237 : f32 to vector<16xf32>
    %sub3A_2239 = arith.subf %sub3A_2238, %mul3A_2236 : vector<16xf32>
    %mul3A_2240 = arith.mulf %mul3A_2234, %sub3A_2239 : vector<16xf32>
    %mul3A_2241 = arith.mulf %mul3A_2216, %mul3A_2240 : vector<16xf32>
    %mul3A_2242 = arith.mulf %mul3A_2241, %mul3A_2240 : vector<16xf32>
    %sub3A_2243 = arith.constant 1.500000e+00 : f32
    %sub3A_2244 = vector.broadcast %sub3A_2243 : f32 to vector<16xf32>
    %sub3A_2245 = arith.subf %sub3A_2244, %mul3A_2242 : vector<16xf32>
    %mul3A_2246 = arith.mulf %mul3A_2240, %sub3A_2245 : vector<16xf32>
    %mul3A_2247 = arith.mulf %mul3A_2216, %mul3A_2246 : vector<16xf32>
    %mul3A_2248 = arith.mulf %mul3A_2247, %mul3A_2246 : vector<16xf32>
    %sub3A_2249 = arith.constant 1.500000e+00 : f32
    %sub3A_2250 = vector.broadcast %sub3A_2249 : f32 to vector<16xf32>
    %sub3A_2251 = arith.subf %sub3A_2250, %mul3A_2248 : vector<16xf32>
    %mul3A_2252 = arith.mulf %mul3A_2246, %sub3A_2251 : vector<16xf32>
    %mul3A_2253 = arith.mulf %mul3A_2216, %mul3A_2252 : vector<16xf32>
    %mul3A_2254 = arith.mulf %mul3A_2253, %mul3A_2252 : vector<16xf32>
    %sub3A_2255 = arith.constant 1.500000e+00 : f32
    %sub3A_2256 = vector.broadcast %sub3A_2255 : f32 to vector<16xf32>
    %sub3A_2257 = arith.subf %sub3A_2256, %mul3A_2254 : vector<16xf32>
    %mul3A_2258 = arith.mulf %mul3A_2252, %sub3A_2257 : vector<16xf32>
    %mul3A_2259 = arith.mulf %mul3A_2216, %mul3A_2258 : vector<16xf32>
    %mul3A_2260 = arith.mulf %mul3A_2259, %mul3A_2258 : vector<16xf32>
    %sub3A_2261 = arith.constant 1.500000e+00 : f32
    %sub3A_2262 = vector.broadcast %sub3A_2261 : f32 to vector<16xf32>
    %sub3A_2263 = arith.subf %sub3A_2262, %mul3A_2260 : vector<16xf32>
    %mul3A_2264 = arith.mulf %mul3A_2258, %sub3A_2263 : vector<16xf32>
    %mul3A_2265 = arith.mulf %mul3A_2216, %mul3A_2264 : vector<16xf32>
    %mul3A_2266 = arith.mulf %mul3A_2265, %mul3A_2264 : vector<16xf32>
    %sub3A_2267 = arith.constant 1.500000e+00 : f32
    %sub3A_2268 = vector.broadcast %sub3A_2267 : f32 to vector<16xf32>
    %sub3A_2269 = arith.subf %sub3A_2268, %mul3A_2266 : vector<16xf32>
    %mul3A_2270 = arith.mulf %mul3A_2264, %sub3A_2269 : vector<16xf32>
    %mul3A_2271 = arith.mulf %mul3A_2216, %mul3A_2270 : vector<16xf32>
    %mul3A_2272 = arith.mulf %mul3A_2271, %mul3A_2270 : vector<16xf32>
    %sub3A_2273 = arith.constant 1.500000e+00 : f32
    %sub3A_2274 = vector.broadcast %sub3A_2273 : f32 to vector<16xf32>
    %sub3A_2275 = arith.subf %sub3A_2274, %mul3A_2272 : vector<16xf32>
    %mul3A_2276 = arith.mulf %mul3A_2270, %sub3A_2275 : vector<16xf32>
    %mul3A_2277 = arith.mulf %mul3A_2216, %mul3A_2276 : vector<16xf32>
    %mul3A_2278 = arith.mulf %mul3A_2277, %mul3A_2276 : vector<16xf32>
    %sub3A_2279 = arith.constant 1.500000e+00 : f32
    %sub3A_2280 = vector.broadcast %sub3A_2279 : f32 to vector<16xf32>
    %sub3A_2281 = arith.subf %sub3A_2280, %mul3A_2278 : vector<16xf32>
    %mul3A_2282 = arith.mulf %mul3A_2276, %sub3A_2281 : vector<16xf32>
    %mul3A_2283 = arith.mulf %mul3A_2216, %mul3A_2282 : vector<16xf32>
    %mul3A_2284 = arith.mulf %mul3A_2283, %mul3A_2282 : vector<16xf32>
    %sub3A_2285 = arith.constant 1.500000e+00 : f32
    %sub3A_2286 = vector.broadcast %sub3A_2285 : f32 to vector<16xf32>
    %sub3A_2287 = arith.subf %sub3A_2286, %mul3A_2284 : vector<16xf32>
    %mul3A_2288 = arith.mulf %mul3A_2282, %sub3A_2287 : vector<16xf32>
    %mul3A_2289 = arith.mulf %mul3A_2216, %mul3A_2288 : vector<16xf32>
    %mul3A_2290 = arith.mulf %mul3A_2289, %mul3A_2288 : vector<16xf32>
    %sub3A_2291 = arith.constant 1.500000e+00 : f32
    %sub3A_2292 = vector.broadcast %sub3A_2291 : f32 to vector<16xf32>
    %sub3A_2293 = arith.subf %sub3A_2292, %mul3A_2290 : vector<16xf32>
    %mul3A_2294 = arith.mulf %mul3A_2288, %sub3A_2293 : vector<16xf32>
    %mul3A_2295 = arith.mulf %mul3A_2216, %mul3A_2294 : vector<16xf32>
    %mul3A_2296 = arith.mulf %mul3A_2295, %mul3A_2294 : vector<16xf32>
    %sub3A_2297 = arith.constant 1.500000e+00 : f32
    %sub3A_2298 = vector.broadcast %sub3A_2297 : f32 to vector<16xf32>
    %sub3A_2299 = arith.subf %sub3A_2298, %mul3A_2296 : vector<16xf32>
    %mul3A_2300 = arith.mulf %mul3A_2294, %sub3A_2299 : vector<16xf32>
    %mul3A_2301 = arith.mulf %mul3A_2216, %mul3A_2300 : vector<16xf32>
    %mul3A_2302 = arith.mulf %mul3A_2301, %mul3A_2300 : vector<16xf32>
    %sub3A_2303 = arith.constant 1.500000e+00 : f32
    %sub3A_2304 = vector.broadcast %sub3A_2303 : f32 to vector<16xf32>
    %sub3A_2305 = arith.subf %sub3A_2304, %mul3A_2302 : vector<16xf32>
    %mul3A_2306 = arith.mulf %mul3A_2300, %sub3A_2305 : vector<16xf32>
    %mul3A_2307 = arith.mulf %mul3A_2216, %mul3A_2306 : vector<16xf32>
    %mul3A_2308 = arith.mulf %mul3A_2307, %mul3A_2306 : vector<16xf32>
    %sub3A_2309 = arith.constant 1.500000e+00 : f32
    %sub3A_2310 = vector.broadcast %sub3A_2309 : f32 to vector<16xf32>
    %sub3A_2311 = arith.subf %sub3A_2310, %mul3A_2308 : vector<16xf32>
    %mul3A_2312 = arith.mulf %mul3A_2306, %sub3A_2311 : vector<16xf32>
    %mul3A_2313 = arith.mulf %mul3A_2216, %mul3A_2312 : vector<16xf32>
    %mul3A_2314 = arith.mulf %mul3A_2313, %mul3A_2312 : vector<16xf32>
    %sub3A_2315 = arith.constant 1.500000e+00 : f32
    %sub3A_2316 = vector.broadcast %sub3A_2315 : f32 to vector<16xf32>
    %sub3A_2317 = arith.subf %sub3A_2316, %mul3A_2314 : vector<16xf32>
    %mul3A_2318 = arith.mulf %mul3A_2312, %sub3A_2317 : vector<16xf32>
    %mul3A_2319 = arith.mulf %mul3A_2216, %mul3A_2318 : vector<16xf32>
    %mul3A_2320 = arith.mulf %mul3A_2319, %mul3A_2318 : vector<16xf32>
    %sub3A_2321 = arith.constant 1.500000e+00 : f32
    %sub3A_2322 = vector.broadcast %sub3A_2321 : f32 to vector<16xf32>
    %sub3A_2323 = arith.subf %sub3A_2322, %mul3A_2320 : vector<16xf32>
    %mul3A_2324 = arith.mulf %mul3A_2318, %sub3A_2323 : vector<16xf32>
    %mul3A_2325 = arith.mulf %mul3A_2216, %mul3A_2324 : vector<16xf32>
    %mul3A_2326 = arith.mulf %mul3A_2325, %mul3A_2324 : vector<16xf32>
    %sub3A_2327 = arith.constant 1.500000e+00 : f32
    %sub3A_2328 = vector.broadcast %sub3A_2327 : f32 to vector<16xf32>
    %sub3A_2329 = arith.subf %sub3A_2328, %mul3A_2326 : vector<16xf32>
    %mul3A_2330 = arith.mulf %mul3A_2324, %sub3A_2329 : vector<16xf32>
    %mul3A_2331 = arith.mulf %mul3A_2216, %mul3A_2330 : vector<16xf32>
    %mul3A_2332 = arith.mulf %mul3A_2331, %mul3A_2330 : vector<16xf32>
    %sub3A_2333 = arith.constant 1.500000e+00 : f32
    %sub3A_2334 = vector.broadcast %sub3A_2333 : f32 to vector<16xf32>
    %sub3A_2335 = arith.subf %sub3A_2334, %mul3A_2332 : vector<16xf32>
    %mul3A_2336 = arith.mulf %mul3A_2330, %sub3A_2335 : vector<16xf32>
    %mul3A_2337 = arith.mulf %mul3A_2216, %mul3A_2336 : vector<16xf32>
    %mul3A_2338 = arith.mulf %mul3A_2337, %mul3A_2336 : vector<16xf32>
    %sub3A_2339 = arith.constant 1.500000e+00 : f32
    %sub3A_2340 = vector.broadcast %sub3A_2339 : f32 to vector<16xf32>
    %sub3A_2341 = arith.subf %sub3A_2340, %mul3A_2338 : vector<16xf32>
    %mul3A_2342 = arith.mulf %mul3A_2336, %sub3A_2341 : vector<16xf32>
    %mul3A_2343 = arith.mulf %mul3A_2216, %mul3A_2342 : vector<16xf32>
    %mul3A_2344 = arith.mulf %mul3A_2343, %mul3A_2342 : vector<16xf32>
    %sub3A_2345 = arith.constant 1.500000e+00 : f32
    %sub3A_2346 = vector.broadcast %sub3A_2345 : f32 to vector<16xf32>
    %sub3A_2347 = arith.subf %sub3A_2346, %mul3A_2344 : vector<16xf32>
    %mul3A_2348 = arith.mulf %mul3A_2342, %sub3A_2347 : vector<16xf32>
    %mul3A_2349 = arith.mulf %mul3A_2216, %mul3A_2348 : vector<16xf32>
    %mul3A_2350 = arith.mulf %mul3A_2349, %mul3A_2348 : vector<16xf32>
    %sub3A_2351 = arith.constant 1.500000e+00 : f32
    %sub3A_2352 = vector.broadcast %sub3A_2351 : f32 to vector<16xf32>
    %sub3A_2353 = arith.subf %sub3A_2352, %mul3A_2350 : vector<16xf32>
    %mul3A_2354 = arith.mulf %mul3A_2348, %sub3A_2353 : vector<16xf32>
    %mul3A_2355 = arith.mulf %mul3A_2216, %mul3A_2354 : vector<16xf32>
    %mul3A_2356 = arith.mulf %mul3A_2355, %mul3A_2354 : vector<16xf32>
    %sub3A_2357 = arith.constant 1.500000e+00 : f32
    %sub3A_2358 = vector.broadcast %sub3A_2357 : f32 to vector<16xf32>
    %sub3A_2359 = arith.subf %sub3A_2358, %mul3A_2356 : vector<16xf32>
    %mul3A_2360 = arith.mulf %mul3A_2354, %sub3A_2359 : vector<16xf32>
    %mul3A_2361 = arith.mulf %mul3A_2216, %mul3A_2360 : vector<16xf32>
    %mul3A_2362 = arith.mulf %mul3A_2361, %mul3A_2360 : vector<16xf32>
    %sub3A_2363 = arith.constant 1.500000e+00 : f32
    %sub3A_2364 = vector.broadcast %sub3A_2363 : f32 to vector<16xf32>
    %sub3A_2365 = arith.subf %sub3A_2364, %mul3A_2362 : vector<16xf32>
    %mul3A_2366 = arith.mulf %mul3A_2360, %sub3A_2365 : vector<16xf32>
    %mul3A_2367 = arith.mulf %mul3A_2216, %mul3A_2366 : vector<16xf32>
    %mul3A_2368 = arith.mulf %mul3A_2367, %mul3A_2366 : vector<16xf32>
    %sub3A_2369 = arith.constant 1.500000e+00 : f32
    %sub3A_2370 = vector.broadcast %sub3A_2369 : f32 to vector<16xf32>
    %sub3A_2371 = arith.subf %sub3A_2370, %mul3A_2368 : vector<16xf32>
    %mul3A_2372 = arith.mulf %mul3A_2366, %sub3A_2371 : vector<16xf32>
    %swap3A_2373 = arith.constant 176 : index
    %swap3A_2374 = tpu.vector_load %arg8[%swap3A_2373] {strides = array<i32>} : memref<320xf32, #tpu.memory_space<vmem>>, vector<16xf32>,
    %swap3A_2375 = vector.shape_cast %swap3A_2374 : vector<16xf32> to vector<16xf32>
    %swap3A_2376 = vector.shape_cast %mul3A_2372 : vector<16xf32> to vector<16xf32>
    tpu.vector_store %arg8[%swap3A_2373], %swap3A_2376 {strides = array<i32>} : memref<320xf32, #tpu.memory_space<vmem>>, vector<16xf32>,
    %get3A_2377 = arith.constant 192 : index
    %get3A_2378 = tpu.vector_load %arg8[%get3A_2377] {strides = array<i32>} : memref<320xf32, #tpu.memory_space<vmem>>, vector<16xf32>,
    %get3A_2379 = vector.shape_cast %get3A_2378 : vector<16xf32> to vector<16xf32>
    %add3A_2380 = arith.constant 1.000000e+00 : f32
    %add3A_2381 = vector.broadcast %add3A_2380 : f32 to vector<16xf32>
    %add3A_2382 = arith.addf %get3A_2379, %add3A_2381 : vector<16xf32>
    %div3A_2383 = arith.constant 1.000000e+00 : f32
    %div3A_2384 = vector.broadcast %div3A_2383 : f32 to vector<16xf32>
    %div3A_2385 = arith.divf %div3A_2384, %add3A_2382 : vector<16xf32>
    %mul3A_2386 = arith.constant 5.000000e-01 : f32
    %mul3A_2387 = vector.broadcast %mul3A_2386 : f32 to vector<16xf32>
    %mul3A_2388 = arith.mulf %mul3A_2387, %add3A_2382 : vector<16xf32>
    %mul3A_2389 = arith.mulf %mul3A_2388, %div3A_2385 : vector<16xf32>
    %mul3A_2390 = arith.mulf %mul3A_2389, %div3A_2385 : vector<16xf32>
    %sub3A_2391 = arith.constant 1.500000e+00 : f32
    %sub3A_2392 = vector.broadcast %sub3A_2391 : f32 to vector<16xf32>
    %sub3A_2393 = arith.subf %sub3A_2392, %mul3A_2390 : vector<16xf32>
    %mul3A_2394 = arith.mulf %div3A_2385, %sub3A_2393 : vector<16xf32>
    %mul3A_2395 = arith.mulf %mul3A_2388, %mul3A_2394 : vector<16xf32>
    %mul3A_2396 = arith.mulf %mul3A_2395, %mul3A_2394 : vector<16xf32>
    %sub3A_2397 = arith.constant 1.500000e+00 : f32
    %sub3A_2398 = vector.broadcast %sub3A_2397 : f32 to vector<16xf32>
    %sub3A_2399 = arith.subf %sub3A_2398, %mul3A_2396 : vector<16xf32>
    %mul3A_2400 = arith.mulf %mul3A_2394, %sub3A_2399 : vector<16xf32>
    %mul3A_2401 = arith.mulf %mul3A_2388, %mul3A_2400 : vector<16xf32>
    %mul3A_2402 = arith.mulf %mul3A_2401, %mul3A_2400 : vector<16xf32>
    %sub3A_2403 = arith.constant 1.500000e+00 : f32
    %sub3A_2404 = vector.broadcast %sub3A_2403 : f32 to vector<16xf32>
    %sub3A_2405 = arith.subf %sub3A_2404, %mul3A_2402 : vector<16xf32>
    %mul3A_2406 = arith.mulf %mul3A_2400, %sub3A_2405 : vector<16xf32>
    %mul3A_2407 = arith.mulf %mul3A_2388, %mul3A_2406 : vector<16xf32>
    %mul3A_2408 = arith.mulf %mul3A_2407, %mul3A_2406 : vector<16xf32>
    %sub3A_2409 = arith.constant 1.500000e+00 : f32
    %sub3A_2410 = vector.broadcast %sub3A_2409 : f32 to vector<16xf32>
    %sub3A_2411 = arith.subf %sub3A_2410, %mul3A_2408 : vector<16xf32>
    %mul3A_2412 = arith.mulf %mul3A_2406, %sub3A_2411 : vector<16xf32>
    %mul3A_2413 = arith.mulf %mul3A_2388, %mul3A_2412 : vector<16xf32>
    %mul3A_2414 = arith.mulf %mul3A_2413, %mul3A_2412 : vector<16xf32>
    %sub3A_2415 = arith.constant 1.500000e+00 : f32
    %sub3A_2416 = vector.broadcast %sub3A_2415 : f32 to vector<16xf32>
    %sub3A_2417 = arith.subf %sub3A_2416, %mul3A_2414 : vector<16xf32>
    %mul3A_2418 = arith.mulf %mul3A_2412, %sub3A_2417 : vector<16xf32>
    %mul3A_2419 = arith.mulf %mul3A_2388, %mul3A_2418 : vector<16xf32>
    %mul3A_2420 = arith.mulf %mul3A_2419, %mul3A_2418 : vector<16xf32>
    %sub3A_2421 = arith.constant 1.500000e+00 : f32
    %sub3A_2422 = vector.broadcast %sub3A_2421 : f32 to vector<16xf32>
    %sub3A_2423 = arith.subf %sub3A_2422, %mul3A_2420 : vector<16xf32>
    %mul3A_2424 = arith.mulf %mul3A_2418, %sub3A_2423 : vector<16xf32>
    %mul3A_2425 = arith.mulf %mul3A_2388, %mul3A_2424 : vector<16xf32>
    %mul3A_2426 = arith.mulf %mul3A_2425, %mul3A_2424 : vector<16xf32>
    %sub3A_2427 = arith.constant 1.500000e+00 : f32
    %sub3A_2428 = vector.broadcast %sub3A_2427 : f32 to vector<16xf32>
    %sub3A_2429 = arith.subf %sub3A_2428, %mul3A_2426 : vector<16xf32>
    %mul3A_2430 = arith.mulf %mul3A_2424, %sub3A_2429 : vector<16xf32>
    %mul3A_2431 = arith.mulf %mul3A_2388, %mul3A_2430 : vector<16xf32>
    %mul3A_2432 = arith.mulf %mul3A_2431, %mul3A_2430 : vector<16xf32>
    %sub3A_2433 = arith.constant 1.500000e+00 : f32
    %sub3A_2434 = vector.broadcast %sub3A_2433 : f32 to vector<16xf32>
    %sub3A_2435 = arith.subf %sub3A_2434, %mul3A_2432 : vector<16xf32>
    %mul3A_2436 = arith.mulf %mul3A_2430, %sub3A_2435 : vector<16xf32>
    %mul3A_2437 = arith.mulf %mul3A_2388, %mul3A_2436 : vector<16xf32>
    %mul3A_2438 = arith.mulf %mul3A_2437, %mul3A_2436 : vector<16xf32>
    %sub3A_2439 = arith.constant 1.500000e+00 : f32
    %sub3A_2440 = vector.broadcast %sub3A_2439 : f32 to vector<16xf32>
    %sub3A_2441 = arith.subf %sub3A_2440, %mul3A_2438 : vector<16xf32>
    %mul3A_2442 = arith.mulf %mul3A_2436, %sub3A_2441 : vector<16xf32>
    %mul3A_2443 = arith.mulf %mul3A_2388, %mul3A_2442 : vector<16xf32>
    %mul3A_2444 = arith.mulf %mul3A_2443, %mul3A_2442 : vector<16xf32>
    %sub3A_2445 = arith.constant 1.500000e+00 : f32
    %sub3A_2446 = vector.broadcast %sub3A_2445 : f32 to vector<16xf32>
    %sub3A_2447 = arith.subf %sub3A_2446, %mul3A_2444 : vector<16xf32>
    %mul3A_2448 = arith.mulf %mul3A_2442, %sub3A_2447 : vector<16xf32>
    %mul3A_2449 = arith.mulf %mul3A_2388, %mul3A_2448 : vector<16xf32>
    %mul3A_2450 = arith.mulf %mul3A_2449, %mul3A_2448 : vector<16xf32>
    %sub3A_2451 = arith.constant 1.500000e+00 : f32
    %sub3A_2452 = vector.broadcast %sub3A_2451 : f32 to vector<16xf32>
    %sub3A_2453 = arith.subf %sub3A_2452, %mul3A_2450 : vector<16xf32>
    %mul3A_2454 = arith.mulf %mul3A_2448, %sub3A_2453 : vector<16xf32>
    %mul3A_2455 = arith.mulf %mul3A_2388, %mul3A_2454 : vector<16xf32>
    %mul3A_2456 = arith.mulf %mul3A_2455, %mul3A_2454 : vector<16xf32>
    %sub3A_2457 = arith.constant 1.500000e+00 : f32
    %sub3A_2458 = vector.broadcast %sub3A_2457 : f32 to vector<16xf32>
    %sub3A_2459 = arith.subf %sub3A_2458, %mul3A_2456 : vector<16xf32>
    %mul3A_2460 = arith.mulf %mul3A_2454, %sub3A_2459 : vector<16xf32>
    %mul3A_2461 = arith.mulf %mul3A_2388, %mul3A_2460 : vector<16xf32>
    %mul3A_2462 = arith.mulf %mul3A_2461, %mul3A_2460 : vector<16xf32>
    %sub3A_2463 = arith.constant 1.500000e+00 : f32
    %sub3A_2464 = vector.broadcast %sub3A_2463 : f32 to vector<16xf32>
    %sub3A_2465 = arith.subf %sub3A_2464, %mul3A_2462 : vector<16xf32>
    %mul3A_2466 = arith.mulf %mul3A_2460, %sub3A_2465 : vector<16xf32>
    %mul3A_2467 = arith.mulf %mul3A_2388, %mul3A_2466 : vector<16xf32>
    %mul3A_2468 = arith.mulf %mul3A_2467, %mul3A_2466 : vector<16xf32>
    %sub3A_2469 = arith.constant 1.500000e+00 : f32
    %sub3A_2470 = vector.broadcast %sub3A_2469 : f32 to vector<16xf32>
    %sub3A_2471 = arith.subf %sub3A_2470, %mul3A_2468 : vector<16xf32>
    %mul3A_2472 = arith.mulf %mul3A_2466, %sub3A_2471 : vector<16xf32>
    %mul3A_2473 = arith.mulf %mul3A_2388, %mul3A_2472 : vector<16xf32>
    %mul3A_2474 = arith.mulf %mul3A_2473, %mul3A_2472 : vector<16xf32>
    %sub3A_2475 = arith.constant 1.500000e+00 : f32
    %sub3A_2476 = vector.broadcast %sub3A_2475 : f32 to vector<16xf32>
    %sub3A_2477 = arith.subf %sub3A_2476, %mul3A_2474 : vector<16xf32>
    %mul3A_2478 = arith.mulf %mul3A_2472, %sub3A_2477 : vector<16xf32>
    %mul3A_2479 = arith.mulf %mul3A_2388, %mul3A_2478 : vector<16xf32>
    %mul3A_2480 = arith.mulf %mul3A_2479, %mul3A_2478 : vector<16xf32>
    %sub3A_2481 = arith.constant 1.500000e+00 : f32
    %sub3A_2482 = vector.broadcast %sub3A_2481 : f32 to vector<16xf32>
    %sub3A_2483 = arith.subf %sub3A_2482, %mul3A_2480 : vector<16xf32>
    %mul3A_2484 = arith.mulf %mul3A_2478, %sub3A_2483 : vector<16xf32>
    %mul3A_2485 = arith.mulf %mul3A_2388, %mul3A_2484 : vector<16xf32>
    %mul3A_2486 = arith.mulf %mul3A_2485, %mul3A_2484 : vector<16xf32>
    %sub3A_2487 = arith.constant 1.500000e+00 : f32
    %sub3A_2488 = vector.broadcast %sub3A_2487 : f32 to vector<16xf32>
    %sub3A_2489 = arith.subf %sub3A_2488, %mul3A_2486 : vector<16xf32>
    %mul3A_2490 = arith.mulf %mul3A_2484, %sub3A_2489 : vector<16xf32>
    %mul3A_2491 = arith.mulf %mul3A_2388, %mul3A_2490 : vector<16xf32>
    %mul3A_2492 = arith.mulf %mul3A_2491, %mul3A_2490 : vector<16xf32>
    %sub3A_2493 = arith.constant 1.500000e+00 : f32
    %sub3A_2494 = vector.broadcast %sub3A_2493 : f32 to vector<16xf32>
    %sub3A_2495 = arith.subf %sub3A_2494, %mul3A_2492 : vector<16xf32>
    %mul3A_2496 = arith.mulf %mul3A_2490, %sub3A_2495 : vector<16xf32>
    %mul3A_2497 = arith.mulf %mul3A_2388, %mul3A_2496 : vector<16xf32>
    %mul3A_2498 = arith.mulf %mul3A_2497, %mul3A_2496 : vector<16xf32>
    %sub3A_2499 = arith.constant 1.500000e+00 : f32
    %sub3A_2500 = vector.broadcast %sub3A_2499 : f32 to vector<16xf32>
    %sub3A_2501 = arith.subf %sub3A_2500, %mul3A_2498 : vector<16xf32>
    %mul3A_2502 = arith.mulf %mul3A_2496, %sub3A_2501 : vector<16xf32>
    %mul3A_2503 = arith.mulf %mul3A_2388, %mul3A_2502 : vector<16xf32>
    %mul3A_2504 = arith.mulf %mul3A_2503, %mul3A_2502 : vector<16xf32>
    %sub3A_2505 = arith.constant 1.500000e+00 : f32
    %sub3A_2506 = vector.broadcast %sub3A_2505 : f32 to vector<16xf32>
    %sub3A_2507 = arith.subf %sub3A_2506, %mul3A_2504 : vector<16xf32>
    %mul3A_2508 = arith.mulf %mul3A_2502, %sub3A_2507 : vector<16xf32>
    %mul3A_2509 = arith.mulf %mul3A_2388, %mul3A_2508 : vector<16xf32>
    %mul3A_2510 = arith.mulf %mul3A_2509, %mul3A_2508 : vector<16xf32>
    %sub3A_2511 = arith.constant 1.500000e+00 : f32
    %sub3A_2512 = vector.broadcast %sub3A_2511 : f32 to vector<16xf32>
    %sub3A_2513 = arith.subf %sub3A_2512, %mul3A_2510 : vector<16xf32>
    %mul3A_2514 = arith.mulf %mul3A_2508, %sub3A_2513 : vector<16xf32>
    %mul3A_2515 = arith.mulf %mul3A_2388, %mul3A_2514 : vector<16xf32>
    %mul3A_2516 = arith.mulf %mul3A_2515, %mul3A_2514 : vector<16xf32>
    %sub3A_2517 = arith.constant 1.500000e+00 : f32
    %sub3A_2518 = vector.broadcast %sub3A_2517 : f32 to vector<16xf32>
    %sub3A_2519 = arith.subf %sub3A_2518, %mul3A_2516 : vector<16xf32>
    %mul3A_2520 = arith.mulf %mul3A_2514, %sub3A_2519 : vector<16xf32>
    %mul3A_2521 = arith.mulf %mul3A_2388, %mul3A_2520 : vector<16xf32>
    %mul3A_2522 = arith.mulf %mul3A_2521, %mul3A_2520 : vector<16xf32>
    %sub3A_2523 = arith.constant 1.500000e+00 : f32
    %sub3A_2524 = vector.broadcast %sub3A_2523 : f32 to vector<16xf32>
    %sub3A_2525 = arith.subf %sub3A_2524, %mul3A_2522 : vector<16xf32>
    %mul3A_2526 = arith.mulf %mul3A_2520, %sub3A_2525 : vector<16xf32>
    %mul3A_2527 = arith.mulf %mul3A_2388, %mul3A_2526 : vector<16xf32>
    %mul3A_2528 = arith.mulf %mul3A_2527, %mul3A_2526 : vector<16xf32>
    %sub3A_2529 = arith.constant 1.500000e+00 : f32
    %sub3A_2530 = vector.broadcast %sub3A_2529 : f32 to vector<16xf32>
    %sub3A_2531 = arith.subf %sub3A_2530, %mul3A_2528 : vector<16xf32>
    %mul3A_2532 = arith.mulf %mul3A_2526, %sub3A_2531 : vector<16xf32>
    %mul3A_2533 = arith.mulf %mul3A_2388, %mul3A_2532 : vector<16xf32>
    %mul3A_2534 = arith.mulf %mul3A_2533, %mul3A_2532 : vector<16xf32>
    %sub3A_2535 = arith.constant 1.500000e+00 : f32
    %sub3A_2536 = vector.broadcast %sub3A_2535 : f32 to vector<16xf32>
    %sub3A_2537 = arith.subf %sub3A_2536, %mul3A_2534 : vector<16xf32>
    %mul3A_2538 = arith.mulf %mul3A_2532, %sub3A_2537 : vector<16xf32>
    %mul3A_2539 = arith.mulf %mul3A_2388, %mul3A_2538 : vector<16xf32>
    %mul3A_2540 = arith.mulf %mul3A_2539, %mul3A_2538 : vector<16xf32>
    %sub3A_2541 = arith.constant 1.500000e+00 : f32
    %sub3A_2542 = vector.broadcast %sub3A_2541 : f32 to vector<16xf32>
    %sub3A_2543 = arith.subf %sub3A_2542, %mul3A_2540 : vector<16xf32>
    %mul3A_2544 = arith.mulf %mul3A_2538, %sub3A_2543 : vector<16xf32>
    %swap3A_2545 = arith.constant 192 : index
    %swap3A_2546 = tpu.vector_load %arg8[%swap3A_2545] {strides = array<i32>} : memref<320xf32, #tpu.memory_space<vmem>>, vector<16xf32>,
    %swap3A_2547 = vector.shape_cast %swap3A_2546 : vector<16xf32> to vector<16xf32>
    %swap3A_2548 = vector.shape_cast %mul3A_2544 : vector<16xf32> to vector<16xf32>
    tpu.vector_store %arg8[%swap3A_2545], %swap3A_2548 {strides = array<i32>} : memref<320xf32, #tpu.memory_space<vmem>>, vector<16xf32>,
    %get3A_2549 = arith.constant 208 : index
    %get3A_2550 = tpu.vector_load %arg8[%get3A_2549] {strides = array<i32>} : memref<320xf32, #tpu.memory_space<vmem>>, vector<16xf32>,
    %get3A_2551 = vector.shape_cast %get3A_2550 : vector<16xf32> to vector<16xf32>
    %add3A_2552 = arith.constant 1.000000e+00 : f32
    %add3A_2553 = vector.broadcast %add3A_2552 : f32 to vector<16xf32>
    %add3A_2554 = arith.addf %get3A_2551, %add3A_2553 : vector<16xf32>
    %div3A_2555 = arith.constant 1.000000e+00 : f32
    %div3A_2556 = vector.broadcast %div3A_2555 : f32 to vector<16xf32>
    %div3A_2557 = arith.divf %div3A_2556, %add3A_2554 : vector<16xf32>
    %mul3A_2558 = arith.constant 5.000000e-01 : f32
    %mul3A_2559 = vector.broadcast %mul3A_2558 : f32 to vector<16xf32>
    %mul3A_2560 = arith.mulf %mul3A_2559, %add3A_2554 : vector<16xf32>
    %mul3A_2561 = arith.mulf %mul3A_2560, %div3A_2557 : vector<16xf32>
    %mul3A_2562 = arith.mulf %mul3A_2561, %div3A_2557 : vector<16xf32>
    %sub3A_2563 = arith.constant 1.500000e+00 : f32
    %sub3A_2564 = vector.broadcast %sub3A_2563 : f32 to vector<16xf32>
    %sub3A_2565 = arith.subf %sub3A_2564, %mul3A_2562 : vector<16xf32>
    %mul3A_2566 = arith.mulf %div3A_2557, %sub3A_2565 : vector<16xf32>
    %mul3A_2567 = arith.mulf %mul3A_2560, %mul3A_2566 : vector<16xf32>
    %mul3A_2568 = arith.mulf %mul3A_2567, %mul3A_2566 : vector<16xf32>
    %sub3A_2569 = arith.constant 1.500000e+00 : f32
    %sub3A_2570 = vector.broadcast %sub3A_2569 : f32 to vector<16xf32>
    %sub3A_2571 = arith.subf %sub3A_2570, %mul3A_2568 : vector<16xf32>
    %mul3A_2572 = arith.mulf %mul3A_2566, %sub3A_2571 : vector<16xf32>
    %mul3A_2573 = arith.mulf %mul3A_2560, %mul3A_2572 : vector<16xf32>
    %mul3A_2574 = arith.mulf %mul3A_2573, %mul3A_2572 : vector<16xf32>
    %sub3A_2575 = arith.constant 1.500000e+00 : f32
    %sub3A_2576 = vector.broadcast %sub3A_2575 : f32 to vector<16xf32>
    %sub3A_2577 = arith.subf %sub3A_2576, %mul3A_2574 : vector<16xf32>
    %mul3A_2578 = arith.mulf %mul3A_2572, %sub3A_2577 : vector<16xf32>
    %mul3A_2579 = arith.mulf %mul3A_2560, %mul3A_2578 : vector<16xf32>
    %mul3A_2580 = arith.mulf %mul3A_2579, %mul3A_2578 : vector<16xf32>
    %sub3A_2581 = arith.constant 1.500000e+00 : f32
    %sub3A_2582 = vector.broadcast %sub3A_2581 : f32 to vector<16xf32>
    %sub3A_2583 = arith.subf %sub3A_2582, %mul3A_2580 : vector<16xf32>
    %mul3A_2584 = arith.mulf %mul3A_2578, %sub3A_2583 : vector<16xf32>
    %mul3A_2585 = arith.mulf %mul3A_2560, %mul3A_2584 : vector<16xf32>
    %mul3A_2586 = arith.mulf %mul3A_2585, %mul3A_2584 : vector<16xf32>
    %sub3A_2587 = arith.constant 1.500000e+00 : f32
    %sub3A_2588 = vector.broadcast %sub3A_2587 : f32 to vector<16xf32>
    %sub3A_2589 = arith.subf %sub3A_2588, %mul3A_2586 : vector<16xf32>
    %mul3A_2590 = arith.mulf %mul3A_2584, %sub3A_2589 : vector<16xf32>
    %mul3A_2591 = arith.mulf %mul3A_2560, %mul3A_2590 : vector<16xf32>
    %mul3A_2592 = arith.mulf %mul3A_2591, %mul3A_2590 : vector<16xf32>
    %sub3A_2593 = arith.constant 1.500000e+00 : f32
    %sub3A_2594 = vector.broadcast %sub3A_2593 : f32 to vector<16xf32>
    %sub3A_2595 = arith.subf %sub3A_2594, %mul3A_2592 : vector<16xf32>
    %mul3A_2596 = arith.mulf %mul3A_2590, %sub3A_2595 : vector<16xf32>
    %mul3A_2597 = arith.mulf %mul3A_2560, %mul3A_2596 : vector<16xf32>
    %mul3A_2598 = arith.mulf %mul3A_2597, %mul3A_2596 : vector<16xf32>
    %sub3A_2599 = arith.constant 1.500000e+00 : f32
    %sub3A_2600 = vector.broadcast %sub3A_2599 : f32 to vector<16xf32>
    %sub3A_2601 = arith.subf %sub3A_2600, %mul3A_2598 : vector<16xf32>
    %mul3A_2602 = arith.mulf %mul3A_2596, %sub3A_2601 : vector<16xf32>
    %mul3A_2603 = arith.mulf %mul3A_2560, %mul3A_2602 : vector<16xf32>
    %mul3A_2604 = arith.mulf %mul3A_2603, %mul3A_2602 : vector<16xf32>
    %sub3A_2605 = arith.constant 1.500000e+00 : f32
    %sub3A_2606 = vector.broadcast %sub3A_2605 : f32 to vector<16xf32>
    %sub3A_2607 = arith.subf %sub3A_2606, %mul3A_2604 : vector<16xf32>
    %mul3A_2608 = arith.mulf %mul3A_2602, %sub3A_2607 : vector<16xf32>
    %mul3A_2609 = arith.mulf %mul3A_2560, %mul3A_2608 : vector<16xf32>
    %mul3A_2610 = arith.mulf %mul3A_2609, %mul3A_2608 : vector<16xf32>
    %sub3A_2611 = arith.constant 1.500000e+00 : f32
    %sub3A_2612 = vector.broadcast %sub3A_2611 : f32 to vector<16xf32>
    %sub3A_2613 = arith.subf %sub3A_2612, %mul3A_2610 : vector<16xf32>
    %mul3A_2614 = arith.mulf %mul3A_2608, %sub3A_2613 : vector<16xf32>
    %mul3A_2615 = arith.mulf %mul3A_2560, %mul3A_2614 : vector<16xf32>
    %mul3A_2616 = arith.mulf %mul3A_2615, %mul3A_2614 : vector<16xf32>
    %sub3A_2617 = arith.constant 1.500000e+00 : f32
    %sub3A_2618 = vector.broadcast %sub3A_2617 : f32 to vector<16xf32>
    %sub3A_2619 = arith.subf %sub3A_2618, %mul3A_2616 : vector<16xf32>
    %mul3A_2620 = arith.mulf %mul3A_2614, %sub3A_2619 : vector<16xf32>
    %mul3A_2621 = arith.mulf %mul3A_2560, %mul3A_2620 : vector<16xf32>
    %mul3A_2622 = arith.mulf %mul3A_2621, %mul3A_2620 : vector<16xf32>
    %sub3A_2623 = arith.constant 1.500000e+00 : f32
    %sub3A_2624 = vector.broadcast %sub3A_2623 : f32 to vector<16xf32>
    %sub3A_2625 = arith.subf %sub3A_2624, %mul3A_2622 : vector<16xf32>
    %mul3A_2626 = arith.mulf %mul3A_2620, %sub3A_2625 : vector<16xf32>
    %mul3A_2627 = arith.mulf %mul3A_2560, %mul3A_2626 : vector<16xf32>
    %mul3A_2628 = arith.mulf %mul3A_2627, %mul3A_2626 : vector<16xf32>
    %sub3A_2629 = arith.constant 1.500000e+00 : f32
    %sub3A_2630 = vector.broadcast %sub3A_2629 : f32 to vector<16xf32>
    %sub3A_2631 = arith.subf %sub3A_2630, %mul3A_2628 : vector<16xf32>
    %mul3A_2632 = arith.mulf %mul3A_2626, %sub3A_2631 : vector<16xf32>
    %mul3A_2633 = arith.mulf %mul3A_2560, %mul3A_2632 : vector<16xf32>
    %mul3A_2634 = arith.mulf %mul3A_2633, %mul3A_2632 : vector<16xf32>
    %sub3A_2635 = arith.constant 1.500000e+00 : f32
    %sub3A_2636 = vector.broadcast %sub3A_2635 : f32 to vector<16xf32>
    %sub3A_2637 = arith.subf %sub3A_2636, %mul3A_2634 : vector<16xf32>
    %mul3A_2638 = arith.mulf %mul3A_2632, %sub3A_2637 : vector<16xf32>
    %mul3A_2639 = arith.mulf %mul3A_2560, %mul3A_2638 : vector<16xf32>
    %mul3A_2640 = arith.mulf %mul3A_2639, %mul3A_2638 : vector<16xf32>
    %sub3A_2641 = arith.constant 1.500000e+00 : f32
    %sub3A_2642 = vector.broadcast %sub3A_2641 : f32 to vector<16xf32>
    %sub3A_2643 = arith.subf %sub3A_2642, %mul3A_2640 : vector<16xf32>
    %mul3A_2644 = arith.mulf %mul3A_2638, %sub3A_2643 : vector<16xf32>
    %mul3A_2645 = arith.mulf %mul3A_2560, %mul3A_2644 : vector<16xf32>
    %mul3A_2646 = arith.mulf %mul3A_2645, %mul3A_2644 : vector<16xf32>
    %sub3A_2647 = arith.constant 1.500000e+00 : f32
    %sub3A_2648 = vector.broadcast %sub3A_2647 : f32 to vector<16xf32>
    %sub3A_2649 = arith.subf %sub3A_2648, %mul3A_2646 : vector<16xf32>
    %mul3A_2650 = arith.mulf %mul3A_2644, %sub3A_2649 : vector<16xf32>
    %mul3A_2651 = arith.mulf %mul3A_2560, %mul3A_2650 : vector<16xf32>
    %mul3A_2652 = arith.mulf %mul3A_2651, %mul3A_2650 : vector<16xf32>
    %sub3A_2653 = arith.constant 1.500000e+00 : f32
    %sub3A_2654 = vector.broadcast %sub3A_2653 : f32 to vector<16xf32>
    %sub3A_2655 = arith.subf %sub3A_2654, %mul3A_2652 : vector<16xf32>
    %mul3A_2656 = arith.mulf %mul3A_2650, %sub3A_2655 : vector<16xf32>
    %mul3A_2657 = arith.mulf %mul3A_2560, %mul3A_2656 : vector<16xf32>
    %mul3A_2658 = arith.mulf %mul3A_2657, %mul3A_2656 : vector<16xf32>
    %sub3A_2659 = arith.constant 1.500000e+00 : f32
    %sub3A_2660 = vector.broadcast %sub3A_2659 : f32 to vector<16xf32>
    %sub3A_2661 = arith.subf %sub3A_2660, %mul3A_2658 : vector<16xf32>
    %mul3A_2662 = arith.mulf %mul3A_2656, %sub3A_2661 : vector<16xf32>
    %mul3A_2663 = arith.mulf %mul3A_2560, %mul3A_2662 : vector<16xf32>
    %mul3A_2664 = arith.mulf %mul3A_2663, %mul3A_2662 : vector<16xf32>
    %sub3A_2665 = arith.constant 1.500000e+00 : f32
    %sub3A_2666 = vector.broadcast %sub3A_2665 : f32 to vector<16xf32>
    %sub3A_2667 = arith.subf %sub3A_2666, %mul3A_2664 : vector<16xf32>
    %mul3A_2668 = arith.mulf %mul3A_2662, %sub3A_2667 : vector<16xf32>
    %mul3A_2669 = arith.mulf %mul3A_2560, %mul3A_2668 : vector<16xf32>
    %mul3A_2670 = arith.mulf %mul3A_2669, %mul3A_2668 : vector<16xf32>
    %sub3A_2671 = arith.constant 1.500000e+00 : f32
    %sub3A_2672 = vector.broadcast %sub3A_2671 : f32 to vector<16xf32>
    %sub3A_2673 = arith.subf %sub3A_2672, %mul3A_2670 : vector<16xf32>
    %mul3A_2674 = arith.mulf %mul3A_2668, %sub3A_2673 : vector<16xf32>
    %mul3A_2675 = arith.mulf %mul3A_2560, %mul3A_2674 : vector<16xf32>
    %mul3A_2676 = arith.mulf %mul3A_2675, %mul3A_2674 : vector<16xf32>
    %sub3A_2677 = arith.constant 1.500000e+00 : f32
    %sub3A_2678 = vector.broadcast %sub3A_2677 : f32 to vector<16xf32>
    %sub3A_2679 = arith.subf %sub3A_2678, %mul3A_2676 : vector<16xf32>
    %mul3A_2680 = arith.mulf %mul3A_2674, %sub3A_2679 : vector<16xf32>
    %mul3A_2681 = arith.mulf %mul3A_2560, %mul3A_2680 : vector<16xf32>
    %mul3A_2682 = arith.mulf %mul3A_2681, %mul3A_2680 : vector<16xf32>
    %sub3A_2683 = arith.constant 1.500000e+00 : f32
    %sub3A_2684 = vector.broadcast %sub3A_2683 : f32 to vector<16xf32>
    %sub3A_2685 = arith.subf %sub3A_2684, %mul3A_2682 : vector<16xf32>
    %mul3A_2686 = arith.mulf %mul3A_2680, %sub3A_2685 : vector<16xf32>
    %mul3A_2687 = arith.mulf %mul3A_2560, %mul3A_2686 : vector<16xf32>
    %mul3A_2688 = arith.mulf %mul3A_2687, %mul3A_2686 : vector<16xf32>
    %sub3A_2689 = arith.constant 1.500000e+00 : f32
    %sub3A_2690 = vector.broadcast %sub3A_2689 : f32 to vector<16xf32>
    %sub3A_2691 = arith.subf %sub3A_2690, %mul3A_2688 : vector<16xf32>
    %mul3A_2692 = arith.mulf %mul3A_2686, %sub3A_2691 : vector<16xf32>
    %mul3A_2693 = arith.mulf %mul3A_2560, %mul3A_2692 : vector<16xf32>
    %mul3A_2694 = arith.mulf %mul3A_2693, %mul3A_2692 : vector<16xf32>
    %sub3A_2695 = arith.constant 1.500000e+00 : f32
    %sub3A_2696 = vector.broadcast %sub3A_2695 : f32 to vector<16xf32>
    %sub3A_2697 = arith.subf %sub3A_2696, %mul3A_2694 : vector<16xf32>
    %mul3A_2698 = arith.mulf %mul3A_2692, %sub3A_2697 : vector<16xf32>
    %mul3A_2699 = arith.mulf %mul3A_2560, %mul3A_2698 : vector<16xf32>
    %mul3A_2700 = arith.mulf %mul3A_2699, %mul3A_2698 : vector<16xf32>
    %sub3A_2701 = arith.constant 1.500000e+00 : f32
    %sub3A_2702 = vector.broadcast %sub3A_2701 : f32 to vector<16xf32>
    %sub3A_2703 = arith.subf %sub3A_2702, %mul3A_2700 : vector<16xf32>
    %mul3A_2704 = arith.mulf %mul3A_2698, %sub3A_2703 : vector<16xf32>
    %mul3A_2705 = arith.mulf %mul3A_2560, %mul3A_2704 : vector<16xf32>
    %mul3A_2706 = arith.mulf %mul3A_2705, %mul3A_2704 : vector<16xf32>
    %sub3A_2707 = arith.constant 1.500000e+00 : f32
    %sub3A_2708 = vector.broadcast %sub3A_2707 : f32 to vector<16xf32>
    %sub3A_2709 = arith.subf %sub3A_2708, %mul3A_2706 : vector<16xf32>
    %mul3A_2710 = arith.mulf %mul3A_2704, %sub3A_2709 : vector<16xf32>
    %mul3A_2711 = arith.mulf %mul3A_2560, %mul3A_2710 : vector<16xf32>
    %mul3A_2712 = arith.mulf %mul3A_2711, %mul3A_2710 : vector<16xf32>
    %sub3A_2713 = arith.constant 1.500000e+00 : f32
    %sub3A_2714 = vector.broadcast %sub3A_2713 : f32 to vector<16xf32>
    %sub3A_2715 = arith.subf %sub3A_2714, %mul3A_2712 : vector<16xf32>
    %mul3A_2716 = arith.mulf %mul3A_2710, %sub3A_2715 : vector<16xf32>
    %swap3A_2717 = arith.constant 208 : index
    %swap3A_2718 = tpu.vector_load %arg8[%swap3A_2717] {strides = array<i32>} : memref<320xf32, #tpu.memory_space<vmem>>, vector<16xf32>,
    %swap3A_2719 = vector.shape_cast %swap3A_2718 : vector<16xf32> to vector<16xf32>
    %swap3A_2720 = vector.shape_cast %mul3A_2716 : vector<16xf32> to vector<16xf32>
    tpu.vector_store %arg8[%swap3A_2717], %swap3A_2720 {strides = array<i32>} : memref<320xf32, #tpu.memory_space<vmem>>, vector<16xf32>,
    %get3A_2721 = arith.constant 224 : index
    %get3A_2722 = tpu.vector_load %arg8[%get3A_2721] {strides = array<i32>} : memref<320xf32, #tpu.memory_space<vmem>>, vector<16xf32>,
    %get3A_2723 = vector.shape_cast %get3A_2722 : vector<16xf32> to vector<16xf32>
    %add3A_2724 = arith.constant 1.000000e+00 : f32
    %add3A_2725 = vector.broadcast %add3A_2724 : f32 to vector<16xf32>
    %add3A_2726 = arith.addf %get3A_2723, %add3A_2725 : vector<16xf32>
    %div3A_2727 = arith.constant 1.000000e+00 : f32
    %div3A_2728 = vector.broadcast %div3A_2727 : f32 to vector<16xf32>
    %div3A_2729 = arith.divf %div3A_2728, %add3A_2726 : vector<16xf32>
    %mul3A_2730 = arith.constant 5.000000e-01 : f32
    %mul3A_2731 = vector.broadcast %mul3A_2730 : f32 to vector<16xf32>
    %mul3A_2732 = arith.mulf %mul3A_2731, %add3A_2726 : vector<16xf32>
    %mul3A_2733 = arith.mulf %mul3A_2732, %div3A_2729 : vector<16xf32>
    %mul3A_2734 = arith.mulf %mul3A_2733, %div3A_2729 : vector<16xf32>
    %sub3A_2735 = arith.constant 1.500000e+00 : f32
    %sub3A_2736 = vector.broadcast %sub3A_2735 : f32 to vector<16xf32>
    %sub3A_2737 = arith.subf %sub3A_2736, %mul3A_2734 : vector<16xf32>
    %mul3A_2738 = arith.mulf %div3A_2729, %sub3A_2737 : vector<16xf32>
    %mul3A_2739 = arith.mulf %mul3A_2732, %mul3A_2738 : vector<16xf32>
    %mul3A_2740 = arith.mulf %mul3A_2739, %mul3A_2738 : vector<16xf32>
    %sub3A_2741 = arith.constant 1.500000e+00 : f32
    %sub3A_2742 = vector.broadcast %sub3A_2741 : f32 to vector<16xf32>
    %sub3A_2743 = arith.subf %sub3A_2742, %mul3A_2740 : vector<16xf32>
    %mul3A_2744 = arith.mulf %mul3A_2738, %sub3A_2743 : vector<16xf32>
    %mul3A_2745 = arith.mulf %mul3A_2732, %mul3A_2744 : vector<16xf32>
    %mul3A_2746 = arith.mulf %mul3A_2745, %mul3A_2744 : vector<16xf32>
    %sub3A_2747 = arith.constant 1.500000e+00 : f32
    %sub3A_2748 = vector.broadcast %sub3A_2747 : f32 to vector<16xf32>
    %sub3A_2749 = arith.subf %sub3A_2748, %mul3A_2746 : vector<16xf32>
    %mul3A_2750 = arith.mulf %mul3A_2744, %sub3A_2749 : vector<16xf32>
    %mul3A_2751 = arith.mulf %mul3A_2732, %mul3A_2750 : vector<16xf32>
    %mul3A_2752 = arith.mulf %mul3A_2751, %mul3A_2750 : vector<16xf32>
    %sub3A_2753 = arith.constant 1.500000e+00 : f32
    %sub3A_2754 = vector.broadcast %sub3A_2753 : f32 to vector<16xf32>
    %sub3A_2755 = arith.subf %sub3A_2754, %mul3A_2752 : vector<16xf32>
    %mul3A_2756 = arith.mulf %mul3A_2750, %sub3A_2755 : vector<16xf32>
    %mul3A_2757 = arith.mulf %mul3A_2732, %mul3A_2756 : vector<16xf32>
    %mul3A_2758 = arith.mulf %mul3A_2757, %mul3A_2756 : vector<16xf32>
    %sub3A_2759 = arith.constant 1.500000e+00 : f32
    %sub3A_2760 = vector.broadcast %sub3A_2759 : f32 to vector<16xf32>
    %sub3A_2761 = arith.subf %sub3A_2760, %mul3A_2758 : vector<16xf32>
    %mul3A_2762 = arith.mulf %mul3A_2756, %sub3A_2761 : vector<16xf32>
    %mul3A_2763 = arith.mulf %mul3A_2732, %mul3A_2762 : vector<16xf32>
    %mul3A_2764 = arith.mulf %mul3A_2763, %mul3A_2762 : vector<16xf32>
    %sub3A_2765 = arith.constant 1.500000e+00 : f32
    %sub3A_2766 = vector.broadcast %sub3A_2765 : f32 to vector<16xf32>
    %sub3A_2767 = arith.subf %sub3A_2766, %mul3A_2764 : vector<16xf32>
    %mul3A_2768 = arith.mulf %mul3A_2762, %sub3A_2767 : vector<16xf32>
    %mul3A_2769 = arith.mulf %mul3A_2732, %mul3A_2768 : vector<16xf32>
    %mul3A_2770 = arith.mulf %mul3A_2769, %mul3A_2768 : vector<16xf32>
    %sub3A_2771 = arith.constant 1.500000e+00 : f32
    %sub3A_2772 = vector.broadcast %sub3A_2771 : f32 to vector<16xf32>
    %sub3A_2773 = arith.subf %sub3A_2772, %mul3A_2770 : vector<16xf32>
    %mul3A_2774 = arith.mulf %mul3A_2768, %sub3A_2773 : vector<16xf32>
    %mul3A_2775 = arith.mulf %mul3A_2732, %mul3A_2774 : vector<16xf32>
    %mul3A_2776 = arith.mulf %mul3A_2775, %mul3A_2774 : vector<16xf32>
    %sub3A_2777 = arith.constant 1.500000e+00 : f32
    %sub3A_2778 = vector.broadcast %sub3A_2777 : f32 to vector<16xf32>
    %sub3A_2779 = arith.subf %sub3A_2778, %mul3A_2776 : vector<16xf32>
    %mul3A_2780 = arith.mulf %mul3A_2774, %sub3A_2779 : vector<16xf32>
    %mul3A_2781 = arith.mulf %mul3A_2732, %mul3A_2780 : vector<16xf32>
    %mul3A_2782 = arith.mulf %mul3A_2781, %mul3A_2780 : vector<16xf32>
    %sub3A_2783 = arith.constant 1.500000e+00 : f32
    %sub3A_2784 = vector.broadcast %sub3A_2783 : f32 to vector<16xf32>
    %sub3A_2785 = arith.subf %sub3A_2784, %mul3A_2782 : vector<16xf32>
    %mul3A_2786 = arith.mulf %mul3A_2780, %sub3A_2785 : vector<16xf32>
    %mul3A_2787 = arith.mulf %mul3A_2732, %mul3A_2786 : vector<16xf32>
    %mul3A_2788 = arith.mulf %mul3A_2787, %mul3A_2786 : vector<16xf32>
    %sub3A_2789 = arith.constant 1.500000e+00 : f32
    %sub3A_2790 = vector.broadcast %sub3A_2789 : f32 to vector<16xf32>
    %sub3A_2791 = arith.subf %sub3A_2790, %mul3A_2788 : vector<16xf32>
    %mul3A_2792 = arith.mulf %mul3A_2786, %sub3A_2791 : vector<16xf32>
    %mul3A_2793 = arith.mulf %mul3A_2732, %mul3A_2792 : vector<16xf32>
    %mul3A_2794 = arith.mulf %mul3A_2793, %mul3A_2792 : vector<16xf32>
    %sub3A_2795 = arith.constant 1.500000e+00 : f32
    %sub3A_2796 = vector.broadcast %sub3A_2795 : f32 to vector<16xf32>
    %sub3A_2797 = arith.subf %sub3A_2796, %mul3A_2794 : vector<16xf32>
    %mul3A_2798 = arith.mulf %mul3A_2792, %sub3A_2797 : vector<16xf32>
    %mul3A_2799 = arith.mulf %mul3A_2732, %mul3A_2798 : vector<16xf32>
    %mul3A_2800 = arith.mulf %mul3A_2799, %mul3A_2798 : vector<16xf32>
    %sub3A_2801 = arith.constant 1.500000e+00 : f32
    %sub3A_2802 = vector.broadcast %sub3A_2801 : f32 to vector<16xf32>
    %sub3A_2803 = arith.subf %sub3A_2802, %mul3A_2800 : vector<16xf32>
    %mul3A_2804 = arith.mulf %mul3A_2798, %sub3A_2803 : vector<16xf32>
    %mul3A_2805 = arith.mulf %mul3A_2732, %mul3A_2804 : vector<16xf32>
    %mul3A_2806 = arith.mulf %mul3A_2805, %mul3A_2804 : vector<16xf32>
    %sub3A_2807 = arith.constant 1.500000e+00 : f32
    %sub3A_2808 = vector.broadcast %sub3A_2807 : f32 to vector<16xf32>
    %sub3A_2809 = arith.subf %sub3A_2808, %mul3A_2806 : vector<16xf32>
    %mul3A_2810 = arith.mulf %mul3A_2804, %sub3A_2809 : vector<16xf32>
    %mul3A_2811 = arith.mulf %mul3A_2732, %mul3A_2810 : vector<16xf32>
    %mul3A_2812 = arith.mulf %mul3A_2811, %mul3A_2810 : vector<16xf32>
    %sub3A_2813 = arith.constant 1.500000e+00 : f32
    %sub3A_2814 = vector.broadcast %sub3A_2813 : f32 to vector<16xf32>
    %sub3A_2815 = arith.subf %sub3A_2814, %mul3A_2812 : vector<16xf32>
    %mul3A_2816 = arith.mulf %mul3A_2810, %sub3A_2815 : vector<16xf32>
    %mul3A_2817 = arith.mulf %mul3A_2732, %mul3A_2816 : vector<16xf32>
    %mul3A_2818 = arith.mulf %mul3A_2817, %mul3A_2816 : vector<16xf32>
    %sub3A_2819 = arith.constant 1.500000e+00 : f32
    %sub3A_2820 = vector.broadcast %sub3A_2819 : f32 to vector<16xf32>
    %sub3A_2821 = arith.subf %sub3A_2820, %mul3A_2818 : vector<16xf32>
    %mul3A_2822 = arith.mulf %mul3A_2816, %sub3A_2821 : vector<16xf32>
    %mul3A_2823 = arith.mulf %mul3A_2732, %mul3A_2822 : vector<16xf32>
    %mul3A_2824 = arith.mulf %mul3A_2823, %mul3A_2822 : vector<16xf32>
    %sub3A_2825 = arith.constant 1.500000e+00 : f32
    %sub3A_2826 = vector.broadcast %sub3A_2825 : f32 to vector<16xf32>
    %sub3A_2827 = arith.subf %sub3A_2826, %mul3A_2824 : vector<16xf32>
    %mul3A_2828 = arith.mulf %mul3A_2822, %sub3A_2827 : vector<16xf32>
    %mul3A_2829 = arith.mulf %mul3A_2732, %mul3A_2828 : vector<16xf32>
    %mul3A_2830 = arith.mulf %mul3A_2829, %mul3A_2828 : vector<16xf32>
    %sub3A_2831 = arith.constant 1.500000e+00 : f32
    %sub3A_2832 = vector.broadcast %sub3A_2831 : f32 to vector<16xf32>
    %sub3A_2833 = arith.subf %sub3A_2832, %mul3A_2830 : vector<16xf32>
    %mul3A_2834 = arith.mulf %mul3A_2828, %sub3A_2833 : vector<16xf32>
    %mul3A_2835 = arith.mulf %mul3A_2732, %mul3A_2834 : vector<16xf32>
    %mul3A_2836 = arith.mulf %mul3A_2835, %mul3A_2834 : vector<16xf32>
    %sub3A_2837 = arith.constant 1.500000e+00 : f32
    %sub3A_2838 = vector.broadcast %sub3A_2837 : f32 to vector<16xf32>
    %sub3A_2839 = arith.subf %sub3A_2838, %mul3A_2836 : vector<16xf32>
    %mul3A_2840 = arith.mulf %mul3A_2834, %sub3A_2839 : vector<16xf32>
    %mul3A_2841 = arith.mulf %mul3A_2732, %mul3A_2840 : vector<16xf32>
    %mul3A_2842 = arith.mulf %mul3A_2841, %mul3A_2840 : vector<16xf32>
    %sub3A_2843 = arith.constant 1.500000e+00 : f32
    %sub3A_2844 = vector.broadcast %sub3A_2843 : f32 to vector<16xf32>
    %sub3A_2845 = arith.subf %sub3A_2844, %mul3A_2842 : vector<16xf32>
    %mul3A_2846 = arith.mulf %mul3A_2840, %sub3A_2845 : vector<16xf32>
    %mul3A_2847 = arith.mulf %mul3A_2732, %mul3A_2846 : vector<16xf32>
    %mul3A_2848 = arith.mulf %mul3A_2847, %mul3A_2846 : vector<16xf32>
    %sub3A_2849 = arith.constant 1.500000e+00 : f32
    %sub3A_2850 = vector.broadcast %sub3A_2849 : f32 to vector<16xf32>
    %sub3A_2851 = arith.subf %sub3A_2850, %mul3A_2848 : vector<16xf32>
    %mul3A_2852 = arith.mulf %mul3A_2846, %sub3A_2851 : vector<16xf32>
    %mul3A_2853 = arith.mulf %mul3A_2732, %mul3A_2852 : vector<16xf32>
    %mul3A_2854 = arith.mulf %mul3A_2853, %mul3A_2852 : vector<16xf32>
    %sub3A_2855 = arith.constant 1.500000e+00 : f32
    %sub3A_2856 = vector.broadcast %sub3A_2855 : f32 to vector<16xf32>
    %sub3A_2857 = arith.subf %sub3A_2856, %mul3A_2854 : vector<16xf32>
    %mul3A_2858 = arith.mulf %mul3A_2852, %sub3A_2857 : vector<16xf32>
    %mul3A_2859 = arith.mulf %mul3A_2732, %mul3A_2858 : vector<16xf32>
    %mul3A_2860 = arith.mulf %mul3A_2859, %mul3A_2858 : vector<16xf32>
    %sub3A_2861 = arith.constant 1.500000e+00 : f32
    %sub3A_2862 = vector.broadcast %sub3A_2861 : f32 to vector<16xf32>
    %sub3A_2863 = arith.subf %sub3A_2862, %mul3A_2860 : vector<16xf32>
    %mul3A_2864 = arith.mulf %mul3A_2858, %sub3A_2863 : vector<16xf32>
    %mul3A_2865 = arith.mulf %mul3A_2732, %mul3A_2864 : vector<16xf32>
    %mul3A_2866 = arith.mulf %mul3A_2865, %mul3A_2864 : vector<16xf32>
    %sub3A_2867 = arith.constant 1.500000e+00 : f32
    %sub3A_2868 = vector.broadcast %sub3A_2867 : f32 to vector<16xf32>
    %sub3A_2869 = arith.subf %sub3A_2868, %mul3A_2866 : vector<16xf32>
    %mul3A_2870 = arith.mulf %mul3A_2864, %sub3A_2869 : vector<16xf32>
    %mul3A_2871 = arith.mulf %mul3A_2732, %mul3A_2870 : vector<16xf32>
    %mul3A_2872 = arith.mulf %mul3A_2871, %mul3A_2870 : vector<16xf32>
    %sub3A_2873 = arith.constant 1.500000e+00 : f32
    %sub3A_2874 = vector.broadcast %sub3A_2873 : f32 to vector<16xf32>
    %sub3A_2875 = arith.subf %sub3A_2874, %mul3A_2872 : vector<16xf32>
    %mul3A_2876 = arith.mulf %mul3A_2870, %sub3A_2875 : vector<16xf32>
    %mul3A_2877 = arith.mulf %mul3A_2732, %mul3A_2876 : vector<16xf32>
    %mul3A_2878 = arith.mulf %mul3A_2877, %mul3A_2876 : vector<16xf32>
    %sub3A_2879 = arith.constant 1.500000e+00 : f32
    %sub3A_2880 = vector.broadcast %sub3A_2879 : f32 to vector<16xf32>
    %sub3A_2881 = arith.subf %sub3A_2880, %mul3A_2878 : vector<16xf32>
    %mul3A_2882 = arith.mulf %mul3A_2876, %sub3A_2881 : vector<16xf32>
    %mul3A_2883 = arith.mulf %mul3A_2732, %mul3A_2882 : vector<16xf32>
    %mul3A_2884 = arith.mulf %mul3A_2883, %mul3A_2882 : vector<16xf32>
    %sub3A_2885 = arith.constant 1.500000e+00 : f32
    %sub3A_2886 = vector.broadcast %sub3A_2885 : f32 to vector<16xf32>
    %sub3A_2887 = arith.subf %sub3A_2886, %mul3A_2884 : vector<16xf32>
    %mul3A_2888 = arith.mulf %mul3A_2882, %sub3A_2887 : vector<16xf32>
    %swap3A_2889 = arith.constant 224 : index
    %swap3A_2890 = tpu.vector_load %arg8[%swap3A_2889] {strides = array<i32>} : memref<320xf32, #tpu.memory_space<vmem>>, vector<16xf32>,
    %swap3A_2891 = vector.shape_cast %swap3A_2890 : vector<16xf32> to vector<16xf32>
    %swap3A_2892 = vector.shape_cast %mul3A_2888 : vector<16xf32> to vector<16xf32>
    tpu.vector_store %arg8[%swap3A_2889], %swap3A_2892 {strides = array<i32>} : memref<320xf32, #tpu.memory_space<vmem>>, vector<16xf32>,
    %get3A_2893 = arith.constant 240 : index
    %get3A_2894 = tpu.vector_load %arg8[%get3A_2893] {strides = array<i32>} : memref<320xf32, #tpu.memory_space<vmem>>, vector<16xf32>,
    %get3A_2895 = vector.shape_cast %get3A_2894 : vector<16xf32> to vector<16xf32>
    %add3A_2896 = arith.constant 1.000000e+00 : f32
    %add3A_2897 = vector.broadcast %add3A_2896 : f32 to vector<16xf32>
    %add3A_2898 = arith.addf %get3A_2895, %add3A_2897 : vector<16xf32>
    %div3A_2899 = arith.constant 1.000000e+00 : f32
    %div3A_2900 = vector.broadcast %div3A_2899 : f32 to vector<16xf32>
    %div3A_2901 = arith.divf %div3A_2900, %add3A_2898 : vector<16xf32>
    %mul3A_2902 = arith.constant 5.000000e-01 : f32
    %mul3A_2903 = vector.broadcast %mul3A_2902 : f32 to vector<16xf32>
    %mul3A_2904 = arith.mulf %mul3A_2903, %add3A_2898 : vector<16xf32>
    %mul3A_2905 = arith.mulf %mul3A_2904, %div3A_2901 : vector<16xf32>
    %mul3A_2906 = arith.mulf %mul3A_2905, %div3A_2901 : vector<16xf32>
    %sub3A_2907 = arith.constant 1.500000e+00 : f32
    %sub3A_2908 = vector.broadcast %sub3A_2907 : f32 to vector<16xf32>
    %sub3A_2909 = arith.subf %sub3A_2908, %mul3A_2906 : vector<16xf32>
    %mul3A_2910 = arith.mulf %div3A_2901, %sub3A_2909 : vector<16xf32>
    %mul3A_2911 = arith.mulf %mul3A_2904, %mul3A_2910 : vector<16xf32>
    %mul3A_2912 = arith.mulf %mul3A_2911, %mul3A_2910 : vector<16xf32>
    %sub3A_2913 = arith.constant 1.500000e+00 : f32
    %sub3A_2914 = vector.broadcast %sub3A_2913 : f32 to vector<16xf32>
    %sub3A_2915 = arith.subf %sub3A_2914, %mul3A_2912 : vector<16xf32>
    %mul3A_2916 = arith.mulf %mul3A_2910, %sub3A_2915 : vector<16xf32>
    %mul3A_2917 = arith.mulf %mul3A_2904, %mul3A_2916 : vector<16xf32>
    %mul3A_2918 = arith.mulf %mul3A_2917, %mul3A_2916 : vector<16xf32>
    %sub3A_2919 = arith.constant 1.500000e+00 : f32
    %sub3A_2920 = vector.broadcast %sub3A_2919 : f32 to vector<16xf32>
    %sub3A_2921 = arith.subf %sub3A_2920, %mul3A_2918 : vector<16xf32>
    %mul3A_2922 = arith.mulf %mul3A_2916, %sub3A_2921 : vector<16xf32>
    %mul3A_2923 = arith.mulf %mul3A_2904, %mul3A_2922 : vector<16xf32>
    %mul3A_2924 = arith.mulf %mul3A_2923, %mul3A_2922 : vector<16xf32>
    %sub3A_2925 = arith.constant 1.500000e+00 : f32
    %sub3A_2926 = vector.broadcast %sub3A_2925 : f32 to vector<16xf32>
    %sub3A_2927 = arith.subf %sub3A_2926, %mul3A_2924 : vector<16xf32>
    %mul3A_2928 = arith.mulf %mul3A_2922, %sub3A_2927 : vector<16xf32>
    %mul3A_2929 = arith.mulf %mul3A_2904, %mul3A_2928 : vector<16xf32>
    %mul3A_2930 = arith.mulf %mul3A_2929, %mul3A_2928 : vector<16xf32>
    %sub3A_2931 = arith.constant 1.500000e+00 : f32
    %sub3A_2932 = vector.broadcast %sub3A_2931 : f32 to vector<16xf32>
    %sub3A_2933 = arith.subf %sub3A_2932, %mul3A_2930 : vector<16xf32>
    %mul3A_2934 = arith.mulf %mul3A_2928, %sub3A_2933 : vector<16xf32>
    %mul3A_2935 = arith.mulf %mul3A_2904, %mul3A_2934 : vector<16xf32>
    %mul3A_2936 = arith.mulf %mul3A_2935, %mul3A_2934 : vector<16xf32>
    %sub3A_2937 = arith.constant 1.500000e+00 : f32
    %sub3A_2938 = vector.broadcast %sub3A_2937 : f32 to vector<16xf32>
    %sub3A_2939 = arith.subf %sub3A_2938, %mul3A_2936 : vector<16xf32>
    %mul3A_2940 = arith.mulf %mul3A_2934, %sub3A_2939 : vector<16xf32>
    %mul3A_2941 = arith.mulf %mul3A_2904, %mul3A_2940 : vector<16xf32>
    %mul3A_2942 = arith.mulf %mul3A_2941, %mul3A_2940 : vector<16xf32>
    %sub3A_2943 = arith.constant 1.500000e+00 : f32
    %sub3A_2944 = vector.broadcast %sub3A_2943 : f32 to vector<16xf32>
    %sub3A_2945 = arith.subf %sub3A_2944, %mul3A_2942 : vector<16xf32>
    %mul3A_2946 = arith.mulf %mul3A_2940, %sub3A_2945 : vector<16xf32>
    %mul3A_2947 = arith.mulf %mul3A_2904, %mul3A_2946 : vector<16xf32>
    %mul3A_2948 = arith.mulf %mul3A_2947, %mul3A_2946 : vector<16xf32>
    %sub3A_2949 = arith.constant 1.500000e+00 : f32
    %sub3A_2950 = vector.broadcast %sub3A_2949 : f32 to vector<16xf32>
    %sub3A_2951 = arith.subf %sub3A_2950, %mul3A_2948 : vector<16xf32>
    %mul3A_2952 = arith.mulf %mul3A_2946, %sub3A_2951 : vector<16xf32>
    %mul3A_2953 = arith.mulf %mul3A_2904, %mul3A_2952 : vector<16xf32>
    %mul3A_2954 = arith.mulf %mul3A_2953, %mul3A_2952 : vector<16xf32>
    %sub3A_2955 = arith.constant 1.500000e+00 : f32
    %sub3A_2956 = vector.broadcast %sub3A_2955 : f32 to vector<16xf32>
    %sub3A_2957 = arith.subf %sub3A_2956, %mul3A_2954 : vector<16xf32>
    %mul3A_2958 = arith.mulf %mul3A_2952, %sub3A_2957 : vector<16xf32>
    %mul3A_2959 = arith.mulf %mul3A_2904, %mul3A_2958 : vector<16xf32>
    %mul3A_2960 = arith.mulf %mul3A_2959, %mul3A_2958 : vector<16xf32>
    %sub3A_2961 = arith.constant 1.500000e+00 : f32
    %sub3A_2962 = vector.broadcast %sub3A_2961 : f32 to vector<16xf32>
    %sub3A_2963 = arith.subf %sub3A_2962, %mul3A_2960 : vector<16xf32>
    %mul3A_2964 = arith.mulf %mul3A_2958, %sub3A_2963 : vector<16xf32>
    %mul3A_2965 = arith.mulf %mul3A_2904, %mul3A_2964 : vector<16xf32>
    %mul3A_2966 = arith.mulf %mul3A_2965, %mul3A_2964 : vector<16xf32>
    %sub3A_2967 = arith.constant 1.500000e+00 : f32
    %sub3A_2968 = vector.broadcast %sub3A_2967 : f32 to vector<16xf32>
    %sub3A_2969 = arith.subf %sub3A_2968, %mul3A_2966 : vector<16xf32>
    %mul3A_2970 = arith.mulf %mul3A_2964, %sub3A_2969 : vector<16xf32>
    %mul3A_2971 = arith.mulf %mul3A_2904, %mul3A_2970 : vector<16xf32>
    %mul3A_2972 = arith.mulf %mul3A_2971, %mul3A_2970 : vector<16xf32>
    %sub3A_2973 = arith.constant 1.500000e+00 : f32
    %sub3A_2974 = vector.broadcast %sub3A_2973 : f32 to vector<16xf32>
    %sub3A_2975 = arith.subf %sub3A_2974, %mul3A_2972 : vector<16xf32>
    %mul3A_2976 = arith.mulf %mul3A_2970, %sub3A_2975 : vector<16xf32>
    %mul3A_2977 = arith.mulf %mul3A_2904, %mul3A_2976 : vector<16xf32>
    %mul3A_2978 = arith.mulf %mul3A_2977, %mul3A_2976 : vector<16xf32>
    %sub3A_2979 = arith.constant 1.500000e+00 : f32
    %sub3A_2980 = vector.broadcast %sub3A_2979 : f32 to vector<16xf32>
    %sub3A_2981 = arith.subf %sub3A_2980, %mul3A_2978 : vector<16xf32>
    %mul3A_2982 = arith.mulf %mul3A_2976, %sub3A_2981 : vector<16xf32>
    %mul3A_2983 = arith.mulf %mul3A_2904, %mul3A_2982 : vector<16xf32>
    %mul3A_2984 = arith.mulf %mul3A_2983, %mul3A_2982 : vector<16xf32>
    %sub3A_2985 = arith.constant 1.500000e+00 : f32
    %sub3A_2986 = vector.broadcast %sub3A_2985 : f32 to vector<16xf32>
    %sub3A_2987 = arith.subf %sub3A_2986, %mul3A_2984 : vector<16xf32>
    %mul3A_2988 = arith.mulf %mul3A_2982, %sub3A_2987 : vector<16xf32>
    %mul3A_2989 = arith.mulf %mul3A_2904, %mul3A_2988 : vector<16xf32>
    %mul3A_2990 = arith.mulf %mul3A_2989, %mul3A_2988 : vector<16xf32>
    %sub3A_2991 = arith.constant 1.500000e+00 : f32
    %sub3A_2992 = vector.broadcast %sub3A_2991 : f32 to vector<16xf32>
    %sub3A_2993 = arith.subf %sub3A_2992, %mul3A_2990 : vector<16xf32>
    %mul3A_2994 = arith.mulf %mul3A_2988, %sub3A_2993 : vector<16xf32>
    %mul3A_2995 = arith.mulf %mul3A_2904, %mul3A_2994 : vector<16xf32>
    %mul3A_2996 = arith.mulf %mul3A_2995, %mul3A_2994 : vector<16xf32>
    %sub3A_2997 = arith.constant 1.500000e+00 : f32
    %sub3A_2998 = vector.broadcast %sub3A_2997 : f32 to vector<16xf32>
    %sub3A_2999 = arith.subf %sub3A_2998, %mul3A_2996 : vector<16xf32>
    %mul3A_3000 = arith.mulf %mul3A_2994, %sub3A_2999 : vector<16xf32>
    %mul3A_3001 = arith.mulf %mul3A_2904, %mul3A_3000 : vector<16xf32>
    %mul3A_3002 = arith.mulf %mul3A_3001, %mul3A_3000 : vector<16xf32>
    %sub3A_3003 = arith.constant 1.500000e+00 : f32
    %sub3A_3004 = vector.broadcast %sub3A_3003 : f32 to vector<16xf32>
    %sub3A_3005 = arith.subf %sub3A_3004, %mul3A_3002 : vector<16xf32>
    %mul3A_3006 = arith.mulf %mul3A_3000, %sub3A_3005 : vector<16xf32>
    %mul3A_3007 = arith.mulf %mul3A_2904, %mul3A_3006 : vector<16xf32>
    %mul3A_3008 = arith.mulf %mul3A_3007, %mul3A_3006 : vector<16xf32>
    %sub3A_3009 = arith.constant 1.500000e+00 : f32
    %sub3A_3010 = vector.broadcast %sub3A_3009 : f32 to vector<16xf32>
    %sub3A_3011 = arith.subf %sub3A_3010, %mul3A_3008 : vector<16xf32>
    %mul3A_3012 = arith.mulf %mul3A_3006, %sub3A_3011 : vector<16xf32>
    %mul3A_3013 = arith.mulf %mul3A_2904, %mul3A_3012 : vector<16xf32>
    %mul3A_3014 = arith.mulf %mul3A_3013, %mul3A_3012 : vector<16xf32>
    %sub3A_3015 = arith.constant 1.500000e+00 : f32
    %sub3A_3016 = vector.broadcast %sub3A_3015 : f32 to vector<16xf32>
    %sub3A_3017 = arith.subf %sub3A_3016, %mul3A_3014 : vector<16xf32>
    %mul3A_3018 = arith.mulf %mul3A_3012, %sub3A_3017 : vector<16xf32>
    %mul3A_3019 = arith.mulf %mul3A_2904, %mul3A_3018 : vector<16xf32>
    %mul3A_3020 = arith.mulf %mul3A_3019, %mul3A_3018 : vector<16xf32>
    %sub3A_3021 = arith.constant 1.500000e+00 : f32
    %sub3A_3022 = vector.broadcast %sub3A_3021 : f32 to vector<16xf32>
    %sub3A_3023 = arith.subf %sub3A_3022, %mul3A_3020 : vector<16xf32>
    %mul3A_3024 = arith.mulf %mul3A_3018, %sub3A_3023 : vector<16xf32>
    %mul3A_3025 = arith.mulf %mul3A_2904, %mul3A_3024 : vector<16xf32>
    %mul3A_3026 = arith.mulf %mul3A_3025, %mul3A_3024 : vector<16xf32>
    %sub3A_3027 = arith.constant 1.500000e+00 : f32
    %sub3A_3028 = vector.broadcast %sub3A_3027 : f32 to vector<16xf32>
    %sub3A_3029 = arith.subf %sub3A_3028, %mul3A_3026 : vector<16xf32>
    %mul3A_3030 = arith.mulf %mul3A_3024, %sub3A_3029 : vector<16xf32>
    %mul3A_3031 = arith.mulf %mul3A_2904, %mul3A_3030 : vector<16xf32>
    %mul3A_3032 = arith.mulf %mul3A_3031, %mul3A_3030 : vector<16xf32>
    %sub3A_3033 = arith.constant 1.500000e+00 : f32
    %sub3A_3034 = vector.broadcast %sub3A_3033 : f32 to vector<16xf32>
    %sub3A_3035 = arith.subf %sub3A_3034, %mul3A_3032 : vector<16xf32>
    %mul3A_3036 = arith.mulf %mul3A_3030, %sub3A_3035 : vector<16xf32>
    %mul3A_3037 = arith.mulf %mul3A_2904, %mul3A_3036 : vector<16xf32>
    %mul3A_3038 = arith.mulf %mul3A_3037, %mul3A_3036 : vector<16xf32>
    %sub3A_3039 = arith.constant 1.500000e+00 : f32
    %sub3A_3040 = vector.broadcast %sub3A_3039 : f32 to vector<16xf32>
    %sub3A_3041 = arith.subf %sub3A_3040, %mul3A_3038 : vector<16xf32>
    %mul3A_3042 = arith.mulf %mul3A_3036, %sub3A_3041 : vector<16xf32>
    %mul3A_3043 = arith.mulf %mul3A_2904, %mul3A_3042 : vector<16xf32>
    %mul3A_3044 = arith.mulf %mul3A_3043, %mul3A_3042 : vector<16xf32>
    %sub3A_3045 = arith.constant 1.500000e+00 : f32
    %sub3A_3046 = vector.broadcast %sub3A_3045 : f32 to vector<16xf32>
    %sub3A_3047 = arith.subf %sub3A_3046, %mul3A_3044 : vector<16xf32>
    %mul3A_3048 = arith.mulf %mul3A_3042, %sub3A_3047 : vector<16xf32>
    %mul3A_3049 = arith.mulf %mul3A_2904, %mul3A_3048 : vector<16xf32>
    %mul3A_3050 = arith.mulf %mul3A_3049, %mul3A_3048 : vector<16xf32>
    %sub3A_3051 = arith.constant 1.500000e+00 : f32
    %sub3A_3052 = vector.broadcast %sub3A_3051 : f32 to vector<16xf32>
    %sub3A_3053 = arith.subf %sub3A_3052, %mul3A_3050 : vector<16xf32>
    %mul3A_3054 = arith.mulf %mul3A_3048, %sub3A_3053 : vector<16xf32>
    %mul3A_3055 = arith.mulf %mul3A_2904, %mul3A_3054 : vector<16xf32>
    %mul3A_3056 = arith.mulf %mul3A_3055, %mul3A_3054 : vector<16xf32>
    %sub3A_3057 = arith.constant 1.500000e+00 : f32
    %sub3A_3058 = vector.broadcast %sub3A_3057 : f32 to vector<16xf32>
    %sub3A_3059 = arith.subf %sub3A_3058, %mul3A_3056 : vector<16xf32>
    %mul3A_3060 = arith.mulf %mul3A_3054, %sub3A_3059 : vector<16xf32>
    %swap3A_3061 = arith.constant 240 : index
    %swap3A_3062 = tpu.vector_load %arg8[%swap3A_3061] {strides = array<i32>} : memref<320xf32, #tpu.memory_space<vmem>>, vector<16xf32>,
    %swap3A_3063 = vector.shape_cast %swap3A_3062 : vector<16xf32> to vector<16xf32>
    %swap3A_3064 = vector.shape_cast %mul3A_3060 : vector<16xf32> to vector<16xf32>
    tpu.vector_store %arg8[%swap3A_3061], %swap3A_3064 {strides = array<i32>} : memref<320xf32, #tpu.memory_space<vmem>>, vector<16xf32>,
    %get3A_3065 = arith.constant 256 : index
    %get3A_3066 = tpu.vector_load %arg8[%get3A_3065] {strides = array<i32>} : memref<320xf32, #tpu.memory_space<vmem>>, vector<16xf32>,
    %get3A_3067 = vector.shape_cast %get3A_3066 : vector<16xf32> to vector<16xf32>
    %add3A_3068 = arith.constant 1.000000e+00 : f32
    %add3A_3069 = vector.broadcast %add3A_3068 : f32 to vector<16xf32>
    %add3A_3070 = arith.addf %get3A_3067, %add3A_3069 : vector<16xf32>
    %div3A_3071 = arith.constant 1.000000e+00 : f32
    %div3A_3072 = vector.broadcast %div3A_3071 : f32 to vector<16xf32>
    %div3A_3073 = arith.divf %div3A_3072, %add3A_3070 : vector<16xf32>
    %mul3A_3074 = arith.constant 5.000000e-01 : f32
    %mul3A_3075 = vector.broadcast %mul3A_3074 : f32 to vector<16xf32>
    %mul3A_3076 = arith.mulf %mul3A_3075, %add3A_3070 : vector<16xf32>
    %mul3A_3077 = arith.mulf %mul3A_3076, %div3A_3073 : vector<16xf32>
    %mul3A_3078 = arith.mulf %mul3A_3077, %div3A_3073 : vector<16xf32>
    %sub3A_3079 = arith.constant 1.500000e+00 : f32
    %sub3A_3080 = vector.broadcast %sub3A_3079 : f32 to vector<16xf32>
    %sub3A_3081 = arith.subf %sub3A_3080, %mul3A_3078 : vector<16xf32>
    %mul3A_3082 = arith.mulf %div3A_3073, %sub3A_3081 : vector<16xf32>
    %mul3A_3083 = arith.mulf %mul3A_3076, %mul3A_3082 : vector<16xf32>
    %mul3A_3084 = arith.mulf %mul3A_3083, %mul3A_3082 : vector<16xf32>
    %sub3A_3085 = arith.constant 1.500000e+00 : f32
    %sub3A_3086 = vector.broadcast %sub3A_3085 : f32 to vector<16xf32>
    %sub3A_3087 = arith.subf %sub3A_3086, %mul3A_3084 : vector<16xf32>
    %mul3A_3088 = arith.mulf %mul3A_3082, %sub3A_3087 : vector<16xf32>
    %mul3A_3089 = arith.mulf %mul3A_3076, %mul3A_3088 : vector<16xf32>
    %mul3A_3090 = arith.mulf %mul3A_3089, %mul3A_3088 : vector<16xf32>
    %sub3A_3091 = arith.constant 1.500000e+00 : f32
    %sub3A_3092 = vector.broadcast %sub3A_3091 : f32 to vector<16xf32>
    %sub3A_3093 = arith.subf %sub3A_3092, %mul3A_3090 : vector<16xf32>
    %mul3A_3094 = arith.mulf %mul3A_3088, %sub3A_3093 : vector<16xf32>
    %mul3A_3095 = arith.mulf %mul3A_3076, %mul3A_3094 : vector<16xf32>
    %mul3A_3096 = arith.mulf %mul3A_3095, %mul3A_3094 : vector<16xf32>
    %sub3A_3097 = arith.constant 1.500000e+00 : f32
    %sub3A_3098 = vector.broadcast %sub3A_3097 : f32 to vector<16xf32>
    %sub3A_3099 = arith.subf %sub3A_3098, %mul3A_3096 : vector<16xf32>
    %mul3A_3100 = arith.mulf %mul3A_3094, %sub3A_3099 : vector<16xf32>
    %mul3A_3101 = arith.mulf %mul3A_3076, %mul3A_3100 : vector<16xf32>
    %mul3A_3102 = arith.mulf %mul3A_3101, %mul3A_3100 : vector<16xf32>
    %sub3A_3103 = arith.constant 1.500000e+00 : f32
    %sub3A_3104 = vector.broadcast %sub3A_3103 : f32 to vector<16xf32>
    %sub3A_3105 = arith.subf %sub3A_3104, %mul3A_3102 : vector<16xf32>
    %mul3A_3106 = arith.mulf %mul3A_3100, %sub3A_3105 : vector<16xf32>
    %mul3A_3107 = arith.mulf %mul3A_3076, %mul3A_3106 : vector<16xf32>
    %mul3A_3108 = arith.mulf %mul3A_3107, %mul3A_3106 : vector<16xf32>
    %sub3A_3109 = arith.constant 1.500000e+00 : f32
    %sub3A_3110 = vector.broadcast %sub3A_3109 : f32 to vector<16xf32>
    %sub3A_3111 = arith.subf %sub3A_3110, %mul3A_3108 : vector<16xf32>
    %mul3A_3112 = arith.mulf %mul3A_3106, %sub3A_3111 : vector<16xf32>
    %mul3A_3113 = arith.mulf %mul3A_3076, %mul3A_3112 : vector<16xf32>
    %mul3A_3114 = arith.mulf %mul3A_3113, %mul3A_3112 : vector<16xf32>
    %sub3A_3115 = arith.constant 1.500000e+00 : f32
    %sub3A_3116 = vector.broadcast %sub3A_3115 : f32 to vector<16xf32>
    %sub3A_3117 = arith.subf %sub3A_3116, %mul3A_3114 : vector<16xf32>
    %mul3A_3118 = arith.mulf %mul3A_3112, %sub3A_3117 : vector<16xf32>
    %mul3A_3119 = arith.mulf %mul3A_3076, %mul3A_3118 : vector<16xf32>
    %mul3A_3120 = arith.mulf %mul3A_3119, %mul3A_3118 : vector<16xf32>
    %sub3A_3121 = arith.constant 1.500000e+00 : f32
    %sub3A_3122 = vector.broadcast %sub3A_3121 : f32 to vector<16xf32>
    %sub3A_3123 = arith.subf %sub3A_3122, %mul3A_3120 : vector<16xf32>
    %mul3A_3124 = arith.mulf %mul3A_3118, %sub3A_3123 : vector<16xf32>
    %mul3A_3125 = arith.mulf %mul3A_3076, %mul3A_3124 : vector<16xf32>
    %mul3A_3126 = arith.mulf %mul3A_3125, %mul3A_3124 : vector<16xf32>
    %sub3A_3127 = arith.constant 1.500000e+00 : f32
    %sub3A_3128 = vector.broadcast %sub3A_3127 : f32 to vector<16xf32>
    %sub3A_3129 = arith.subf %sub3A_3128, %mul3A_3126 : vector<16xf32>
    %mul3A_3130 = arith.mulf %mul3A_3124, %sub3A_3129 : vector<16xf32>
    %mul3A_3131 = arith.mulf %mul3A_3076, %mul3A_3130 : vector<16xf32>
    %mul3A_3132 = arith.mulf %mul3A_3131, %mul3A_3130 : vector<16xf32>
    %sub3A_3133 = arith.constant 1.500000e+00 : f32
    %sub3A_3134 = vector.broadcast %sub3A_3133 : f32 to vector<16xf32>
    %sub3A_3135 = arith.subf %sub3A_3134, %mul3A_3132 : vector<16xf32>
    %mul3A_3136 = arith.mulf %mul3A_3130, %sub3A_3135 : vector<16xf32>
    %mul3A_3137 = arith.mulf %mul3A_3076, %mul3A_3136 : vector<16xf32>
    %mul3A_3138 = arith.mulf %mul3A_3137, %mul3A_3136 : vector<16xf32>
    %sub3A_3139 = arith.constant 1.500000e+00 : f32
    %sub3A_3140 = vector.broadcast %sub3A_3139 : f32 to vector<16xf32>
    %sub3A_3141 = arith.subf %sub3A_3140, %mul3A_3138 : vector<16xf32>
    %mul3A_3142 = arith.mulf %mul3A_3136, %sub3A_3141 : vector<16xf32>
    %mul3A_3143 = arith.mulf %mul3A_3076, %mul3A_3142 : vector<16xf32>
    %mul3A_3144 = arith.mulf %mul3A_3143, %mul3A_3142 : vector<16xf32>
    %sub3A_3145 = arith.constant 1.500000e+00 : f32
    %sub3A_3146 = vector.broadcast %sub3A_3145 : f32 to vector<16xf32>
    %sub3A_3147 = arith.subf %sub3A_3146, %mul3A_3144 : vector<16xf32>
    %mul3A_3148 = arith.mulf %mul3A_3142, %sub3A_3147 : vector<16xf32>
    %mul3A_3149 = arith.mulf %mul3A_3076, %mul3A_3148 : vector<16xf32>
    %mul3A_3150 = arith.mulf %mul3A_3149, %mul3A_3148 : vector<16xf32>
    %sub3A_3151 = arith.constant 1.500000e+00 : f32
    %sub3A_3152 = vector.broadcast %sub3A_3151 : f32 to vector<16xf32>
    %sub3A_3153 = arith.subf %sub3A_3152, %mul3A_3150 : vector<16xf32>
    %mul3A_3154 = arith.mulf %mul3A_3148, %sub3A_3153 : vector<16xf32>
    %mul3A_3155 = arith.mulf %mul3A_3076, %mul3A_3154 : vector<16xf32>
    %mul3A_3156 = arith.mulf %mul3A_3155, %mul3A_3154 : vector<16xf32>
    %sub3A_3157 = arith.constant 1.500000e+00 : f32
    %sub3A_3158 = vector.broadcast %sub3A_3157 : f32 to vector<16xf32>
    %sub3A_3159 = arith.subf %sub3A_3158, %mul3A_3156 : vector<16xf32>
    %mul3A_3160 = arith.mulf %mul3A_3154, %sub3A_3159 : vector<16xf32>
    %mul3A_3161 = arith.mulf %mul3A_3076, %mul3A_3160 : vector<16xf32>
    %mul3A_3162 = arith.mulf %mul3A_3161, %mul3A_3160 : vector<16xf32>
    %sub3A_3163 = arith.constant 1.500000e+00 : f32
    %sub3A_3164 = vector.broadcast %sub3A_3163 : f32 to vector<16xf32>
    %sub3A_3165 = arith.subf %sub3A_3164, %mul3A_3162 : vector<16xf32>
    %mul3A_3166 = arith.mulf %mul3A_3160, %sub3A_3165 : vector<16xf32>
    %mul3A_3167 = arith.mulf %mul3A_3076, %mul3A_3166 : vector<16xf32>
    %mul3A_3168 = arith.mulf %mul3A_3167, %mul3A_3166 : vector<16xf32>
    %sub3A_3169 = arith.constant 1.500000e+00 : f32
    %sub3A_3170 = vector.broadcast %sub3A_3169 : f32 to vector<16xf32>
    %sub3A_3171 = arith.subf %sub3A_3170, %mul3A_3168 : vector<16xf32>
    %mul3A_3172 = arith.mulf %mul3A_3166, %sub3A_3171 : vector<16xf32>
    %mul3A_3173 = arith.mulf %mul3A_3076, %mul3A_3172 : vector<16xf32>
    %mul3A_3174 = arith.mulf %mul3A_3173, %mul3A_3172 : vector<16xf32>
    %sub3A_3175 = arith.constant 1.500000e+00 : f32
    %sub3A_3176 = vector.broadcast %sub3A_3175 : f32 to vector<16xf32>
    %sub3A_3177 = arith.subf %sub3A_3176, %mul3A_3174 : vector<16xf32>
    %mul3A_3178 = arith.mulf %mul3A_3172, %sub3A_3177 : vector<16xf32>
    %mul3A_3179 = arith.mulf %mul3A_3076, %mul3A_3178 : vector<16xf32>
    %mul3A_3180 = arith.mulf %mul3A_3179, %mul3A_3178 : vector<16xf32>
    %sub3A_3181 = arith.constant 1.500000e+00 : f32
    %sub3A_3182 = vector.broadcast %sub3A_3181 : f32 to vector<16xf32>
    %sub3A_3183 = arith.subf %sub3A_3182, %mul3A_3180 : vector<16xf32>
    %mul3A_3184 = arith.mulf %mul3A_3178, %sub3A_3183 : vector<16xf32>
    %mul3A_3185 = arith.mulf %mul3A_3076, %mul3A_3184 : vector<16xf32>
    %mul3A_3186 = arith.mulf %mul3A_3185, %mul3A_3184 : vector<16xf32>
    %sub3A_3187 = arith.constant 1.500000e+00 : f32
    %sub3A_3188 = vector.broadcast %sub3A_3187 : f32 to vector<16xf32>
    %sub3A_3189 = arith.subf %sub3A_3188, %mul3A_3186 : vector<16xf32>
    %mul3A_3190 = arith.mulf %mul3A_3184, %sub3A_3189 : vector<16xf32>
    %mul3A_3191 = arith.mulf %mul3A_3076, %mul3A_3190 : vector<16xf32>
    %mul3A_3192 = arith.mulf %mul3A_3191, %mul3A_3190 : vector<16xf32>
    %sub3A_3193 = arith.constant 1.500000e+00 : f32
    %sub3A_3194 = vector.broadcast %sub3A_3193 : f32 to vector<16xf32>
    %sub3A_3195 = arith.subf %sub3A_3194, %mul3A_3192 : vector<16xf32>
    %mul3A_3196 = arith.mulf %mul3A_3190, %sub3A_3195 : vector<16xf32>
    %mul3A_3197 = arith.mulf %mul3A_3076, %mul3A_3196 : vector<16xf32>
    %mul3A_3198 = arith.mulf %mul3A_3197, %mul3A_3196 : vector<16xf32>
    %sub3A_3199 = arith.constant 1.500000e+00 : f32
    %sub3A_3200 = vector.broadcast %sub3A_3199 : f32 to vector<16xf32>
    %sub3A_3201 = arith.subf %sub3A_3200, %mul3A_3198 : vector<16xf32>
    %mul3A_3202 = arith.mulf %mul3A_3196, %sub3A_3201 : vector<16xf32>
    %mul3A_3203 = arith.mulf %mul3A_3076, %mul3A_3202 : vector<16xf32>
    %mul3A_3204 = arith.mulf %mul3A_3203, %mul3A_3202 : vector<16xf32>
    %sub3A_3205 = arith.constant 1.500000e+00 : f32
    %sub3A_3206 = vector.broadcast %sub3A_3205 : f32 to vector<16xf32>
    %sub3A_3207 = arith.subf %sub3A_3206, %mul3A_3204 : vector<16xf32>
    %mul3A_3208 = arith.mulf %mul3A_3202, %sub3A_3207 : vector<16xf32>
    %mul3A_3209 = arith.mulf %mul3A_3076, %mul3A_3208 : vector<16xf32>
    %mul3A_3210 = arith.mulf %mul3A_3209, %mul3A_3208 : vector<16xf32>
    %sub3A_3211 = arith.constant 1.500000e+00 : f32
    %sub3A_3212 = vector.broadcast %sub3A_3211 : f32 to vector<16xf32>
    %sub3A_3213 = arith.subf %sub3A_3212, %mul3A_3210 : vector<16xf32>
    %mul3A_3214 = arith.mulf %mul3A_3208, %sub3A_3213 : vector<16xf32>
    %mul3A_3215 = arith.mulf %mul3A_3076, %mul3A_3214 : vector<16xf32>
    %mul3A_3216 = arith.mulf %mul3A_3215, %mul3A_3214 : vector<16xf32>
    %sub3A_3217 = arith.constant 1.500000e+00 : f32
    %sub3A_3218 = vector.broadcast %sub3A_3217 : f32 to vector<16xf32>
    %sub3A_3219 = arith.subf %sub3A_3218, %mul3A_3216 : vector<16xf32>
    %mul3A_3220 = arith.mulf %mul3A_3214, %sub3A_3219 : vector<16xf32>
    %mul3A_3221 = arith.mulf %mul3A_3076, %mul3A_3220 : vector<16xf32>
    %mul3A_3222 = arith.mulf %mul3A_3221, %mul3A_3220 : vector<16xf32>
    %sub3A_3223 = arith.constant 1.500000e+00 : f32
    %sub3A_3224 = vector.broadcast %sub3A_3223 : f32 to vector<16xf32>
    %sub3A_3225 = arith.subf %sub3A_3224, %mul3A_3222 : vector<16xf32>
    %mul3A_3226 = arith.mulf %mul3A_3220, %sub3A_3225 : vector<16xf32>
    %mul3A_3227 = arith.mulf %mul3A_3076, %mul3A_3226 : vector<16xf32>
    %mul3A_3228 = arith.mulf %mul3A_3227, %mul3A_3226 : vector<16xf32>
    %sub3A_3229 = arith.constant 1.500000e+00 : f32
    %sub3A_3230 = vector.broadcast %sub3A_3229 : f32 to vector<16xf32>
    %sub3A_3231 = arith.subf %sub3A_3230, %mul3A_3228 : vector<16xf32>
    %mul3A_3232 = arith.mulf %mul3A_3226, %sub3A_3231 : vector<16xf32>
    %swap3A_3233 = arith.constant 256 : index
    %swap3A_3234 = tpu.vector_load %arg8[%swap3A_3233] {strides = array<i32>} : memref<320xf32, #tpu.memory_space<vmem>>, vector<16xf32>,
    %swap3A_3235 = vector.shape_cast %swap3A_3234 : vector<16xf32> to vector<16xf32>
    %swap3A_3236 = vector.shape_cast %mul3A_3232 : vector<16xf32> to vector<16xf32>
    tpu.vector_store %arg8[%swap3A_3233], %swap3A_3236 {strides = array<i32>} : memref<320xf32, #tpu.memory_space<vmem>>, vector<16xf32>,
    %get3A_3237 = arith.constant 272 : index
    %get3A_3238 = tpu.vector_load %arg8[%get3A_3237] {strides = array<i32>} : memref<320xf32, #tpu.memory_space<vmem>>, vector<16xf32>,
    %get3A_3239 = vector.shape_cast %get3A_3238 : vector<16xf32> to vector<16xf32>
    %add3A_3240 = arith.constant 1.000000e+00 : f32
    %add3A_3241 = vector.broadcast %add3A_3240 : f32 to vector<16xf32>
    %add3A_3242 = arith.addf %get3A_3239, %add3A_3241 : vector<16xf32>
    %div3A_3243 = arith.constant 1.000000e+00 : f32
    %div3A_3244 = vector.broadcast %div3A_3243 : f32 to vector<16xf32>
    %div3A_3245 = arith.divf %div3A_3244, %add3A_3242 : vector<16xf32>
    %mul3A_3246 = arith.constant 5.000000e-01 : f32
    %mul3A_3247 = vector.broadcast %mul3A_3246 : f32 to vector<16xf32>
    %mul3A_3248 = arith.mulf %mul3A_3247, %add3A_3242 : vector<16xf32>
    %mul3A_3249 = arith.mulf %mul3A_3248, %div3A_3245 : vector<16xf32>
    %mul3A_3250 = arith.mulf %mul3A_3249, %div3A_3245 : vector<16xf32>
    %sub3A_3251 = arith.constant 1.500000e+00 : f32
    %sub3A_3252 = vector.broadcast %sub3A_3251 : f32 to vector<16xf32>
    %sub3A_3253 = arith.subf %sub3A_3252, %mul3A_3250 : vector<16xf32>
    %mul3A_3254 = arith.mulf %div3A_3245, %sub3A_3253 : vector<16xf32>
    %mul3A_3255 = arith.mulf %mul3A_3248, %mul3A_3254 : vector<16xf32>
    %mul3A_3256 = arith.mulf %mul3A_3255, %mul3A_3254 : vector<16xf32>
    %sub3A_3257 = arith.constant 1.500000e+00 : f32
    %sub3A_3258 = vector.broadcast %sub3A_3257 : f32 to vector<16xf32>
    %sub3A_3259 = arith.subf %sub3A_3258, %mul3A_3256 : vector<16xf32>
    %mul3A_3260 = arith.mulf %mul3A_3254, %sub3A_3259 : vector<16xf32>
    %mul3A_3261 = arith.mulf %mul3A_3248, %mul3A_3260 : vector<16xf32>
    %mul3A_3262 = arith.mulf %mul3A_3261, %mul3A_3260 : vector<16xf32>
    %sub3A_3263 = arith.constant 1.500000e+00 : f32
    %sub3A_3264 = vector.broadcast %sub3A_3263 : f32 to vector<16xf32>
    %sub3A_3265 = arith.subf %sub3A_3264, %mul3A_3262 : vector<16xf32>
    %mul3A_3266 = arith.mulf %mul3A_3260, %sub3A_3265 : vector<16xf32>
    %mul3A_3267 = arith.mulf %mul3A_3248, %mul3A_3266 : vector<16xf32>
    %mul3A_3268 = arith.mulf %mul3A_3267, %mul3A_3266 : vector<16xf32>
    %sub3A_3269 = arith.constant 1.500000e+00 : f32
    %sub3A_3270 = vector.broadcast %sub3A_3269 : f32 to vector<16xf32>
    %sub3A_3271 = arith.subf %sub3A_3270, %mul3A_3268 : vector<16xf32>
    %mul3A_3272 = arith.mulf %mul3A_3266, %sub3A_3271 : vector<16xf32>
    %mul3A_3273 = arith.mulf %mul3A_3248, %mul3A_3272 : vector<16xf32>
    %mul3A_3274 = arith.mulf %mul3A_3273, %mul3A_3272 : vector<16xf32>
    %sub3A_3275 = arith.constant 1.500000e+00 : f32
    %sub3A_3276 = vector.broadcast %sub3A_3275 : f32 to vector<16xf32>
    %sub3A_3277 = arith.subf %sub3A_3276, %mul3A_3274 : vector<16xf32>
    %mul3A_3278 = arith.mulf %mul3A_3272, %sub3A_3277 : vector<16xf32>
    %mul3A_3279 = arith.mulf %mul3A_3248, %mul3A_3278 : vector<16xf32>
    %mul3A_3280 = arith.mulf %mul3A_3279, %mul3A_3278 : vector<16xf32>
    %sub3A_3281 = arith.constant 1.500000e+00 : f32
    %sub3A_3282 = vector.broadcast %sub3A_3281 : f32 to vector<16xf32>
    %sub3A_3283 = arith.subf %sub3A_3282, %mul3A_3280 : vector<16xf32>
    %mul3A_3284 = arith.mulf %mul3A_3278, %sub3A_3283 : vector<16xf32>
    %mul3A_3285 = arith.mulf %mul3A_3248, %mul3A_3284 : vector<16xf32>
    %mul3A_3286 = arith.mulf %mul3A_3285, %mul3A_3284 : vector<16xf32>
    %sub3A_3287 = arith.constant 1.500000e+00 : f32
    %sub3A_3288 = vector.broadcast %sub3A_3287 : f32 to vector<16xf32>
    %sub3A_3289 = arith.subf %sub3A_3288, %mul3A_3286 : vector<16xf32>
    %mul3A_3290 = arith.mulf %mul3A_3284, %sub3A_3289 : vector<16xf32>
    %mul3A_3291 = arith.mulf %mul3A_3248, %mul3A_3290 : vector<16xf32>
    %mul3A_3292 = arith.mulf %mul3A_3291, %mul3A_3290 : vector<16xf32>
    %sub3A_3293 = arith.constant 1.500000e+00 : f32
    %sub3A_3294 = vector.broadcast %sub3A_3293 : f32 to vector<16xf32>
    %sub3A_3295 = arith.subf %sub3A_3294, %mul3A_3292 : vector<16xf32>
    %mul3A_3296 = arith.mulf %mul3A_3290, %sub3A_3295 : vector<16xf32>
    %mul3A_3297 = arith.mulf %mul3A_3248, %mul3A_3296 : vector<16xf32>
    %mul3A_3298 = arith.mulf %mul3A_3297, %mul3A_3296 : vector<16xf32>
    %sub3A_3299 = arith.constant 1.500000e+00 : f32
    %sub3A_3300 = vector.broadcast %sub3A_3299 : f32 to vector<16xf32>
    %sub3A_3301 = arith.subf %sub3A_3300, %mul3A_3298 : vector<16xf32>
    %mul3A_3302 = arith.mulf %mul3A_3296, %sub3A_3301 : vector<16xf32>
    %mul3A_3303 = arith.mulf %mul3A_3248, %mul3A_3302 : vector<16xf32>
    %mul3A_3304 = arith.mulf %mul3A_3303, %mul3A_3302 : vector<16xf32>
    %sub3A_3305 = arith.constant 1.500000e+00 : f32
    %sub3A_3306 = vector.broadcast %sub3A_3305 : f32 to vector<16xf32>
    %sub3A_3307 = arith.subf %sub3A_3306, %mul3A_3304 : vector<16xf32>
    %mul3A_3308 = arith.mulf %mul3A_3302, %sub3A_3307 : vector<16xf32>
    %mul3A_3309 = arith.mulf %mul3A_3248, %mul3A_3308 : vector<16xf32>
    %mul3A_3310 = arith.mulf %mul3A_3309, %mul3A_3308 : vector<16xf32>
    %sub3A_3311 = arith.constant 1.500000e+00 : f32
    %sub3A_3312 = vector.broadcast %sub3A_3311 : f32 to vector<16xf32>
    %sub3A_3313 = arith.subf %sub3A_3312, %mul3A_3310 : vector<16xf32>
    %mul3A_3314 = arith.mulf %mul3A_3308, %sub3A_3313 : vector<16xf32>
    %mul3A_3315 = arith.mulf %mul3A_3248, %mul3A_3314 : vector<16xf32>
    %mul3A_3316 = arith.mulf %mul3A_3315, %mul3A_3314 : vector<16xf32>
    %sub3A_3317 = arith.constant 1.500000e+00 : f32
    %sub3A_3318 = vector.broadcast %sub3A_3317 : f32 to vector<16xf32>
    %sub3A_3319 = arith.subf %sub3A_3318, %mul3A_3316 : vector<16xf32>
    %mul3A_3320 = arith.mulf %mul3A_3314, %sub3A_3319 : vector<16xf32>
    %mul3A_3321 = arith.mulf %mul3A_3248, %mul3A_3320 : vector<16xf32>
    %mul3A_3322 = arith.mulf %mul3A_3321, %mul3A_3320 : vector<16xf32>
    %sub3A_3323 = arith.constant 1.500000e+00 : f32
    %sub3A_3324 = vector.broadcast %sub3A_3323 : f32 to vector<16xf32>
    %sub3A_3325 = arith.subf %sub3A_3324, %mul3A_3322 : vector<16xf32>
    %mul3A_3326 = arith.mulf %mul3A_3320, %sub3A_3325 : vector<16xf32>
    %mul3A_3327 = arith.mulf %mul3A_3248, %mul3A_3326 : vector<16xf32>
    %mul3A_3328 = arith.mulf %mul3A_3327, %mul3A_3326 : vector<16xf32>
    %sub3A_3329 = arith.constant 1.500000e+00 : f32
    %sub3A_3330 = vector.broadcast %sub3A_3329 : f32 to vector<16xf32>
    %sub3A_3331 = arith.subf %sub3A_3330, %mul3A_3328 : vector<16xf32>
    %mul3A_3332 = arith.mulf %mul3A_3326, %sub3A_3331 : vector<16xf32>
    %mul3A_3333 = arith.mulf %mul3A_3248, %mul3A_3332 : vector<16xf32>
    %mul3A_3334 = arith.mulf %mul3A_3333, %mul3A_3332 : vector<16xf32>
    %sub3A_3335 = arith.constant 1.500000e+00 : f32
    %sub3A_3336 = vector.broadcast %sub3A_3335 : f32 to vector<16xf32>
    %sub3A_3337 = arith.subf %sub3A_3336, %mul3A_3334 : vector<16xf32>
    %mul3A_3338 = arith.mulf %mul3A_3332, %sub3A_3337 : vector<16xf32>
    %mul3A_3339 = arith.mulf %mul3A_3248, %mul3A_3338 : vector<16xf32>
    %mul3A_3340 = arith.mulf %mul3A_3339, %mul3A_3338 : vector<16xf32>
    %sub3A_3341 = arith.constant 1.500000e+00 : f32
    %sub3A_3342 = vector.broadcast %sub3A_3341 : f32 to vector<16xf32>
    %sub3A_3343 = arith.subf %sub3A_3342, %mul3A_3340 : vector<16xf32>
    %mul3A_3344 = arith.mulf %mul3A_3338, %sub3A_3343 : vector<16xf32>
    %mul3A_3345 = arith.mulf %mul3A_3248, %mul3A_3344 : vector<16xf32>
    %mul3A_3346 = arith.mulf %mul3A_3345, %mul3A_3344 : vector<16xf32>
    %sub3A_3347 = arith.constant 1.500000e+00 : f32
    %sub3A_3348 = vector.broadcast %sub3A_3347 : f32 to vector<16xf32>
    %sub3A_3349 = arith.subf %sub3A_3348, %mul3A_3346 : vector<16xf32>
    %mul3A_3350 = arith.mulf %mul3A_3344, %sub3A_3349 : vector<16xf32>
    %mul3A_3351 = arith.mulf %mul3A_3248, %mul3A_3350 : vector<16xf32>
    %mul3A_3352 = arith.mulf %mul3A_3351, %mul3A_3350 : vector<16xf32>
    %sub3A_3353 = arith.constant 1.500000e+00 : f32
    %sub3A_3354 = vector.broadcast %sub3A_3353 : f32 to vector<16xf32>
    %sub3A_3355 = arith.subf %sub3A_3354, %mul3A_3352 : vector<16xf32>
    %mul3A_3356 = arith.mulf %mul3A_3350, %sub3A_3355 : vector<16xf32>
    %mul3A_3357 = arith.mulf %mul3A_3248, %mul3A_3356 : vector<16xf32>
    %mul3A_3358 = arith.mulf %mul3A_3357, %mul3A_3356 : vector<16xf32>
    %sub3A_3359 = arith.constant 1.500000e+00 : f32
    %sub3A_3360 = vector.broadcast %sub3A_3359 : f32 to vector<16xf32>
    %sub3A_3361 = arith.subf %sub3A_3360, %mul3A_3358 : vector<16xf32>
    %mul3A_3362 = arith.mulf %mul3A_3356, %sub3A_3361 : vector<16xf32>
    %mul3A_3363 = arith.mulf %mul3A_3248, %mul3A_3362 : vector<16xf32>
    %mul3A_3364 = arith.mulf %mul3A_3363, %mul3A_3362 : vector<16xf32>
    %sub3A_3365 = arith.constant 1.500000e+00 : f32
    %sub3A_3366 = vector.broadcast %sub3A_3365 : f32 to vector<16xf32>
    %sub3A_3367 = arith.subf %sub3A_3366, %mul3A_3364 : vector<16xf32>
    %mul3A_3368 = arith.mulf %mul3A_3362, %sub3A_3367 : vector<16xf32>
    %mul3A_3369 = arith.mulf %mul3A_3248, %mul3A_3368 : vector<16xf32>
    %mul3A_3370 = arith.mulf %mul3A_3369, %mul3A_3368 : vector<16xf32>
    %sub3A_3371 = arith.constant 1.500000e+00 : f32
    %sub3A_3372 = vector.broadcast %sub3A_3371 : f32 to vector<16xf32>
    %sub3A_3373 = arith.subf %sub3A_3372, %mul3A_3370 : vector<16xf32>
    %mul3A_3374 = arith.mulf %mul3A_3368, %sub3A_3373 : vector<16xf32>
    %mul3A_3375 = arith.mulf %mul3A_3248, %mul3A_3374 : vector<16xf32>
    %mul3A_3376 = arith.mulf %mul3A_3375, %mul3A_3374 : vector<16xf32>
    %sub3A_3377 = arith.constant 1.500000e+00 : f32
    %sub3A_3378 = vector.broadcast %sub3A_3377 : f32 to vector<16xf32>
    %sub3A_3379 = arith.subf %sub3A_3378, %mul3A_3376 : vector<16xf32>
    %mul3A_3380 = arith.mulf %mul3A_3374, %sub3A_3379 : vector<16xf32>
    %mul3A_3381 = arith.mulf %mul3A_3248, %mul3A_3380 : vector<16xf32>
    %mul3A_3382 = arith.mulf %mul3A_3381, %mul3A_3380 : vector<16xf32>
    %sub3A_3383 = arith.constant 1.500000e+00 : f32
    %sub3A_3384 = vector.broadcast %sub3A_3383 : f32 to vector<16xf32>
    %sub3A_3385 = arith.subf %sub3A_3384, %mul3A_3382 : vector<16xf32>
    %mul3A_3386 = arith.mulf %mul3A_3380, %sub3A_3385 : vector<16xf32>
    %mul3A_3387 = arith.mulf %mul3A_3248, %mul3A_3386 : vector<16xf32>
    %mul3A_3388 = arith.mulf %mul3A_3387, %mul3A_3386 : vector<16xf32>
    %sub3A_3389 = arith.constant 1.500000e+00 : f32
    %sub3A_3390 = vector.broadcast %sub3A_3389 : f32 to vector<16xf32>
    %sub3A_3391 = arith.subf %sub3A_3390, %mul3A_3388 : vector<16xf32>
    %mul3A_3392 = arith.mulf %mul3A_3386, %sub3A_3391 : vector<16xf32>
    %mul3A_3393 = arith.mulf %mul3A_3248, %mul3A_3392 : vector<16xf32>
    %mul3A_3394 = arith.mulf %mul3A_3393, %mul3A_3392 : vector<16xf32>
    %sub3A_3395 = arith.constant 1.500000e+00 : f32
    %sub3A_3396 = vector.broadcast %sub3A_3395 : f32 to vector<16xf32>
    %sub3A_3397 = arith.subf %sub3A_3396, %mul3A_3394 : vector<16xf32>
    %mul3A_3398 = arith.mulf %mul3A_3392, %sub3A_3397 : vector<16xf32>
    %mul3A_3399 = arith.mulf %mul3A_3248, %mul3A_3398 : vector<16xf32>
    %mul3A_3400 = arith.mulf %mul3A_3399, %mul3A_3398 : vector<16xf32>
    %sub3A_3401 = arith.constant 1.500000e+00 : f32
    %sub3A_3402 = vector.broadcast %sub3A_3401 : f32 to vector<16xf32>
    %sub3A_3403 = arith.subf %sub3A_3402, %mul3A_3400 : vector<16xf32>
    %mul3A_3404 = arith.mulf %mul3A_3398, %sub3A_3403 : vector<16xf32>
    %swap3A_3405 = arith.constant 272 : index
    %swap3A_3406 = tpu.vector_load %arg8[%swap3A_3405] {strides = array<i32>} : memref<320xf32, #tpu.memory_space<vmem>>, vector<16xf32>,
    %swap3A_3407 = vector.shape_cast %swap3A_3406 : vector<16xf32> to vector<16xf32>
    %swap3A_3408 = vector.shape_cast %mul3A_3404 : vector<16xf32> to vector<16xf32>
    tpu.vector_store %arg8[%swap3A_3405], %swap3A_3408 {strides = array<i32>} : memref<320xf32, #tpu.memory_space<vmem>>, vector<16xf32>,
    %get3A_3409 = arith.constant 288 : index
    %get3A_3410 = tpu.vector_load %arg8[%get3A_3409] {strides = array<i32>} : memref<320xf32, #tpu.memory_space<vmem>>, vector<16xf32>,
    %get3A_3411 = vector.shape_cast %get3A_3410 : vector<16xf32> to vector<16xf32>
    %add3A_3412 = arith.constant 1.000000e+00 : f32
    %add3A_3413 = vector.broadcast %add3A_3412 : f32 to vector<16xf32>
    %add3A_3414 = arith.addf %get3A_3411, %add3A_3413 : vector<16xf32>
    %div3A_3415 = arith.constant 1.000000e+00 : f32
    %div3A_3416 = vector.broadcast %div3A_3415 : f32 to vector<16xf32>
    %div3A_3417 = arith.divf %div3A_3416, %add3A_3414 : vector<16xf32>
    %mul3A_3418 = arith.constant 5.000000e-01 : f32
    %mul3A_3419 = vector.broadcast %mul3A_3418 : f32 to vector<16xf32>
    %mul3A_3420 = arith.mulf %mul3A_3419, %add3A_3414 : vector<16xf32>
    %mul3A_3421 = arith.mulf %mul3A_3420, %div3A_3417 : vector<16xf32>
    %mul3A_3422 = arith.mulf %mul3A_3421, %div3A_3417 : vector<16xf32>
    %sub3A_3423 = arith.constant 1.500000e+00 : f32
    %sub3A_3424 = vector.broadcast %sub3A_3423 : f32 to vector<16xf32>
    %sub3A_3425 = arith.subf %sub3A_3424, %mul3A_3422 : vector<16xf32>
    %mul3A_3426 = arith.mulf %div3A_3417, %sub3A_3425 : vector<16xf32>
    %mul3A_3427 = arith.mulf %mul3A_3420, %mul3A_3426 : vector<16xf32>
    %mul3A_3428 = arith.mulf %mul3A_3427, %mul3A_3426 : vector<16xf32>
    %sub3A_3429 = arith.constant 1.500000e+00 : f32
    %sub3A_3430 = vector.broadcast %sub3A_3429 : f32 to vector<16xf32>
    %sub3A_3431 = arith.subf %sub3A_3430, %mul3A_3428 : vector<16xf32>
    %mul3A_3432 = arith.mulf %mul3A_3426, %sub3A_3431 : vector<16xf32>
    %mul3A_3433 = arith.mulf %mul3A_3420, %mul3A_3432 : vector<16xf32>
    %mul3A_3434 = arith.mulf %mul3A_3433, %mul3A_3432 : vector<16xf32>
    %sub3A_3435 = arith.constant 1.500000e+00 : f32
    %sub3A_3436 = vector.broadcast %sub3A_3435 : f32 to vector<16xf32>
    %sub3A_3437 = arith.subf %sub3A_3436, %mul3A_3434 : vector<16xf32>
    %mul3A_3438 = arith.mulf %mul3A_3432, %sub3A_3437 : vector<16xf32>
    %mul3A_3439 = arith.mulf %mul3A_3420, %mul3A_3438 : vector<16xf32>
    %mul3A_3440 = arith.mulf %mul3A_3439, %mul3A_3438 : vector<16xf32>
    %sub3A_3441 = arith.constant 1.500000e+00 : f32
    %sub3A_3442 = vector.broadcast %sub3A_3441 : f32 to vector<16xf32>
    %sub3A_3443 = arith.subf %sub3A_3442, %mul3A_3440 : vector<16xf32>
    %mul3A_3444 = arith.mulf %mul3A_3438, %sub3A_3443 : vector<16xf32>
    %mul3A_3445 = arith.mulf %mul3A_3420, %mul3A_3444 : vector<16xf32>
    %mul3A_3446 = arith.mulf %mul3A_3445, %mul3A_3444 : vector<16xf32>
    %sub3A_3447 = arith.constant 1.500000e+00 : f32
    %sub3A_3448 = vector.broadcast %sub3A_3447 : f32 to vector<16xf32>
    %sub3A_3449 = arith.subf %sub3A_3448, %mul3A_3446 : vector<16xf32>
    %mul3A_3450 = arith.mulf %mul3A_3444, %sub3A_3449 : vector<16xf32>
    %mul3A_3451 = arith.mulf %mul3A_3420, %mul3A_3450 : vector<16xf32>
    %mul3A_3452 = arith.mulf %mul3A_3451, %mul3A_3450 : vector<16xf32>
    %sub3A_3453 = arith.constant 1.500000e+00 : f32
    %sub3A_3454 = vector.broadcast %sub3A_3453 : f32 to vector<16xf32>
    %sub3A_3455 = arith.subf %sub3A_3454, %mul3A_3452 : vector<16xf32>
    %mul3A_3456 = arith.mulf %mul3A_3450, %sub3A_3455 : vector<16xf32>
    %mul3A_3457 = arith.mulf %mul3A_3420, %mul3A_3456 : vector<16xf32>
    %mul3A_3458 = arith.mulf %mul3A_3457, %mul3A_3456 : vector<16xf32>
    %sub3A_3459 = arith.constant 1.500000e+00 : f32
    %sub3A_3460 = vector.broadcast %sub3A_3459 : f32 to vector<16xf32>
    %sub3A_3461 = arith.subf %sub3A_3460, %mul3A_3458 : vector<16xf32>
    %mul3A_3462 = arith.mulf %mul3A_3456, %sub3A_3461 : vector<16xf32>
    %mul3A_3463 = arith.mulf %mul3A_3420, %mul3A_3462 : vector<16xf32>
    %mul3A_3464 = arith.mulf %mul3A_3463, %mul3A_3462 : vector<16xf32>
    %sub3A_3465 = arith.constant 1.500000e+00 : f32
    %sub3A_3466 = vector.broadcast %sub3A_3465 : f32 to vector<16xf32>
    %sub3A_3467 = arith.subf %sub3A_3466, %mul3A_3464 : vector<16xf32>
    %mul3A_3468 = arith.mulf %mul3A_3462, %sub3A_3467 : vector<16xf32>
    %mul3A_3469 = arith.mulf %mul3A_3420, %mul3A_3468 : vector<16xf32>
    %mul3A_3470 = arith.mulf %mul3A_3469, %mul3A_3468 : vector<16xf32>
    %sub3A_3471 = arith.constant 1.500000e+00 : f32
    %sub3A_3472 = vector.broadcast %sub3A_3471 : f32 to vector<16xf32>
    %sub3A_3473 = arith.subf %sub3A_3472, %mul3A_3470 : vector<16xf32>
    %mul3A_3474 = arith.mulf %mul3A_3468, %sub3A_3473 : vector<16xf32>
    %mul3A_3475 = arith.mulf %mul3A_3420, %mul3A_3474 : vector<16xf32>
    %mul3A_3476 = arith.mulf %mul3A_3475, %mul3A_3474 : vector<16xf32>
    %sub3A_3477 = arith.constant 1.500000e+00 : f32
    %sub3A_3478 = vector.broadcast %sub3A_3477 : f32 to vector<16xf32>
    %sub3A_3479 = arith.subf %sub3A_3478, %mul3A_3476 : vector<16xf32>
    %mul3A_3480 = arith.mulf %mul3A_3474, %sub3A_3479 : vector<16xf32>
    %mul3A_3481 = arith.mulf %mul3A_3420, %mul3A_3480 : vector<16xf32>
    %mul3A_3482 = arith.mulf %mul3A_3481, %mul3A_3480 : vector<16xf32>
    %sub3A_3483 = arith.constant 1.500000e+00 : f32
    %sub3A_3484 = vector.broadcast %sub3A_3483 : f32 to vector<16xf32>
    %sub3A_3485 = arith.subf %sub3A_3484, %mul3A_3482 : vector<16xf32>
    %mul3A_3486 = arith.mulf %mul3A_3480, %sub3A_3485 : vector<16xf32>
    %mul3A_3487 = arith.mulf %mul3A_3420, %mul3A_3486 : vector<16xf32>
    %mul3A_3488 = arith.mulf %mul3A_3487, %mul3A_3486 : vector<16xf32>
    %sub3A_3489 = arith.constant 1.500000e+00 : f32
    %sub3A_3490 = vector.broadcast %sub3A_3489 : f32 to vector<16xf32>
    %sub3A_3491 = arith.subf %sub3A_3490, %mul3A_3488 : vector<16xf32>
    %mul3A_3492 = arith.mulf %mul3A_3486, %sub3A_3491 : vector<16xf32>
    %mul3A_3493 = arith.mulf %mul3A_3420, %mul3A_3492 : vector<16xf32>
    %mul3A_3494 = arith.mulf %mul3A_3493, %mul3A_3492 : vector<16xf32>
    %sub3A_3495 = arith.constant 1.500000e+00 : f32
    %sub3A_3496 = vector.broadcast %sub3A_3495 : f32 to vector<16xf32>
    %sub3A_3497 = arith.subf %sub3A_3496, %mul3A_3494 : vector<16xf32>
    %mul3A_3498 = arith.mulf %mul3A_3492, %sub3A_3497 : vector<16xf32>
    %mul3A_3499 = arith.mulf %mul3A_3420, %mul3A_3498 : vector<16xf32>
    %mul3A_3500 = arith.mulf %mul3A_3499, %mul3A_3498 : vector<16xf32>
    %sub3A_3501 = arith.constant 1.500000e+00 : f32
    %sub3A_3502 = vector.broadcast %sub3A_3501 : f32 to vector<16xf32>
    %sub3A_3503 = arith.subf %sub3A_3502, %mul3A_3500 : vector<16xf32>
    %mul3A_3504 = arith.mulf %mul3A_3498, %sub3A_3503 : vector<16xf32>
    %mul3A_3505 = arith.mulf %mul3A_3420, %mul3A_3504 : vector<16xf32>
    %mul3A_3506 = arith.mulf %mul3A_3505, %mul3A_3504 : vector<16xf32>
    %sub3A_3507 = arith.constant 1.500000e+00 : f32
    %sub3A_3508 = vector.broadcast %sub3A_3507 : f32 to vector<16xf32>
    %sub3A_3509 = arith.subf %sub3A_3508, %mul3A_3506 : vector<16xf32>
    %mul3A_3510 = arith.mulf %mul3A_3504, %sub3A_3509 : vector<16xf32>
    %mul3A_3511 = arith.mulf %mul3A_3420, %mul3A_3510 : vector<16xf32>
    %mul3A_3512 = arith.mulf %mul3A_3511, %mul3A_3510 : vector<16xf32>
    %sub3A_3513 = arith.constant 1.500000e+00 : f32
    %sub3A_3514 = vector.broadcast %sub3A_3513 : f32 to vector<16xf32>
    %sub3A_3515 = arith.subf %sub3A_3514, %mul3A_3512 : vector<16xf32>
    %mul3A_3516 = arith.mulf %mul3A_3510, %sub3A_3515 : vector<16xf32>
    %mul3A_3517 = arith.mulf %mul3A_3420, %mul3A_3516 : vector<16xf32>
    %mul3A_3518 = arith.mulf %mul3A_3517, %mul3A_3516 : vector<16xf32>
    %sub3A_3519 = arith.constant 1.500000e+00 : f32
    %sub3A_3520 = vector.broadcast %sub3A_3519 : f32 to vector<16xf32>
    %sub3A_3521 = arith.subf %sub3A_3520, %mul3A_3518 : vector<16xf32>
    %mul3A_3522 = arith.mulf %mul3A_3516, %sub3A_3521 : vector<16xf32>
    %mul3A_3523 = arith.mulf %mul3A_3420, %mul3A_3522 : vector<16xf32>
    %mul3A_3524 = arith.mulf %mul3A_3523, %mul3A_3522 : vector<16xf32>
    %sub3A_3525 = arith.constant 1.500000e+00 : f32
    %sub3A_3526 = vector.broadcast %sub3A_3525 : f32 to vector<16xf32>
    %sub3A_3527 = arith.subf %sub3A_3526, %mul3A_3524 : vector<16xf32>
    %mul3A_3528 = arith.mulf %mul3A_3522, %sub3A_3527 : vector<16xf32>
    %mul3A_3529 = arith.mulf %mul3A_3420, %mul3A_3528 : vector<16xf32>
    %mul3A_3530 = arith.mulf %mul3A_3529, %mul3A_3528 : vector<16xf32>
    %sub3A_3531 = arith.constant 1.500000e+00 : f32
    %sub3A_3532 = vector.broadcast %sub3A_3531 : f32 to vector<16xf32>
    %sub3A_3533 = arith.subf %sub3A_3532, %mul3A_3530 : vector<16xf32>
    %mul3A_3534 = arith.mulf %mul3A_3528, %sub3A_3533 : vector<16xf32>
    %mul3A_3535 = arith.mulf %mul3A_3420, %mul3A_3534 : vector<16xf32>
    %mul3A_3536 = arith.mulf %mul3A_3535, %mul3A_3534 : vector<16xf32>
    %sub3A_3537 = arith.constant 1.500000e+00 : f32
    %sub3A_3538 = vector.broadcast %sub3A_3537 : f32 to vector<16xf32>
    %sub3A_3539 = arith.subf %sub3A_3538, %mul3A_3536 : vector<16xf32>
    %mul3A_3540 = arith.mulf %mul3A_3534, %sub3A_3539 : vector<16xf32>
    %mul3A_3541 = arith.mulf %mul3A_3420, %mul3A_3540 : vector<16xf32>
    %mul3A_3542 = arith.mulf %mul3A_3541, %mul3A_3540 : vector<16xf32>
    %sub3A_3543 = arith.constant 1.500000e+00 : f32
    %sub3A_3544 = vector.broadcast %sub3A_3543 : f32 to vector<16xf32>
    %sub3A_3545 = arith.subf %sub3A_3544, %mul3A_3542 : vector<16xf32>
    %mul3A_3546 = arith.mulf %mul3A_3540, %sub3A_3545 : vector<16xf32>
    %mul3A_3547 = arith.mulf %mul3A_3420, %mul3A_3546 : vector<16xf32>
    %mul3A_3548 = arith.mulf %mul3A_3547, %mul3A_3546 : vector<16xf32>
    %sub3A_3549 = arith.constant 1.500000e+00 : f32
    %sub3A_3550 = vector.broadcast %sub3A_3549 : f32 to vector<16xf32>
    %sub3A_3551 = arith.subf %sub3A_3550, %mul3A_3548 : vector<16xf32>
    %mul3A_3552 = arith.mulf %mul3A_3546, %sub3A_3551 : vector<16xf32>
    %mul3A_3553 = arith.mulf %mul3A_3420, %mul3A_3552 : vector<16xf32>
    %mul3A_3554 = arith.mulf %mul3A_3553, %mul3A_3552 : vector<16xf32>
    %sub3A_3555 = arith.constant 1.500000e+00 : f32
    %sub3A_3556 = vector.broadcast %sub3A_3555 : f32 to vector<16xf32>
    %sub3A_3557 = arith.subf %sub3A_3556, %mul3A_3554 : vector<16xf32>
    %mul3A_3558 = arith.mulf %mul3A_3552, %sub3A_3557 : vector<16xf32>
    %mul3A_3559 = arith.mulf %mul3A_3420, %mul3A_3558 : vector<16xf32>
    %mul3A_3560 = arith.mulf %mul3A_3559, %mul3A_3558 : vector<16xf32>
    %sub3A_3561 = arith.constant 1.500000e+00 : f32
    %sub3A_3562 = vector.broadcast %sub3A_3561 : f32 to vector<16xf32>
    %sub3A_3563 = arith.subf %sub3A_3562, %mul3A_3560 : vector<16xf32>
    %mul3A_3564 = arith.mulf %mul3A_3558, %sub3A_3563 : vector<16xf32>
    %mul3A_3565 = arith.mulf %mul3A_3420, %mul3A_3564 : vector<16xf32>
    %mul3A_3566 = arith.mulf %mul3A_3565, %mul3A_3564 : vector<16xf32>
    %sub3A_3567 = arith.constant 1.500000e+00 : f32
    %sub3A_3568 = vector.broadcast %sub3A_3567 : f32 to vector<16xf32>
    %sub3A_3569 = arith.subf %sub3A_3568, %mul3A_3566 : vector<16xf32>
    %mul3A_3570 = arith.mulf %mul3A_3564, %sub3A_3569 : vector<16xf32>
    %mul3A_3571 = arith.mulf %mul3A_3420, %mul3A_3570 : vector<16xf32>
    %mul3A_3572 = arith.mulf %mul3A_3571, %mul3A_3570 : vector<16xf32>
    %sub3A_3573 = arith.constant 1.500000e+00 : f32
    %sub3A_3574 = vector.broadcast %sub3A_3573 : f32 to vector<16xf32>
    %sub3A_3575 = arith.subf %sub3A_3574, %mul3A_3572 : vector<16xf32>
    %mul3A_3576 = arith.mulf %mul3A_3570, %sub3A_3575 : vector<16xf32>
    %swap3A_3577 = arith.constant 288 : index
    %swap3A_3578 = tpu.vector_load %arg8[%swap3A_3577] {strides = array<i32>} : memref<320xf32, #tpu.memory_space<vmem>>, vector<16xf32>,
    %swap3A_3579 = vector.shape_cast %swap3A_3578 : vector<16xf32> to vector<16xf32>
    %swap3A_3580 = vector.shape_cast %mul3A_3576 : vector<16xf32> to vector<16xf32>
    tpu.vector_store %arg8[%swap3A_3577], %swap3A_3580 {strides = array<i32>} : memref<320xf32, #tpu.memory_space<vmem>>, vector<16xf32>,
    %get3A_3581 = arith.constant 304 : index
    %get3A_3582 = tpu.vector_load %arg8[%get3A_3581] {strides = array<i32>} : memref<320xf32, #tpu.memory_space<vmem>>, vector<16xf32>,
    %get3A_3583 = vector.shape_cast %get3A_3582 : vector<16xf32> to vector<16xf32>
    %add3A_3584 = arith.constant 1.000000e+00 : f32
    %add3A_3585 = vector.broadcast %add3A_3584 : f32 to vector<16xf32>
    %add3A_3586 = arith.addf %get3A_3583, %add3A_3585 : vector<16xf32>
    %div3A_3587 = arith.constant 1.000000e+00 : f32
    %div3A_3588 = vector.broadcast %div3A_3587 : f32 to vector<16xf32>
    %div3A_3589 = arith.divf %div3A_3588, %add3A_3586 : vector<16xf32>
    %mul3A_3590 = arith.constant 5.000000e-01 : f32
    %mul3A_3591 = vector.broadcast %mul3A_3590 : f32 to vector<16xf32>
    %mul3A_3592 = arith.mulf %mul3A_3591, %add3A_3586 : vector<16xf32>
    %mul3A_3593 = arith.mulf %mul3A_3592, %div3A_3589 : vector<16xf32>
    %mul3A_3594 = arith.mulf %mul3A_3593, %div3A_3589 : vector<16xf32>
    %sub3A_3595 = arith.constant 1.500000e+00 : f32
    %sub3A_3596 = vector.broadcast %sub3A_3595 : f32 to vector<16xf32>
    %sub3A_3597 = arith.subf %sub3A_3596, %mul3A_3594 : vector<16xf32>
    %mul3A_3598 = arith.mulf %div3A_3589, %sub3A_3597 : vector<16xf32>
    %mul3A_3599 = arith.mulf %mul3A_3592, %mul3A_3598 : vector<16xf32>
    %mul3A_3600 = arith.mulf %mul3A_3599, %mul3A_3598 : vector<16xf32>
    %sub3A_3601 = arith.constant 1.500000e+00 : f32
    %sub3A_3602 = vector.broadcast %sub3A_3601 : f32 to vector<16xf32>
    %sub3A_3603 = arith.subf %sub3A_3602, %mul3A_3600 : vector<16xf32>
    %mul3A_3604 = arith.mulf %mul3A_3598, %sub3A_3603 : vector<16xf32>
    %mul3A_3605 = arith.mulf %mul3A_3592, %mul3A_3604 : vector<16xf32>
    %mul3A_3606 = arith.mulf %mul3A_3605, %mul3A_3604 : vector<16xf32>
    %sub3A_3607 = arith.constant 1.500000e+00 : f32
    %sub3A_3608 = vector.broadcast %sub3A_3607 : f32 to vector<16xf32>
    %sub3A_3609 = arith.subf %sub3A_3608, %mul3A_3606 : vector<16xf32>
    %mul3A_3610 = arith.mulf %mul3A_3604, %sub3A_3609 : vector<16xf32>
    %mul3A_3611 = arith.mulf %mul3A_3592, %mul3A_3610 : vector<16xf32>
    %mul3A_3612 = arith.mulf %mul3A_3611, %mul3A_3610 : vector<16xf32>
    %sub3A_3613 = arith.constant 1.500000e+00 : f32
    %sub3A_3614 = vector.broadcast %sub3A_3613 : f32 to vector<16xf32>
    %sub3A_3615 = arith.subf %sub3A_3614, %mul3A_3612 : vector<16xf32>
    %mul3A_3616 = arith.mulf %mul3A_3610, %sub3A_3615 : vector<16xf32>
    %mul3A_3617 = arith.mulf %mul3A_3592, %mul3A_3616 : vector<16xf32>
    %mul3A_3618 = arith.mulf %mul3A_3617, %mul3A_3616 : vector<16xf32>
    %sub3A_3619 = arith.constant 1.500000e+00 : f32
    %sub3A_3620 = vector.broadcast %sub3A_3619 : f32 to vector<16xf32>
    %sub3A_3621 = arith.subf %sub3A_3620, %mul3A_3618 : vector<16xf32>
    %mul3A_3622 = arith.mulf %mul3A_3616, %sub3A_3621 : vector<16xf32>
    %mul3A_3623 = arith.mulf %mul3A_3592, %mul3A_3622 : vector<16xf32>
    %mul3A_3624 = arith.mulf %mul3A_3623, %mul3A_3622 : vector<16xf32>
    %sub3A_3625 = arith.constant 1.500000e+00 : f32
    %sub3A_3626 = vector.broadcast %sub3A_3625 : f32 to vector<16xf32>
    %sub3A_3627 = arith.subf %sub3A_3626, %mul3A_3624 : vector<16xf32>
    %mul3A_3628 = arith.mulf %mul3A_3622, %sub3A_3627 : vector<16xf32>
    %mul3A_3629 = arith.mulf %mul3A_3592, %mul3A_3628 : vector<16xf32>
    %mul3A_3630 = arith.mulf %mul3A_3629, %mul3A_3628 : vector<16xf32>
    %sub3A_3631 = arith.constant 1.500000e+00 : f32
    %sub3A_3632 = vector.broadcast %sub3A_3631 : f32 to vector<16xf32>
    %sub3A_3633 = arith.subf %sub3A_3632, %mul3A_3630 : vector<16xf32>
    %mul3A_3634 = arith.mulf %mul3A_3628, %sub3A_3633 : vector<16xf32>
    %mul3A_3635 = arith.mulf %mul3A_3592, %mul3A_3634 : vector<16xf32>
    %mul3A_3636 = arith.mulf %mul3A_3635, %mul3A_3634 : vector<16xf32>
    %sub3A_3637 = arith.constant 1.500000e+00 : f32
    %sub3A_3638 = vector.broadcast %sub3A_3637 : f32 to vector<16xf32>
    %sub3A_3639 = arith.subf %sub3A_3638, %mul3A_3636 : vector<16xf32>
    %mul3A_3640 = arith.mulf %mul3A_3634, %sub3A_3639 : vector<16xf32>
    %mul3A_3641 = arith.mulf %mul3A_3592, %mul3A_3640 : vector<16xf32>
    %mul3A_3642 = arith.mulf %mul3A_3641, %mul3A_3640 : vector<16xf32>
    %sub3A_3643 = arith.constant 1.500000e+00 : f32
    %sub3A_3644 = vector.broadcast %sub3A_3643 : f32 to vector<16xf32>
    %sub3A_3645 = arith.subf %sub3A_3644, %mul3A_3642 : vector<16xf32>
    %mul3A_3646 = arith.mulf %mul3A_3640, %sub3A_3645 : vector<16xf32>
    %mul3A_3647 = arith.mulf %mul3A_3592, %mul3A_3646 : vector<16xf32>
    %mul3A_3648 = arith.mulf %mul3A_3647, %mul3A_3646 : vector<16xf32>
    %sub3A_3649 = arith.constant 1.500000e+00 : f32
    %sub3A_3650 = vector.broadcast %sub3A_3649 : f32 to vector<16xf32>
    %sub3A_3651 = arith.subf %sub3A_3650, %mul3A_3648 : vector<16xf32>
    %mul3A_3652 = arith.mulf %mul3A_3646, %sub3A_3651 : vector<16xf32>
    %mul3A_3653 = arith.mulf %mul3A_3592, %mul3A_3652 : vector<16xf32>
    %mul3A_3654 = arith.mulf %mul3A_3653, %mul3A_3652 : vector<16xf32>
    %sub3A_3655 = arith.constant 1.500000e+00 : f32
    %sub3A_3656 = vector.broadcast %sub3A_3655 : f32 to vector<16xf32>
    %sub3A_3657 = arith.subf %sub3A_3656, %mul3A_3654 : vector<16xf32>
    %mul3A_3658 = arith.mulf %mul3A_3652, %sub3A_3657 : vector<16xf32>
    %mul3A_3659 = arith.mulf %mul3A_3592, %mul3A_3658 : vector<16xf32>
    %mul3A_3660 = arith.mulf %mul3A_3659, %mul3A_3658 : vector<16xf32>
    %sub3A_3661 = arith.constant 1.500000e+00 : f32
    %sub3A_3662 = vector.broadcast %sub3A_3661 : f32 to vector<16xf32>
    %sub3A_3663 = arith.subf %sub3A_3662, %mul3A_3660 : vector<16xf32>
    %mul3A_3664 = arith.mulf %mul3A_3658, %sub3A_3663 : vector<16xf32>
    %mul3A_3665 = arith.mulf %mul3A_3592, %mul3A_3664 : vector<16xf32>
    %mul3A_3666 = arith.mulf %mul3A_3665, %mul3A_3664 : vector<16xf32>
    %sub3A_3667 = arith.constant 1.500000e+00 : f32
    %sub3A_3668 = vector.broadcast %sub3A_3667 : f32 to vector<16xf32>
    %sub3A_3669 = arith.subf %sub3A_3668, %mul3A_3666 : vector<16xf32>
    %mul3A_3670 = arith.mulf %mul3A_3664, %sub3A_3669 : vector<16xf32>
    %mul3A_3671 = arith.mulf %mul3A_3592, %mul3A_3670 : vector<16xf32>
    %mul3A_3672 = arith.mulf %mul3A_3671, %mul3A_3670 : vector<16xf32>
    %sub3A_3673 = arith.constant 1.500000e+00 : f32
    %sub3A_3674 = vector.broadcast %sub3A_3673 : f32 to vector<16xf32>
    %sub3A_3675 = arith.subf %sub3A_3674, %mul3A_3672 : vector<16xf32>
    %mul3A_3676 = arith.mulf %mul3A_3670, %sub3A_3675 : vector<16xf32>
    %mul3A_3677 = arith.mulf %mul3A_3592, %mul3A_3676 : vector<16xf32>
    %mul3A_3678 = arith.mulf %mul3A_3677, %mul3A_3676 : vector<16xf32>
    %sub3A_3679 = arith.constant 1.500000e+00 : f32
    %sub3A_3680 = vector.broadcast %sub3A_3679 : f32 to vector<16xf32>
    %sub3A_3681 = arith.subf %sub3A_3680, %mul3A_3678 : vector<16xf32>
    %mul3A_3682 = arith.mulf %mul3A_3676, %sub3A_3681 : vector<16xf32>
    %mul3A_3683 = arith.mulf %mul3A_3592, %mul3A_3682 : vector<16xf32>
    %mul3A_3684 = arith.mulf %mul3A_3683, %mul3A_3682 : vector<16xf32>
    %sub3A_3685 = arith.constant 1.500000e+00 : f32
    %sub3A_3686 = vector.broadcast %sub3A_3685 : f32 to vector<16xf32>
    %sub3A_3687 = arith.subf %sub3A_3686, %mul3A_3684 : vector<16xf32>
    %mul3A_3688 = arith.mulf %mul3A_3682, %sub3A_3687 : vector<16xf32>
    %mul3A_3689 = arith.mulf %mul3A_3592, %mul3A_3688 : vector<16xf32>
    %mul3A_3690 = arith.mulf %mul3A_3689, %mul3A_3688 : vector<16xf32>
    %sub3A_3691 = arith.constant 1.500000e+00 : f32
    %sub3A_3692 = vector.broadcast %sub3A_3691 : f32 to vector<16xf32>
    %sub3A_3693 = arith.subf %sub3A_3692, %mul3A_3690 : vector<16xf32>
    %mul3A_3694 = arith.mulf %mul3A_3688, %sub3A_3693 : vector<16xf32>
    %mul3A_3695 = arith.mulf %mul3A_3592, %mul3A_3694 : vector<16xf32>
    %mul3A_3696 = arith.mulf %mul3A_3695, %mul3A_3694 : vector<16xf32>
    %sub3A_3697 = arith.constant 1.500000e+00 : f32
    %sub3A_3698 = vector.broadcast %sub3A_3697 : f32 to vector<16xf32>
    %sub3A_3699 = arith.subf %sub3A_3698, %mul3A_3696 : vector<16xf32>
    %mul3A_3700 = arith.mulf %mul3A_3694, %sub3A_3699 : vector<16xf32>
    %mul3A_3701 = arith.mulf %mul3A_3592, %mul3A_3700 : vector<16xf32>
    %mul3A_3702 = arith.mulf %mul3A_3701, %mul3A_3700 : vector<16xf32>
    %sub3A_3703 = arith.constant 1.500000e+00 : f32
    %sub3A_3704 = vector.broadcast %sub3A_3703 : f32 to vector<16xf32>
    %sub3A_3705 = arith.subf %sub3A_3704, %mul3A_3702 : vector<16xf32>
    %mul3A_3706 = arith.mulf %mul3A_3700, %sub3A_3705 : vector<16xf32>
    %mul3A_3707 = arith.mulf %mul3A_3592, %mul3A_3706 : vector<16xf32>
    %mul3A_3708 = arith.mulf %mul3A_3707, %mul3A_3706 : vector<16xf32>
    %sub3A_3709 = arith.constant 1.500000e+00 : f32
    %sub3A_3710 = vector.broadcast %sub3A_3709 : f32 to vector<16xf32>
    %sub3A_3711 = arith.subf %sub3A_3710, %mul3A_3708 : vector<16xf32>
    %mul3A_3712 = arith.mulf %mul3A_3706, %sub3A_3711 : vector<16xf32>
    %mul3A_3713 = arith.mulf %mul3A_3592, %mul3A_3712 : vector<16xf32>
    %mul3A_3714 = arith.mulf %mul3A_3713, %mul3A_3712 : vector<16xf32>
    %sub3A_3715 = arith.constant 1.500000e+00 : f32
    %sub3A_3716 = vector.broadcast %sub3A_3715 : f32 to vector<16xf32>
    %sub3A_3717 = arith.subf %sub3A_3716, %mul3A_3714 : vector<16xf32>
    %mul3A_3718 = arith.mulf %mul3A_3712, %sub3A_3717 : vector<16xf32>
    %mul3A_3719 = arith.mulf %mul3A_3592, %mul3A_3718 : vector<16xf32>
    %mul3A_3720 = arith.mulf %mul3A_3719, %mul3A_3718 : vector<16xf32>
    %sub3A_3721 = arith.constant 1.500000e+00 : f32
    %sub3A_3722 = vector.broadcast %sub3A_3721 : f32 to vector<16xf32>
    %sub3A_3723 = arith.subf %sub3A_3722, %mul3A_3720 : vector<16xf32>
    %mul3A_3724 = arith.mulf %mul3A_3718, %sub3A_3723 : vector<16xf32>
    %mul3A_3725 = arith.mulf %mul3A_3592, %mul3A_3724 : vector<16xf32>
    %mul3A_3726 = arith.mulf %mul3A_3725, %mul3A_3724 : vector<16xf32>
    %sub3A_3727 = arith.constant 1.500000e+00 : f32
    %sub3A_3728 = vector.broadcast %sub3A_3727 : f32 to vector<16xf32>
    %sub3A_3729 = arith.subf %sub3A_3728, %mul3A_3726 : vector<16xf32>
    %mul3A_3730 = arith.mulf %mul3A_3724, %sub3A_3729 : vector<16xf32>
    %mul3A_3731 = arith.mulf %mul3A_3592, %mul3A_3730 : vector<16xf32>
    %mul3A_3732 = arith.mulf %mul3A_3731, %mul3A_3730 : vector<16xf32>
    %sub3A_3733 = arith.constant 1.500000e+00 : f32
    %sub3A_3734 = vector.broadcast %sub3A_3733 : f32 to vector<16xf32>
    %sub3A_3735 = arith.subf %sub3A_3734, %mul3A_3732 : vector<16xf32>
    %mul3A_3736 = arith.mulf %mul3A_3730, %sub3A_3735 : vector<16xf32>
    %mul3A_3737 = arith.mulf %mul3A_3592, %mul3A_3736 : vector<16xf32>
    %mul3A_3738 = arith.mulf %mul3A_3737, %mul3A_3736 : vector<16xf32>
    %sub3A_3739 = arith.constant 1.500000e+00 : f32
    %sub3A_3740 = vector.broadcast %sub3A_3739 : f32 to vector<16xf32>
    %sub3A_3741 = arith.subf %sub3A_3740, %mul3A_3738 : vector<16xf32>
    %mul3A_3742 = arith.mulf %mul3A_3736, %sub3A_3741 : vector<16xf32>
    %mul3A_3743 = arith.mulf %mul3A_3592, %mul3A_3742 : vector<16xf32>
    %mul3A_3744 = arith.mulf %mul3A_3743, %mul3A_3742 : vector<16xf32>
    %sub3A_3745 = arith.constant 1.500000e+00 : f32
    %sub3A_3746 = vector.broadcast %sub3A_3745 : f32 to vector<16xf32>
    %sub3A_3747 = arith.subf %sub3A_3746, %mul3A_3744 : vector<16xf32>
    %mul3A_3748 = arith.mulf %mul3A_3742, %sub3A_3747 : vector<16xf32>
    %swap3A_3749 = arith.constant 304 : index
    %swap3A_3750 = tpu.vector_load %arg8[%swap3A_3749] {strides = array<i32>} : memref<320xf32, #tpu.memory_space<vmem>>, vector<16xf32>,
    %swap3A_3751 = vector.shape_cast %swap3A_3750 : vector<16xf32> to vector<16xf32>
    %swap3A_3752 = vector.shape_cast %mul3A_3748 : vector<16xf32> to vector<16xf32>
    tpu.vector_store %arg8[%swap3A_3749], %swap3A_3752 {strides = array<i32>} : memref<320xf32, #tpu.memory_space<vmem>>, vector<16xf32>,
    %mul3A_3753 = arith.constant 320 : i32
    %mul3A_3754 = arith.muli %add3A_312, %mul3A_3753 : i32
    "tpu.region"() ({
      %run_scoped3A = tpu.sem_alloc : memref<!tpu.dma_semaphore, #tpu.memory_space<semaphore_mem>>
      %dma_start3A = tpu.memref_slice %arg3[%mul3A_3754] : memref<10240xf32, #tpu.memory_space<hbm>> -> memref<320xf32, #tpu.memory_space<hbm>>
      %dma_start3A_3755 = tpu.memref_slice %arg3[%mul3A_3754] : memref<10240xf32, #tpu.memory_space<hbm>> -> memref<320xf32, #tpu.memory_space<hbm>>
      tpu.enqueue_dma source(%arg8 : memref<320xf32, #tpu.memory_space<vmem>>) target(%dma_start3A_3755 : memref<320xf32, #tpu.memory_space<hbm>>) target_semaphore(%run_scoped3A : memref<!tpu.dma_semaphore, #tpu.memory_space<semaphore_mem>>)
      %dma_wait3A = tpu.memref_slice %arg3[%mul3A_3754] : memref<10240xf32, #tpu.memory_space<hbm>> -> memref<320xf32, #tpu.memory_space<hbm>>
      %dma_wait3A_3756 = tpu.memref_slice %arg3[%mul3A_3754] : memref<10240xf32, #tpu.memory_space<hbm>> -> memref<320xf32, #tpu.memory_space<hbm>>
      tpu.wait_dma2 semaphore(%run_scoped3A : memref<!tpu.dma_semaphore, #tpu.memory_space<semaphore_mem>>) src(%arg8 : memref<320xf32, #tpu.memory_space<vmem>>) dst(%dma_wait3A_3756 : memref<320xf32, #tpu.memory_space<hbm>>)
      tpu.yield
    }) : () -> ()
    return
  }
}

#map = affine_map<(d0, d1) -> (0, 0)>
#map1 = affine_map<(d0, d1) -> (0)>
#map2 = affine_map<(d0, d1) -> (0, 0, 0)>
module attributes {stable_mosaic.version = 14 : i64} {
  func.func @_agg(%arg0: i32, %arg1: i32, %arg2: memref<10000x128xf32, #tpu.memory_space<hbm>>, %arg3: memref<320000xi32, #tpu.memory_space<hbm>>, %arg4: memref<4000x80xi32, #tpu.memory_space<hbm>>, %arg5: memref<640x128xf32, #tpu.memory_space<hbm>>, %arg6: memref<2x10240x128xf32, #tpu.memory_space<hbm>>, %arg7: memref<10240x128xf32, #tpu.memory_space<vmem_shared>>, %arg8: memref<10240xi32, #tpu.memory_space<vmem>>, %arg9: memref<128x80xi32, #tpu.memory_space<vmem>>, %arg10: memref<80x128xf32, #tpu.memory_space<vmem>>, %arg11: memref<80x128xf32, #tpu.memory_space<vmem>>, %arg12: memref<!tpu.dma_semaphore, #tpu.memory_space<semaphore_mem>>, %arg13: memref<!tpu.dma_semaphore, #tpu.memory_space<semaphore_mem>>) attributes {dimension_semantics = [#tpu.dimension_semantics<core_parallel>, #tpu.dimension_semantics<subcore_parallel>], iteration_bounds = array<i64: 2, 16>, scalar_prefetch = 0 : i64, scratch_operands = 7 : i64, tpu.core_type = #tpu.core_type<sc_vector_subcore>, window_params = [{transform_indices = #map}, {transform_indices = #map1}, {transform_indices = #map}, {transform_indices = #map}, {transform_indices = #map2}]} {
    %mul3A = arith.constant 640 : i32
    %mul3A_0 = arith.muli %arg1, %mul3A : i32
    "tpu.region"() ({
      %run_scoped3A = tpu.sem_alloc : memref<!tpu.dma_semaphore, #tpu.memory_space<semaphore_mem>>
      %dma_start3A_62 = arith.constant 0 : i32
      %dma_start3A_63 = tpu.memref_slice %arg7[%mul3A_0, %dma_start3A_62] : memref<10240x128xf32, #tpu.memory_space<vmem_shared>> -> memref<640x128xf32, #tpu.memory_space<vmem_shared>>
      tpu.enqueue_dma source(%arg5 : memref<640x128xf32, #tpu.memory_space<hbm>>) target(%dma_start3A_63 : memref<640x128xf32, #tpu.memory_space<vmem_shared>>) target_semaphore(%run_scoped3A : memref<!tpu.dma_semaphore, #tpu.memory_space<semaphore_mem>>)
      %dma_wait3A_64 = arith.constant 0 : i32
      %dma_wait3A_65 = tpu.memref_slice %arg7[%mul3A_0, %dma_wait3A_64] : memref<10240x128xf32, #tpu.memory_space<vmem_shared>> -> memref<640x128xf32, #tpu.memory_space<vmem_shared>>
      tpu.wait_dma2 semaphore(%run_scoped3A : memref<!tpu.dma_semaphore, #tpu.memory_space<semaphore_mem>>) src(%arg5 : memref<640x128xf32, #tpu.memory_space<hbm>>) dst(%dma_wait3A_65 : memref<640x128xf32, #tpu.memory_space<vmem_shared>>)
      tpu.yield
    }) : () -> ()
    %mul3A_1 = arith.constant 16 : i32
    %mul3A_2 = arith.muli %arg0, %mul3A_1 : i32
    %add3A = arith.addi %mul3A_2, %arg1 : i32
    %lt3A = arith.constant 12 : i32
    %lt3A_3 = arith.cmpi slt, %add3A, %lt3A : i32
    %jit3A = arith.constant 120 : i32
    %jit3A_4 = arith.constant 128 : i32
    %select_n3A = arith.select %lt3A_3, %jit3A, %jit3A_4 : i32
    %lt3A_5 = arith.constant 12 : i32
    %lt3A_6 = arith.cmpi slt, %add3A, %lt3A_5 : i32
    %mul3A_7 = arith.constant 120 : i32
    %mul3A_8 = arith.muli %add3A, %mul3A_7 : i32
    %sub3A = arith.constant 12 : i32
    %sub3A_9 = arith.subi %add3A, %sub3A : i32
    %mul3A_10 = arith.constant 128 : i32
    %mul3A_11 = arith.muli %sub3A_9, %mul3A_10 : i32
    %add3A_12 = arith.constant 1440 : i32
    %add3A_13 = arith.addi %add3A_12, %mul3A_11 : i32
    %select_n3A_14 = arith.select %lt3A_6, %mul3A_8, %add3A_13 : i32
    %min3A = arith.constant 3872 : i32
    %min3A_15 = arith.minsi %select_n3A_14, %min3A : i32
    %sub3A_16 = arith.subi %select_n3A_14, %min3A_15 : i32
    %mul3A_17 = arith.constant 80 : i32
    %mul3A_18 = arith.muli %min3A_15, %mul3A_17 : i32
    "tpu.region"() ({
      %run_scoped3A = tpu.sem_alloc : memref<!tpu.dma_semaphore, #tpu.memory_space<semaphore_mem>>
      %dma_start3A_62 = tpu.memref_slice %arg3[%mul3A_18] : memref<320000xi32, #tpu.memory_space<hbm>> -> memref<10240xi32, #tpu.memory_space<hbm>>
      %dma_start3A_63 = tpu.memref_slice %arg3[%mul3A_18] : memref<320000xi32, #tpu.memory_space<hbm>> -> memref<10240xi32, #tpu.memory_space<hbm>>
      tpu.enqueue_dma source(%dma_start3A_63 : memref<10240xi32, #tpu.memory_space<hbm>>) target(%arg8 : memref<10240xi32, #tpu.memory_space<vmem>>) target_semaphore(%run_scoped3A : memref<!tpu.dma_semaphore, #tpu.memory_space<semaphore_mem>>)
      %dma_wait3A_64 = tpu.memref_slice %arg3[%mul3A_18] : memref<320000xi32, #tpu.memory_space<hbm>> -> memref<10240xi32, #tpu.memory_space<hbm>>
      %dma_wait3A_65 = tpu.memref_slice %arg3[%mul3A_18] : memref<320000xi32, #tpu.memory_space<hbm>> -> memref<10240xi32, #tpu.memory_space<hbm>>
      tpu.wait_dma2 semaphore(%run_scoped3A : memref<!tpu.dma_semaphore, #tpu.memory_space<semaphore_mem>>) src(%dma_wait3A_65 : memref<10240xi32, #tpu.memory_space<hbm>>) dst(%arg8 : memref<10240xi32, #tpu.memory_space<vmem>>)
      tpu.yield
    }) : () -> ()
    "tpu.region"() ({
      %run_scoped3A = tpu.sem_alloc : memref<!tpu.dma_semaphore, #tpu.memory_space<semaphore_mem>>
      %dma_start3A_62 = arith.constant 0 : i32
      %dma_start3A_63 = tpu.memref_slice %arg4[%min3A_15, %dma_start3A_62] : memref<4000x80xi32, #tpu.memory_space<hbm>> -> memref<128x80xi32, #tpu.memory_space<hbm>>
      %dma_start3A_64 = arith.constant 0 : i32
      %dma_start3A_65 = tpu.memref_slice %arg4[%min3A_15, %dma_start3A_64] : memref<4000x80xi32, #tpu.memory_space<hbm>> -> memref<128x80xi32, #tpu.memory_space<hbm>>
      tpu.enqueue_dma source(%dma_start3A_65 : memref<128x80xi32, #tpu.memory_space<hbm>>) target(%arg9 : memref<128x80xi32, #tpu.memory_space<vmem>>) target_semaphore(%run_scoped3A : memref<!tpu.dma_semaphore, #tpu.memory_space<semaphore_mem>>)
      %dma_wait3A_66 = arith.constant 0 : i32
      %dma_wait3A_67 = tpu.memref_slice %arg4[%min3A_15, %dma_wait3A_66] : memref<4000x80xi32, #tpu.memory_space<hbm>> -> memref<128x80xi32, #tpu.memory_space<hbm>>
      %dma_wait3A_68 = arith.constant 0 : i32
      %dma_wait3A_69 = tpu.memref_slice %arg4[%min3A_15, %dma_wait3A_68] : memref<4000x80xi32, #tpu.memory_space<hbm>> -> memref<128x80xi32, #tpu.memory_space<hbm>>
      tpu.wait_dma2 semaphore(%run_scoped3A : memref<!tpu.dma_semaphore, #tpu.memory_space<semaphore_mem>>) src(%dma_wait3A_69 : memref<128x80xi32, #tpu.memory_space<hbm>>) dst(%arg9 : memref<128x80xi32, #tpu.memory_space<vmem>>)
      tpu.yield
    }) : () -> ()
    %barrier3A = arith.constant 0 : index
    tpu.barrier barrier_id(%barrier3A)
    %add3A_19 = arith.constant 0 : i32
    %add3A_20 = arith.addi %sub3A_16, %add3A_19 : i32
    %mul3A_21 = arith.constant 80 : i32
    %mul3A_22 = arith.muli %add3A_20, %mul3A_21 : i32
    %dma_start3A = tpu.memref_slice %arg8[%mul3A_22] : memref<10240xi32, #tpu.memory_space<vmem>> -> memref<80xi32, #tpu.memory_space<vmem>>
    %dma_start3A_23 = arith.constant 0 : i32
    %dma_start3A_24 = arith.constant 0 : i32
    %dma_start3A_25 = tpu.memref_slice %arg2[%dma_start3A_23, %dma_start3A_24] : memref<10000x128xf32, #tpu.memory_space<hbm>> -> memref<10000x128xf32, #tpu.memory_space<hbm>>
    tpu.enqueue_indirect_dma source(%dma_start3A_25 : memref<10000x128xf32, #tpu.memory_space<hbm>>) target(%arg10 : memref<80x128xf32, #tpu.memory_space<vmem>>) offsets(%dma_start3A : memref<80xi32, #tpu.memory_space<vmem>>) semaphore(%arg12 : memref<!tpu.dma_semaphore, #tpu.memory_space<semaphore_mem>>)
    %dma_wait3A = tpu.memref_slice %arg8[%mul3A_22] : memref<10240xi32, #tpu.memory_space<vmem>> -> memref<80xi32, #tpu.memory_space<vmem>>
    %dma_wait3A_26 = arith.constant 0 : i32
    %dma_wait3A_27 = arith.constant 0 : i32
    %dma_wait3A_28 = tpu.memref_slice %arg2[%dma_wait3A_26, %dma_wait3A_27] : memref<10000x128xf32, #tpu.memory_space<hbm>> -> memref<10000x128xf32, #tpu.memory_space<hbm>>
    tpu.wait_indirect_dma semaphore(%arg12 : memref<!tpu.dma_semaphore, #tpu.memory_space<semaphore_mem>>) src(%dma_wait3A_28 : memref<10000x128xf32, #tpu.memory_space<hbm>>) dst(%arg10 : memref<80x128xf32, #tpu.memory_space<vmem>>)
    %jit3A_29 = arith.constant 2 : i32
    %div3A = arith.divsi %select_n3A, %jit3A_29 : i32
    %sign3A = arith.constant 0 : i32
    %sign3A_30 = arith.cmpi sgt, %select_n3A, %sign3A : i32
    %sign3A_31 = arith.extui %sign3A_30 : i1 to i32
    %sign3A_32 = arith.constant 0 : i32
    %sign3A_33 = arith.cmpi slt, %select_n3A, %sign3A_32 : i32
    %sign3A_34 = arith.extui %sign3A_33 : i1 to i32
    %sign3A_35 = arith.subi %sign3A_31, %sign3A_34 : i32
    %sign3A_36 = arith.constant 0 : i32
    %sign3A_37 = arith.cmpi sgt, %jit3A_29, %sign3A_36 : i32
    %sign3A_38 = arith.extui %sign3A_37 : i1 to i32
    %sign3A_39 = arith.constant 0 : i32
    %sign3A_40 = arith.cmpi slt, %jit3A_29, %sign3A_39 : i32
    %sign3A_41 = arith.extui %sign3A_40 : i1 to i32
    %sign3A_42 = arith.subi %sign3A_38, %sign3A_41 : i32
    %ne3A = arith.cmpi ne, %sign3A_35, %sign3A_42 : i32
    %rem3A = arith.remsi %select_n3A, %jit3A_29 : i32
    %ne3A_43 = arith.constant 0 : i32
    %ne3A_44 = arith.cmpi ne, %rem3A, %ne3A_43 : i32
    %and3A = arith.andi %ne3A, %ne3A_44 : i1
    %sub3A_45 = arith.constant 1 : i32
    %sub3A_46 = arith.subi %div3A, %sub3A_45 : i32
    %select_n3A_47 = arith.select %and3A, %sub3A_46, %div3A : i32
    %while3A = arith.constant 0 : i32
    %while3A_48 = arith.constant 0 : i32
    %while3A_49 = arith.subi %select_n3A_47, %while3A_48 : i32
    %while3A_50 = arith.addi %while3A_48, %while3A_49 : i32
    %while3A_51 = arith.constant 1 : i32
    %while3A_52 = arith.divsi %while3A_49, %while3A_51 : i32
    %while3A_53 = arith.muli %while3A_52, %while3A_51 : i32
    %while3A_54 = arith.addi %while3A_48, %while3A_53 : i32
    %while3A_55 = arith.constant 1 : i32
    scf.for %while3A_62 = %while3A_48 to %while3A_54 step %while3A_55  : i32 {
      %mul3A_63 = arith.constant 2 : i32
      %mul3A_64 = arith.muli %mul3A_63, %while3A_62 : i32
      %add3A_65 = arith.constant 1 : i32
      %add3A_66 = arith.addi %mul3A_64, %add3A_65 : i32
      %add3A_67 = arith.addi %sub3A_16, %add3A_66 : i32
      %mul3A_68 = arith.constant 80 : i32
      %mul3A_69 = arith.muli %add3A_67, %mul3A_68 : i32
      %dma_start3A_70 = tpu.memref_slice %arg8[%mul3A_69] : memref<10240xi32, #tpu.memory_space<vmem>> -> memref<80xi32, #tpu.memory_space<vmem>>
      %dma_start3A_71 = arith.constant 0 : i32
      %dma_start3A_72 = arith.constant 0 : i32
      %dma_start3A_73 = tpu.memref_slice %arg2[%dma_start3A_71, %dma_start3A_72] : memref<10000x128xf32, #tpu.memory_space<hbm>> -> memref<10000x128xf32, #tpu.memory_space<hbm>>
      tpu.enqueue_indirect_dma source(%dma_start3A_73 : memref<10000x128xf32, #tpu.memory_space<hbm>>) target(%arg11 : memref<80x128xf32, #tpu.memory_space<vmem>>) offsets(%dma_start3A_70 : memref<80xi32, #tpu.memory_space<vmem>>) semaphore(%arg13 : memref<!tpu.dma_semaphore, #tpu.memory_space<semaphore_mem>>)
      %add3A_74 = arith.addi %sub3A_16, %mul3A_64 : i32
      "tpu.region"() ({
        %run_scoped3A = tpu.sem_alloc : memref<!tpu.dma_semaphore, #tpu.memory_space<semaphore_mem>>
        %dma_start3A_98 = arith.constant 0 : i32
        %dma_start3A_99 = tpu.memref_slice %arg9[%add3A_74, %dma_start3A_98] : memref<128x80xi32, #tpu.memory_space<vmem>> -> memref<1x80xi32, #tpu.memory_space<vmem>>
        %dma_start3A_100 = tpu.memref_squeeze %dma_start3A_99 : memref<1x80xi32, #tpu.memory_space<vmem>> -> memref<80xi32, #tpu.memory_space<vmem>>
        %dma_start3A_101 = arith.constant 0 : i32
        %dma_start3A_102 = arith.constant 0 : i32
        %dma_start3A_103 = tpu.memref_slice %arg7[%dma_start3A_101, %dma_start3A_102] : memref<10240x128xf32, #tpu.memory_space<vmem_shared>> -> memref<10240x128xf32, #tpu.memory_space<vmem_shared>>
        tpu.enqueue_indirect_dma source(%arg10 : memref<80x128xf32, #tpu.memory_space<vmem>>) target(%dma_start3A_103 : memref<10240x128xf32, #tpu.memory_space<vmem_shared>>) offsets(%dma_start3A_100 : memref<80xi32, #tpu.memory_space<vmem>>) semaphore(%run_scoped3A : memref<!tpu.dma_semaphore, #tpu.memory_space<semaphore_mem>>) {add = true}
        %dma_wait3A_104 = arith.constant 0 : i32
        %dma_wait3A_105 = tpu.memref_slice %arg9[%add3A_74, %dma_wait3A_104] : memref<128x80xi32, #tpu.memory_space<vmem>> -> memref<1x80xi32, #tpu.memory_space<vmem>>
        %dma_wait3A_106 = tpu.memref_squeeze %dma_wait3A_105 : memref<1x80xi32, #tpu.memory_space<vmem>> -> memref<80xi32, #tpu.memory_space<vmem>>
        %dma_wait3A_107 = arith.constant 0 : i32
        %dma_wait3A_108 = arith.constant 0 : i32
        %dma_wait3A_109 = tpu.memref_slice %arg7[%dma_wait3A_107, %dma_wait3A_108] : memref<10240x128xf32, #tpu.memory_space<vmem_shared>> -> memref<10240x128xf32, #tpu.memory_space<vmem_shared>>
        tpu.wait_indirect_dma semaphore(%run_scoped3A : memref<!tpu.dma_semaphore, #tpu.memory_space<semaphore_mem>>) src(%arg10 : memref<80x128xf32, #tpu.memory_space<vmem>>) dst(%dma_wait3A_109 : memref<10240x128xf32, #tpu.memory_space<vmem_shared>>)
        tpu.yield
      }) : () -> ()
      %dma_wait3A_75 = tpu.memref_slice %arg8[%mul3A_69] : memref<10240xi32, #tpu.memory_space<vmem>> -> memref<80xi32, #tpu.memory_space<vmem>>
      %dma_wait3A_76 = arith.constant 0 : i32
      %dma_wait3A_77 = arith.constant 0 : i32
      %dma_wait3A_78 = tpu.memref_slice %arg2[%dma_wait3A_76, %dma_wait3A_77] : memref<10000x128xf32, #tpu.memory_space<hbm>> -> memref<10000x128xf32, #tpu.memory_space<hbm>>
      tpu.wait_indirect_dma semaphore(%arg13 : memref<!tpu.dma_semaphore, #tpu.memory_space<semaphore_mem>>) src(%dma_wait3A_78 : memref<10000x128xf32, #tpu.memory_space<hbm>>) dst(%arg11 : memref<80x128xf32, #tpu.memory_space<vmem>>)
      %add3A_79 = arith.constant 2 : i32
      %add3A_80 = arith.addi %mul3A_64, %add3A_79 : i32
      %sub3A_81 = arith.constant 2 : i32
      %sub3A_82 = arith.subi %select_n3A, %sub3A_81 : i32
      %min3A_83 = arith.minsi %add3A_80, %sub3A_82 : i32
      %add3A_84 = arith.addi %sub3A_16, %min3A_83 : i32
      %mul3A_85 = arith.constant 80 : i32
      %mul3A_86 = arith.muli %add3A_84, %mul3A_85 : i32
      %dma_start3A_87 = tpu.memref_slice %arg8[%mul3A_86] : memref<10240xi32, #tpu.memory_space<vmem>> -> memref<80xi32, #tpu.memory_space<vmem>>
      %dma_start3A_88 = arith.constant 0 : i32
      %dma_start3A_89 = arith.constant 0 : i32
      %dma_start3A_90 = tpu.memref_slice %arg2[%dma_start3A_88, %dma_start3A_89] : memref<10000x128xf32, #tpu.memory_space<hbm>> -> memref<10000x128xf32, #tpu.memory_space<hbm>>
      tpu.enqueue_indirect_dma source(%dma_start3A_90 : memref<10000x128xf32, #tpu.memory_space<hbm>>) target(%arg10 : memref<80x128xf32, #tpu.memory_space<vmem>>) offsets(%dma_start3A_87 : memref<80xi32, #tpu.memory_space<vmem>>) semaphore(%arg12 : memref<!tpu.dma_semaphore, #tpu.memory_space<semaphore_mem>>)
      %add3A_91 = arith.addi %sub3A_16, %mul3A_64 : i32
      %add3A_92 = arith.constant 1 : i32
      %add3A_93 = arith.addi %add3A_91, %add3A_92 : i32
      "tpu.region"() ({
        %run_scoped3A = tpu.sem_alloc : memref<!tpu.dma_semaphore, #tpu.memory_space<semaphore_mem>>
        %dma_start3A_98 = arith.constant 0 : i32
        %dma_start3A_99 = tpu.memref_slice %arg9[%add3A_93, %dma_start3A_98] : memref<128x80xi32, #tpu.memory_space<vmem>> -> memref<1x80xi32, #tpu.memory_space<vmem>>
        %dma_start3A_100 = tpu.memref_squeeze %dma_start3A_99 : memref<1x80xi32, #tpu.memory_space<vmem>> -> memref<80xi32, #tpu.memory_space<vmem>>
        %dma_start3A_101 = arith.constant 0 : i32
        %dma_start3A_102 = arith.constant 0 : i32
        %dma_start3A_103 = tpu.memref_slice %arg7[%dma_start3A_101, %dma_start3A_102] : memref<10240x128xf32, #tpu.memory_space<vmem_shared>> -> memref<10240x128xf32, #tpu.memory_space<vmem_shared>>
        tpu.enqueue_indirect_dma source(%arg11 : memref<80x128xf32, #tpu.memory_space<vmem>>) target(%dma_start3A_103 : memref<10240x128xf32, #tpu.memory_space<vmem_shared>>) offsets(%dma_start3A_100 : memref<80xi32, #tpu.memory_space<vmem>>) semaphore(%run_scoped3A : memref<!tpu.dma_semaphore, #tpu.memory_space<semaphore_mem>>) {add = true}
        %dma_wait3A_104 = arith.constant 0 : i32
        %dma_wait3A_105 = tpu.memref_slice %arg9[%add3A_93, %dma_wait3A_104] : memref<128x80xi32, #tpu.memory_space<vmem>> -> memref<1x80xi32, #tpu.memory_space<vmem>>
        %dma_wait3A_106 = tpu.memref_squeeze %dma_wait3A_105 : memref<1x80xi32, #tpu.memory_space<vmem>> -> memref<80xi32, #tpu.memory_space<vmem>>
        %dma_wait3A_107 = arith.constant 0 : i32
        %dma_wait3A_108 = arith.constant 0 : i32
        %dma_wait3A_109 = tpu.memref_slice %arg7[%dma_wait3A_107, %dma_wait3A_108] : memref<10240x128xf32, #tpu.memory_space<vmem_shared>> -> memref<10240x128xf32, #tpu.memory_space<vmem_shared>>
        tpu.wait_indirect_dma semaphore(%run_scoped3A : memref<!tpu.dma_semaphore, #tpu.memory_space<semaphore_mem>>) src(%arg11 : memref<80x128xf32, #tpu.memory_space<vmem>>) dst(%dma_wait3A_109 : memref<10240x128xf32, #tpu.memory_space<vmem_shared>>)
        tpu.yield
      }) : () -> ()
      %dma_wait3A_94 = tpu.memref_slice %arg8[%mul3A_86] : memref<10240xi32, #tpu.memory_space<vmem>> -> memref<80xi32, #tpu.memory_space<vmem>>
      %dma_wait3A_95 = arith.constant 0 : i32
      %dma_wait3A_96 = arith.constant 0 : i32
      %dma_wait3A_97 = tpu.memref_slice %arg2[%dma_wait3A_95, %dma_wait3A_96] : memref<10000x128xf32, #tpu.memory_space<hbm>> -> memref<10000x128xf32, #tpu.memory_space<hbm>>
      tpu.wait_indirect_dma semaphore(%arg12 : memref<!tpu.dma_semaphore, #tpu.memory_space<semaphore_mem>>) src(%dma_wait3A_97 : memref<10000x128xf32, #tpu.memory_space<hbm>>) dst(%arg10 : memref<80x128xf32, #tpu.memory_space<vmem>>)
    }
    %while3A_56 = arith.constant 1 : i32
    scf.for %while3A_62 = %while3A_54 to %while3A_50 step %while3A_56  : i32 {
      %mul3A_63 = arith.constant 2 : i32
      %mul3A_64 = arith.muli %mul3A_63, %while3A_62 : i32
      %add3A_65 = arith.constant 1 : i32
      %add3A_66 = arith.addi %mul3A_64, %add3A_65 : i32
      %add3A_67 = arith.addi %sub3A_16, %add3A_66 : i32
      %mul3A_68 = arith.constant 80 : i32
      %mul3A_69 = arith.muli %add3A_67, %mul3A_68 : i32
      %dma_start3A_70 = tpu.memref_slice %arg8[%mul3A_69] : memref<10240xi32, #tpu.memory_space<vmem>> -> memref<80xi32, #tpu.memory_space<vmem>>
      %dma_start3A_71 = arith.constant 0 : i32
      %dma_start3A_72 = arith.constant 0 : i32
      %dma_start3A_73 = tpu.memref_slice %arg2[%dma_start3A_71, %dma_start3A_72] : memref<10000x128xf32, #tpu.memory_space<hbm>> -> memref<10000x128xf32, #tpu.memory_space<hbm>>
      tpu.enqueue_indirect_dma source(%dma_start3A_73 : memref<10000x128xf32, #tpu.memory_space<hbm>>) target(%arg11 : memref<80x128xf32, #tpu.memory_space<vmem>>) offsets(%dma_start3A_70 : memref<80xi32, #tpu.memory_space<vmem>>) semaphore(%arg13 : memref<!tpu.dma_semaphore, #tpu.memory_space<semaphore_mem>>)
      %add3A_74 = arith.addi %sub3A_16, %mul3A_64 : i32
      "tpu.region"() ({
        %run_scoped3A = tpu.sem_alloc : memref<!tpu.dma_semaphore, #tpu.memory_space<semaphore_mem>>
        %dma_start3A_98 = arith.constant 0 : i32
        %dma_start3A_99 = tpu.memref_slice %arg9[%add3A_74, %dma_start3A_98] : memref<128x80xi32, #tpu.memory_space<vmem>> -> memref<1x80xi32, #tpu.memory_space<vmem>>
        %dma_start3A_100 = tpu.memref_squeeze %dma_start3A_99 : memref<1x80xi32, #tpu.memory_space<vmem>> -> memref<80xi32, #tpu.memory_space<vmem>>
        %dma_start3A_101 = arith.constant 0 : i32
        %dma_start3A_102 = arith.constant 0 : i32
        %dma_start3A_103 = tpu.memref_slice %arg7[%dma_start3A_101, %dma_start3A_102] : memref<10240x128xf32, #tpu.memory_space<vmem_shared>> -> memref<10240x128xf32, #tpu.memory_space<vmem_shared>>
        tpu.enqueue_indirect_dma source(%arg10 : memref<80x128xf32, #tpu.memory_space<vmem>>) target(%dma_start3A_103 : memref<10240x128xf32, #tpu.memory_space<vmem_shared>>) offsets(%dma_start3A_100 : memref<80xi32, #tpu.memory_space<vmem>>) semaphore(%run_scoped3A : memref<!tpu.dma_semaphore, #tpu.memory_space<semaphore_mem>>) {add = true}
        %dma_wait3A_104 = arith.constant 0 : i32
        %dma_wait3A_105 = tpu.memref_slice %arg9[%add3A_74, %dma_wait3A_104] : memref<128x80xi32, #tpu.memory_space<vmem>> -> memref<1x80xi32, #tpu.memory_space<vmem>>
        %dma_wait3A_106 = tpu.memref_squeeze %dma_wait3A_105 : memref<1x80xi32, #tpu.memory_space<vmem>> -> memref<80xi32, #tpu.memory_space<vmem>>
        %dma_wait3A_107 = arith.constant 0 : i32
        %dma_wait3A_108 = arith.constant 0 : i32
        %dma_wait3A_109 = tpu.memref_slice %arg7[%dma_wait3A_107, %dma_wait3A_108] : memref<10240x128xf32, #tpu.memory_space<vmem_shared>> -> memref<10240x128xf32, #tpu.memory_space<vmem_shared>>
        tpu.wait_indirect_dma semaphore(%run_scoped3A : memref<!tpu.dma_semaphore, #tpu.memory_space<semaphore_mem>>) src(%arg10 : memref<80x128xf32, #tpu.memory_space<vmem>>) dst(%dma_wait3A_109 : memref<10240x128xf32, #tpu.memory_space<vmem_shared>>)
        tpu.yield
      }) : () -> ()
      %dma_wait3A_75 = tpu.memref_slice %arg8[%mul3A_69] : memref<10240xi32, #tpu.memory_space<vmem>> -> memref<80xi32, #tpu.memory_space<vmem>>
      %dma_wait3A_76 = arith.constant 0 : i32
      %dma_wait3A_77 = arith.constant 0 : i32
      %dma_wait3A_78 = tpu.memref_slice %arg2[%dma_wait3A_76, %dma_wait3A_77] : memref<10000x128xf32, #tpu.memory_space<hbm>> -> memref<10000x128xf32, #tpu.memory_space<hbm>>
      tpu.wait_indirect_dma semaphore(%arg13 : memref<!tpu.dma_semaphore, #tpu.memory_space<semaphore_mem>>) src(%dma_wait3A_78 : memref<10000x128xf32, #tpu.memory_space<hbm>>) dst(%arg11 : memref<80x128xf32, #tpu.memory_space<vmem>>)
      %add3A_79 = arith.constant 2 : i32
      %add3A_80 = arith.addi %mul3A_64, %add3A_79 : i32
      %sub3A_81 = arith.constant 2 : i32
      %sub3A_82 = arith.subi %select_n3A, %sub3A_81 : i32
      %min3A_83 = arith.minsi %add3A_80, %sub3A_82 : i32
      %add3A_84 = arith.addi %sub3A_16, %min3A_83 : i32
      %mul3A_85 = arith.constant 80 : i32
      %mul3A_86 = arith.muli %add3A_84, %mul3A_85 : i32
      %dma_start3A_87 = tpu.memref_slice %arg8[%mul3A_86] : memref<10240xi32, #tpu.memory_space<vmem>> -> memref<80xi32, #tpu.memory_space<vmem>>
      %dma_start3A_88 = arith.constant 0 : i32
      %dma_start3A_89 = arith.constant 0 : i32
      %dma_start3A_90 = tpu.memref_slice %arg2[%dma_start3A_88, %dma_start3A_89] : memref<10000x128xf32, #tpu.memory_space<hbm>> -> memref<10000x128xf32, #tpu.memory_space<hbm>>
      tpu.enqueue_indirect_dma source(%dma_start3A_90 : memref<10000x128xf32, #tpu.memory_space<hbm>>) target(%arg10 : memref<80x128xf32, #tpu.memory_space<vmem>>) offsets(%dma_start3A_87 : memref<80xi32, #tpu.memory_space<vmem>>) semaphore(%arg12 : memref<!tpu.dma_semaphore, #tpu.memory_space<semaphore_mem>>)
      %add3A_91 = arith.addi %sub3A_16, %mul3A_64 : i32
      %add3A_92 = arith.constant 1 : i32
      %add3A_93 = arith.addi %add3A_91, %add3A_92 : i32
      "tpu.region"() ({
        %run_scoped3A = tpu.sem_alloc : memref<!tpu.dma_semaphore, #tpu.memory_space<semaphore_mem>>
        %dma_start3A_98 = arith.constant 0 : i32
        %dma_start3A_99 = tpu.memref_slice %arg9[%add3A_93, %dma_start3A_98] : memref<128x80xi32, #tpu.memory_space<vmem>> -> memref<1x80xi32, #tpu.memory_space<vmem>>
        %dma_start3A_100 = tpu.memref_squeeze %dma_start3A_99 : memref<1x80xi32, #tpu.memory_space<vmem>> -> memref<80xi32, #tpu.memory_space<vmem>>
        %dma_start3A_101 = arith.constant 0 : i32
        %dma_start3A_102 = arith.constant 0 : i32
        %dma_start3A_103 = tpu.memref_slice %arg7[%dma_start3A_101, %dma_start3A_102] : memref<10240x128xf32, #tpu.memory_space<vmem_shared>> -> memref<10240x128xf32, #tpu.memory_space<vmem_shared>>
        tpu.enqueue_indirect_dma source(%arg11 : memref<80x128xf32, #tpu.memory_space<vmem>>) target(%dma_start3A_103 : memref<10240x128xf32, #tpu.memory_space<vmem_shared>>) offsets(%dma_start3A_100 : memref<80xi32, #tpu.memory_space<vmem>>) semaphore(%run_scoped3A : memref<!tpu.dma_semaphore, #tpu.memory_space<semaphore_mem>>) {add = true}
        %dma_wait3A_104 = arith.constant 0 : i32
        %dma_wait3A_105 = tpu.memref_slice %arg9[%add3A_93, %dma_wait3A_104] : memref<128x80xi32, #tpu.memory_space<vmem>> -> memref<1x80xi32, #tpu.memory_space<vmem>>
        %dma_wait3A_106 = tpu.memref_squeeze %dma_wait3A_105 : memref<1x80xi32, #tpu.memory_space<vmem>> -> memref<80xi32, #tpu.memory_space<vmem>>
        %dma_wait3A_107 = arith.constant 0 : i32
        %dma_wait3A_108 = arith.constant 0 : i32
        %dma_wait3A_109 = tpu.memref_slice %arg7[%dma_wait3A_107, %dma_wait3A_108] : memref<10240x128xf32, #tpu.memory_space<vmem_shared>> -> memref<10240x128xf32, #tpu.memory_space<vmem_shared>>
        tpu.wait_indirect_dma semaphore(%run_scoped3A : memref<!tpu.dma_semaphore, #tpu.memory_space<semaphore_mem>>) src(%arg11 : memref<80x128xf32, #tpu.memory_space<vmem>>) dst(%dma_wait3A_109 : memref<10240x128xf32, #tpu.memory_space<vmem_shared>>)
        tpu.yield
      }) : () -> ()
      %dma_wait3A_94 = tpu.memref_slice %arg8[%mul3A_86] : memref<10240xi32, #tpu.memory_space<vmem>> -> memref<80xi32, #tpu.memory_space<vmem>>
      %dma_wait3A_95 = arith.constant 0 : i32
      %dma_wait3A_96 = arith.constant 0 : i32
      %dma_wait3A_97 = tpu.memref_slice %arg2[%dma_wait3A_95, %dma_wait3A_96] : memref<10000x128xf32, #tpu.memory_space<hbm>> -> memref<10000x128xf32, #tpu.memory_space<hbm>>
      tpu.wait_indirect_dma semaphore(%arg12 : memref<!tpu.dma_semaphore, #tpu.memory_space<semaphore_mem>>) src(%dma_wait3A_97 : memref<10000x128xf32, #tpu.memory_space<hbm>>) dst(%arg10 : memref<80x128xf32, #tpu.memory_space<vmem>>)
    }
    %barrier3A_57 = arith.constant 0 : index
    tpu.barrier barrier_id(%barrier3A_57)
    %mul3A_58 = arith.constant 640 : i32
    %mul3A_59 = arith.muli %arg1, %mul3A_58 : i32
    %mul3A_60 = arith.constant 640 : i32
    %mul3A_61 = arith.muli %arg1, %mul3A_60 : i32
    "tpu.region"() ({
      %run_scoped3A = tpu.sem_alloc : memref<!tpu.dma_semaphore, #tpu.memory_space<semaphore_mem>>
      %dma_start3A_62 = arith.constant 0 : i32
      %dma_start3A_63 = tpu.memref_slice %arg6[%arg0, %mul3A_61, %dma_start3A_62] : memref<2x10240x128xf32, #tpu.memory_space<hbm>> -> memref<1x640x128xf32, #tpu.memory_space<hbm>>
      %dma_start3A_64 = tpu.memref_squeeze %dma_start3A_63 : memref<1x640x128xf32, #tpu.memory_space<hbm>> -> memref<640x128xf32, #tpu.memory_space<hbm>>
      %dma_start3A_65 = arith.constant 0 : i32
      %dma_start3A_66 = tpu.memref_slice %arg7[%mul3A_59, %dma_start3A_65] : memref<10240x128xf32, #tpu.memory_space<vmem_shared>> -> memref<640x128xf32, #tpu.memory_space<vmem_shared>>
      tpu.enqueue_dma source(%dma_start3A_66 : memref<640x128xf32, #tpu.memory_space<vmem_shared>>) target(%dma_start3A_64 : memref<640x128xf32, #tpu.memory_space<hbm>>) target_semaphore(%run_scoped3A : memref<!tpu.dma_semaphore, #tpu.memory_space<semaphore_mem>>)
      %dma_wait3A_67 = arith.constant 0 : i32
      %dma_wait3A_68 = tpu.memref_slice %arg6[%arg0, %mul3A_61, %dma_wait3A_67] : memref<2x10240x128xf32, #tpu.memory_space<hbm>> -> memref<1x640x128xf32, #tpu.memory_space<hbm>>
      %dma_wait3A_69 = tpu.memref_squeeze %dma_wait3A_68 : memref<1x640x128xf32, #tpu.memory_space<hbm>> -> memref<640x128xf32, #tpu.memory_space<hbm>>
      %dma_wait3A_70 = arith.constant 0 : i32
      %dma_wait3A_71 = tpu.memref_slice %arg7[%mul3A_59, %dma_wait3A_70] : memref<10240x128xf32, #tpu.memory_space<vmem_shared>> -> memref<640x128xf32, #tpu.memory_space<vmem_shared>>
      tpu.wait_dma2 semaphore(%run_scoped3A : memref<!tpu.dma_semaphore, #tpu.memory_space<semaphore_mem>>) src(%dma_wait3A_71 : memref<640x128xf32, #tpu.memory_space<vmem_shared>>) dst(%dma_wait3A_69 : memref<640x128xf32, #tpu.memory_space<hbm>>)
      tpu.yield
    }) : () -> ()
    return
  }
}

module attributes {stable_mosaic.version = 14 : i64} {
  func.func @_tc1_body(%arg0: i32, %arg1: memref<1000x128xf32, #tpu.memory_space<vmem>>, %arg2: memref<128x128xf32, #tpu.memory_space<vmem>>, %arg3: memref<1000x1xf32, #tpu.memory_space<vmem>>, %arg4: memref<1000x128xf32, #tpu.memory_space<vmem>>) attributes {dimension_semantics = [#tpu.dimension_semantics<arbitrary>], iteration_bounds = array<i64: 10>, scalar_prefetch = 0 : i64, scratch_operands = 0 : i64, tpu.core_type = #tpu.core_type<tc>, window_params = [{transform_indices = @transform_0, window_bounds = array<i64: 1000, 128>}, {pipeline_mode = #tpu.pipeline_mode<synchronous>, transform_indices = @transform_1, window_bounds = array<i64: 128, 128>}, {transform_indices = @transform_2, window_bounds = array<i64: 1000, 1>}, {transform_indices = @transform_3, window_bounds = array<i64: 1000, 128>}]} {
    %get3A = arith.constant 0 : index
    %get3A_0 = arith.constant 0 : index
    %get3A_1 = vector.load %arg1[%get3A, %get3A_0] : memref<1000x128xf32, #tpu.memory_space<vmem>>, vector<1000x128xf32>
    %get3A_2 = arith.constant 0 : index
    %get3A_3 = arith.constant 0 : index
    %get3A_4 = vector.load %arg2[%get3A_2, %get3A_3] : memref<128x128xf32, #tpu.memory_space<vmem>>, vector<128x128xf32>
    %dot_general3A = arith.constant dense<0.000000e+00> : vector<1000x128xf32>
    %dot_general3A_5 = tpu.matmul %get3A_1, %get3A_4, %dot_general3A {dimension_numbers = #tpu.dot_dimension_numbers<[1], [0], [0], [1], [0, 0, 1, 1], [], []>, transpose_lhs_hint = false} : vector<1000x128xf32>, vector<128x128xf32>, vector<1000x128xf32> -> vector<1000x128xf32>
    %get3A_6 = arith.constant 0 : index
    %get3A_7 = arith.constant 0 : index
    %get3A_8 = vector.load %arg3[%get3A_6, %get3A_7] : memref<1000x1xf32, #tpu.memory_space<vmem>>, vector<1000x1xf32>
    %mul3A = vector.broadcast %get3A_8 : vector<1000x1xf32> to vector<1000x128xf32>
    %mul3A_9 = arith.mulf %dot_general3A_5, %mul3A : vector<1000x128xf32>
    %swap3A = arith.constant 0 : index
    %swap3A_10 = arith.constant 0 : index
    %swap3A_11 = vector.load %arg4[%swap3A, %swap3A_10] : memref<1000x128xf32, #tpu.memory_space<vmem>>, vector<1000x128xf32>
    tpu.vector_store %arg4[%swap3A, %swap3A_10], %mul3A_9 {strides = array<i32>} : memref<1000x128xf32, #tpu.memory_space<vmem>>, vector<1000x128xf32>,
    return
  }
  func.func @transform_0(%arg0: i32) -> (i32, i32) {
    %c0_i32 = arith.constant 0 : i32
    %c0_i32_0 = arith.constant 0 : i32
    return %arg0, %c0_i32 : i32, i32
  }
  func.func @transform_1(%arg0: i32) -> (i32, i32) {
    %c0_i32 = arith.constant 0 : i32
    %c0_i32_0 = arith.constant 0 : i32
    %c0_i32_1 = arith.constant 0 : i32
    return %c0_i32, %c0_i32_0 : i32, i32
  }
  func.func @transform_2(%arg0: i32) -> (i32, i32) {
    %c0_i32 = arith.constant 0 : i32
    %c0_i32_0 = arith.constant 0 : i32
    return %arg0, %c0_i32 : i32, i32
  }
  func.func @transform_3(%arg0: i32) -> (i32, i32) {
    %c0_i32 = arith.constant 0 : i32
    %c0_i32_0 = arith.constant 0 : i32
    return %arg0, %c0_i32 : i32, i32
  }
}

module attributes {stable_mosaic.version = 14 : i64} {
  func.func @_tc2_body(%arg0: i32, %arg1: memref<2x1000x128xf32, #tpu.memory_space<vmem>>, %arg2: memref<1000x128xf32, #tpu.memory_space<vmem>>, %arg3: memref<1000x1xf32, #tpu.memory_space<vmem>>, %arg4: memref<1x128xf32, #tpu.memory_space<vmem>>, %arg5: memref<128x32xf32, #tpu.memory_space<vmem>>, %arg6: memref<1000x32xf32, #tpu.memory_space<vmem>>) attributes {dimension_semantics = [#tpu.dimension_semantics<arbitrary>], iteration_bounds = array<i64: 10>, scalar_prefetch = 0 : i64, scratch_operands = 0 : i64, tpu.core_type = #tpu.core_type<tc>, window_params = [{transform_indices = @transform_0, window_bounds = array<i64: 2, 1000, 128>}, {transform_indices = @transform_1, window_bounds = array<i64: 1000, 128>}, {transform_indices = @transform_2, window_bounds = array<i64: 1000, 1>}, {pipeline_mode = #tpu.pipeline_mode<synchronous>, transform_indices = @transform_3, window_bounds = array<i64: 1, 128>}, {pipeline_mode = #tpu.pipeline_mode<synchronous>, transform_indices = @transform_4, window_bounds = array<i64: 128, 32>}, {transform_indices = @transform_5, window_bounds = array<i64: 1000, 32>}]} {
    %get3A = arith.constant 0 : index
    %get3A_0 = arith.constant 0 : index
    %get3A_1 = vector.load %arg3[%get3A, %get3A_0] : memref<1000x1xf32, #tpu.memory_space<vmem>>, vector<1000x1xf32>
    %get3A_2 = arith.constant 0 : index
    %get3A_3 = arith.constant 0 : index
    %get3A_4 = arith.constant 0 : index
    %get3A_5 = vector.load %arg1[%get3A_2, %get3A_3, %get3A_4] : memref<2x1000x128xf32, #tpu.memory_space<vmem>>, vector<1x1000x128xf32>
    %get3A_6 = vector.shape_cast %get3A_5 : vector<1x1000x128xf32> to vector<1000x128xf32>
    %get3A_7 = arith.constant 1 : index
    %get3A_8 = arith.constant 0 : index
    %get3A_9 = arith.constant 0 : index
    %get3A_10 = vector.load %arg1[%get3A_7, %get3A_8, %get3A_9] : memref<2x1000x128xf32, #tpu.memory_space<vmem>>, vector<1x1000x128xf32>
    %get3A_11 = vector.shape_cast %get3A_10 : vector<1x1000x128xf32> to vector<1000x128xf32>
    %add3A = arith.addf %get3A_6, %get3A_11 : vector<1000x128xf32>
    %get3A_12 = arith.constant 0 : index
    %get3A_13 = arith.constant 0 : index
    %get3A_14 = vector.load %arg2[%get3A_12, %get3A_13] : memref<1000x128xf32, #tpu.memory_space<vmem>>, vector<1000x128xf32>
    %add3A_15 = arith.addf %add3A, %get3A_14 : vector<1000x128xf32>
    %mul3A = vector.broadcast %get3A_1 : vector<1000x1xf32> to vector<1000x128xf32>
    %mul3A_16 = arith.mulf %add3A_15, %mul3A : vector<1000x128xf32>
    %get3A_17 = arith.constant 0 : index
    %get3A_18 = arith.constant 0 : index
    %get3A_19 = vector.load %arg4[%get3A_17, %get3A_18] : memref<1x128xf32, #tpu.memory_space<vmem>>, vector<1x128xf32>
    %add3A_20 = vector.broadcast %get3A_19 : vector<1x128xf32> to vector<1000x128xf32>
    %add3A_21 = arith.addf %mul3A_16, %add3A_20 : vector<1000x128xf32>
    %max3A = arith.constant 0.000000e+00 : f32
    %max3A_22 = vector.broadcast %max3A : f32 to vector<1000x128xf32>
    %max3A_23 = arith.maximumf %add3A_21, %max3A_22 : vector<1000x128xf32>
    %get3A_24 = arith.constant 0 : index
    %get3A_25 = arith.constant 0 : index
    %get3A_26 = vector.load %arg5[%get3A_24, %get3A_25] : memref<128x32xf32, #tpu.memory_space<vmem>>, vector<128x32xf32>
    %dot_general3A = arith.constant dense<0.000000e+00> : vector<1000x32xf32>
    %dot_general3A_27 = tpu.matmul %max3A_23, %get3A_26, %dot_general3A {dimension_numbers = #tpu.dot_dimension_numbers<[1], [0], [0], [1], [0, 0, 1, 1], [], []>, transpose_lhs_hint = false} : vector<1000x128xf32>, vector<128x32xf32>, vector<1000x32xf32> -> vector<1000x32xf32>
    %mul3A_28 = vector.broadcast %get3A_1 : vector<1000x1xf32> to vector<1000x32xf32>
    %mul3A_29 = arith.mulf %dot_general3A_27, %mul3A_28 : vector<1000x32xf32>
    %swap3A = arith.constant 0 : index
    %swap3A_30 = arith.constant 0 : index
    %swap3A_31 = vector.load %arg6[%swap3A, %swap3A_30] : memref<1000x32xf32, #tpu.memory_space<vmem>>, vector<1000x32xf32>
    tpu.vector_store %arg6[%swap3A, %swap3A_30], %mul3A_29 {strides = array<i32>} : memref<1000x32xf32, #tpu.memory_space<vmem>>, vector<1000x32xf32>,
    return
  }
  func.func @transform_0(%arg0: i32) -> (i32, i32, i32) {
    %c0_i32 = arith.constant 0 : i32
    %c0_i32_0 = arith.constant 0 : i32
    %c0_i32_1 = arith.constant 0 : i32
    return %c0_i32, %arg0, %c0_i32_0 : i32, i32, i32
  }
  func.func @transform_1(%arg0: i32) -> (i32, i32) {
    %c0_i32 = arith.constant 0 : i32
    %c0_i32_0 = arith.constant 0 : i32
    return %arg0, %c0_i32 : i32, i32
  }
  func.func @transform_2(%arg0: i32) -> (i32, i32) {
    %c0_i32 = arith.constant 0 : i32
    %c0_i32_0 = arith.constant 0 : i32
    return %arg0, %c0_i32 : i32, i32
  }
  func.func @transform_3(%arg0: i32) -> (i32, i32) {
    %c0_i32 = arith.constant 0 : i32
    %c0_i32_0 = arith.constant 0 : i32
    %c0_i32_1 = arith.constant 0 : i32
    return %c0_i32, %c0_i32_0 : i32, i32
  }
  func.func @transform_4(%arg0: i32) -> (i32, i32) {
    %c0_i32 = arith.constant 0 : i32
    %c0_i32_0 = arith.constant 0 : i32
    %c0_i32_1 = arith.constant 0 : i32
    return %c0_i32, %c0_i32_0 : i32, i32
  }
  func.func @transform_5(%arg0: i32) -> (i32, i32) {
    %c0_i32 = arith.constant 0 : i32
    %c0_i32_0 = arith.constant 0 : i32
    return %arg0, %c0_i32 : i32, i32
  }
}

module attributes {stable_mosaic.version = 14 : i64} {
  func.func @_tc3_body(%arg0: i32, %arg1: memref<2x1000x32xf32, #tpu.memory_space<vmem>>, %arg2: memref<1000x32xf32, #tpu.memory_space<vmem>>, %arg3: memref<1000x1xf32, #tpu.memory_space<vmem>>, %arg4: memref<1x32xf32, #tpu.memory_space<vmem>>, %arg5: memref<1000x21xf32, #tpu.memory_space<vmem>>) attributes {dimension_semantics = [#tpu.dimension_semantics<arbitrary>], iteration_bounds = array<i64: 10>, scalar_prefetch = 0 : i64, scratch_operands = 0 : i64, tpu.core_type = #tpu.core_type<tc>, window_params = [{transform_indices = @transform_0, window_bounds = array<i64: 2, 1000, 32>}, {transform_indices = @transform_1, window_bounds = array<i64: 1000, 32>}, {transform_indices = @transform_2, window_bounds = array<i64: 1000, 1>}, {pipeline_mode = #tpu.pipeline_mode<synchronous>, transform_indices = @transform_3, window_bounds = array<i64: 1, 32>}, {transform_indices = @transform_4, window_bounds = array<i64: 1000, 21>}]} {
    %get3A = arith.constant 0 : index
    %get3A_0 = arith.constant 0 : index
    %get3A_1 = arith.constant 0 : index
    %get3A_2 = vector.load %arg1[%get3A, %get3A_0, %get3A_1] : memref<2x1000x32xf32, #tpu.memory_space<vmem>>, vector<1x1000x32xf32>
    %get3A_3 = vector.shape_cast %get3A_2 : vector<1x1000x32xf32> to vector<1000x32xf32>
    %get3A_4 = arith.constant 1 : index
    %get3A_5 = arith.constant 0 : index
    %get3A_6 = arith.constant 0 : index
    %get3A_7 = vector.load %arg1[%get3A_4, %get3A_5, %get3A_6] : memref<2x1000x32xf32, #tpu.memory_space<vmem>>, vector<1x1000x32xf32>
    %get3A_8 = vector.shape_cast %get3A_7 : vector<1x1000x32xf32> to vector<1000x32xf32>
    %add3A = arith.addf %get3A_3, %get3A_8 : vector<1000x32xf32>
    %get3A_9 = arith.constant 0 : index
    %get3A_10 = arith.constant 0 : index
    %get3A_11 = vector.load %arg2[%get3A_9, %get3A_10] : memref<1000x32xf32, #tpu.memory_space<vmem>>, vector<1000x32xf32>
    %add3A_12 = arith.addf %add3A, %get3A_11 : vector<1000x32xf32>
    %get3A_13 = arith.constant 0 : index
    %get3A_14 = arith.constant 0 : index
    %get3A_15 = vector.load %arg3[%get3A_13, %get3A_14] : memref<1000x1xf32, #tpu.memory_space<vmem>>, vector<1000x1xf32>
    %mul3A = vector.broadcast %get3A_15 : vector<1000x1xf32> to vector<1000x32xf32>
    %mul3A_16 = arith.mulf %add3A_12, %mul3A : vector<1000x32xf32>
    %get3A_17 = arith.constant 0 : index
    %get3A_18 = arith.constant 0 : index
    %get3A_19 = vector.load %arg4[%get3A_17, %get3A_18] : memref<1x32xf32, #tpu.memory_space<vmem>>, vector<1x32xf32>
    %add3A_20 = vector.broadcast %get3A_19 : vector<1x32xf32> to vector<1000x32xf32>
    %add3A_21 = arith.addf %mul3A_16, %add3A_20 : vector<1000x32xf32>
    %slice3A = vector.extract_strided_slice %add3A_21 {offsets = [0, 0], sizes = [1000, 21], strides = [1, 1]} : vector<1000x32xf32> to vector<1000x21xf32>
    %swap3A = arith.constant 0 : index
    %swap3A_22 = arith.constant 0 : index
    %swap3A_23 = vector.load %arg5[%swap3A, %swap3A_22] : memref<1000x21xf32, #tpu.memory_space<vmem>>, vector<1000x21xf32>
    tpu.vector_store %arg5[%swap3A, %swap3A_22], %slice3A {strides = array<i32>} : memref<1000x21xf32, #tpu.memory_space<vmem>>, vector<1000x21xf32>,
    return
  }
  func.func @transform_0(%arg0: i32) -> (i32, i32, i32) {
    %c0_i32 = arith.constant 0 : i32
    %c0_i32_0 = arith.constant 0 : i32
    %c0_i32_1 = arith.constant 0 : i32
    return %c0_i32, %arg0, %c0_i32_0 : i32, i32, i32
  }
  func.func @transform_1(%arg0: i32) -> (i32, i32) {
    %c0_i32 = arith.constant 0 : i32
    %c0_i32_0 = arith.constant 0 : i32
    return %arg0, %c0_i32 : i32, i32
  }
  func.func @transform_2(%arg0: i32) -> (i32, i32) {
    %c0_i32 = arith.constant 0 : i32
    %c0_i32_0 = arith.constant 0 : i32
    return %arg0, %c0_i32 : i32, i32
  }
  func.func @transform_3(%arg0: i32) -> (i32, i32) {
    %c0_i32 = arith.constant 0 : i32
    %c0_i32_0 = arith.constant 0 : i32
    %c0_i32_1 = arith.constant 0 : i32
    return %c0_i32, %c0_i32_0 : i32, i32
  }
  func.func @transform_4(%arg0: i32) -> (i32, i32) {
    %c0_i32 = arith.constant 0 : i32
    %c0_i32_0 = arith.constant 0 : i32
    return %arg0, %c0_i32 : i32, i32
  }
}

</mosaic_0001>

<sc_bundles>
// kernel: kernel.11.cloned.1.call-start
scs
__scs_entry_jumppad:
0x0: {  	(pc) =	sbr.rel $0x88, $3  }
0x1: {  	(tag) =	ssettag $0x0;
	lr =	simm.s32 $0x1  }
0x2: {  	[smem:$0x3F9B] =	sst lr;
	_ =	strace $0xD0000000  }
0x3: {  	_ = 	snop  }
0x4: {  	_ = 	snop  }
0x5: {  	_ = 	snop  }
0x6: {  	_ = 	snop  }
0x7: {  	_ = 	snop  }
__scs_overlays_trampoline_lowered:
0x8: {  	[smem:$0x3FAA] =	sst s0  }
0x9: {  	[smem:$0x3FAB] =	sst s1  }
0xa: {  	[smem:$0x3FAC] =	sst s2  }
0xb: {  	[smem:$0x3FAD] =	sst s3  }
0xc: {  	[smem:$0x3FAE] =	sst s4  }
0xd: {  	[smem:$0x3FAF] =	sst s5  }
0xe: {  	[smem:$0x3FB0] =	sst s6  }
0xf: {  	[smem:$0x3FB1] =	sst s7  }
0x10: {  	[smem:$0x3FB2] =	sst s8  }
0x11: {  	[smem:$0x3FB3] =	sst s9;
	s0 =	simm.s32 @!p0 $0x0  }
0x12: {  	s1 =	sld [smem:$0x3F99];
	s0 =	simm.s32 @p0 $0x1  }
0x13: {  	[smem:$0x3FB4] =	sst s0;
	s0 =	simm.s32 @!p1 $0x0  }
0x14: {  	s2 =	sld [smem:$0x3F98];
	s0 =	simm.s32 @p1 $0x1  }
0x15: {  	[smem:$0x3FB5] =	sst s0;
	s0 =	simm.s32 @!p2 $0x0  }
0x16: {  	s3 =	sld [smem:$0x3FDB];
	s0 =	simm.s32 @p2 $0x1  }
0x17: {  	s4 =	simm.s32 $0x1BF5;
	[smem:$0x3FB7] =	sst s0  }
0x18: {  	s0 =	sld [smem:$0x3F9A];
	_ =	swait.ge [sflag:s4], $0x0  }
0x19: {  	s7 =	sld [smem:$0x3F9B]  }
0x1a: {  	s8 =	sadd.s32 $0xFFFFE003, lr  }
0x1b: {  	s9 =	sadd.s32 $0xFFFFFEF7, lr;
	s5 =	simm.s32 $0xFFFFFFFF;
	p2 =	slt.u32 s8, $0xFFFFF086  }
0x1c: {  	p1 =	slt.u32 s9, $0xF7A;
	s5 =	simm.s32 @!p2 $0x0  }
0x1d: {  	s5 =	simm.s32 @p1 $0x1;
	p0 =	seq.s32 s7, s2  }
0x1e: {  	s7 =	smul.u32 @!p0 $0xF7A, s2;
	p2 =	seq.s32 @!p0 s5, $0x0  }
0x1f: {  	s9 =	smul.u32 $0xF7A, s1;
	s8 =	simm.s32 @!p0 $0x1BF5;
	p2 =	por !p2, p0  }
0x20: {  	[sflag:s8] =	ssyncset.s32 @!p0 $0xFFFFF086;
	s6 =	sadd.s32 @!p0 s3, s7;
	s7 =	simm.s32 @!p0 $0x108  }
0x21: {  	s3 =	sadd.s32 s3, s9;
	s6 =	sadd.s32 @!p0 $0x88, s6;
	s7 =	simm.s32 @p2 $0x1082  }
0x22: {  	[simem:s7], [sflag:s8] =	dma.local @!p0 [hbm:s6], $0xF7A  }
0x23: {  	s9 =	sor.u32 $0xD0000000, s2;
	s6 =	simm.s32 $0x108;
	_ =	swait.ge @!p0 [sflag:s8], $0x0  }
0x24: {  	s3 =	sadd.s32 $0x88, s3;
	s6 =	simm.s32 @!p1 $0x1082;
	[sflag:s4] =	ssyncset.s32 $0xFFFFF086  }
0x25: {  	[simem:s6], [sflag:s4] =	dma.local [hbm:s3], $0xF7A  }
0x26: {  	[smem:$0x3F9B] =	sst s1;
	(tag) =	ssettag s2;
	_ =	strace s9  }
0x27: {  	s1 =	sld [smem:$0x3FAB]  }
0x28: {  	s2 =	sld [smem:$0x3FAC]  }
0x29: {  	s4 =	sld [smem:$0x3FAE]  }
0x2a: {  	p0 =	seq.s32 s5, $0x0;
	s5 =	sld [smem:$0x3FAF]  }
0x2b: {  	s6 =	sld [smem:$0x3FB0]  }
0x2c: {  	s7 =	sld [smem:$0x3FB1]  }
0x2d: {  	s3 =	simm.s32 $0x108;
	s8 =	sld [smem:$0x3FB2]  }
0x2e: {  	s3 =	simm.s32 @!p0 $0x1082;
	s9 =	sld [smem:$0x3FB3]  }
0x2f: {  	lr =	sadd.s32 s0, s3;
	s0 =	sld [smem:$0x3FAA]  }
0x30: {  	s3 =	sld [smem:$0x3FAD]  }
0x31: {  	[smem:$0x3FB6] =	sst s10  }
0x32: {  	s10 =	sld [smem:$0x3FB4];
	_ =	sdelay $0x3  }
0x33: {  	p0 =	seq.s32 s10, $0x1;
	s10 =	sld [smem:$0x3FB6];
	_ =	sdelay $0x3  }
0x34: {  	[smem:$0x3FB6] =	sst s10  }
0x35: {  	s10 =	sld [smem:$0x3FB5];
	_ =	sdelay $0x3  }
0x36: {  	p1 =	seq.s32 s10, $0x1;
	s10 =	sld [smem:$0x3FB6];
	_ =	sdelay $0x3  }
0x37: {  	[smem:$0x3FB6] =	sst s10  }
0x38: {  	s10 =	sld [smem:$0x3FB7]  }
0x39: {  	_ = 	snop;
	(pc) =	sbr.ind lr, $3  }
0x3a: {  	_ = 	snop  }
0x3b: {  	_ = 	snop  }
0x3c: {  	p2 =	seq.s32 s10, $0x1;
	s10 =	sld [smem:$0x3FB6]  }
0x3d: {  	_ =	shalt  }
0x3e: {  	_ =	shalt  }
0x3f: {  	_ =	shalt  }
0x40: {  	_ =	shalt  }
0x41: {  	_ =	shalt  }
0x42: {  	_ =	shalt  }
0x43: {  	_ =	shalt  }
0x44: {  	_ =	shalt  }
0x45: {  	_ =	shalt  }
0x46: {  	_ =	shalt  }
0x47: {  	_ =	shalt  }
0x48: {  	_ =	shalt  }
0x49: {  	_ =	shalt  }
0x4a: {  	_ =	shalt  }
0x4b: {  	_ =	shalt  }
0x4c: {  	_ =	shalt  }
0x4d: {  	_ =	shalt  }
0x4e: {  	_ =	shalt  }
0x4f: {  	_ =	shalt  }
0x50: {  	_ =	shalt  }
0x51: {  	_ =	shalt  }
0x52: {  	_ =	shalt  }
0x53: {  	_ =	shalt  }
0x54: {  	_ =	shalt  }
0x55: {  	_ =	shalt  }
0x56: {  	_ =	shalt  }
0x57: {  	_ =	shalt  }
0x58: {  	_ =	shalt  }
0x59: {  	_ =	shalt  }
0x5a: {  	_ =	shalt  }
0x5b: {  	_ =	shalt  }
0x5c: {  	_ =	shalt  }
0x5d: {  	_ =	shalt  }
0x5e: {  	_ =	shalt  }
0x5f: {  	_ =	shalt  }
0x60: {  	_ =	shalt  }
0x61: {  	_ =	shalt  }
0x62: {  	_ =	shalt  }
0x63: {  	_ =	shalt  }
0x64: {  	_ =	shalt  }
0x65: {  	_ =	shalt  }
0x66: {  	_ =	shalt  }
0x67: {  	_ =	shalt  }
0x68: {  	_ =	shalt  }
0x69: {  	_ =	shalt  }
0x6a: {  	_ =	shalt  }
0x6b: {  	_ =	shalt  }
0x6c: {  	_ =	shalt  }
0x6d: {  	_ =	shalt  }
0x6e: {  	_ =	shalt  }
0x6f: {  	_ =	shalt  }
0x70: {  	_ =	shalt  }
0x71: {  	_ =	shalt  }
0x72: {  	_ =	shalt  }
0x73: {  	_ =	shalt  }
0x74: {  	_ =	shalt  }
0x75: {  	_ =	shalt  }
0x76: {  	_ =	shalt  }
0x77: {  	_ =	shalt  }
0x78: {  	_ =	shalt  }
0x79: {  	_ =	shalt  }
0x7a: {  	_ =	shalt  }
0x7b: {  	_ =	shalt  }
0x7c: {  	_ =	shalt  }
0x7d: {  	_ =	shalt  }
0x7e: {  	_ =	shalt  }
0x7f: {  	_ =	shalt  }
0x80: {  	_ =	shalt  }
0x81: {  	_ =	shalt  }
0x82: {  	_ =	shalt  }
0x83: {  	_ =	shalt  }
0x84: {  	_ =	shalt  }
0x85: {  	_ =	shalt  }
0x86: {  	_ =	shalt  }
0x87: {  	_ =	shalt  }
.Lfunc_end0:
.L_simem_size_0:
called_computation.1_lowered:
.L_overlay_start_0:
0x88: {  	s2 =	sld [smem:$0x3FD9]  }
0x89: {  	s3 =	sld [smem:$0x3FFE];
	_ =	sdelay $0x1  }
0x8a: {  	s1 =	srdreg.scid  }
0x8b: {  	s0 =	sand.u32 $0x1, s1  }
0x8c: {  	s17 =	sshll.u32 s0, $0xA;
	s2 =	sadd.s32 s3, s2  }
0x8d: {  	s2 =	sadd.s32 s2, s17  }
0x8e: {  	[smem:$0x3FC2] =	sst s2  }
0x8f: {  	_ = 	snop  }
0x90: {  	s2 =	sld [smem:$0x3FD0];
	(tm) =	ssettm $0x1  }
0x91: {  	s18 =	sld [smem:$0x3FFB];
	_ =	sdelay $0x3  }
0x92: {  	_ =	strace s18  }
0x93: {  	s3 =	sld [smem:$0x3FFC];
	_ =	sdelay $0x3  }
0x94: {  	_ =	strace s3  }
0x95: {  	s3 =	sld [smem:$0x3FFD];
	_ =	sdelay $0x3  }
0x96: {  	_ =	strace s3  }
0x97: {  	_ =	strace $0x8FFFFFFF  }
0x98: {  	s19 =	sld [smem:$0x3FDB];
	_ =	sdelay $0x1  }
0x99: {  	s4 =	simm.s32 $_scs_section_size  }
0x9a: {  	s5 =	simm.s32 $_size__tile_overlayer_lowered;
	s6 =	simm.s32 $_tile_overlayer_lowered  }
0x9b: {  	s22 =	simm.s32 $0x1BFF;
	s21 =	sshll.u32 s6, $0x1;
	s3 =	sadd.s32 s4, s19  }
0x9c: {  	s7 =	simm.s32 $0x0;
	s20 =	sshll.u32 s5, $0x1;
	s5 =	sadd.s32 s21, s3  }
0x9d: {  	[timem:s7], [sflag:s22] =	dma.local [hbm:s5], s20  }
0x9e: {  	_ =	swait.ge [sflag:s22], s20  }
0x9f: {  	s4 =	ssub.s32 $0x0, s20;
	[sflag:s22] =	ssyncset.done $0x0  }
0xa0: {  	[sflag:s22] =	ssyncadd.s32 s4;
	_ =	sdelay $0x1  }
0xa1: {  	s23 =	simm.s32 $0x1B8B  }
0xa2: {  	_ =	swait.ge [sflag:s23], $0x1  }
0xa3: {  	[sflag:s23] =	ssyncset.done $0x0  }
0xa4: {  	s25 =	simm.s32 $0x1B8E;
	s24 =	sld [smem:$0x3FFE];
	[sflag:s23] =	ssyncadd.s32 $0xFFFFFFFF  }
0xa5: {  	s26 =	simm.s32 $execute0_lowered;
	[smem:$0x3FD2] =	sst s25  }
0xa6: {  	s5 =	sshll.u32 s26, $0x1;
	_ =	strace $0x80000049;
	[dreg:$0x1] =	wrdreg $0xFFFFFFFF  }
0xa7: {  	s28 =	simm.s32 $_size_execute0_lowered;
	s3 =	sadd.s32 s3, s5;
	[dreg:$0x0] =	wrdreg $0x0  }
0xa8: {  	s5 =	sshll.u32 s28, $0x1;
	[dreg:$0x2] =	wrdreg s3  }
0xa9: {  	[dreg:$0x3] =	wrdreg s5  }
0xaa: {  	[dreg:$0x4] =	wrdreg $0xC0  }
0xab: {  	_ =	task [dreg:s7], $0x5FFFF  }
0xac: {  	[dreg:$0x1] =	wrdreg $0xFFFFFFFF  }
0xad: {  	[dreg:$0x0] =	wrdreg $0x60  }
0xae: {  	[dreg:$0x2] =	wrdreg s24  }
0xaf: {  	[dreg:$0x3] =	wrdreg s2  }
0xb0: {  	[dreg:$0x4] =	wrdreg $0x0  }
0xb1: {  	[dreg:$0x5] =	wrdreg $0x9  }
0xb2: {  	_ =	task.clear_ibuf [dreg:s7], $0x6FFFF;
	_ =	strace $0x90000049  }
0xb3: {  	s29 =	simm.s32 $0x9;
	_ =	strace $0x8000004B  }
0xb4: {  	_ =	swait.ge [sflag:s29], $0x1  }
0xb5: {  	[sflag:s29] =	ssyncadd.s32 $0xFFFFFFFF  }
0xb6: {  	_ =	strace $0x9000004B  }
0xb7: {  	_ =	sfence  }
0xb8: {  	s30 =	sld [smem:$0x0];
	_ =	sdelay $0x2  }
0xb9: {  	s31 =	sshll.u32 s1, $0xD;
	s1 =	sshrl.u32 s1, $0x2  }
0xba: {  	s3 =	sand.u32 $0x4000, s31;
	s1 =	sadd.s32 s1, s30  }
0xbb: {  	s0 =	sor.u32 s3, s0;
	s1 =	sshll.u32 s1, $0x11  }
0xbc: {  	s0 =	sor.u32 s1, s0  }
0xbd: {  	s0 =	sadd.s32 $0x8F2B, s0  }
0xbe: {  	[sflag:s0] =	ssyncadd.remote.s32 $0x1  }
0xbf: {  	_ =	sfence.sel $0xFFFF  }
0xc0: {  	[dreg:$0x0] =	wrdreg $0xFFFFFFFF;
	(pc) =	sbr.abs _section_cstart, $3  }
0xc1: {  	[dreg:$0x1] =	wrdreg $0xFFFFFFFF  }
0xc2: {  	_ =	task.clear_ibuf [dreg:s7], $0x2FFFF;
	_ =	strace $0x9FFFFFFF  }
0xc3: {  	(tm) =	ssettm $0x7FFFFFFF  }
tec
execute0_lowered:
.L_overlay_start_1:
0x0: {  	(tag) =	ssettag $0x1  }
0x1: {  	s7 =	rddreg [dreg:$0x0]  }
0x2: {  	s0 =	srdreg.scid;
	s2 =	rddreg [dreg:$0x1]  }
0x3: {  	s15 =	simm.s32 $0x14000;
	s16 =	simm.s32 $0x16800;
	s17 =	simm.s32 $0x50  }
0x4: {  	s18 =	simm.s32 $0x1A800;
	s19 =	simm.s32 $0x1;
	s6 =	sand.u32 $0x1, s0  }
0x5: {  	s20 =	simm.s32 $0x1D000;
	s0 =	stileid.u32;
	s9 =	smul.u32 $0x140000, s6  }
0x6: {  	s21 =	simm.s32 $0x2;
	s22 =	simm.s32 $0x0;
	s11 =	smul.u32 $0x14000, s0  }
0x7: {  	s1 =	sshll.u32 s6, $0x4;
	s6 =	ssub.s32 $0x2, s6;
	s29 =	smul.u32 $0x50000, s0  }
0x8: {  	s31 =	sshll.u32 s0, $0x6;
	s1 =	sor.u32 s0, s1;
	s12 =	sshrl.u32 s6, $0x1  }
0x9: {  	s4 =	smul.u32 $0x78, s1;
	s3 =	sshll.u32 s1, $0x7;
	p0 =	slt.u32 s1, $0xC  }
0xa: {  	s1 =	rddreg [dreg:$0x3];
	s9 =	sadd.s32 s11, s9;
	s12 =	ssub.s32 s6, s12  }
0xb: {  	s30 =	sshrl.u32 s29, $0x2;
	s11 =	simm.s32 $0x78;
	s6 =	sor.u32 $0x1C03, s31  }
0xc: {  	s8 =	sadd.s32 $0xFFFFFFA0, s3;
	s3 =	rddreg [dreg:$0x2];
	s9 =	sshrl.u32 s9, $0x3  }
0xd: {  	s11 =	simm.s32 @!p0 $0x80;
	s12 =	smax.u32 s12, $0x1;
	s8 =	smov.u32 @p0 s4  }
0xe: {  	s4 =	simm.s32 $0x0;
	s13 =	sadd.s32 s9, s7;
	s5 =	smul.u32 $0x50, s8  }
0xf: {  	s14 =	sadd.s32 s30, s3;
	s9 =	sshrl.u32 s11, $0x1;
	[smem:$0x7FF] =	sst s4  }
0x10: {  	s8 =	sshll.u32 s8, $0x4;
	_ =	strace $0x8000004A;
	s10 =	sshrl.u32 s5, $0x3  }
0x11: {  	s8 =	sadd.s32 s8, s7;
	s5 =	sadd.s32 $0x25000, s7;
	s10 =	sadd.s32 s10, s7  }
0x12: {  	s8 =	sadd.s32 $0x15600, s8;
	s7 =	sadd.s32 $0x1A00, s10;
	s10 =	sadd.s32 $0xFFFFFFFE, s11  }
0x13: {  	s11 =	sadd.s32 $0x4C200, s13;
	s13 =	sshrl.u32 s14, $0x3;
	s14 =	simm.s32 $0x3  }
.LBB2_1:
0x14: {  	[spmem:s13], [sflag:s6] =	dma.local [hbm:s2], $0x2800  }
0x15: {  	_ =	swait.ge [sflag:s14], $0x2800  }
0x16: {  	[sflag:s14] =	ssyncset.done $0x0  }
0x17: {  	[sflag:s14] =	ssyncadd.s32 $0xFFFFD800  }
0x18: {  	[tilespmem:s15], [sflag:$0x3] =	stream.linear.gather [hbm4b:s7+s4], $0x2800, $0x38;
	[tilespmem:$0x1F800] =	vst v63  }
0x19: {  	_ =	swait.ge [sflag:s14], $0x2800  }
0x1a: {  	[sflag:s14] =	ssyncset.done $0x0  }
0x1b: {  	[sflag:s14] =	ssyncadd.s32 $0xFFFFD800  }
0x1c: {  	[tilespmem:s16], [sflag:$0x3] =	stream.linear.gather [hbm4b:s8+s4], $0x4000, $0x38;
	[tilespmem:$0x1F800] =	vst v63  }
0x1d: {  	_ =	swait.ge [sflag:s14], $0x4000  }
0x1e: {  	[sflag:s14] =	ssyncset.done $0x0  }
0x1f: {  	[sflag:s14] =	ssyncadd.s32 $0xFFFFC000  }
0x20: {  	[bflag:$0x0] =	sbarrier.arrive $0xFFFF  }
0x21: {  	[tilespmem:s18], [sflag:$0x1] =	stream.indirect.gather [hbm4b:s5+s17], $0x80, s15, s17, $0xb8;
	[tilespmem:$0x1F800] =	vst v63  }
0x22: {  	_ =	swait.ge [sflag:s19], $0x2800  }
0x23: {  	[sflag:s19] =	ssyncset.done $0x0  }
0x24: {  	s23 =	simm.s32 $0x14050;
	[sflag:s19] =	ssyncadd.s32 $0xFFFFD800  }
0x25: {  	[tilespmem:s20], [sflag:$0x2] =	stream.indirect.gather [hbm4b:s5+s17], $0x80, s23, s17, $0xb8;
	[tilespmem:$0x1F800] =	vst v63  }
0x26: {  	s24 =	simm.s32 $0x16800  }
0x27: {  	[spmem:s3] =	stream.indirect.scatter.add.f32 [tilespmem:s18], [sflag:$0x3], $0x80, s24, s17, $0xb8;
	[tilespmem:$0x1F800] =	vst v63  }
0x28: {  	p0 =	sgt.s32 s10, $0x2;
	s24 =	smov.u32 s10;
	_ =	swait.ge [sflag:s14], $0x2800  }
0x29: {  	s24 =	smov.u32 @p0 s21;
	[sflag:s14] =	ssyncset.done $0x0  }
0x2a: {  	s24 =	smul.u32 $0x140, s24;
	[sflag:s14] =	ssyncadd.s32 $0xFFFFD800  }
0x2b: {  	_ =	swait.ge [sflag:s21], $0x2800  }
0x2c: {  	s24 =	sshra.s32 s24, $0x2;
	[sflag:s21] =	ssyncset.done $0x0  }
0x2d: {  	s24 =	sadd.s32 $0x14000, s24;
	[sflag:s21] =	ssyncadd.s32 $0xFFFFD800  }
0x2e: {  	[tilespmem:s18], [sflag:$0x1] =	stream.indirect.gather [hbm4b:s5+s17], $0x80, s24, s17, $0xb8;
	[tilespmem:$0x1F800] =	vst v63  }
0x2f: {  	p0 =	sne.s32 s9, $0x1;
	s24 =	simm.s32 $0x16880  }
0x30: {  	[spmem:s3] =	stream.indirect.scatter.add.f32 [tilespmem:s20], [sflag:$0x3], $0x80, s24, s17, $0xb8;
	[tilespmem:$0x1F800] =	vst v63  }
.Ltmp0:
0x31: {  	_ =	swait.ge [sflag:s14], $0x2800;
	(pc) =	sbr.rel @!p0 .LBB2_3-.Ltmp0, $4  }
0x32: {  	[sflag:s14] =	ssyncset.done $0x0  }
0x33: {  	[sflag:s14] =	ssyncadd.s32 $0xFFFFD800  }
0x34: {  	_ =	swait.ge [sflag:s19], $0x2800  }
0x35: {  	s25 =	sadd.s32 $0xFFFFFFFF, s9;
	s26 =	simm.s32 $0x4;
	[sflag:s19] =	ssyncset.done $0x0  }
.LBB2_2:
0x36: {  	[sflag:s19] =	ssyncadd.s32 $0xFFFFD800;
	s24 =	sadd.s32 $0x100, s24;
	s23 =	sadd.s32 $0xA0, s23  }
0x37: {  	[tilespmem:s20], [sflag:$0x2] =	stream.indirect.gather [hbm4b:s5+s17], $0x80, s23, s17, $0xb8;
	[tilespmem:$0x1F800] =	vst v63  }
0x38: {  	p0 =	sne.s32 s25, $0x1;
	s25 =	sadd.s32 $0xFFFFFFFF, s25;
	s28 =	sadd.s32 $0xFFFFFF80, s24  }
0x39: {  	[spmem:s3] =	stream.indirect.scatter.add.f32 [tilespmem:s18], [sflag:$0x3], $0x80, s28, s17, $0xb8;
	[tilespmem:$0x1F800] =	vst v63  }
0x3a: {  	p1 =	slt.s32 s26, s10;
	s28 =	smov.u32 s10;
	_ =	swait.ge [sflag:s14], $0x2800  }
0x3b: {  	s28 =	smov.u32 @p1 s26;
	[sflag:s14] =	ssyncset.done $0x0  }
0x3c: {  	s28 =	smul.u32 $0x140, s28;
	[sflag:s14] =	ssyncadd.s32 $0xFFFFD800  }
0x3d: {  	_ =	swait.ge [sflag:s21], $0x2800  }
0x3e: {  	s28 =	sshra.s32 s28, $0x2;
	[sflag:s21] =	ssyncset.done $0x0  }
0x3f: {  	s28 =	sadd.s32 $0x14000, s28;
	[sflag:s21] =	ssyncadd.s32 $0xFFFFD800  }
0x40: {  	[tilespmem:s18], [sflag:$0x1] =	stream.indirect.gather [hbm4b:s5+s17], $0x80, s28, s17, $0xb8;
	[tilespmem:$0x1F800] =	vst v63  }
0x41: {  	_ = 	snop  }
0x42: {  	[spmem:s3] =	stream.indirect.scatter.add.f32 [tilespmem:s20], [sflag:$0x3], $0x80, s24, s17, $0xb8;
	[tilespmem:$0x1F800] =	vst v63  }
.Ltmp1:
0x43: {  	_ =	swait.ge [sflag:s14], $0x2800;
	(pc) =	sbr.rel @p0 .LBB2_2-.Ltmp1, $4  }
0x44: {  	[sflag:s14] =	ssyncset.done $0x0  }
0x45: {  	[sflag:s14] =	ssyncadd.s32 $0xFFFFD800  }
0x46: {  	_ =	swait.ge [sflag:s19], $0x2800  }
0x47: {  	s26 =	sadd.s32 $0x2, s26;
	[sflag:s19] =	ssyncset.done $0x0  }
.LBB2_3:
0x48: {  	s22 =	sadd.s32 $0x1, s22  }
0x49: {  	[sflag:s19] =	ssyncadd.s32 $0xFFFFD800;
	p0 =	sne.s32 s22, s12  }
.Ltmp2:
0x4a: {  	[bflag:$0x0] =	sbarrier.arrive $0xFFFF;
	(pc) =	sbr.rel @p0 .LBB2_1-.Ltmp2, $4  }
0x4b: {  	[hbm:s11], [sflag:s6] =	dma.local [spmem:s13], $0x2800  }
0x4c: {  	_ =	swait.ge [sflag:s14], $0x2800  }
0x4d: {  	[sflag:s14] =	ssyncset.done $0x0  }
0x4e: {  	[sflag:s14] =	ssyncadd.s32 $0xFFFFD800  }
0x4f: {  	_ =	sfence.sel $0x180000  }
0x50: {  	[bflag:$0x0] =	sbarrier.arrive $0xFFFF  }
0x51: {  	p0 =	sne.s32 s0, $0x0;
	_ =	strace $0x9000004A  }
0x52: {  	s0 =	sadd.s32 @!p0 $0x100000, s1;
	[bflag:$0x2] =	sbarrier.arrive $0xFFFF  }
0x53: {  	[sflag:s0] =	ssyncadd.tile.s32 @!p0 $0x1;
	_ =	shalt  }
.Lfunc_end2:
_tile_overlayer_lowered:
.L_overlay_start_2:
0x54: {  	(tag) =	ssettag $0x2  }
0x55: {  	s0 =	rddreg [dreg:$0x0];
	s2 =	stileid.u32  }
0x56: {  	s1 =	rddreg [dreg:$0x1];
	p0 =	sne.s32 s2, $0x0  }
0x57: {  	s3 =	rddreg [dreg:$0x2];
	[bflag:$0x3] =	sbarrier.arrive $0xFFFF;
	s2 =	simm.s32 @!p0 $0x1C03  }
0x58: {  	[timem:s3], [sflag:s2] =	dma.local @!p0 [hbm:s0], s1  }
0x59: {  	s0 =	simm.s32 @!p0 $0x3  }
0x5a: {  	_ =	swait.ge @!p0 [sflag:s0], s1  }
0x5b: {  	s1 =	ssub.s32 @!p0 $0x0, s1;
	[sflag:s0] =	ssyncset.done @!p0 $0x0  }
0x5c: {  	[sflag:s0] =	ssyncadd.s32 @!p0 s1  }
0x5d: {  	[bflag:$0x3] =	sbarrier.arrive $0xFFFF  }
0x5e: {  	_ =	shalt  }

// kernel: kernel.14.cloned.1.call-start
scs
__scs_entry_jumppad:
0x0: {  	(pc) =	sbr.rel $0x88, $3  }
0x1: {  	(tag) =	ssettag $0x0;
	lr =	simm.s32 $0x1  }
0x2: {  	[smem:$0x3F9B] =	sst lr;
	_ =	strace $0xD0000000  }
0x3: {  	_ = 	snop  }
0x4: {  	_ = 	snop  }
0x5: {  	_ = 	snop  }
0x6: {  	_ = 	snop  }
0x7: {  	_ = 	snop  }
__scs_overlays_trampoline_lowered:
0x8: {  	[smem:$0x3FAA] =	sst s0  }
0x9: {  	[smem:$0x3FAB] =	sst s1  }
0xa: {  	[smem:$0x3FAC] =	sst s2  }
0xb: {  	[smem:$0x3FAD] =	sst s3  }
0xc: {  	[smem:$0x3FAE] =	sst s4  }
0xd: {  	[smem:$0x3FAF] =	sst s5  }
0xe: {  	[smem:$0x3FB0] =	sst s6  }
0xf: {  	[smem:$0x3FB1] =	sst s7  }
0x10: {  	[smem:$0x3FB2] =	sst s8  }
0x11: {  	[smem:$0x3FB3] =	sst s9;
	s0 =	simm.s32 @!p0 $0x0  }
0x12: {  	s1 =	sld [smem:$0x3F99];
	s0 =	simm.s32 @p0 $0x1  }
0x13: {  	[smem:$0x3FB4] =	sst s0;
	s0 =	simm.s32 @!p1 $0x0  }
0x14: {  	s2 =	sld [smem:$0x3F98];
	s0 =	simm.s32 @p1 $0x1  }
0x15: {  	[smem:$0x3FB5] =	sst s0;
	s0 =	simm.s32 @!p2 $0x0  }
0x16: {  	s3 =	sld [smem:$0x3FDB];
	s0 =	simm.s32 @p2 $0x1  }
0x17: {  	s4 =	simm.s32 $0x1BF5;
	[smem:$0x3FB7] =	sst s0  }
0x18: {  	s0 =	sld [smem:$0x3F9A];
	_ =	swait.ge [sflag:s4], $0x0  }
0x19: {  	s7 =	sld [smem:$0x3F9B]  }
0x1a: {  	s8 =	sadd.s32 $0xFFFFE003, lr  }
0x1b: {  	s9 =	sadd.s32 $0xFFFFFEF7, lr;
	s5 =	simm.s32 $0xFFFFFFFF;
	p2 =	slt.u32 s8, $0xFFFFF086  }
0x1c: {  	p1 =	slt.u32 s9, $0xF7A;
	s5 =	simm.s32 @!p2 $0x0  }
0x1d: {  	s5 =	simm.s32 @p1 $0x1;
	p0 =	seq.s32 s7, s2  }
0x1e: {  	s7 =	smul.u32 @!p0 $0xF7A, s2;
	p2 =	seq.s32 @!p0 s5, $0x0  }
0x1f: {  	s9 =	smul.u32 $0xF7A, s1;
	s8 =	simm.s32 @!p0 $0x1BF5;
	p2 =	por !p2, p0  }
0x20: {  	[sflag:s8] =	ssyncset.s32 @!p0 $0xFFFFF086;
	s6 =	sadd.s32 @!p0 s3, s7;
	s7 =	simm.s32 @!p0 $0x108  }
0x21: {  	s3 =	sadd.s32 s3, s9;
	s6 =	sadd.s32 @!p0 $0x88, s6;
	s7 =	simm.s32 @p2 $0x1082  }
0x22: {  	[simem:s7], [sflag:s8] =	dma.local @!p0 [hbm:s6], $0xF7A  }
0x23: {  	s9 =	sor.u32 $0xD0000000, s2;
	s6 =	simm.s32 $0x108;
	_ =	swait.ge @!p0 [sflag:s8], $0x0  }
0x24: {  	s3 =	sadd.s32 $0x88, s3;
	s6 =	simm.s32 @!p1 $0x1082;
	[sflag:s4] =	ssyncset.s32 $0xFFFFF086  }
0x25: {  	[simem:s6], [sflag:s4] =	dma.local [hbm:s3], $0xF7A  }
0x26: {  	[smem:$0x3F9B] =	sst s1;
	(tag) =	ssettag s2;
	_ =	strace s9  }
0x27: {  	s1 =	sld [smem:$0x3FAB]  }
0x28: {  	s2 =	sld [smem:$0x3FAC]  }
0x29: {  	s4 =	sld [smem:$0x3FAE]  }
0x2a: {  	p0 =	seq.s32 s5, $0x0;
	s5 =	sld [smem:$0x3FAF]  }
0x2b: {  	s6 =	sld [smem:$0x3FB0]  }
0x2c: {  	s7 =	sld [smem:$0x3FB1]  }
0x2d: {  	s3 =	simm.s32 $0x108;
	s8 =	sld [smem:$0x3FB2]  }
0x2e: {  	s3 =	simm.s32 @!p0 $0x1082;
	s9 =	sld [smem:$0x3FB3]  }
0x2f: {  	lr =	sadd.s32 s0, s3;
	s0 =	sld [smem:$0x3FAA]  }
0x30: {  	s3 =	sld [smem:$0x3FAD]  }
0x31: {  	[smem:$0x3FB6] =	sst s10  }
0x32: {  	s10 =	sld [smem:$0x3FB4];
	_ =	sdelay $0x3  }
0x33: {  	p0 =	seq.s32 s10, $0x1;
	s10 =	sld [smem:$0x3FB6];
	_ =	sdelay $0x3  }
0x34: {  	[smem:$0x3FB6] =	sst s10  }
0x35: {  	s10 =	sld [smem:$0x3FB5];
	_ =	sdelay $0x3  }
0x36: {  	p1 =	seq.s32 s10, $0x1;
	s10 =	sld [smem:$0x3FB6];
	_ =	sdelay $0x3  }
0x37: {  	[smem:$0x3FB6] =	sst s10  }
0x38: {  	s10 =	sld [smem:$0x3FB7]  }
0x39: {  	_ = 	snop;
	(pc) =	sbr.ind lr, $3  }
0x3a: {  	_ = 	snop  }
0x3b: {  	_ = 	snop  }
0x3c: {  	p2 =	seq.s32 s10, $0x1;
	s10 =	sld [smem:$0x3FB6]  }
0x3d: {  	_ =	shalt  }
0x3e: {  	_ =	shalt  }
0x3f: {  	_ =	shalt  }
0x40: {  	_ =	shalt  }
0x41: {  	_ =	shalt  }
0x42: {  	_ =	shalt  }
0x43: {  	_ =	shalt  }
0x44: {  	_ =	shalt  }
0x45: {  	_ =	shalt  }
0x46: {  	_ =	shalt  }
0x47: {  	_ =	shalt  }
0x48: {  	_ =	shalt  }
0x49: {  	_ =	shalt  }
0x4a: {  	_ =	shalt  }
0x4b: {  	_ =	shalt  }
0x4c: {  	_ =	shalt  }
0x4d: {  	_ =	shalt  }
0x4e: {  	_ =	shalt  }
0x4f: {  	_ =	shalt  }
0x50: {  	_ =	shalt  }
0x51: {  	_ =	shalt  }
0x52: {  	_ =	shalt  }
0x53: {  	_ =	shalt  }
0x54: {  	_ =	shalt  }
0x55: {  	_ =	shalt  }
0x56: {  	_ =	shalt  }
0x57: {  	_ =	shalt  }
0x58: {  	_ =	shalt  }
0x59: {  	_ =	shalt  }
0x5a: {  	_ =	shalt  }
0x5b: {  	_ =	shalt  }
0x5c: {  	_ =	shalt  }
0x5d: {  	_ =	shalt  }
0x5e: {  	_ =	shalt  }
0x5f: {  	_ =	shalt  }
0x60: {  	_ =	shalt  }
0x61: {  	_ =	shalt  }
0x62: {  	_ =	shalt  }
0x63: {  	_ =	shalt  }
0x64: {  	_ =	shalt  }
0x65: {  	_ =	shalt  }
0x66: {  	_ =	shalt  }
0x67: {  	_ =	shalt  }
0x68: {  	_ =	shalt  }
0x69: {  	_ =	shalt  }
0x6a: {  	_ =	shalt  }
0x6b: {  	_ =	shalt  }
0x6c: {  	_ =	shalt  }
0x6d: {  	_ =	shalt  }
0x6e: {  	_ =	shalt  }
0x6f: {  	_ =	shalt  }
0x70: {  	_ =	shalt  }
0x71: {  	_ =	shalt  }
0x72: {  	_ =	shalt  }
0x73: {  	_ =	shalt  }
0x74: {  	_ =	shalt  }
0x75: {  	_ =	shalt  }
0x76: {  	_ =	shalt  }
0x77: {  	_ =	shalt  }
0x78: {  	_ =	shalt  }
0x79: {  	_ =	shalt  }
0x7a: {  	_ =	shalt  }
0x7b: {  	_ =	shalt  }
0x7c: {  	_ =	shalt  }
0x7d: {  	_ =	shalt  }
0x7e: {  	_ =	shalt  }
0x7f: {  	_ =	shalt  }
0x80: {  	_ =	shalt  }
0x81: {  	_ =	shalt  }
0x82: {  	_ =	shalt  }
0x83: {  	_ =	shalt  }
0x84: {  	_ =	shalt  }
0x85: {  	_ =	shalt  }
0x86: {  	_ =	shalt  }
0x87: {  	_ =	shalt  }
.Lfunc_end0:
.L_simem_size_0:
called_computation.2_lowered:
.L_overlay_start_0:
0x88: {  	s2 =	sld [smem:$0x3FD9]  }
0x89: {  	s3 =	sld [smem:$0x3FFE];
	_ =	sdelay $0x1  }
0x8a: {  	s1 =	srdreg.scid  }
0x8b: {  	s0 =	sand.u32 $0x1, s1  }
0x8c: {  	s17 =	sshll.u32 s0, $0xA;
	s2 =	sadd.s32 s3, s2  }
0x8d: {  	s2 =	sadd.s32 s2, s17  }
0x8e: {  	[smem:$0x3FC2] =	sst s2  }
0x8f: {  	_ = 	snop  }
0x90: {  	s2 =	sld [smem:$0x3FD0];
	(tm) =	ssettm $0x1  }
0x91: {  	s18 =	sld [smem:$0x3FFB];
	_ =	sdelay $0x3  }
0x92: {  	_ =	strace s18  }
0x93: {  	s3 =	sld [smem:$0x3FFC];
	_ =	sdelay $0x3  }
0x94: {  	_ =	strace s3  }
0x95: {  	s3 =	sld [smem:$0x3FFD];
	_ =	sdelay $0x3  }
0x96: {  	_ =	strace s3  }
0x97: {  	_ =	strace $0x8FFFFFFF  }
0x98: {  	s19 =	sld [smem:$0x3FDB];
	_ =	sdelay $0x1  }
0x99: {  	s4 =	simm.s32 $_scs_section_size  }
0x9a: {  	s5 =	simm.s32 $_size__tile_overlayer_lowered;
	s6 =	simm.s32 $_tile_overlayer_lowered  }
0x9b: {  	s22 =	simm.s32 $0x1BFF;
	s21 =	sshll.u32 s6, $0x1;
	s3 =	sadd.s32 s4, s19  }
0x9c: {  	s7 =	simm.s32 $0x0;
	s20 =	sshll.u32 s5, $0x1;
	s5 =	sadd.s32 s21, s3  }
0x9d: {  	[timem:s7], [sflag:s22] =	dma.local [hbm:s5], s20  }
0x9e: {  	_ =	swait.ge [sflag:s22], s20  }
0x9f: {  	s4 =	ssub.s32 $0x0, s20;
	[sflag:s22] =	ssyncset.done $0x0  }
0xa0: {  	[sflag:s22] =	ssyncadd.s32 s4;
	_ =	sdelay $0x1  }
0xa1: {  	s23 =	simm.s32 $0x1B8B  }
0xa2: {  	_ =	swait.ge [sflag:s23], $0x1  }
0xa3: {  	[sflag:s23] =	ssyncset.done $0x0  }
0xa4: {  	s25 =	simm.s32 $0x1B8E;
	s24 =	sld [smem:$0x3FFE];
	[sflag:s23] =	ssyncadd.s32 $0xFFFFFFFF  }
0xa5: {  	s26 =	simm.s32 $execute0_lowered;
	[smem:$0x3FD2] =	sst s25  }
0xa6: {  	s5 =	sshll.u32 s26, $0x1;
	_ =	strace $0x8000004C;
	[dreg:$0x1] =	wrdreg $0xFFFFFFFF  }
0xa7: {  	s28 =	simm.s32 $_size_execute0_lowered;
	s3 =	sadd.s32 s3, s5;
	[dreg:$0x0] =	wrdreg $0x0  }
0xa8: {  	s5 =	sshll.u32 s28, $0x1;
	[dreg:$0x2] =	wrdreg s3  }
0xa9: {  	[dreg:$0x3] =	wrdreg s5  }
0xaa: {  	[dreg:$0x4] =	wrdreg $0xC0  }
0xab: {  	_ =	task [dreg:s7], $0x5FFFF  }
0xac: {  	[dreg:$0x1] =	wrdreg $0xFFFFFFFF  }
0xad: {  	[dreg:$0x0] =	wrdreg $0x60  }
0xae: {  	[dreg:$0x2] =	wrdreg s24  }
0xaf: {  	[dreg:$0x3] =	wrdreg s2  }
0xb0: {  	[dreg:$0x4] =	wrdreg $0x0  }
0xb1: {  	[dreg:$0x5] =	wrdreg $0x9  }
0xb2: {  	_ =	task.clear_ibuf [dreg:s7], $0x6FFFF;
	_ =	strace $0x9000004C  }
0xb3: {  	s29 =	simm.s32 $0x9;
	_ =	strace $0x8000004E  }
0xb4: {  	_ =	swait.ge [sflag:s29], $0x1  }
0xb5: {  	[sflag:s29] =	ssyncadd.s32 $0xFFFFFFFF  }
0xb6: {  	_ =	strace $0x9000004E  }
0xb7: {  	_ =	sfence  }
0xb8: {  	s30 =	sld [smem:$0x0];
	_ =	sdelay $0x2  }
0xb9: {  	s31 =	sshll.u32 s1, $0xD;
	s1 =	sshrl.u32 s1, $0x2  }
0xba: {  	s3 =	sand.u32 $0x4000, s31;
	s1 =	sadd.s32 s1, s30  }
0xbb: {  	s0 =	sor.u32 s3, s0;
	s1 =	sshll.u32 s1, $0x11  }
0xbc: {  	s0 =	sor.u32 s1, s0  }
0xbd: {  	s0 =	sadd.s32 $0x8F2B, s0  }
0xbe: {  	[sflag:s0] =	ssyncadd.remote.s32 $0x1  }
0xbf: {  	_ =	sfence.sel $0xFFFF  }
0xc0: {  	[dreg:$0x0] =	wrdreg $0xFFFFFFFF;
	(pc) =	sbr.abs _section_cstart, $3  }
0xc1: {  	[dreg:$0x1] =	wrdreg $0xFFFFFFFF  }
0xc2: {  	_ =	task.clear_ibuf [dreg:s7], $0x2FFFF;
	_ =	strace $0x9FFFFFFF  }
0xc3: {  	(tm) =	ssettm $0x7FFFFFFF  }
tec
execute0_lowered:
.L_overlay_start_1:
0x0: {  	(tag) =	ssettag $0x1  }
0x1: {  	s7 =	rddreg [dreg:$0x0]  }
0x2: {  	s2 =	rddreg [dreg:$0x1]  }
0x3: {  	s0 =	srdreg.scid;
	s3 =	rddreg [dreg:$0x2];
	s4 =	simm.s32 $0x0  }
0x4: {  	s15 =	simm.s32 $0x5000;
	s16 =	simm.s32 $0x7800;
	s17 =	simm.s32 $0x80  }
0x5: {  	s18 =	simm.s32 $0xA000;
	s19 =	simm.s32 $0x1;
	s20 =	simm.s32 $0xB000  }
0x6: {  	s21 =	simm.s32 $0x2;
	s6 =	sand.u32 $0x1, s0;
	s0 =	stileid.u32  }
0x7: {  	s22 =	simm.s32 $0x0;
	[smem:$0x7FF] =	sst s4;
	s10 =	smul.u32 $0x5000, s0  }
0x8: {  	s1 =	sshll.u32 s6, $0x4;
	s11 =	smul.u32 $0x50000, s6;
	s6 =	ssub.s32 $0x2, s6  }
0x9: {  	s31 =	sshll.u32 s0, $0x6;
	s5 =	sor.u32 s0, s1;
	s1 =	rddreg [dreg:$0x3]  }
0xa: {  	_ =	strace $0x8000004D;
	s30 =	sshrl.u32 s6, $0x1;
	s9 =	smul.u32 $0x50, s5  }
0xb: {  	s8 =	smul.u32 $0x4E, s5;
	p0 =	slt.u32 s5, $0x1E;
	s5 =	sadd.s32 $0x15600, s7  }
0xc: {  	s29 =	sadd.s32 s10, s11;
	s13 =	ssub.s32 s6, s30;
	s9 =	sadd.s32 $0xFFFFFFC4, s9  }
0xd: {  	s14 =	sadd.s32 s10, s3;
	s10 =	simm.s32 $0x4E;
	s9 =	smov.u32 @p0 s8  }
0xe: {  	s6 =	sor.u32 $0x1C03, s31;
	s8 =	sshll.u32 s9, $0x4;
	s9 =	sshrl.u32 s29, $0x3  }
0xf: {  	s10 =	simm.s32 @!p0 $0x50;
	s8 =	sand.u32 $0x1FFFFFE0, s8;
	s12 =	sadd.s32 s9, s7  }
0x10: {  	s9 =	sshrl.u32 s10, $0x1;
	s10 =	sadd.s32 $0xFFFFFFFE, s10;
	s8 =	sadd.s32 s8, s7  }
0x11: {  	s11 =	sadd.s32 $0x1F400, s12;
	s12 =	smax.u32 s13, $0x1;
	s13 =	sshrl.u32 s14, $0x3  }
0x12: {  	s14 =	simm.s32 $0x3;
	s7 =	sadd.s32 $0x1A00, s8;
	s8 =	sadd.s32 $0xB800, s8  }
.LBB2_1:
0x13: {  	[spmem:s13], [sflag:s6] =	dma.local [hbm:s2], $0xA00  }
0x14: {  	_ =	swait.ge [sflag:s14], $0xA00  }
0x15: {  	[sflag:s14] =	ssyncset.done $0x0  }
0x16: {  	[sflag:s14] =	ssyncadd.s32 $0xFFFFF600  }
0x17: {  	[tilespmem:s15], [sflag:$0x3] =	stream.linear.gather [hbm4b:s7+s4], $0x2800, $0x38;
	[tilespmem:$0xC000] =	vst v63  }
0x18: {  	_ =	swait.ge [sflag:s14], $0x2800  }
0x19: {  	[sflag:s14] =	ssyncset.done $0x0  }
0x1a: {  	[sflag:s14] =	ssyncadd.s32 $0xFFFFD800  }
0x1b: {  	[tilespmem:s16], [sflag:$0x3] =	stream.linear.gather [hbm4b:s8+s4], $0x2800, $0x38;
	[tilespmem:$0xC000] =	vst v63  }
0x1c: {  	_ =	swait.ge [sflag:s14], $0x2800  }
0x1d: {  	[sflag:s14] =	ssyncset.done $0x0  }
0x1e: {  	[sflag:s14] =	ssyncadd.s32 $0xFFFFD800  }
0x1f: {  	[bflag:$0x0] =	sbarrier.arrive $0xFFFF  }
0x20: {  	[tilespmem:s18], [sflag:$0x1] =	stream.indirect.gather [hbm4b:s5+s17], $0x20, s15, s17, $0xb8;
	[tilespmem:$0xC000] =	vst v63  }
0x21: {  	_ =	swait.ge [sflag:s19], $0x1000  }
0x22: {  	[sflag:s19] =	ssyncset.done $0x0  }
0x23: {  	s23 =	simm.s32 $0x5080;
	[sflag:s19] =	ssyncadd.s32 $0xFFFFF000  }
0x24: {  	[tilespmem:s20], [sflag:$0x2] =	stream.indirect.gather [hbm4b:s5+s17], $0x20, s23, s17, $0xb8;
	[tilespmem:$0xC000] =	vst v63  }
0x25: {  	s24 =	simm.s32 $0x7800  }
0x26: {  	[spmem:s3] =	stream.indirect.scatter.add.f32 [tilespmem:s18], [sflag:$0x3], $0x20, s24, s17, $0xb8;
	[tilespmem:$0xC000] =	vst v63  }
0x27: {  	_ =	swait.ge [sflag:s14], $0x1000  }
0x28: {  	p0 =	sgt.s32 s10, $0x2;
	s24 =	smov.u32 s10;
	[sflag:s14] =	ssyncset.done $0x0  }
0x29: {  	s24 =	smov.u32 @p0 s21;
	[sflag:s14] =	ssyncadd.s32 $0xFFFFF000  }
0x2a: {  	s24 =	sshll.u32 s24, $0x9;
	_ =	swait.ge [sflag:s21], $0x1000  }
0x2b: {  	s24 =	sshra.s32 s24, $0x2;
	[sflag:s21] =	ssyncset.done $0x0  }
0x2c: {  	s24 =	sadd.s32 $0x5000, s24;
	[sflag:s21] =	ssyncadd.s32 $0xFFFFF000  }
0x2d: {  	[tilespmem:s18], [sflag:$0x1] =	stream.indirect.gather [hbm4b:s5+s17], $0x20, s24, s17, $0xb8;
	[tilespmem:$0xC000] =	vst v63  }
0x2e: {  	p0 =	sne.s32 s9, $0x1;
	s24 =	simm.s32 $0x7880  }
0x2f: {  	[spmem:s3] =	stream.indirect.scatter.add.f32 [tilespmem:s20], [sflag:$0x3], $0x20, s24, s17, $0xb8;
	[tilespmem:$0xC000] =	vst v63  }
.Ltmp0:
0x30: {  	_ =	swait.ge [sflag:s14], $0x1000;
	(pc) =	sbr.rel @!p0 .LBB2_3-.Ltmp0, $4  }
0x31: {  	[sflag:s14] =	ssyncset.done $0x0  }
0x32: {  	[sflag:s14] =	ssyncadd.s32 $0xFFFFF000  }
0x33: {  	_ =	swait.ge [sflag:s19], $0x1000  }
0x34: {  	s25 =	sadd.s32 $0xFFFFFFFF, s9;
	s26 =	simm.s32 $0x4;
	[sflag:s19] =	ssyncset.done $0x0  }
.LBB2_2:
0x35: {  	[sflag:s19] =	ssyncadd.s32 $0xFFFFF000;
	s24 =	sadd.s32 $0x100, s24;
	s23 =	sadd.s32 $0x100, s23  }
0x36: {  	[tilespmem:s20], [sflag:$0x2] =	stream.indirect.gather [hbm4b:s5+s17], $0x20, s23, s17, $0xb8;
	[tilespmem:$0xC000] =	vst v63  }
0x37: {  	p0 =	sne.s32 s25, $0x1;
	s25 =	sadd.s32 $0xFFFFFFFF, s25;
	s28 =	sadd.s32 $0xFFFFFF80, s24  }
0x38: {  	[spmem:s3] =	stream.indirect.scatter.add.f32 [tilespmem:s18], [sflag:$0x3], $0x20, s28, s17, $0xb8;
	[tilespmem:$0xC000] =	vst v63  }
0x39: {  	_ =	swait.ge [sflag:s14], $0x1000  }
0x3a: {  	p1 =	slt.s32 s26, s10;
	s28 =	smov.u32 s10;
	[sflag:s14] =	ssyncset.done $0x0  }
0x3b: {  	s28 =	smov.u32 @p1 s26;
	[sflag:s14] =	ssyncadd.s32 $0xFFFFF000  }
0x3c: {  	s28 =	sshll.u32 s28, $0x9;
	_ =	swait.ge [sflag:s21], $0x1000  }
0x3d: {  	s28 =	sshra.s32 s28, $0x2;
	[sflag:s21] =	ssyncset.done $0x0  }
0x3e: {  	s28 =	sadd.s32 $0x5000, s28;
	[sflag:s21] =	ssyncadd.s32 $0xFFFFF000  }
0x3f: {  	[tilespmem:s18], [sflag:$0x1] =	stream.indirect.gather [hbm4b:s5+s17], $0x20, s28, s17, $0xb8;
	[tilespmem:$0xC000] =	vst v63  }
0x40: {  	_ = 	snop  }
0x41: {  	[spmem:s3] =	stream.indirect.scatter.add.f32 [tilespmem:s20], [sflag:$0x3], $0x20, s24, s17, $0xb8;
	[tilespmem:$0xC000] =	vst v63  }
.Ltmp1:
0x42: {  	_ =	swait.ge [sflag:s14], $0x1000;
	(pc) =	sbr.rel @p0 .LBB2_2-.Ltmp1, $4  }
0x43: {  	[sflag:s14] =	ssyncset.done $0x0  }
0x44: {  	[sflag:s14] =	ssyncadd.s32 $0xFFFFF000  }
0x45: {  	_ =	swait.ge [sflag:s19], $0x1000  }
0x46: {  	s26 =	sadd.s32 $0x2, s26;
	[sflag:s19] =	ssyncset.done $0x0  }
.LBB2_3:
0x47: {  	s22 =	sadd.s32 $0x1, s22  }
0x48: {  	[sflag:s19] =	ssyncadd.s32 $0xFFFFF000;
	p0 =	sne.s32 s22, s12  }
.Ltmp2:
0x49: {  	[bflag:$0x0] =	sbarrier.arrive $0xFFFF;
	(pc) =	sbr.rel @p0 .LBB2_1-.Ltmp2, $4  }
0x4a: {  	[hbm:s11], [sflag:s6] =	dma.local [spmem:s13], $0xA00  }
0x4b: {  	_ =	swait.ge [sflag:s14], $0xA00  }
0x4c: {  	[sflag:s14] =	ssyncset.done $0x0  }
0x4d: {  	[sflag:s14] =	ssyncadd.s32 $0xFFFFF600  }
0x4e: {  	_ =	sfence.sel $0x180000  }
0x4f: {  	[bflag:$0x0] =	sbarrier.arrive $0xFFFF  }
0x50: {  	p0 =	sne.s32 s0, $0x0;
	_ =	strace $0x9000004D  }
0x51: {  	s0 =	sadd.s32 @!p0 $0x100000, s1;
	[bflag:$0x2] =	sbarrier.arrive $0xFFFF  }
0x52: {  	[sflag:s0] =	ssyncadd.tile.s32 @!p0 $0x1;
	_ =	shalt  }
.Lfunc_end2:
_tile_overlayer_lowered:
.L_overlay_start_2:
0x53: {  	(tag) =	ssettag $0x2  }
0x54: {  	s0 =	rddreg [dreg:$0x0];
	s2 =	stileid.u32  }
0x55: {  	s1 =	rddreg [dreg:$0x1];
	p0 =	sne.s32 s2, $0x0  }
0x56: {  	s3 =	rddreg [dreg:$0x2];
	[bflag:$0x3] =	sbarrier.arrive $0xFFFF;
	s2 =	simm.s32 @!p0 $0x1C03  }
0x57: {  	[timem:s3], [sflag:s2] =	dma.local @!p0 [hbm:s0], s1  }
0x58: {  	s0 =	simm.s32 @!p0 $0x3  }
0x59: {  	_ =	swait.ge @!p0 [sflag:s0], s1  }
0x5a: {  	s1 =	ssub.s32 @!p0 $0x0, s1;
	[sflag:s0] =	ssyncset.done @!p0 $0x0  }
0x5b: {  	[sflag:s0] =	ssyncadd.s32 @!p0 s1  }
0x5c: {  	[bflag:$0x3] =	sbarrier.arrive $0xFFFF  }
0x5d: {  	_ =	shalt  }

// kernel: kernel.8.cloned.1.call-start
scs
__scs_entry_jumppad:
0x0: {  	(pc) =	sbr.rel $0x88, $3  }
0x1: {  	(tag) =	ssettag $0x0;
	lr =	simm.s32 $0x1  }
0x2: {  	[smem:$0x3F9B] =	sst lr;
	_ =	strace $0xD0000000  }
0x3: {  	_ = 	snop  }
0x4: {  	_ = 	snop  }
0x5: {  	_ = 	snop  }
0x6: {  	_ = 	snop  }
0x7: {  	_ = 	snop  }
__scs_overlays_trampoline_lowered:
0x8: {  	[smem:$0x3FAA] =	sst s0  }
0x9: {  	[smem:$0x3FAB] =	sst s1  }
0xa: {  	[smem:$0x3FAC] =	sst s2  }
0xb: {  	[smem:$0x3FAD] =	sst s3  }
0xc: {  	[smem:$0x3FAE] =	sst s4  }
0xd: {  	[smem:$0x3FAF] =	sst s5  }
0xe: {  	[smem:$0x3FB0] =	sst s6  }
0xf: {  	[smem:$0x3FB1] =	sst s7  }
0x10: {  	[smem:$0x3FB2] =	sst s8  }
0x11: {  	[smem:$0x3FB3] =	sst s9;
	s0 =	simm.s32 @!p0 $0x0  }
0x12: {  	s1 =	sld [smem:$0x3F99];
	s0 =	simm.s32 @p0 $0x1  }
0x13: {  	[smem:$0x3FB4] =	sst s0;
	s0 =	simm.s32 @!p1 $0x0  }
0x14: {  	s2 =	sld [smem:$0x3F98];
	s0 =	simm.s32 @p1 $0x1  }
0x15: {  	[smem:$0x3FB5] =	sst s0;
	s0 =	simm.s32 @!p2 $0x0  }
0x16: {  	s3 =	sld [smem:$0x3FDB];
	s0 =	simm.s32 @p2 $0x1  }
0x17: {  	s4 =	simm.s32 $0x1BF5;
	[smem:$0x3FB7] =	sst s0  }
0x18: {  	s0 =	sld [smem:$0x3F9A];
	_ =	swait.ge [sflag:s4], $0x0  }
0x19: {  	s7 =	sld [smem:$0x3F9B]  }
0x1a: {  	s8 =	sadd.s32 $0xFFFFE003, lr  }
0x1b: {  	s9 =	sadd.s32 $0xFFFFFEF7, lr;
	s5 =	simm.s32 $0xFFFFFFFF;
	p2 =	slt.u32 s8, $0xFFFFF086  }
0x1c: {  	p1 =	slt.u32 s9, $0xF7A;
	s5 =	simm.s32 @!p2 $0x0  }
0x1d: {  	s5 =	simm.s32 @p1 $0x1;
	p0 =	seq.s32 s7, s2  }
0x1e: {  	s7 =	smul.u32 @!p0 $0xF7A, s2;
	p2 =	seq.s32 @!p0 s5, $0x0  }
0x1f: {  	s9 =	smul.u32 $0xF7A, s1;
	s8 =	simm.s32 @!p0 $0x1BF5;
	p2 =	por !p2, p0  }
0x20: {  	[sflag:s8] =	ssyncset.s32 @!p0 $0xFFFFF086;
	s6 =	sadd.s32 @!p0 s3, s7;
	s7 =	simm.s32 @!p0 $0x108  }
0x21: {  	s3 =	sadd.s32 s3, s9;
	s6 =	sadd.s32 @!p0 $0x88, s6;
	s7 =	simm.s32 @p2 $0x1082  }
0x22: {  	[simem:s7], [sflag:s8] =	dma.local @!p0 [hbm:s6], $0xF7A  }
0x23: {  	s9 =	sor.u32 $0xD0000000, s2;
	s6 =	simm.s32 $0x108;
	_ =	swait.ge @!p0 [sflag:s8], $0x0  }
0x24: {  	s3 =	sadd.s32 $0x88, s3;
	s6 =	simm.s32 @!p1 $0x1082;
	[sflag:s4] =	ssyncset.s32 $0xFFFFF086  }
0x25: {  	[simem:s6], [sflag:s4] =	dma.local [hbm:s3], $0xF7A  }
0x26: {  	[smem:$0x3F9B] =	sst s1;
	(tag) =	ssettag s2;
	_ =	strace s9  }
0x27: {  	s1 =	sld [smem:$0x3FAB]  }
0x28: {  	s2 =	sld [smem:$0x3FAC]  }
0x29: {  	s4 =	sld [smem:$0x3FAE]  }
0x2a: {  	p0 =	seq.s32 s5, $0x0;
	s5 =	sld [smem:$0x3FAF]  }
0x2b: {  	s6 =	sld [smem:$0x3FB0]  }
0x2c: {  	s7 =	sld [smem:$0x3FB1]  }
0x2d: {  	s3 =	simm.s32 $0x108;
	s8 =	sld [smem:$0x3FB2]  }
0x2e: {  	s3 =	simm.s32 @!p0 $0x1082;
	s9 =	sld [smem:$0x3FB3]  }
0x2f: {  	lr =	sadd.s32 s0, s3;
	s0 =	sld [smem:$0x3FAA]  }
0x30: {  	s3 =	sld [smem:$0x3FAD]  }
0x31: {  	[smem:$0x3FB6] =	sst s10  }
0x32: {  	s10 =	sld [smem:$0x3FB4];
	_ =	sdelay $0x3  }
0x33: {  	p0 =	seq.s32 s10, $0x1;
	s10 =	sld [smem:$0x3FB6];
	_ =	sdelay $0x3  }
0x34: {  	[smem:$0x3FB6] =	sst s10  }
0x35: {  	s10 =	sld [smem:$0x3FB5];
	_ =	sdelay $0x3  }
0x36: {  	p1 =	seq.s32 s10, $0x1;
	s10 =	sld [smem:$0x3FB6];
	_ =	sdelay $0x3  }
0x37: {  	[smem:$0x3FB6] =	sst s10  }
0x38: {  	s10 =	sld [smem:$0x3FB7]  }
0x39: {  	_ = 	snop;
	(pc) =	sbr.ind lr, $3  }
0x3a: {  	_ = 	snop  }
0x3b: {  	_ = 	snop  }
0x3c: {  	p2 =	seq.s32 s10, $0x1;
	s10 =	sld [smem:$0x3FB6]  }
0x3d: {  	_ =	shalt  }
0x3e: {  	_ =	shalt  }
0x3f: {  	_ =	shalt  }
0x40: {  	_ =	shalt  }
0x41: {  	_ =	shalt  }
0x42: {  	_ =	shalt  }
0x43: {  	_ =	shalt  }
0x44: {  	_ =	shalt  }
0x45: {  	_ =	shalt  }
0x46: {  	_ =	shalt  }
0x47: {  	_ =	shalt  }
0x48: {  	_ =	shalt  }
0x49: {  	_ =	shalt  }
0x4a: {  	_ =	shalt  }
0x4b: {  	_ =	shalt  }
0x4c: {  	_ =	shalt  }
0x4d: {  	_ =	shalt  }
0x4e: {  	_ =	shalt  }
0x4f: {  	_ =	shalt  }
0x50: {  	_ =	shalt  }
0x51: {  	_ =	shalt  }
0x52: {  	_ =	shalt  }
0x53: {  	_ =	shalt  }
0x54: {  	_ =	shalt  }
0x55: {  	_ =	shalt  }
0x56: {  	_ =	shalt  }
0x57: {  	_ =	shalt  }
0x58: {  	_ =	shalt  }
0x59: {  	_ =	shalt  }
0x5a: {  	_ =	shalt  }
0x5b: {  	_ =	shalt  }
0x5c: {  	_ =	shalt  }
0x5d: {  	_ =	shalt  }
0x5e: {  	_ =	shalt  }
0x5f: {  	_ =	shalt  }
0x60: {  	_ =	shalt  }
0x61: {  	_ =	shalt  }
0x62: {  	_ =	shalt  }
0x63: {  	_ =	shalt  }
0x64: {  	_ =	shalt  }
0x65: {  	_ =	shalt  }
0x66: {  	_ =	shalt  }
0x67: {  	_ =	shalt  }
0x68: {  	_ =	shalt  }
0x69: {  	_ =	shalt  }
0x6a: {  	_ =	shalt  }
0x6b: {  	_ =	shalt  }
0x6c: {  	_ =	shalt  }
0x6d: {  	_ =	shalt  }
0x6e: {  	_ =	shalt  }
0x6f: {  	_ =	shalt  }
0x70: {  	_ =	shalt  }
0x71: {  	_ =	shalt  }
0x72: {  	_ =	shalt  }
0x73: {  	_ =	shalt  }
0x74: {  	_ =	shalt  }
0x75: {  	_ =	shalt  }
0x76: {  	_ =	shalt  }
0x77: {  	_ =	shalt  }
0x78: {  	_ =	shalt  }
0x79: {  	_ =	shalt  }
0x7a: {  	_ =	shalt  }
0x7b: {  	_ =	shalt  }
0x7c: {  	_ =	shalt  }
0x7d: {  	_ =	shalt  }
0x7e: {  	_ =	shalt  }
0x7f: {  	_ =	shalt  }
0x80: {  	_ =	shalt  }
0x81: {  	_ =	shalt  }
0x82: {  	_ =	shalt  }
0x83: {  	_ =	shalt  }
0x84: {  	_ =	shalt  }
0x85: {  	_ =	shalt  }
0x86: {  	_ =	shalt  }
0x87: {  	_ =	shalt  }
.Lfunc_end0:
.L_simem_size_0:
called_computation_lowered:
.L_overlay_start_0:
0x88: {  	s2 =	sld [smem:$0x3FD9]  }
0x89: {  	s3 =	sld [smem:$0x3FFE];
	_ =	sdelay $0x1  }
0x8a: {  	s1 =	srdreg.scid  }
0x8b: {  	s0 =	sand.u32 $0x1, s1  }
0x8c: {  	s17 =	sshll.u32 s0, $0xA;
	s2 =	sadd.s32 s3, s2  }
0x8d: {  	s2 =	sadd.s32 s2, s17  }
0x8e: {  	[smem:$0x3FC2] =	sst s2  }
0x8f: {  	_ = 	snop  }
0x90: {  	s2 =	sld [smem:$0x3FD0];
	(tm) =	ssettm $0x1  }
0x91: {  	s18 =	sld [smem:$0x3FFB];
	_ =	sdelay $0x3  }
0x92: {  	_ =	strace s18  }
0x93: {  	s3 =	sld [smem:$0x3FFC];
	_ =	sdelay $0x3  }
0x94: {  	_ =	strace s3  }
0x95: {  	s3 =	sld [smem:$0x3FFD];
	_ =	sdelay $0x3  }
0x96: {  	_ =	strace s3  }
0x97: {  	_ =	strace $0x8FFFFFFF  }
0x98: {  	s19 =	sld [smem:$0x3FDB];
	_ =	sdelay $0x1  }
0x99: {  	s4 =	simm.s32 $_scs_section_size  }
0x9a: {  	s5 =	simm.s32 $_size__tile_overlayer_lowered;
	s6 =	simm.s32 $_tile_overlayer_lowered  }
0x9b: {  	s22 =	simm.s32 $0x1BFF;
	s21 =	sshll.u32 s6, $0x1;
	s3 =	sadd.s32 s4, s19  }
0x9c: {  	s7 =	simm.s32 $0x0;
	s20 =	sshll.u32 s5, $0x1;
	s5 =	sadd.s32 s21, s3  }
0x9d: {  	[timem:s7], [sflag:s22] =	dma.local [hbm:s5], s20  }
0x9e: {  	_ =	swait.ge [sflag:s22], s20  }
0x9f: {  	s4 =	ssub.s32 $0x0, s20;
	[sflag:s22] =	ssyncset.done $0x0  }
0xa0: {  	[sflag:s22] =	ssyncadd.s32 s4;
	_ =	sdelay $0x1  }
0xa1: {  	s23 =	simm.s32 $0x1B8B  }
0xa2: {  	_ =	swait.ge [sflag:s23], $0x1  }
0xa3: {  	[sflag:s23] =	ssyncset.done $0x0  }
0xa4: {  	s25 =	simm.s32 $0x1B8E;
	s24 =	sld [smem:$0x3FFE];
	[sflag:s23] =	ssyncadd.s32 $0xFFFFFFFF  }
0xa5: {  	s26 =	simm.s32 $execute0_lowered;
	[smem:$0x3FD2] =	sst s25  }
0xa6: {  	s5 =	sshll.u32 s26, $0x1;
	_ =	strace $0x80000046;
	[dreg:$0x1] =	wrdreg $0xFFFFFFFF  }
0xa7: {  	s28 =	simm.s32 $_size_execute0_lowered;
	s3 =	sadd.s32 s3, s5;
	[dreg:$0x0] =	wrdreg $0x0  }
0xa8: {  	s5 =	sshll.u32 s28, $0x1;
	[dreg:$0x2] =	wrdreg s3  }
0xa9: {  	[dreg:$0x3] =	wrdreg s5  }
0xaa: {  	[dreg:$0x4] =	wrdreg $0xC0  }
0xab: {  	_ =	task [dreg:s7], $0x5FFFF  }
0xac: {  	[dreg:$0x1] =	wrdreg $0xFFFFFFFF  }
0xad: {  	[dreg:$0x0] =	wrdreg $0x60  }
0xae: {  	[dreg:$0x2] =	wrdreg s24  }
0xaf: {  	[dreg:$0x3] =	wrdreg s2  }
0xb0: {  	[dreg:$0x4] =	wrdreg $0x0  }
0xb1: {  	[dreg:$0x5] =	wrdreg $0x9  }
0xb2: {  	_ =	task.clear_ibuf [dreg:s7], $0x6FFFF;
	_ =	strace $0x90000046  }
0xb3: {  	s29 =	simm.s32 $0x9;
	_ =	strace $0x80000048  }
0xb4: {  	_ =	swait.ge [sflag:s29], $0x1  }
0xb5: {  	[sflag:s29] =	ssyncadd.s32 $0xFFFFFFFF  }
0xb6: {  	_ =	strace $0x90000048  }
0xb7: {  	_ =	sfence  }
0xb8: {  	s30 =	sld [smem:$0x0];
	_ =	sdelay $0x2  }
0xb9: {  	s31 =	sshll.u32 s1, $0xD;
	s1 =	sshrl.u32 s1, $0x2  }
0xba: {  	s3 =	sand.u32 $0x4000, s31;
	s1 =	sadd.s32 s1, s30  }
0xbb: {  	s0 =	sor.u32 s3, s0;
	s1 =	sshll.u32 s1, $0x11  }
0xbc: {  	s0 =	sor.u32 s1, s0  }
0xbd: {  	s0 =	sadd.s32 $0x8F2B, s0  }
0xbe: {  	[sflag:s0] =	ssyncadd.remote.s32 $0x1  }
0xbf: {  	_ =	sfence.sel $0xFFFF  }
0xc0: {  	[dreg:$0x0] =	wrdreg $0xFFFFFFFF;
	(pc) =	sbr.abs _section_cstart, $3  }
0xc1: {  	[dreg:$0x1] =	wrdreg $0xFFFFFFFF  }
0xc2: {  	_ =	task.clear_ibuf [dreg:s7], $0x2FFFF;
	_ =	strace $0x9FFFFFFF  }
0xc3: {  	(tm) =	ssettm $0x7FFFFFFF  }
tec
execute0_lowered:
.L_overlay_start_1:
0x0: {  	(tag) =	ssettag $0x1  }
0x1: {  	s4 =	rddreg [dreg:$0x0]  }
0x2: {  	s8 =	rddreg [dreg:$0x1]  }
0x3: {  	s0 =	stileid.u32;
	s2 =	rddreg [dreg:$0x2]  }
0x4: {  	s1 =	rddreg [dreg:$0x3];
	s3 =	simm.s32 $0x0;
	s28 =	srdreg.scid  }
0x5: {  	s12 =	simm.s32 $0x80;
	s13 =	simm.s32 $0x5100;
	s5 =	smul.u32 $0x9D, s0  }
0x6: {  	s14 =	simm.s32 $0x5400;
	s6 =	smul.u32 $0x9C, s0;
	[smem:$0x7FF] =	sst s3  }
0x7: {  	p0 =	slt.u32 s0, $0xC;
	s7 =	smul.u32 $0xA00, s0;
	s5 =	sadd.s32 $0xFFFFFFF4, s5  }
0x8: {  	s15 =	simm.s32 $0x0;
	_ =	strace $0x80000047;
	s5 =	smov.u32 @p0 s6  }
0x9: {  	s7 =	sshrl.u32 s7, $0x2;
	s6 =	sand.u32 $0x1, s28;
	s5 =	sshll.u32 s5, $0x4  }
0xa: {  	s9 =	sshll.u32 s6, $0x4;
	s29 =	ssub.s32 $0x2, s6;
	s5 =	sand.u32 $0x1FFFFFF0, s5  }
0xb: {  	s30 =	sor.u32 s0, s9;
	s6 =	sshrl.u32 s29, $0x1;
	s10 =	sadd.s32 s5, s4  }
0xc: {  	s9 =	smul.u32 $0x140, s30;
	s11 =	ssub.s32 s29, s6;
	s5 =	simm.s32 $0x9C  }
0xd: {  	s4 =	sadd.s32 s7, s2;
	s5 =	simm.s32 @!p0 $0x9D;
	s6 =	sadd.s32 $0xB800, s10  }
0xe: {  	s10 =	simm.s32 $0x5180;
	s31 =	sshrl.u32 s9, $0x3;
	s7 =	sadd.s32 s9, s2  }
0xf: {  	v0 =	vimm.f32 $0.0e+00;
	v1 =	vimm.f32 $1.000000000e+00;
	s9 =	smax.u32 s11, $0x1;
	s11 =	simm.s32 $0x1;
	s8 =	sadd.s32 s8, s31  }
.LBB2_1:
0x10: {  	[tilespmem:$0x5180] =	vst v0  }
0x11: {  	[tilespmem:$0x5190] =	vst v0  }
0x12: {  	[tilespmem:$0x51A0] =	vst v0  }
0x13: {  	[tilespmem:$0x51B0] =	vst v0  }
0x14: {  	[tilespmem:$0x51C0] =	vst v0  }
0x15: {  	[tilespmem:$0x51D0] =	vst v0  }
0x16: {  	[tilespmem:$0x51E0] =	vst v0  }
0x17: {  	[tilespmem:$0x51F0] =	vst v0  }
0x18: {  	[tilespmem:$0x5200] =	vst v0  }
0x19: {  	[tilespmem:$0x5210] =	vst v0  }
0x1a: {  	[tilespmem:$0x5220] =	vst v0  }
0x1b: {  	[tilespmem:$0x5230] =	vst v0  }
0x1c: {  	[tilespmem:$0x5240] =	vst v0  }
0x1d: {  	[tilespmem:$0x5250] =	vst v0  }
0x1e: {  	[tilespmem:$0x5260] =	vst v0  }
0x1f: {  	[tilespmem:$0x5270] =	vst v0  }
0x20: {  	[tilespmem:$0x5280] =	vst v0  }
0x21: {  	[tilespmem:$0x5290] =	vst v0  }
0x22: {  	[tilespmem:$0x52A0] =	vst v0  }
0x23: {  	[tilespmem:$0x52B0] =	vst v0  }
0x24: {  	[tilespmem:$0x52C0] =	vst v0  }
0x25: {  	[tilespmem:$0x52D0] =	vst v0  }
0x26: {  	[tilespmem:$0x52E0] =	vst v0  }
0x27: {  	[tilespmem:$0x52F0] =	vst v0  }
0x28: {  	[tilespmem:$0x5300] =	vst v0  }
0x29: {  	[tilespmem:$0x5310] =	vst v0  }
0x2a: {  	[tilespmem:$0x5320] =	vst v0  }
0x2b: {  	[tilespmem:$0x5330] =	vst v0  }
0x2c: {  	[tilespmem:$0x5340] =	vst v0  }
0x2d: {  	[tilespmem:$0x5350] =	vst v0  }
0x2e: {  	[tilespmem:$0x5360] =	vst v0  }
0x2f: {  	[tilespmem:$0x5370] =	vst v0  }
0x30: {  	[tilespmem:$0x5380] =	vst v0  }
0x31: {  	[tilespmem:$0x5390] =	vst v0  }
0x32: {  	[tilespmem:$0x53A0] =	vst v0  }
0x33: {  	[tilespmem:$0x53B0] =	vst v0  }
0x34: {  	[tilespmem:$0x53C0] =	vst v0  }
0x35: {  	[tilespmem:$0x53D0] =	vst v0  }
0x36: {  	[tilespmem:$0x53E0] =	vst v0  }
0x37: {  	[tilespmem:$0x53F0] =	vst v0  }
0x38: {  	[tilespmem:$0x5100] =	vst v1  }
0x39: {  	[tilespmem:$0x5110] =	vst v1  }
0x3a: {  	[tilespmem:$0x5120] =	vst v1  }
0x3b: {  	[tilespmem:$0x5130] =	vst v1  }
0x3c: {  	[tilespmem:$0x5140] =	vst v1  }
0x3d: {  	[tilespmem:$0x5150] =	vst v1  }
0x3e: {  	[tilespmem:$0x5160] =	vst v1  }
0x3f: {  	[tilespmem:$0x5170] =	vst v1  }
0x40: {  	[spmem:s4] =	stream.linear.scatter [tilespmem:s10], [sflag:$0x1], $0x280, $0x38;
	[tilespmem:$0x5540] =	vst v63  }
0x41: {  	_ =	swait.ge [sflag:s11], $0x280  }
0x42: {  	[sflag:s11] =	ssyncset.done $0x0  }
0x43: {  	[sflag:s11] =	ssyncadd.s32 $0xFFFFFD80  }
0x44: {  	s16 =	simm.s32 $0x280;
	[bflag:$0x0] =	sbarrier.arrive $0xFFFF  }
0x45: {  	[tilespmem:s16], [sflag:$0x1] =	stream.linear.gather [hbm4b:s6+s3], $0x4E80, $0x38;
	[tilespmem:$0x5540] =	vst v63  }
0x46: {  	p0 =	sne.s32 s5, $0x1;
	_ =	swait.ge [sflag:s11], $0x4E80  }
.Ltmp0:
0x47: {  	[sflag:s11] =	ssyncset.done $0x0;
	(pc) =	sbr.rel @!p0 .LBB2_3-.Ltmp0, $4  }
0x48: {  	[sflag:s11] =	ssyncadd.s32 $0xFFFFB180  }
0x49: {  	[spmem:s2] =	stream.indirect.scatter.add.f32 [tilespmem:s13], [sflag:$0x1], $0x1, s16, s12, $0xb8;
	[tilespmem:$0x5540] =	vst v63  }
0x4a: {  	_ =	swait.ge [sflag:s11], $0x80  }
0x4b: {  	s17 =	sadd.s32 $0xFFFFFFFF, s5;
	[sflag:s11] =	ssyncset.done $0x0  }
.LBB2_2:
0x4c: {  	p0 =	sne.s32 s17, $0x1;
	[sflag:s11] =	ssyncadd.s32 $0xFFFFFF80;
	s16 =	sadd.s32 $0x80, s16  }
.Ltmp1:
0x4d: {  	s17 =	sadd.s32 $0xFFFFFFFF, s17;
	(pc) =	sbr.rel @p0 .LBB2_2-.Ltmp1, $4  }
0x4e: {  	_ = 	snop  }
0x4f: {  	[spmem:s2] =	stream.indirect.scatter.add.f32 [tilespmem:s13], [sflag:$0x1], $0x1, s16, s12, $0xb8;
	[tilespmem:$0x5540] =	vst v63  }
0x50: {  	_ =	swait.ge [sflag:s11], $0x80  }
0x51: {  	[sflag:s11] =	ssyncset.done $0x0  }
.LBB2_3:
0x52: {  	[sflag:s11] =	ssyncadd.s32 $0xFFFFFF80  }
0x53: {  	[bflag:$0x0] =	sbarrier.arrive $0xFFFF  }
0x54: {  	[tilespmem:s14], [sflag:$0x1] =	stream.linear.gather [spmem:s7], $0x140, $0x38;
	[tilespmem:$0x5540] =	vst v63  }
0x55: {  	_ =	swait.ge [sflag:s11], $0x140  }
0x56: {  	[sflag:s11] =	ssyncset.done $0x0  }
0x57: {  	[sflag:s11] =	ssyncadd.s32 $0xFFFFFEC0  }
0x58: {  	v2 =	vld [tilespmem:$0x5400];
	_ =	sdelay $0x4  }
0x59: {  	v2 =	vadd.f32 $1.000000000e+00, v2;
	_ =	sdelay $0x1  }
0x5a: {  	(erf) = vrcp.f32 v2;
	_ =	sdelay $0x7  }
0x5b: {  	v2 =	vmul.f32 $5.000000000e-01, v2  }
0x5c: {  	v3 =	vpop (erf)  }
0x5d: {  	v4 =	vmul.f32 v3, v2;
	_ =	sdelay $0x1  }
0x5e: {  	v4 =	vmul.f32 v4, v3;
	_ =	sdelay $0x1  }
0x5f: {  	v4 =	vsub.f32 $1.500000000e+00, v4;
	_ =	sdelay $0x1  }
0x60: {  	v3 =	vmul.f32 v4, v3;
	_ =	sdelay $0x1  }
0x61: {  	v4 =	vmul.f32 v3, v2;
	_ =	sdelay $0x1  }
0x62: {  	v4 =	vmul.f32 v4, v3;
	_ =	sdelay $0x1  }
0x63: {  	v4 =	vsub.f32 $1.500000000e+00, v4;
	_ =	sdelay $0x1  }
0x64: {  	v3 =	vmul.f32 v4, v3;
	_ =	sdelay $0x1  }
0x65: {  	v4 =	vmul.f32 v3, v2;
	_ =	sdelay $0x1  }
0x66: {  	v4 =	vmul.f32 v4, v3;
	_ =	sdelay $0x1  }
0x67: {  	v4 =	vsub.f32 $1.500000000e+00, v4;
	_ =	sdelay $0x1  }
0x68: {  	v3 =	vmul.f32 v4, v3;
	_ =	sdelay $0x1  }
0x69: {  	v5 =	vld [tilespmem:$0x5410];
	v4 =	vmul.f32 v3, v2;
	_ =	sdelay $0x1  }
0x6a: {  	v4 =	vmul.f32 v4, v3;
	_ =	sdelay $0x1  }
0x6b: {  	v4 =	vsub.f32 $1.500000000e+00, v4  }
0x6c: {  	v9 =	vadd.f32 $1.000000000e+00, v5  }
0x6d: {  	v3 =	vmul.f32 v4, v3  }
0x6e: {  	(erf) = vrcp.f32 v9  }
0x6f: {  	v10 =	vmul.f32 v3, v2;
	_ =	sdelay $0x1  }
0x70: {  	v5 =	vmul.f32 v10, v3;
	_ =	sdelay $0x1  }
0x71: {  	v5 =	vsub.f32 $1.500000000e+00, v5;
	_ =	sdelay $0x1  }
0x72: {  	v5 =	vmul.f32 v5, v3  }
0x73: {  	v3 =	vmul.f32 $5.000000000e-01, v9  }
0x74: {  	v12 =	vpop (erf);
	v6 =	vmul.f32 v5, v2  }
0x75: {  	v7 =	vmul.f32 v12, v3  }
0x76: {  	v11 =	vmul.f32 v6, v5  }
0x77: {  	v7 =	vmul.f32 v7, v12  }
0x78: {  	v4 =	vsub.f32 $1.500000000e+00, v11  }
0x79: {  	v13 =	vsub.f32 $1.500000000e+00, v7  }
0x7a: {  	v4 =	vmul.f32 v4, v5  }
0x7b: {  	v5 =	vmul.f32 v13, v12  }
0x7c: {  	v14 =	vmul.f32 v4, v2  }
0x7d: {  	v16 =	vmul.f32 v5, v3  }
0x7e: {  	v15 =	vmul.f32 v14, v4  }
0x7f: {  	v7 =	vmul.f32 v16, v5  }
0x80: {  	v6 =	vsub.f32 $1.500000000e+00, v15  }
0x81: {  	v17 =	vsub.f32 $1.500000000e+00, v7  }
0x82: {  	v4 =	vmul.f32 v6, v4  }
0x83: {  	v5 =	vmul.f32 v17, v5  }
0x84: {  	v18 =	vmul.f32 v4, v2  }
0x85: {  	v20 =	vmul.f32 v5, v3  }
0x86: {  	v19 =	vmul.f32 v18, v4  }
0x87: {  	v7 =	vmul.f32 v20, v5  }
0x88: {  	v6 =	vsub.f32 $1.500000000e+00, v19  }
0x89: {  	v21 =	vsub.f32 $1.500000000e+00, v7  }
0x8a: {  	v4 =	vmul.f32 v6, v4  }
0x8b: {  	v5 =	vmul.f32 v21, v5  }
0x8c: {  	v22 =	vmul.f32 v4, v2  }
0x8d: {  	v24 =	vmul.f32 v5, v3  }
0x8e: {  	v23 =	vmul.f32 v22, v4  }
0x8f: {  	v7 =	vmul.f32 v24, v5  }
0x90: {  	v6 =	vsub.f32 $1.500000000e+00, v23  }
0x91: {  	v25 =	vsub.f32 $1.500000000e+00, v7  }
0x92: {  	v4 =	vmul.f32 v6, v4  }
0x93: {  	v5 =	vmul.f32 v25, v5  }
0x94: {  	v26 =	vmul.f32 v4, v2  }
0x95: {  	v28 =	vmul.f32 v5, v3  }
0x96: {  	v27 =	vmul.f32 v26, v4  }
0x97: {  	v7 =	vmul.f32 v28, v5  }
0x98: {  	v6 =	vsub.f32 $1.500000000e+00, v27  }
0x99: {  	v29 =	vsub.f32 $1.500000000e+00, v7  }
0x9a: {  	v4 =	vmul.f32 v6, v4  }
0x9b: {  	v5 =	vmul.f32 v29, v5  }
0x9c: {  	v30 =	vmul.f32 v4, v2  }
0x9d: {  	v32 =	vmul.f32 v5, v3  }
0x9e: {  	v31 =	vmul.f32 v30, v4  }
0x9f: {  	v7 =	vmul.f32 v32, v5  }
0xa0: {  	v6 =	vsub.f32 $1.500000000e+00, v31  }
0xa1: {  	v33 =	vsub.f32 $1.500000000e+00, v7  }
0xa2: {  	v4 =	vmul.f32 v6, v4  }
0xa3: {  	v5 =	vmul.f32 v33, v5  }
0xa4: {  	v8 =	vld [tilespmem:$0x5420];
	v34 =	vmul.f32 v4, v2  }
0xa5: {  	v36 =	vmul.f32 v5, v3  }
0xa6: {  	v35 =	vmul.f32 v34, v4  }
0xa7: {  	v7 =	vmul.f32 v36, v5  }
0xa8: {  	v6 =	vsub.f32 $1.500000000e+00, v35  }
0xa9: {  	v39 =	vadd.f32 $1.000000000e+00, v8;
	v37 =	vsub.f32 $1.500000000e+00, v7  }
0xaa: {  	v4 =	vmul.f32 v6, v4  }
0xab: {  	(erf) = vrcp.f32 v39;
	v5 =	vmul.f32 v37, v5  }
0xac: {  	v38 =	vmul.f32 v4, v2  }
0xad: {  	v40 =	vmul.f32 v5, v3  }
0xae: {  	v7 =	vmul.f32 v38, v4  }
0xaf: {  	v8 =	vmul.f32 v40, v5  }
0xb0: {  	v7 =	vsub.f32 $1.500000000e+00, v7  }
0xb1: {  	v41 =	vsub.f32 $1.500000000e+00, v8  }
0xb2: {  	v7 =	vmul.f32 v7, v4  }
0xb3: {  	v5 =	vmul.f32 v41, v5;
	v4 =	vmul.f32 $5.000000000e-01, v39  }
0xb4: {  	v44 =	vpop (erf);
	v42 =	vmul.f32 v7, v2  }
0xb5: {  	v9 =	vmul.f32 v5, v3;
	v10 =	vmul.f32 v44, v4  }
0xb6: {  	v8 =	vmul.f32 v42, v7  }
0xb7: {  	v49 =	vld [tilespmem:$0x5430];
	v9 =	vmul.f32 v9, v5;
	v46 =	vmul.f32 v10, v44  }
0xb8: {  	v43 =	vsub.f32 $1.500000000e+00, v8  }
0xb9: {  	v45 =	vsub.f32 $1.500000000e+00, v9;
	v48 =	vsub.f32 $1.500000000e+00, v46  }
0xba: {  	v6 =	vmul.f32 v43, v7  }
0xbb: {  	v5 =	vmul.f32 v45, v5;
	v7 =	vmul.f32 v48, v44  }
0xbc: {  	v53 =	vadd.f32 $1.000000000e+00, v49  }
0xbd: {  	v11 =	vmul.f32 v5, v3;
	v52 =	vmul.f32 v7, v4  }
0xbe: {  	(erf) = vrcp.f32 v53;
	v47 =	vmul.f32 v6, v2  }
0xbf: {  	v51 =	vmul.f32 v11, v5;
	v55 =	vmul.f32 v52, v7  }
0xc0: {  	v10 =	vmul.f32 v47, v6  }
0xc1: {  	v54 =	vsub.f32 $1.500000000e+00, v51;
	v57 =	vsub.f32 $1.500000000e+00, v55  }
0xc2: {  	v50 =	vsub.f32 $1.500000000e+00, v10  }
0xc3: {  	v9 =	vmul.f32 v54, v5;
	v7 =	vmul.f32 v57, v7  }
0xc4: {  	v6 =	vmul.f32 v50, v6  }
0xc5: {  	v59 =	vmul.f32 v9, v3;
	v62 =	vmul.f32 v7, v4  }
0xc6: {  	v5 =	vmul.f32 $5.000000000e-01, v53;
	v56 =	vmul.f32 v6, v2  }
0xc7: {  	v17 =	vpop (erf);
	v61 =	vmul.f32 v59, v9;
	v11 =	vmul.f32 v62, v7  }
0xc8: {  	v19 =	vmul.f32 v17, v5;
	v58 =	vmul.f32 v56, v6  }
0xc9: {  	v10 =	vsub.f32 $1.500000000e+00, v61;
	v16 =	vsub.f32 $1.500000000e+00, v11  }
0xca: {  	v21 =	vmul.f32 v19, v17;
	v60 =	vsub.f32 $1.500000000e+00, v58  }
0xcb: {  	v63 =	vmul.f32 v10, v9;
	v7 =	vmul.f32 v16, v7  }
0xcc: {  	v24 =	vsub.f32 $1.500000000e+00, v21;
	v6 =	vmul.f32 v60, v6  }
0xcd: {  	v13 =	vmul.f32 v63, v3;
	v23 =	vmul.f32 v7, v4  }
0xce: {  	v9 =	vmul.f32 v24, v17;
	v12 =	vmul.f32 v6, v2  }
0xcf: {  	v22 =	vmul.f32 v13, v63;
	v26 =	vmul.f32 v23, v7  }
0xd0: {  	v30 =	vmul.f32 v9, v5;
	v18 =	vmul.f32 v12, v6  }
0xd1: {  	v25 =	vsub.f32 $1.500000000e+00, v22;
	v28 =	vsub.f32 $1.500000000e+00, v26  }
0xd2: {  	v33 =	vmul.f32 v30, v9;
	v20 =	vsub.f32 $1.500000000e+00, v18  }
0xd3: {  	v8 =	vmul.f32 v25, v63;
	v7 =	vmul.f32 v28, v7  }
0xd4: {  	v36 =	vsub.f32 $1.500000000e+00, v33;
	v6 =	vmul.f32 v20, v6  }
0xd5: {  	v31 =	vmul.f32 v8, v3;
	v35 =	vmul.f32 v7, v4  }
0xd6: {  	v9 =	vmul.f32 v36, v9;
	v27 =	vmul.f32 v6, v2  }
0xd7: {  	v34 =	vmul.f32 v31, v8;
	v38 =	vmul.f32 v35, v7  }
0xd8: {  	v42 =	vmul.f32 v9, v5;
	v29 =	vmul.f32 v27, v6  }
0xd9: {  	v37 =	vsub.f32 $1.500000000e+00, v34;
	v40 =	vsub.f32 $1.500000000e+00, v38  }
0xda: {  	v45 =	vmul.f32 v42, v9;
	v32 =	vsub.f32 $1.500000000e+00, v29  }
0xdb: {  	v8 =	vmul.f32 v37, v8;
	v7 =	vmul.f32 v40, v7  }
0xdc: {  	v48 =	vsub.f32 $1.500000000e+00, v45;
	v6 =	vmul.f32 v32, v6  }
0xdd: {  	v43 =	vmul.f32 v8, v3;
	v47 =	vmul.f32 v7, v4  }
0xde: {  	v9 =	vmul.f32 v48, v9;
	v39 =	vmul.f32 v6, v2  }
0xdf: {  	v46 =	vmul.f32 v43, v8;
	v50 =	vmul.f32 v47, v7  }
0xe0: {  	v54 =	vmul.f32 v9, v5;
	v41 =	vmul.f32 v39, v6  }
0xe1: {  	v49 =	vsub.f32 $1.500000000e+00, v46;
	v52 =	vsub.f32 $1.500000000e+00, v50  }
0xe2: {  	v57 =	vmul.f32 v54, v9;
	v44 =	vsub.f32 $1.500000000e+00, v41  }
0xe3: {  	v8 =	vmul.f32 v49, v8;
	v7 =	vmul.f32 v52, v7  }
0xe4: {  	v60 =	vsub.f32 $1.500000000e+00, v57;
	v6 =	vmul.f32 v44, v6  }
0xe5: {  	v55 =	vmul.f32 v8, v3;
	v59 =	vmul.f32 v7, v4  }
0xe6: {  	v9 =	vmul.f32 v60, v9;
	v51 =	vmul.f32 v6, v2  }
0xe7: {  	v58 =	vmul.f32 v55, v8;
	v62 =	vmul.f32 v59, v7  }
0xe8: {  	v18 =	vmul.f32 v9, v5;
	v53 =	vmul.f32 v51, v6  }
0xe9: {  	v61 =	vsub.f32 $1.500000000e+00, v58;
	v16 =	vsub.f32 $1.500000000e+00, v62  }
0xea: {  	v21 =	vmul.f32 v18, v9;
	v56 =	vsub.f32 $1.500000000e+00, v53  }
0xeb: {  	v8 =	vmul.f32 v61, v8;
	v7 =	vmul.f32 v16, v7  }
0xec: {  	v24 =	vsub.f32 $1.500000000e+00, v21;
	v6 =	vmul.f32 v56, v6  }
0xed: {  	v29 =	vld [tilespmem:$0x5440];
	v19 =	vmul.f32 v8, v3;
	v23 =	vmul.f32 v7, v4  }
0xee: {  	v9 =	vmul.f32 v24, v9;
	v63 =	vmul.f32 v6, v2  }
0xef: {  	v22 =	vmul.f32 v19, v8;
	v26 =	vmul.f32 v23, v7  }
0xf0: {  	v31 =	vmul.f32 v9, v5;
	v17 =	vmul.f32 v63, v6  }
0xf1: {  	v25 =	vsub.f32 $1.500000000e+00, v22;
	v28 =	vsub.f32 $1.500000000e+00, v26  }
0xf2: {  	v11 =	vadd.f32 $1.000000000e+00, v29;
	v32 =	vmul.f32 v31, v9;
	v20 =	vsub.f32 $1.500000000e+00, v17  }
0xf3: {  	v8 =	vmul.f32 v25, v8;
	v7 =	vmul.f32 v28, v7  }
0xf4: {  	(erf) = vrcp.f32 v11;
	v10 =	vsub.f32 $1.500000000e+00, v32;
	v6 =	vmul.f32 v20, v6  }
0xf5: {  	v14 =	vmul.f32 v8, v3;
	v34 =	vmul.f32 v7, v4  }
0xf6: {  	v9 =	vmul.f32 v10, v9;
	v27 =	vmul.f32 v6, v2  }
0xf7: {  	v33 =	vmul.f32 v14, v8;
	v36 =	vmul.f32 v34, v7  }
0xf8: {  	v39 =	vmul.f32 v9, v5;
	v30 =	vmul.f32 v27, v6  }
0xf9: {  	v35 =	vsub.f32 $1.500000000e+00, v33;
	v37 =	vsub.f32 $1.500000000e+00, v36  }
0xfa: {  	v42 =	vmul.f32 v39, v9;
	v12 =	vsub.f32 $1.500000000e+00, v30  }
0xfb: {  	v8 =	vmul.f32 v35, v8;
	v7 =	vmul.f32 v37, v7  }
0xfc: {  	v10 =	vsub.f32 $1.500000000e+00, v42;
	v12 =	vmul.f32 v12, v6  }
0xfd: {  	v40 =	vmul.f32 v8, v3;
	v44 =	vmul.f32 v7, v4  }
0xfe: {  	v9 =	vmul.f32 v10, v9;
	v6 =	vmul.f32 $5.000000000e-01, v11  }
0xff: {  	v47 =	vpop (erf);
	v43 =	vmul.f32 v40, v8;
	v14 =	vmul.f32 v44, v7  }
0x100: {  	v38 =	vmul.f32 v12, v2;
	v49 =	vmul.f32 v47, v6  }
0x101: {  	v48 =	vmul.f32 v9, v5;
	v13 =	vsub.f32 $1.500000000e+00, v43;
	v46 =	vsub.f32 $1.500000000e+00, v14  }
0x102: {  	v41 =	vmul.f32 v38, v12;
	v52 =	vmul.f32 v49, v47  }
0x103: {  	v8 =	vmul.f32 v13, v8;
	v7 =	vmul.f32 v46, v7  }
0x104: {  	v51 =	vmul.f32 v48, v9;
	v15 =	vsub.f32 $1.500000000e+00, v41;
	v13 =	vsub.f32 $1.500000000e+00, v52  }
0x105: {  	v50 =	vmul.f32 v8, v3;
	v54 =	vmul.f32 v7, v4  }
0x106: {  	v11 =	vsub.f32 $1.500000000e+00, v51;
	v45 =	vmul.f32 v15, v12;
	v55 =	vmul.f32 v13, v47  }
0x107: {  	v53 =	vmul.f32 v50, v8;
	v15 =	vmul.f32 v54, v7  }
0x108: {  	v9 =	vmul.f32 v11, v9;
	v59 =	vmul.f32 v55, v6  }
0x109: {  	v14 =	vsub.f32 $1.500000000e+00, v53;
	v57 =	vsub.f32 $1.500000000e+00, v15  }
0x10a: {  	v58 =	vmul.f32 v9, v5;
	v62 =	vmul.f32 v59, v55  }
0x10b: {  	v8 =	vmul.f32 v14, v8;
	v7 =	vmul.f32 v57, v7  }
0x10c: {  	v16 =	vmul.f32 v45, v2;
	v61 =	vmul.f32 v58, v9;
	v14 =	vsub.f32 $1.500000000e+00, v62  }
0x10d: {  	v60 =	vmul.f32 v8, v3;
	v20 =	vmul.f32 v7, v4  }
0x10e: {  	v56 =	vmul.f32 v16, v45;
	v13 =	vsub.f32 $1.500000000e+00, v61;
	v11 =	vmul.f32 v14, v55  }
0x10f: {  	v63 =	vmul.f32 v60, v8;
	v16 =	vmul.f32 v20, v7  }
0x110: {  	v9 =	vmul.f32 v13, v9;
	v14 =	vmul.f32 v11, v6  }
0x111: {  	v15 =	vsub.f32 $1.500000000e+00, v63;
	v21 =	vsub.f32 $1.500000000e+00, v16  }
0x112: {  	v26 =	vld [tilespmem:$0x5450];
	v13 =	vmul.f32 v9, v5;
	v23 =	vmul.f32 v14, v11  }
0x113: {  	v8 =	vmul.f32 v15, v8;
	v7 =	vmul.f32 v21, v7  }
0x114: {  	v12 =	vsub.f32 $1.500000000e+00, v56;
	v22 =	vmul.f32 v13, v9;
	v13 =	vsub.f32 $1.500000000e+00, v23  }
0x115: {  	v15 =	vmul.f32 v8, v3;
	v25 =	vmul.f32 v7, v4  }
0x116: {  	v10 =	vmul.f32 v12, v45;
	v12 =	vsub.f32 $1.500000000e+00, v22;
	v11 =	vmul.f32 v13, v11  }
0x117: {  	v32 =	vadd.f32 $1.000000000e+00, v26;
	v24 =	vmul.f32 v15, v8;
	v15 =	vmul.f32 v25, v7  }
0x118: {  	v9 =	vmul.f32 v12, v9;
	v30 =	vmul.f32 v11, v6  }
0x119: {  	(erf) = vrcp.f32 v32;
	v14 =	vsub.f32 $1.500000000e+00, v24;
	v28 =	vsub.f32 $1.500000000e+00, v15  }
0x11a: {  	v29 =	vmul.f32 v9, v5;
	v15 =	vmul.f32 v30, v11  }
0x11b: {  	v8 =	vmul.f32 v14, v8;
	v7 =	vmul.f32 v28, v7  }
0x11c: {  	v17 =	vmul.f32 v10, v2;
	v14 =	vmul.f32 v29, v9;
	v15 =	vsub.f32 $1.500000000e+00, v15  }
0x11d: {  	v31 =	vmul.f32 v8, v3;
	v33 =	vmul.f32 v7, v4  }
0x11e: {  	v27 =	vmul.f32 v17, v10;
	v14 =	vsub.f32 $1.500000000e+00, v14;
	v11 =	vmul.f32 v15, v11  }
0x11f: {  	v17 =	vmul.f32 v31, v8;
	v16 =	vmul.f32 v33, v7  }
0x120: {  	v9 =	vmul.f32 v14, v9;
	v37 =	vmul.f32 v11, v6  }
0x121: {  	v34 =	vsub.f32 $1.500000000e+00, v17;
	v35 =	vsub.f32 $1.500000000e+00, v16  }
0x122: {  	v36 =	vmul.f32 v9, v5;
	v40 =	vmul.f32 v37, v11  }
0x123: {  	v8 =	vmul.f32 v34, v8;
	v38 =	vmul.f32 v35, v7  }
0x124: {  	v39 =	vmul.f32 v36, v9;
	v7 =	vmul.f32 $5.000000000e-01, v32  }
0x125: {  	v43 =	vpop (erf);
	v15 =	vsub.f32 $1.500000000e+00, v40;
	v41 =	vmul.f32 v38, v4  }
0x126: {  	v42 =	vmul.f32 v8, v3;
	v14 =	vsub.f32 $1.500000000e+00, v39;
	v18 =	vmul.f32 v43, v7  }
0x127: {  	v11 =	vmul.f32 v15, v11;
	v16 =	vmul.f32 v41, v38  }
0x128: {  	v12 =	vsub.f32 $1.500000000e+00, v27;
	v9 =	vmul.f32 v14, v9;
	v45 =	vmul.f32 v18, v43  }
0x129: {  	v13 =	vmul.f32 v42, v8;
	v47 =	vmul.f32 v11, v6;
	v44 =	vsub.f32 $1.500000000e+00, v16  }
0x12a: {  	v10 =	vmul.f32 v12, v10;
	v46 =	vmul.f32 v9, v5;
	v48 =	vsub.f32 $1.500000000e+00, v45  }
0x12b: {  	v13 =	vsub.f32 $1.500000000e+00, v13;
	v50 =	vmul.f32 v47, v11;
	v12 =	vmul.f32 v44, v38  }
0x12c: {  	v49 =	vmul.f32 v46, v9;
	v14 =	vmul.f32 v48, v43  }
0x12d: {  	v8 =	vmul.f32 v13, v8;
	v53 =	vsub.f32 $1.500000000e+00, v50  }
0x12e: {  	v51 =	vmul.f32 v12, v4;
	v52 =	vsub.f32 $1.500000000e+00, v49;
	v17 =	vmul.f32 v14, v7  }
0x12f: {  	v11 =	vmul.f32 v53, v11;
	v55 =	vmul.f32 v8, v3  }
0x130: {  	v54 =	vmul.f32 v51, v12;
	v9 =	vmul.f32 v52, v9  }
0x131: {  	v57 =	vmul.f32 v17, v14;
	v59 =	vmul.f32 v11, v6  }
0x132: {  	v13 =	vmul.f32 v55, v8;
	v56 =	vsub.f32 $1.500000000e+00, v54  }
0x133: {  	v29 =	vld [tilespmem:$0x5460];
	v58 =	vmul.f32 v9, v5;
	v60 =	vsub.f32 $1.500000000e+00, v57;
	v62 =	vmul.f32 v59, v11  }
0x134: {  	v2 =	vmul.f32 v10, v2;
	v13 =	vsub.f32 $1.500000000e+00, v13;
	v12 =	vmul.f32 v56, v12  }
0x135: {  	v61 =	vmul.f32 v58, v9;
	v14 =	vmul.f32 v60, v14;
	v22 =	vsub.f32 $1.500000000e+00, v62  }
0x136: {  	v8 =	vmul.f32 v13, v8;
	v63 =	vmul.f32 v12, v4  }
0x137: {  	v21 =	vsub.f32 $1.500000000e+00, v61;
	v24 =	vmul.f32 v14, v7;
	v11 =	vmul.f32 v22, v11  }
0x138: {  	v18 =	vadd.f32 $1.000000000e+00, v29;
	v19 =	vmul.f32 v8, v3;
	v23 =	vmul.f32 v63, v12  }
0x139: {  	v9 =	vmul.f32 v21, v9;
	v26 =	vmul.f32 v24, v14  }
0x13a: {  	(erf) = vrcp.f32 v18;
	v28 =	vmul.f32 v11, v6;
	v25 =	vsub.f32 $1.500000000e+00, v23  }
0x13b: {  	v34 =	vmul.f32 v19, v8;
	v27 =	vmul.f32 v9, v5;
	v30 =	vsub.f32 $1.500000000e+00, v26  }
0x13c: {  	v32 =	vmul.f32 v28, v11;
	v12 =	vmul.f32 v25, v12  }
0x13d: {  	v31 =	vmul.f32 v27, v9;
	v13 =	vmul.f32 v30, v14  }
0x13e: {  	v2 =	vmul.f32 v2, v10;
	v16 =	vsub.f32 $1.500000000e+00, v32;
	v14 =	vsub.f32 $1.500000000e+00, v34  }
0x13f: {  	v33 =	vmul.f32 v12, v4;
	v15 =	vsub.f32 $1.500000000e+00, v31;
	v35 =	vmul.f32 v13, v7  }
0x140: {  	v11 =	vmul.f32 v16, v11;
	v45 =	vmul.f32 v14, v8  }
0x141: {  	v17 =	vmul.f32 v33, v12;
	v9 =	vmul.f32 v15, v9  }
0x142: {  	v37 =	vmul.f32 v35, v13;
	v39 =	vmul.f32 v11, v6  }
0x143: {  	v8 =	vmul.f32 $5.000000000e-01, v18;
	v38 =	vmul.f32 v9, v5  }
0x144: {  	v54 =	vpop (erf);
	v36 =	vsub.f32 $1.500000000e+00, v17;
	v41 =	vsub.f32 $1.500000000e+00, v37;
	v43 =	vmul.f32 v39, v11  }
0x145: {  	v2 =	vsub.f32 $1.500000000e+00, v2;
	v56 =	vmul.f32 v54, v8;
	v42 =	vmul.f32 v38, v9  }
0x146: {  	v40 =	vmul.f32 v36, v12;
	v12 =	vmul.f32 v41, v13;
	v47 =	vsub.f32 $1.500000000e+00, v43  }
0x147: {  	v2 =	vmul.f32 v2, v10;
	v24 =	vld [tilespmem:$0x5470];
	v57 =	vmul.f32 v56, v54;
	v46 =	vsub.f32 $1.500000000e+00, v42  }
0x148: {  	v49 =	vmul.f32 v12, v7;
	v11 =	vmul.f32 v47, v11  }
0x149: {  	v44 =	vmul.f32 v40, v4;
	v9 =	vmul.f32 v46, v9  }
0x14a: {  	v51 =	vmul.f32 v49, v12;
	v53 =	vmul.f32 v11, v6  }
0x14b: {  	v48 =	vmul.f32 v44, v40;
	v52 =	vmul.f32 v9, v5  }
0x14c: {  	v29 =	vadd.f32 $1.000000000e+00, v24;
	v55 =	vsub.f32 $1.500000000e+00, v51;
	v17 =	vmul.f32 v53, v11  }
0x14d: {  	v14 =	vsub.f32 $1.500000000e+00, v57;
	v50 =	vsub.f32 $1.500000000e+00, v48;
	v16 =	vmul.f32 v52, v9  }
0x14e: {  	(erf) = vrcp.f32 v29;
	v12 =	vmul.f32 v55, v12;
	v59 =	vsub.f32 $1.500000000e+00, v17  }
0x14f: {  	v14 =	vmul.f32 v14, v54;
	v10 =	vmul.f32 v50, v40;
	v58 =	vsub.f32 $1.500000000e+00, v16  }
0x150: {  	v61 =	vmul.f32 v12, v7;
	v11 =	vmul.f32 v59, v11  }
0x151: {  	v60 =	vmul.f32 v10, v4;
	v9 =	vmul.f32 v58, v9  }
0x152: {  	v62 =	vmul.f32 v61, v12;
	v21 =	vmul.f32 v11, v6  }
0x153: {  	v22 =	vmul.f32 v14, v8;
	v17 =	vmul.f32 v60, v10  }
0x154: {  	v63 =	vmul.f32 v9, v5;
	v15 =	vsub.f32 $1.500000000e+00, v62;
	v18 =	vmul.f32 v21, v11  }
0x155: {  	v3 =	vmul.f32 v45, v3;
	v23 =	vmul.f32 v22, v14;
	v17 =	vsub.f32 $1.500000000e+00, v17  }
0x156: {  	v16 =	vmul.f32 v63, v9;
	v12 =	vmul.f32 v15, v12;
	v18 =	vsub.f32 $1.500000000e+00, v18  }
0x157: {  	v3 =	vmul.f32 v3, v45;
	v10 =	vmul.f32 v17, v10;
	v15 =	vsub.f32 $1.500000000e+00, v23  }
0x158: {  	v16 =	vsub.f32 $1.500000000e+00, v16;
	v25 =	vmul.f32 v12, v7;
	v11 =	vmul.f32 v18, v11  }
0x159: {  	v14 =	vmul.f32 v15, v14;
	v27 =	vmul.f32 v10, v4  }
0x15a: {  	v9 =	vmul.f32 v16, v9;
	v26 =	vmul.f32 v25, v12  }
0x15b: {  	v3 =	vsub.f32 $1.500000000e+00, v3;
	v28 =	vmul.f32 v11, v6;
	v20 =	vmul.f32 v14, v8  }
0x15c: {  	v15 =	vmul.f32 v27, v10;
	v30 =	vmul.f32 v9, v5;
	v16 =	vsub.f32 $1.500000000e+00, v26  }
0x15d: {  	v17 =	vmul.f32 v28, v11;
	v31 =	vmul.f32 v20, v14  }
0x15e: {  	v3 =	vmul.f32 v3, v45;
	v33 =	vsub.f32 $1.500000000e+00, v15;
	v12 =	vmul.f32 v16, v12  }
0x15f: {  	v17 =	vsub.f32 $1.500000000e+00, v17;
	v19 =	vmul.f32 v30, v9;
	v16 =	vsub.f32 $1.500000000e+00, v31  }
0x160: {  	v10 =	vmul.f32 v33, v10;
	v32 =	vmul.f32 v12, v7  }
0x161: {  	v11 =	vmul.f32 v17, v11;
	v14 =	vmul.f32 v16, v14  }
0x162: {  	v34 =	vsub.f32 $1.500000000e+00, v19;
	v41 =	vmul.f32 v10, v4;
	v35 =	vmul.f32 v32, v12  }
0x163: {  	v36 =	vmul.f32 v11, v6;
	v38 =	vmul.f32 v14, v8  }
0x164: {  	v15 =	vmul.f32 v34, v9;
	v9 =	vmul.f32 $5.000000000e-01, v29  }
0x165: {  	v40 =	vpop (erf);
	v37 =	vsub.f32 $1.500000000e+00, v35;
	v13 =	vmul.f32 v36, v11;
	v39 =	vmul.f32 v38, v14  }
0x166: {  	v42 =	vmul.f32 v40, v9;
	v43 =	vmul.f32 v15, v5  }
0x167: {  	v46 =	vmul.f32 v41, v10;
	v12 =	vmul.f32 v37, v12;
	v13 =	vsub.f32 $1.500000000e+00, v13  }
0x168: {  	v16 =	vsub.f32 $1.500000000e+00, v39;
	v44 =	vmul.f32 v42, v40;
	v20 =	vmul.f32 v43, v15  }
0x169: {  	v21 =	vmul.f32 v12, v7;
	v11 =	vmul.f32 v13, v11  }
0x16a: {  	v14 =	vmul.f32 v16, v14;
	v13 =	vsub.f32 $1.500000000e+00, v44;
	v16 =	vsub.f32 $1.500000000e+00, v46  }
0x16b: {  	v49 =	vsub.f32 $1.500000000e+00, v20;
	v45 =	vmul.f32 v21, v12;
	v47 =	vmul.f32 v11, v6  }
0x16c: {  	v48 =	vmul.f32 v14, v8;
	v13 =	vmul.f32 v13, v40  }
0x16d: {  	v10 =	vmul.f32 v16, v10;
	v15 =	vmul.f32 v49, v15  }
0x16e: {  	v19 =	vsub.f32 $1.500000000e+00, v45;
	v18 =	vmul.f32 v47, v11;
	v50 =	vmul.f32 v48, v14  }
0x16f: {  	v52 =	vmul.f32 v13, v9;
	v57 =	vmul.f32 v15, v5  }
0x170: {  	v55 =	vmul.f32 v10, v4;
	v12 =	vmul.f32 v19, v12;
	v51 =	vsub.f32 $1.500000000e+00, v18  }
0x171: {  	v19 =	vsub.f32 $1.500000000e+00, v50;
	v54 =	vmul.f32 v52, v13;
	v20 =	vmul.f32 v57, v15  }
0x172: {  	v53 =	vmul.f32 v12, v7;
	v11 =	vmul.f32 v51, v11  }
0x173: {  	v60 =	vmul.f32 v55, v10;
	v14 =	vmul.f32 v19, v14;
	v16 =	vsub.f32 $1.500000000e+00, v54  }
0x174: {  	v25 =	vsub.f32 $1.500000000e+00, v20;
	v17 =	vmul.f32 v53, v12;
	v56 =	vmul.f32 v11, v6  }
0x175: {  	v58 =	vmul.f32 v14, v8;
	v13 =	vmul.f32 v16, v13  }
0x176: {  	v15 =	vmul.f32 v25, v15;
	v17 =	vsub.f32 $1.500000000e+00, v17;
	v19 =	vmul.f32 v56, v11  }
0x177: {  	v59 =	vmul.f32 v58, v14;
	v62 =	vmul.f32 v13, v9  }
0x178: {  	v34 =	vmul.f32 v15, v5;
	v12 =	vmul.f32 v17, v12  }
0x179: {  	v61 =	vsub.f32 $1.500000000e+00, v19;
	v16 =	vsub.f32 $1.500000000e+00, v59;
	v24 =	vmul.f32 v62, v13  }
0x17a: {  	v17 =	vsub.f32 $1.500000000e+00, v60;
	v20 =	vmul.f32 v34, v15;
	v63 =	vmul.f32 v12, v7  }
0x17b: {  	v11 =	vmul.f32 v61, v11;
	v14 =	vmul.f32 v16, v14  }
0x17c: {  	v10 =	vmul.f32 v17, v10;
	v28 =	vsub.f32 $1.500000000e+00, v24;
	v26 =	vmul.f32 v63, v12  }
0x17d: {  	v41 =	vsub.f32 $1.500000000e+00, v20;
	v27 =	vmul.f32 v11, v6;
	v30 =	vmul.f32 v14, v8  }
0x17e: {  	v13 =	vmul.f32 v28, v13;
	v32 =	vmul.f32 v10, v4  }
0x17f: {  	v15 =	vmul.f32 v41, v15;
	v29 =	vsub.f32 $1.500000000e+00, v26;
	v31 =	vmul.f32 v30, v14  }
0x180: {  	v16 =	vmul.f32 v27, v11;
	v33 =	vmul.f32 v13, v9  }
0x181: {  	v38 =	vmul.f32 v32, v10;
	v12 =	vmul.f32 v29, v12;
	v17 =	vsub.f32 $1.500000000e+00, v31  }
0x182: {  	v49 =	vmul.f32 v15, v5;
	v16 =	vsub.f32 $1.500000000e+00, v16;
	v36 =	vmul.f32 v33, v13  }
0x183: {  	v35 =	vmul.f32 v12, v7;
	v14 =	vmul.f32 v17, v14  }
0x184: {  	v20 =	vmul.f32 v49, v15;
	v11 =	vmul.f32 v16, v11;
	v16 =	vsub.f32 $1.500000000e+00, v36  }
0x185: {  	v17 =	vsub.f32 $1.500000000e+00, v38;
	v37 =	vmul.f32 v35, v12;
	v40 =	vmul.f32 v14, v8  }
0x186: {  	v57 =	vsub.f32 $1.500000000e+00, v20;
	v39 =	vmul.f32 v11, v6;
	v13 =	vmul.f32 v16, v13  }
0x187: {  	v10 =	vmul.f32 v17, v10;
	v19 =	vsub.f32 $1.500000000e+00, v37;
	v42 =	vmul.f32 v40, v14  }
0x188: {  	v18 =	vmul.f32 v39, v11;
	v44 =	vmul.f32 v13, v9  }
0x189: {  	v15 =	vmul.f32 v57, v15;
	v12 =	vmul.f32 v19, v12;
	v19 =	vsub.f32 $1.500000000e+00, v42  }
0x18a: {  	v24 =	vld [tilespmem:$0x5480];
	v47 =	vmul.f32 v10, v4;
	v43 =	vsub.f32 $1.500000000e+00, v18;
	v46 =	vmul.f32 v44, v13  }
0x18b: {  	v45 =	vmul.f32 v12, v7;
	v14 =	vmul.f32 v19, v14  }
0x18c: {  	v52 =	vmul.f32 v47, v10;
	v11 =	vmul.f32 v43, v11;
	v17 =	vsub.f32 $1.500000000e+00, v46  }
0x18d: {  	v16 =	vmul.f32 v45, v12;
	v50 =	vmul.f32 v14, v8  }
0x18e: {  	v48 =	vmul.f32 v11, v6;
	v13 =	vmul.f32 v17, v13  }
0x18f: {  	v18 =	vadd.f32 $1.000000000e+00, v24;
	v16 =	vsub.f32 $1.500000000e+00, v16;
	v51 =	vmul.f32 v50, v14  }
0x190: {  	v19 =	vmul.f32 v48, v11;
	v54 =	vmul.f32 v13, v9  }
0x191: {  	(erf) = vrcp.f32 v18;
	v12 =	vmul.f32 v16, v12;
	v16 =	vsub.f32 $1.500000000e+00, v51  }
0x192: {  	v17 =	vsub.f32 $1.500000000e+00, v52;
	v53 =	vsub.f32 $1.500000000e+00, v19;
	v56 =	vmul.f32 v54, v13  }
0x193: {  	v55 =	vmul.f32 v12, v7;
	v14 =	vmul.f32 v16, v14  }
0x194: {  	v10 =	vmul.f32 v17, v10;
	v11 =	vmul.f32 v53, v11;
	v60 =	vsub.f32 $1.500000000e+00, v56  }
0x195: {  	v58 =	vmul.f32 v55, v12;
	v62 =	vmul.f32 v14, v8  }
0x196: {  	v59 =	vmul.f32 v11, v6;
	v13 =	vmul.f32 v60, v13  }
0x197: {  	v4 =	vmul.f32 v10, v4;
	v61 =	vsub.f32 $1.500000000e+00, v58;
	v63 =	vmul.f32 v62, v14  }
0x198: {  	v16 =	vmul.f32 v59, v11;
	v25 =	vmul.f32 v13, v9  }
0x199: {  	v26 =	vmul.f32 v15, v5;
	v12 =	vmul.f32 v61, v12;
	v17 =	vsub.f32 $1.500000000e+00, v63  }
0x19a: {  	v4 =	vmul.f32 v4, v10;
	v16 =	vsub.f32 $1.500000000e+00, v16;
	v28 =	vmul.f32 v25, v13  }
0x19b: {  	v27 =	vmul.f32 v12, v7;
	v14 =	vmul.f32 v17, v14  }
0x19c: {  	v4 =	vsub.f32 $1.500000000e+00, v4;
	v11 =	vmul.f32 v16, v11;
	v16 =	vsub.f32 $1.500000000e+00, v28  }
0x19d: {  	v29 =	vmul.f32 v27, v12;
	v32 =	vmul.f32 v14, v8  }
0x19e: {  	v4 =	vmul.f32 v4, v10;
	v13 =	vmul.f32 v16, v13  }
0x19f: {  	v10 =	vmul.f32 $5.000000000e-01, v18;
	v19 =	vsub.f32 $1.500000000e+00, v29;
	v33 =	vmul.f32 v32, v14  }
0x1a0: {  	v30 =	vmul.f32 v26, v15;
	v44 =	vpop (erf);
	v34 =	vmul.f32 v13, v9  }
0x1a1: {  	v46 =	vmul.f32 v44, v10;
	v12 =	vmul.f32 v19, v12;
	v16 =	vsub.f32 $1.500000000e+00, v33  }
0x1a2: {  	v17 =	vsub.f32 $1.500000000e+00, v30;
	v31 =	vmul.f32 v11, v6;
	v36 =	vmul.f32 v34, v13  }
0x1a3: {  	v35 =	vmul.f32 v12, v7;
	v14 =	vmul.f32 v16, v14  }
0x1a4: {  	v15 =	vmul.f32 v17, v15;
	v20 =	vmul.f32 v31, v11;
	v40 =	vsub.f32 $1.500000000e+00, v36  }
0x1a5: {  	v38 =	vmul.f32 v35, v12;
	v42 =	vmul.f32 v14, v8  }
0x1a6: {  	v39 =	vmul.f32 v15, v5;
	v37 =	vsub.f32 $1.500000000e+00, v20;
	v13 =	vmul.f32 v40, v13  }
0x1a7: {  	v20 =	vmul.f32 v46, v44;
	v41 =	vsub.f32 $1.500000000e+00, v38;
	v43 =	vmul.f32 v42, v14  }
0x1a8: {  	v11 =	vmul.f32 v37, v11;
	v45 =	vmul.f32 v13, v9  }
0x1a9: {  	v16 =	vmul.f32 v39, v15;
	v12 =	vmul.f32 v41, v12;
	v17 =	vsub.f32 $1.500000000e+00, v43  }
0x1aa: {  	v49 =	vsub.f32 $1.500000000e+00, v20;
	v47 =	vmul.f32 v11, v6;
	v19 =	vmul.f32 v45, v13  }
0x1ab: {  	v22 =	vmul.f32 v12, v7;
	v14 =	vmul.f32 v17, v14  }
0x1ac: {  	v53 =	vmul.f32 v49, v44;
	v50 =	vmul.f32 v47, v11;
	v48 =	vsub.f32 $1.500000000e+00, v19  }
0x1ad: {  	v16 =	vsub.f32 $1.500000000e+00, v16;
	v22 =	vmul.f32 v22, v12;
	v52 =	vmul.f32 v14, v8  }
0x1ae: {  	v57 =	vmul.f32 v53, v10;
	v13 =	vmul.f32 v48, v13  }
0x1af: {  	v15 =	vmul.f32 v16, v15;
	v51 =	vsub.f32 $1.500000000e+00, v22;
	v55 =	vmul.f32 v52, v14  }
0x1b0: {  	v54 =	vsub.f32 $1.500000000e+00, v50;
	v21 =	vmul.f32 v57, v53;
	v56 =	vmul.f32 v13, v9  }
0x1b1: {  	v5 =	vmul.f32 v15, v5;
	v12 =	vmul.f32 v51, v12;
	v19 =	vsub.f32 $1.500000000e+00, v55  }
0x1b2: {  	v11 =	vmul.f32 v54, v11;
	v60 =	vsub.f32 $1.500000000e+00, v21;
	v20 =	vmul.f32 v56, v13  }
0x1b3: {  	v58 =	vmul.f32 v12, v7;
	v14 =	vmul.f32 v19, v14  }
0x1b4: {  	v61 =	vmul.f32 v11, v6;
	v63 =	vmul.f32 v60, v53;
	v59 =	vsub.f32 $1.500000000e+00, v20  }
0x1b5: {  	v18 =	vmul.f32 v58, v12;
	v62 =	vmul.f32 v14, v8  }
0x1b6: {  	v19 =	vmul.f32 v63, v10;
	v13 =	vmul.f32 v59, v13  }
0x1b7: {  	v20 =	vmul.f32 v61, v11;
	v18 =	vsub.f32 $1.500000000e+00, v18;
	v24 =	vmul.f32 v62, v14  }
0x1b8: {  	v19 =	vmul.f32 v19, v63;
	v25 =	vmul.f32 v13, v9  }
0x1b9: {  	v5 =	vmul.f32 v5, v15;
	v12 =	vmul.f32 v18, v12;
	v17 =	vsub.f32 $1.500000000e+00, v24  }
0x1ba: {  	v20 =	vsub.f32 $1.500000000e+00, v20;
	v28 =	vsub.f32 $1.500000000e+00, v19;
	v18 =	vmul.f32 v25, v13  }
0x1bb: {  	v26 =	vmul.f32 v12, v7;
	v14 =	vmul.f32 v17, v14  }
0x1bc: {  	v11 =	vmul.f32 v20, v11;
	v16 =	vmul.f32 v28, v63;
	v27 =	vsub.f32 $1.500000000e+00, v18  }
0x1bd: {  	v21 =	vmul.f32 v26, v12;
	v30 =	vmul.f32 v14, v8  }
0x1be: {  	v33 =	vmul.f32 v16, v10;
	v13 =	vmul.f32 v27, v13  }
0x1bf: {  	v34 =	vmul.f32 v11, v6;
	v29 =	vsub.f32 $1.500000000e+00, v21;
	v31 =	vmul.f32 v30, v14  }
0x1c0: {  	v19 =	vmul.f32 v33, v16;
	v32 =	vmul.f32 v13, v9  }
0x1c1: {  	v5 =	vsub.f32 $1.500000000e+00, v5;
	v12 =	vmul.f32 v29, v12;
	v17 =	vsub.f32 $1.500000000e+00, v31  }
0x1c2: {  	v38 =	vmul.f32 v34, v11;
	v37 =	vsub.f32 $1.500000000e+00, v19;
	v18 =	vmul.f32 v32, v13  }
0x1c3: {  	v41 =	vld [tilespmem:$0x5490];
	v35 =	vmul.f32 v12, v7;
	v14 =	vmul.f32 v17, v14  }
0x1c4: {  	v5 =	vmul.f32 v5, v15;
	v16 =	vmul.f32 v37, v16;
	v36 =	vsub.f32 $1.500000000e+00, v18  }
0x1c5: {  	v19 =	vsub.f32 $1.500000000e+00, v38;
	v21 =	vmul.f32 v35, v12;
	v40 =	vmul.f32 v14, v8  }
0x1c6: {  	v44 =	vmul.f32 v16, v10;
	v13 =	vmul.f32 v36, v13  }
0x1c7: {  	v11 =	vmul.f32 v19, v11;
	v39 =	vsub.f32 $1.500000000e+00, v21;
	v42 =	vmul.f32 v40, v14  }
0x1c8: {  	v17 =	vadd.f32 $1.000000000e+00, v41;
	v43 =	vmul.f32 v13, v9;
	v21 =	vmul.f32 v44, v16  }
0x1c9: {  	v50 =	vmul.f32 v11, v6;
	v12 =	vmul.f32 v39, v12;
	v18 =	vsub.f32 $1.500000000e+00, v42  }
0x1ca: {  	(erf) = vrcp.f32 v17;
	v20 =	vmul.f32 v43, v13;
	v47 =	vsub.f32 $1.500000000e+00, v21  }
0x1cb: {  	v45 =	vmul.f32 v12, v7;
	v14 =	vmul.f32 v18, v14  }
0x1cc: {  	v46 =	vsub.f32 $1.500000000e+00, v20;
	v16 =	vmul.f32 v47, v16;
	v20 =	vmul.f32 v50, v11  }
0x1cd: {  	v15 =	vmul.f32 v45, v12;
	v48 =	vmul.f32 v14, v8  }
0x1ce: {  	v13 =	vmul.f32 v46, v13;
	v19 =	vmul.f32 v16, v10  }
0x1cf: {  	v54 =	vsub.f32 $1.500000000e+00, v20;
	v15 =	vsub.f32 $1.500000000e+00, v15;
	v49 =	vmul.f32 v48, v14  }
0x1d0: {  	v18 =	vmul.f32 v13, v9;
	v19 =	vmul.f32 v19, v16  }
0x1d1: {  	v11 =	vmul.f32 v54, v11;
	v15 =	vmul.f32 v15, v12  }
0x1d2: {  	v12 =	vsub.f32 $1.500000000e+00, v49;
	v18 =	vmul.f32 v18, v13  }
0x1d3: {  	v19 =	vsub.f32 $1.500000000e+00, v19;
	v63 =	vmul.f32 v11, v6;
	v51 =	vmul.f32 v15, v7  }
0x1d4: {  	v14 =	vmul.f32 v12, v14;
	v12 =	vmul.f32 $5.000000000e-01, v17  }
0x1d5: {  	v53 =	vpop (erf);
	v18 =	vsub.f32 $1.500000000e+00, v18;
	v16 =	vmul.f32 v19, v16;
	v21 =	vmul.f32 v51, v15  }
0x1d6: {  	v52 =	vmul.f32 v14, v8;
	v56 =	vmul.f32 v53, v12  }
0x1d7: {  	v13 =	vmul.f32 v18, v13;
	v23 =	vmul.f32 v16, v10  }
0x1d8: {  	v55 =	vmul.f32 v52, v14;
	v59 =	vmul.f32 v56, v53  }
0x1d9: {  	v57 =	vmul.f32 v13, v9;
	v60 =	vsub.f32 $1.500000000e+00, v21;
	v62 =	vmul.f32 v23, v16  }
0x1da: {  	v23 =	vmul.f32 v63, v11;
	v58 =	vsub.f32 $1.500000000e+00, v55;
	v24 =	vsub.f32 $1.500000000e+00, v59  }
0x1db: {  	v61 =	vmul.f32 v57, v13;
	v15 =	vmul.f32 v60, v15;
	v26 =	vsub.f32 $1.500000000e+00, v62  }
0x1dc: {  	v23 =	vsub.f32 $1.500000000e+00, v23;
	v14 =	vmul.f32 v58, v14;
	v17 =	vmul.f32 v24, v53  }
0x1dd: {  	v25 =	vsub.f32 $1.500000000e+00, v61;
	v16 =	vmul.f32 v26, v16;
	v32 =	vmul.f32 v15, v7  }
0x1de: {  	v11 =	vmul.f32 v23, v11;
	v27 =	vmul.f32 v14, v8  }
0x1df: {  	v13 =	vmul.f32 v25, v13;
	v29 =	vmul.f32 v17, v12  }
0x1e0: {  	v31 =	vmul.f32 v16, v10;
	v28 =	vmul.f32 v27, v14  }
0x1e1: {  	v30 =	vmul.f32 v13, v9;
	v19 =	vmul.f32 v29, v17  }
0x1e2: {  	v34 =	vmul.f32 v32, v15;
	v21 =	vmul.f32 v31, v16  }
0x1e3: {  	v18 =	vsub.f32 $1.500000000e+00, v28;
	v20 =	vmul.f32 v30, v13;
	v33 =	vsub.f32 $1.500000000e+00, v19  }
0x1e4: {  	v6 =	vmul.f32 v11, v6;
	v21 =	vsub.f32 $1.500000000e+00, v21;
	v19 =	vsub.f32 $1.500000000e+00, v34  }
0x1e5: {  	v14 =	vmul.f32 v18, v14;
	v20 =	vsub.f32 $1.500000000e+00, v20;
	v17 =	vmul.f32 v33, v17  }
0x1e6: {  	v16 =	vmul.f32 v21, v16;
	v15 =	vmul.f32 v19, v15  }
0x1e7: {  	v35 =	vmul.f32 v14, v8;
	v13 =	vmul.f32 v20, v13  }
0x1e8: {  	v37 =	vmul.f32 v17, v12;
	v39 =	vmul.f32 v16, v10  }
0x1e9: {  	v48 =	vmul.f32 v15, v7;
	v36 =	vmul.f32 v35, v14  }
0x1ea: {  	v20 =	vmul.f32 v37, v17;
	v22 =	vmul.f32 v39, v16  }
0x1eb: {  	v38 =	vmul.f32 v13, v9;
	v50 =	vmul.f32 v48, v15  }
0x1ec: {  	v6 =	vmul.f32 v6, v11;
	v40 =	vsub.f32 $1.500000000e+00, v20;
	v42 =	vsub.f32 $1.500000000e+00, v22  }
0x1ed: {  	v57 =	vld [tilespmem:$0x54A0];
	v18 =	vsub.f32 $1.500000000e+00, v36;
	v21 =	vmul.f32 v38, v13;
	v52 =	vsub.f32 $1.500000000e+00, v50  }
0x1ee: {  	v17 =	vmul.f32 v40, v17;
	v16 =	vmul.f32 v42, v16  }
0x1ef: {  	v14 =	vmul.f32 v18, v14;
	v41 =	vsub.f32 $1.500000000e+00, v21;
	v15 =	vmul.f32 v52, v15  }
0x1f0: {  	v45 =	vmul.f32 v17, v12;
	v47 =	vmul.f32 v16, v10  }
0x1f1: {  	v43 =	vmul.f32 v14, v8;
	v13 =	vmul.f32 v41, v13  }
0x1f2: {  	v25 =	vadd.f32 $1.000000000e+00, v57;
	v19 =	vmul.f32 v45, v17;
	v21 =	vmul.f32 v47, v16  }
0x1f3: {  	v44 =	vmul.f32 v43, v14;
	v46 =	vmul.f32 v13, v9  }
0x1f4: {  	(erf) = vrcp.f32 v25;
	v49 =	vsub.f32 $1.500000000e+00, v19;
	v21 =	vsub.f32 $1.500000000e+00, v21  }
0x1f5: {  	v63 =	vmul.f32 v15, v7;
	v18 =	vsub.f32 $1.500000000e+00, v44;
	v20 =	vmul.f32 v46, v13  }
0x1f6: {  	v17 =	vmul.f32 v49, v17;
	v16 =	vmul.f32 v21, v16  }
0x1f7: {  	v19 =	vmul.f32 v63, v15;
	v14 =	vmul.f32 v18, v14;
	v20 =	vsub.f32 $1.500000000e+00, v20  }
0x1f8: {  	v54 =	vmul.f32 v17, v12;
	v56 =	vmul.f32 v16, v10  }
0x1f9: {  	v51 =	vmul.f32 v14, v8;
	v13 =	vmul.f32 v20, v13  }
0x1fa: {  	v6 =	vsub.f32 $1.500000000e+00, v6;
	v59 =	vmul.f32 v54, v17;
	v61 =	vmul.f32 v56, v16  }
0x1fb: {  	v19 =	vsub.f32 $1.500000000e+00, v19;
	v53 =	vmul.f32 v51, v14;
	v55 =	vmul.f32 v13, v9  }
0x1fc: {  	v6 =	vmul.f32 v6, v11;
	v62 =	vsub.f32 $1.500000000e+00, v59;
	v21 =	vsub.f32 $1.500000000e+00, v61  }
0x1fd: {  	v15 =	vmul.f32 v19, v15;
	v58 =	vsub.f32 $1.500000000e+00, v53;
	v60 =	vmul.f32 v55, v13  }
0x1fe: {  	v49 =	vld [tilespmem:$0x54B0];
	v17 =	vmul.f32 v62, v17;
	v16 =	vmul.f32 v21, v16  }
0x1ff: {  	v7 =	vmul.f32 v15, v7;
	v14 =	vmul.f32 v58, v14;
	v20 =	vsub.f32 $1.500000000e+00, v60  }
0x200: {  	v26 =	vmul.f32 v17, v12;
	v28 =	vmul.f32 v16, v10  }
0x201: {  	v24 =	vmul.f32 v14, v8;
	v13 =	vmul.f32 v20, v13  }
0x202: {  	v20 =	vmul.f32 v26, v17;
	v23 =	vmul.f32 v28, v16  }
0x203: {  	v53 =	vadd.f32 $1.000000000e+00, v49;
	v27 =	vmul.f32 v13, v9;
	v22 =	vmul.f32 v24, v14  }
0x204: {  	v7 =	vmul.f32 v7, v15;
	v20 =	vsub.f32 $1.500000000e+00, v20;
	v30 =	vsub.f32 $1.500000000e+00, v23  }
0x205: {  	(erf) = vrcp.f32 v53;
	v21 =	vmul.f32 v27, v13;
	v29 =	vsub.f32 $1.500000000e+00, v22  }
0x206: {  	v17 =	vmul.f32 v20, v17;
	v16 =	vmul.f32 v30, v16  }
0x207: {  	v21 =	vsub.f32 $1.500000000e+00, v21;
	v11 =	vmul.f32 v29, v14;
	v14 =	vmul.f32 $5.000000000e-01, v25  }
0x208: {  	v33 =	vpop (erf);
	v20 =	vmul.f32 v17, v12;
	v32 =	vmul.f32 v16, v10  }
0x209: {  	v13 =	vmul.f32 v21, v13;
	v34 =	vmul.f32 v33, v14  }
0x20a: {  	v7 =	vsub.f32 $1.500000000e+00, v7;
	v20 =	vmul.f32 v20, v17;
	v21 =	vmul.f32 v32, v16  }
0x20b: {  	v31 =	vmul.f32 v13, v9;
	v23 =	vmul.f32 v34, v33  }
0x20c: {  	v7 =	vmul.f32 v7, v15;
	v20 =	vsub.f32 $1.500000000e+00, v20;
	v35 =	vsub.f32 $1.500000000e+00, v21  }
0x20d: {  	v24 =	vmul.f32 v11, v8;
	v18 =	vmul.f32 v31, v13;
	v37 =	vsub.f32 $1.500000000e+00, v23  }
0x20e: {  	v17 =	vmul.f32 v20, v17;
	v16 =	vmul.f32 v35, v16  }
0x20f: {  	v36 =	vmul.f32 v24, v11;
	v18 =	vsub.f32 $1.500000000e+00, v18;
	v39 =	vmul.f32 v37, v33  }
0x210: {  	v38 =	vmul.f32 v17, v12;
	v41 =	vmul.f32 v16, v10  }
0x211: {  	v13 =	vmul.f32 v18, v13;
	v42 =	vmul.f32 v39, v14  }
0x212: {  	v18 =	vmul.f32 v38, v17;
	v22 =	vmul.f32 v41, v16  }
0x213: {  	v40 =	vmul.f32 v13, v9;
	v23 =	vmul.f32 v42, v39  }
0x214: {  	v15 =	vmul.f32 $5.000000000e-01, v53;
	v18 =	vsub.f32 $1.500000000e+00, v18;
	v22 =	vsub.f32 $1.500000000e+00, v22  }
0x215: {  	v21 =	vsub.f32 $1.500000000e+00, v36;
	v20 =	vmul.f32 v40, v13;
	v43 =	vsub.f32 $1.500000000e+00, v23  }
0x216: {  	v17 =	vmul.f32 v18, v17;
	v16 =	vmul.f32 v22, v16  }
0x217: {  	v11 =	vmul.f32 v21, v11;
	v20 =	vsub.f32 $1.500000000e+00, v20;
	v18 =	vmul.f32 v43, v39  }
0x218: {  	v44 =	vmul.f32 v17, v12;
	v46 =	vmul.f32 v16, v10  }
0x219: {  	v13 =	vmul.f32 v20, v13;
	v47 =	vmul.f32 v18, v14  }
0x21a: {  	v20 =	vmul.f32 v44, v17;
	v21 =	vmul.f32 v46, v16  }
0x21b: {  	v62 =	vpop (erf);
	v45 =	vmul.f32 v13, v9;
	v22 =	vmul.f32 v47, v18  }
0x21c: {  	v63 =	vmul.f32 v62, v15;
	v20 =	vsub.f32 $1.500000000e+00, v20;
	v21 =	vsub.f32 $1.500000000e+00, v21  }
0x21d: {  	v48 =	vmul.f32 v11, v8;
	v19 =	vmul.f32 v45, v13;
	v50 =	vsub.f32 $1.500000000e+00, v22  }
0x21e: {  	v17 =	vmul.f32 v20, v17;
	v16 =	vmul.f32 v21, v16  }
0x21f: {  	v23 =	vmul.f32 v48, v11;
	v19 =	vsub.f32 $1.500000000e+00, v19;
	v18 =	vmul.f32 v50, v18  }
0x220: {  	v51 =	vmul.f32 v17, v12;
	v21 =	vmul.f32 v16, v10  }
0x221: {  	v13 =	vmul.f32 v19, v13;
	v54 =	vmul.f32 v18, v14  }
0x222: {  	v19 =	vmul.f32 v51, v17;
	v21 =	vmul.f32 v21, v16  }
0x223: {  	v23 =	vsub.f32 $1.500000000e+00, v23;
	v24 =	vmul.f32 v54, v18  }
0x224: {  	v27 =	vmul.f32 v63, v62;
	v19 =	vsub.f32 $1.500000000e+00, v19;
	v21 =	vsub.f32 $1.500000000e+00, v21  }
0x225: {  	v35 =	vld [tilespmem:$0x54C0];
	v11 =	vmul.f32 v23, v11;
	v52 =	vmul.f32 v13, v9;
	v55 =	vsub.f32 $1.500000000e+00, v24  }
0x226: {  	v17 =	vmul.f32 v19, v17;
	v16 =	vmul.f32 v21, v16  }
0x227: {  	v20 =	vmul.f32 v52, v13;
	v18 =	vmul.f32 v55, v18  }
0x228: {  	v57 =	vmul.f32 v17, v12;
	v58 =	vmul.f32 v16, v10  }
0x229: {  	v8 =	vmul.f32 v11, v8;
	v56 =	vsub.f32 $1.500000000e+00, v20;
	v60 =	vmul.f32 v18, v14  }
0x22a: {  	v41 =	vadd.f32 $1.000000000e+00, v35;
	v59 =	vmul.f32 v57, v17;
	v21 =	vmul.f32 v58, v16  }
0x22b: {  	v13 =	vmul.f32 v56, v13;
	v20 =	vmul.f32 v60, v18  }
0x22c: {  	(erf) = vrcp.f32 v41;
	v19 =	vsub.f32 $1.500000000e+00, v59;
	v21 =	vsub.f32 $1.500000000e+00, v21  }
0x22d: {  	v8 =	vmul.f32 v8, v11;
	v61 =	vmul.f32 v13, v9;
	v26 =	vsub.f32 $1.500000000e+00, v20  }
0x22e: {  	v17 =	vmul.f32 v19, v17;
	v16 =	vmul.f32 v21, v16  }
0x22f: {  	v22 =	vmul.f32 v61, v13;
	v20 =	vsub.f32 $1.500000000e+00, v27;
	v18 =	vmul.f32 v26, v18  }
0x230: {  	v28 =	vmul.f32 v17, v12;
	v29 =	vmul.f32 v16, v10  }
0x231: {  	v20 =	vmul.f32 v20, v62;
	v30 =	vmul.f32 v18, v14  }
0x232: {  	v8 =	vsub.f32 $1.500000000e+00, v8;
	v21 =	vmul.f32 v28, v17;
	v19 =	vmul.f32 v29, v16  }
0x233: {  	v33 =	vmul.f32 v20, v15;
	v31 =	vmul.f32 v30, v18  }
0x234: {  	v8 =	vmul.f32 v8, v11;
	v21 =	vsub.f32 $1.500000000e+00, v21;
	v32 =	vsub.f32 $1.500000000e+00, v19  }
0x235: {  	v22 =	vsub.f32 $1.500000000e+00, v22;
	v36 =	vmul.f32 v33, v20;
	v34 =	vsub.f32 $1.500000000e+00, v31  }
0x236: {  	v37 =	vld [tilespmem:$0x54D0];
	v17 =	vmul.f32 v21, v17;
	v11 =	vmul.f32 v32, v16  }
0x237: {  	v13 =	vmul.f32 v22, v13;
	v18 =	vmul.f32 v34, v18;
	v16 =	vsub.f32 $1.500000000e+00, v36  }
0x238: {  	v38 =	vmul.f32 v17, v12;
	v39 =	vmul.f32 v11, v10  }
0x239: {  	v40 =	vmul.f32 v18, v14;
	v16 =	vmul.f32 v16, v20  }
0x23a: {  	v23 =	vmul.f32 v38, v17;
	v21 =	vmul.f32 v39, v11  }
0x23b: {  	v19 =	vadd.f32 $1.000000000e+00, v37;
	v43 =	vmul.f32 v40, v18;
	v44 =	vmul.f32 v16, v15  }
0x23c: {  	v9 =	vmul.f32 v13, v9;
	v42 =	vsub.f32 $1.500000000e+00, v23;
	v21 =	vsub.f32 $1.500000000e+00, v21  }
0x23d: {  	(erf) = vrcp.f32 v19;
	v45 =	vsub.f32 $1.500000000e+00, v43;
	v46 =	vmul.f32 v44, v16  }
0x23e: {  	v17 =	vmul.f32 v42, v17;
	v11 =	vmul.f32 v21, v11  }
0x23f: {  	v9 =	vmul.f32 v9, v13;
	v18 =	vmul.f32 v45, v18;
	v21 =	vsub.f32 $1.500000000e+00, v46  }
0x240: {  	v47 =	vmul.f32 v17, v12;
	v48 =	vmul.f32 v11, v10  }
0x241: {  	v49 =	vmul.f32 v18, v14;
	v50 =	vmul.f32 v21, v16  }
0x242: {  	v9 =	vsub.f32 $1.500000000e+00, v9;
	v16 =	vmul.f32 $5.000000000e-01, v41;
	v23 =	vmul.f32 v47, v17  }
0x243: {  	v53 =	vmul.f32 v49, v18;
	v54 =	vmul.f32 v50, v15  }
0x244: {  	v57 =	vpop (erf);
	v9 =	vmul.f32 v9, v13;
	v51 =	vmul.f32 v48, v11;
	v52 =	vsub.f32 $1.500000000e+00, v23  }
0x245: {  	v59 =	vmul.f32 v57, v16;
	v56 =	vsub.f32 $1.500000000e+00, v53;
	v58 =	vmul.f32 v54, v50  }
0x246: {  	v21 =	vsub.f32 $1.500000000e+00, v51;
	v55 =	vmul.f32 v52, v17;
	v17 =	vmul.f32 $5.000000000e-01, v19  }
0x247: {  	v25 =	vpop (erf);
	v24 =	vmul.f32 v59, v57;
	v18 =	vmul.f32 v56, v18  }
0x248: {  	v19 =	vsub.f32 $1.500000000e+00, v58;
	v11 =	vmul.f32 v21, v11;
	v60 =	vmul.f32 v25, v17  }
0x249: {  	v61 =	vsub.f32 $1.500000000e+00, v24;
	v26 =	vmul.f32 v55, v12;
	v27 =	vmul.f32 v18, v14  }
0x24a: {  	v13 =	vmul.f32 v19, v50;
	v22 =	vmul.f32 v60, v25  }
0x24b: {  	v19 =	vmul.f32 v61, v57;
	v63 =	vmul.f32 v27, v18  }
0x24c: {  	v29 =	vmul.f32 v11, v10;
	v28 =	vmul.f32 v13, v15;
	v22 =	vsub.f32 $1.500000000e+00, v22  }
0x24d: {  	v62 =	vmul.f32 v26, v55;
	v31 =	vmul.f32 v19, v16;
	v24 =	vsub.f32 $1.500000000e+00, v63  }
0x24e: {  	v30 =	vmul.f32 v28, v13;
	v22 =	vmul.f32 v22, v25  }
0x24f: {  	v21 =	vsub.f32 $1.500000000e+00, v62;
	v34 =	vmul.f32 v31, v19;
	v18 =	vmul.f32 v24, v18  }
0x250: {  	v23 =	vmul.f32 v29, v11;
	v33 =	vsub.f32 $1.500000000e+00, v30;
	v32 =	vmul.f32 v22, v17  }
0x251: {  	v20 =	vmul.f32 v21, v55;
	v36 =	vsub.f32 $1.500000000e+00, v34;
	v35 =	vmul.f32 v18, v14  }
0x252: {  	v13 =	vmul.f32 v33, v13;
	v24 =	vmul.f32 v32, v22  }
0x253: {  	v23 =	vsub.f32 $1.500000000e+00, v23;
	v37 =	vmul.f32 v20, v12;
	v19 =	vmul.f32 v36, v19  }
0x254: {  	v26 =	vmul.f32 v35, v18;
	v38 =	vmul.f32 v13, v15;
	v24 =	vsub.f32 $1.500000000e+00, v24  }
0x255: {  	v39 =	vmul.f32 v37, v20;
	v42 =	vmul.f32 v19, v16  }
0x256: {  	v11 =	vmul.f32 v23, v11;
	v40 =	vsub.f32 $1.500000000e+00, v26;
	v22 =	vmul.f32 v24, v22  }
0x257: {  	v41 =	vmul.f32 v38, v13;
	v45 =	vmul.f32 v42, v19;
	v21 =	vsub.f32 $1.500000000e+00, v39  }
0x258: {  	v18 =	vmul.f32 v40, v18;
	v43 =	vmul.f32 v22, v17  }
0x259: {  	v44 =	vsub.f32 $1.500000000e+00, v41;
	v48 =	vsub.f32 $1.500000000e+00, v45;
	v20 =	vmul.f32 v21, v20  }
0x25a: {  	v46 =	vmul.f32 v18, v14;
	v25 =	vmul.f32 v43, v22  }
0x25b: {  	v13 =	vmul.f32 v44, v13;
	v19 =	vmul.f32 v48, v19  }
0x25c: {  	v52 =	vmul.f32 v20, v12;
	v49 =	vmul.f32 v46, v18;
	v50 =	vsub.f32 $1.500000000e+00, v25  }
0x25d: {  	v51 =	vmul.f32 v13, v15;
	v54 =	vmul.f32 v19, v16  }
0x25e: {  	v23 =	vmul.f32 v52, v20;
	v22 =	vmul.f32 v50, v22  }
0x25f: {  	v47 =	vmul.f32 v11, v10;
	v21 =	vsub.f32 $1.500000000e+00, v49;
	v25 =	vmul.f32 v54, v19  }
0x260: {  	v53 =	vmul.f32 v51, v13;
	v23 =	vsub.f32 $1.500000000e+00, v23;
	v55 =	vmul.f32 v22, v17  }
0x261: {  	v27 =	vmul.f32 v47, v11;
	v18 =	vmul.f32 v21, v18;
	v57 =	vsub.f32 $1.500000000e+00, v25  }
0x262: {  	v24 =	vsub.f32 $1.500000000e+00, v53;
	v20 =	vmul.f32 v23, v20;
	v21 =	vmul.f32 v55, v22  }
0x263: {  	v56 =	vmul.f32 v18, v14;
	v19 =	vmul.f32 v57, v19  }
0x264: {  	v13 =	vmul.f32 v24, v13;
	v30 =	vmul.f32 v20, v12;
	v21 =	vsub.f32 $1.500000000e+00, v21  }
0x265: {  	v58 =	vmul.f32 v56, v18;
	v24 =	vmul.f32 v19, v16  }
0x266: {  	v62 =	vsub.f32 $1.500000000e+00, v27;
	v59 =	vmul.f32 v13, v15;
	v21 =	vmul.f32 v21, v22  }
0x267: {  	v33 =	vmul.f32 v30, v20;
	v60 =	vsub.f32 $1.500000000e+00, v58;
	v24 =	vmul.f32 v24, v19  }
0x268: {  	v61 =	vmul.f32 v59, v13;
	v63 =	vmul.f32 v21, v17  }
0x269: {  	v11 =	vmul.f32 v62, v11;
	v18 =	vmul.f32 v60, v18;
	v32 =	vsub.f32 $1.500000000e+00, v24  }
0x26a: {  	v37 =	vsub.f32 $1.500000000e+00, v33;
	v22 =	vsub.f32 $1.500000000e+00, v61;
	v23 =	vmul.f32 v63, v21  }
0x26b: {  	v31 =	vmul.f32 v18, v14;
	v19 =	vmul.f32 v32, v19  }
0x26c: {  	v20 =	vmul.f32 v37, v20;
	v13 =	vmul.f32 v22, v13;
	v23 =	vsub.f32 $1.500000000e+00, v23  }
0x26d: {  	v34 =	vmul.f32 v31, v18;
	v39 =	vmul.f32 v19, v16  }
0x26e: {  	v35 =	vmul.f32 v13, v15;
	v21 =	vmul.f32 v23, v21  }
0x26f: {  	v45 =	vmul.f32 v20, v12;
	v25 =	vsub.f32 $1.500000000e+00, v34;
	v42 =	vmul.f32 v39, v19  }
0x270: {  	v38 =	vmul.f32 v35, v13;
	v40 =	vmul.f32 v21, v17  }
0x271: {  	v36 =	vmul.f32 v11, v10;
	v18 =	vmul.f32 v25, v18;
	v44 =	vsub.f32 $1.500000000e+00, v42  }
0x272: {  	v47 =	vmul.f32 v45, v20;
	v41 =	vsub.f32 $1.500000000e+00, v38;
	v25 =	vmul.f32 v40, v21  }
0x273: {  	v43 =	vmul.f32 v18, v14;
	v19 =	vmul.f32 v44, v19  }
0x274: {  	v22 =	vmul.f32 v36, v11;
	v13 =	vmul.f32 v41, v13;
	v25 =	vsub.f32 $1.500000000e+00, v25  }
0x275: {  	v23 =	vsub.f32 $1.500000000e+00, v47;
	v26 =	vmul.f32 v43, v18;
	v50 =	vmul.f32 v19, v16  }
0x276: {  	v22 =	vsub.f32 $1.500000000e+00, v22;
	v46 =	vmul.f32 v13, v15;
	v21 =	vmul.f32 v25, v21  }
0x277: {  	v20 =	vmul.f32 v23, v20;
	v48 =	vsub.f32 $1.500000000e+00, v26;
	v53 =	vmul.f32 v50, v19  }
0x278: {  	v49 =	vmul.f32 v46, v13;
	v51 =	vmul.f32 v21, v17  }
0x279: {  	v11 =	vmul.f32 v22, v11;
	v18 =	vmul.f32 v48, v18;
	v56 =	vsub.f32 $1.500000000e+00, v53  }
0x27a: {  	v59 =	vmul.f32 v20, v12;
	v52 =	vsub.f32 $1.500000000e+00, v49;
	v24 =	vmul.f32 v51, v21  }
0x27b: {  	v54 =	vmul.f32 v18, v14;
	v19 =	vmul.f32 v56, v19  }
0x27c: {  	v22 =	vmul.f32 v59, v20;
	v13 =	vmul.f32 v52, v13;
	v24 =	vsub.f32 $1.500000000e+00, v24  }
0x27d: {  	v57 =	vmul.f32 v54, v18;
	v61 =	vmul.f32 v19, v16  }
0x27e: {  	v58 =	vmul.f32 v13, v15;
	v21 =	vmul.f32 v24, v21  }
0x27f: {  	v55 =	vmul.f32 v11, v10;
	v23 =	vsub.f32 $1.500000000e+00, v57;
	v25 =	vmul.f32 v61, v19  }
0x280: {  	v22 =	vsub.f32 $1.500000000e+00, v22;
	v60 =	vmul.f32 v58, v13;
	v62 =	vmul.f32 v21, v17  }
0x281: {  	v27 =	vmul.f32 v55, v11;
	v18 =	vmul.f32 v23, v18;
	v30 =	vsub.f32 $1.500000000e+00, v25  }
0x282: {  	v20 =	vmul.f32 v22, v20;
	v24 =	vsub.f32 $1.500000000e+00, v60;
	v23 =	vmul.f32 v62, v21  }
0x283: {  	v63 =	vmul.f32 v18, v14;
	v19 =	vmul.f32 v30, v19  }
0x284: {  	v37 =	vmul.f32 v20, v12;
	v13 =	vmul.f32 v24, v13;
	v23 =	vsub.f32 $1.500000000e+00, v23  }
0x285: {  	v31 =	vmul.f32 v63, v18;
	v24 =	vmul.f32 v19, v16  }
0x286: {  	v35 =	vsub.f32 $1.500000000e+00, v27;
	v32 =	vmul.f32 v13, v15;
	v21 =	vmul.f32 v23, v21  }
0x287: {  	v40 =	vmul.f32 v37, v20;
	v33 =	vsub.f32 $1.500000000e+00, v31;
	v24 =	vmul.f32 v24, v19  }
0x288: {  	v34 =	vmul.f32 v32, v13;
	v36 =	vmul.f32 v21, v17  }
0x289: {  	v11 =	vmul.f32 v35, v11;
	v18 =	vmul.f32 v33, v18;
	v39 =	vsub.f32 $1.500000000e+00, v24  }
0x28a: {  	v44 =	vsub.f32 $1.500000000e+00, v40;
	v23 =	vsub.f32 $1.500000000e+00, v34;
	v22 =	vmul.f32 v36, v21  }
0x28b: {  	v38 =	vmul.f32 v18, v14;
	v19 =	vmul.f32 v39, v19  }
0x28c: {  	v20 =	vmul.f32 v44, v20;
	v13 =	vmul.f32 v23, v13;
	v22 =	vsub.f32 $1.500000000e+00, v22  }
0x28d: {  	v41 =	vmul.f32 v38, v18;
	v46 =	vmul.f32 v19, v16  }
0x28e: {  	v42 =	vmul.f32 v13, v15;
	v21 =	vmul.f32 v22, v21  }
0x28f: {  	v52 =	vmul.f32 v20, v12;
	v49 =	vmul.f32 v46, v19  }
0x290: {  	v25 =	vsub.f32 $1.500000000e+00, v41;
	v45 =	vmul.f32 v42, v13;
	v47 =	vmul.f32 v21, v17  }
0x291: {  	v43 =	vmul.f32 v11, v10;
	v54 =	vmul.f32 v52, v20;
	v51 =	vsub.f32 $1.500000000e+00, v49  }
0x292: {  	v18 =	vmul.f32 v25, v18;
	v48 =	vsub.f32 $1.500000000e+00, v45;
	v25 =	vmul.f32 v47, v21  }
0x293: {  	v23 =	vmul.f32 v43, v11;
	v22 =	vsub.f32 $1.500000000e+00, v54;
	v19 =	vmul.f32 v51, v19  }
0x294: {  	v50 =	vmul.f32 v18, v14;
	v13 =	vmul.f32 v48, v13;
	v25 =	vsub.f32 $1.500000000e+00, v25  }
0x295: {  	v20 =	vmul.f32 v22, v20;
	v57 =	vmul.f32 v19, v16  }
0x296: {  	v23 =	vsub.f32 $1.500000000e+00, v23;
	v26 =	vmul.f32 v50, v18;
	v21 =	vmul.f32 v25, v21  }
0x297: {  	v53 =	vmul.f32 v13, v15;
	v60 =	vmul.f32 v57, v19  }
0x298: {  	v11 =	vmul.f32 v23, v11;
	v55 =	vsub.f32 $1.500000000e+00, v26;
	v58 =	vmul.f32 v21, v17  }
0x299: {  	v29 =	vmul.f32 v20, v12;
	v56 =	vmul.f32 v53, v13;
	v62 =	vsub.f32 $1.500000000e+00, v60  }
0x29a: {  	v18 =	vmul.f32 v55, v18;
	v24 =	vmul.f32 v58, v21  }
0x29b: {  	v10 =	vmul.f32 v11, v10;
	v59 =	vsub.f32 $1.500000000e+00, v56;
	v19 =	vmul.f32 v62, v19  }
0x29c: {  	v23 =	vmul.f32 v29, v20;
	v61 =	vmul.f32 v18, v14;
	v24 =	vsub.f32 $1.500000000e+00, v24  }
0x29d: {  	v13 =	vmul.f32 v59, v13;
	v31 =	vmul.f32 v19, v16  }
0x29e: {  	v63 =	vmul.f32 v61, v18;
	v21 =	vmul.f32 v24, v21  }
0x29f: {  	v39 =	vld [tilespmem:$0x54E0];
	v28 =	vmul.f32 v13, v15;
	v25 =	vmul.f32 v31, v19  }
0x2a0: {  	v10 =	vmul.f32 v10, v11;
	v22 =	vsub.f32 $1.500000000e+00, v63;
	v32 =	vmul.f32 v21, v17  }
0x2a1: {  	v23 =	vsub.f32 $1.500000000e+00, v23;
	v30 =	vmul.f32 v28, v13;
	v34 =	vsub.f32 $1.500000000e+00, v25  }
0x2a2: {  	v18 =	vmul.f32 v22, v18;
	v22 =	vmul.f32 v32, v21  }
0x2a3: {  	v20 =	vmul.f32 v23, v20;
	v24 =	vsub.f32 $1.500000000e+00, v30;
	v19 =	vmul.f32 v34, v19  }
0x2a4: {  	v25 =	vadd.f32 $1.000000000e+00, v39;
	v33 =	vmul.f32 v18, v14;
	v22 =	vsub.f32 $1.500000000e+00, v22  }
0x2a5: {  	v13 =	vmul.f32 v24, v13;
	v24 =	vmul.f32 v19, v16  }
0x2a6: {  	(erf) = vrcp.f32 v25;
	v21 =	vmul.f32 v22, v21  }
0x2a7: {  	v36 =	vmul.f32 v13, v15;
	v24 =	vmul.f32 v24, v19  }
0x2a8: {  	v35 =	vmul.f32 v33, v18;
	v40 =	vmul.f32 v21, v17  }
0x2a9: {  	v10 =	vsub.f32 $1.500000000e+00, v10;
	v38 =	vmul.f32 v36, v13;
	v43 =	vsub.f32 $1.500000000e+00, v24  }
0x2aa: {  	v41 =	vmul.f32 v20, v12;
	v37 =	vsub.f32 $1.500000000e+00, v35;
	v23 =	vmul.f32 v40, v21  }
0x2ab: {  	v10 =	vmul.f32 v10, v11;
	v22 =	vsub.f32 $1.500000000e+00, v38;
	v19 =	vmul.f32 v43, v19  }
0x2ac: {  	v26 =	vmul.f32 v41, v20;
	v18 =	vmul.f32 v37, v18;
	v23 =	vsub.f32 $1.500000000e+00, v23  }
0x2ad: {  	v13 =	vmul.f32 v22, v13;
	v48 =	vmul.f32 v19, v16  }
0x2ae: {  	v42 =	vmul.f32 v18, v14;
	v21 =	vmul.f32 v23, v21  }
0x2af: {  	v45 =	vmul.f32 v13, v15;
	v24 =	vmul.f32 v48, v19  }
0x2b0: {  	v26 =	vsub.f32 $1.500000000e+00, v26;
	v11 =	vmul.f32 $5.000000000e-01, v25;
	v49 =	vmul.f32 v21, v17  }
0x2b1: {  	v56 =	vpop (erf);
	v44 =	vmul.f32 v42, v18;
	v47 =	vmul.f32 v45, v13;
	v51 =	vsub.f32 $1.500000000e+00, v24  }
0x2b2: {  	v58 =	vmul.f32 v56, v11;
	v22 =	vmul.f32 v49, v21  }
0x2b3: {  	v20 =	vmul.f32 v26, v20;
	v23 =	vsub.f32 $1.500000000e+00, v47;
	v19 =	vmul.f32 v51, v19  }
0x2b4: {  	v46 =	vsub.f32 $1.500000000e+00, v44;
	v27 =	vmul.f32 v58, v56;
	v22 =	vsub.f32 $1.500000000e+00, v22  }
0x2b5: {  	v13 =	vmul.f32 v23, v13;
	v55 =	vmul.f32 v19, v16  }
0x2b6: {  	v18 =	vmul.f32 v46, v18;
	v21 =	vmul.f32 v22, v21  }
0x2b7: {  	v53 =	vmul.f32 v13, v15;
	v24 =	vmul.f32 v55, v19  }
0x2b8: {  	v28 =	vmul.f32 v20, v12;
	v61 =	vsub.f32 $1.500000000e+00, v27;
	v57 =	vmul.f32 v21, v17  }
0x2b9: {  	v50 =	vmul.f32 v18, v14;
	v54 =	vmul.f32 v53, v13;
	v59 =	vsub.f32 $1.500000000e+00, v24  }
0x2ba: {  	v63 =	vmul.f32 v61, v56;
	v26 =	vmul.f32 v57, v21  }
0x2bb: {  	v28 =	vmul.f32 v28, v20;
	v22 =	vsub.f32 $1.500000000e+00, v54;
	v19 =	vmul.f32 v59, v19  }
0x2bc: {  	v52 =	vmul.f32 v50, v18;
	v36 =	vmul.f32 v63, v11;
	v60 =	vsub.f32 $1.500000000e+00, v26  }
0x2bd: {  	v13 =	vmul.f32 v22, v13;
	v33 =	vmul.f32 v19, v16  }
0x2be: {  	v34 =	vsub.f32 $1.500000000e+00, v28;
	v27 =	vmul.f32 v36, v63;
	v21 =	vmul.f32 v60, v21  }
0x2bf: {  	v23 =	vsub.f32 $1.500000000e+00, v52;
	v62 =	vmul.f32 v13, v15;
	v24 =	vmul.f32 v33, v19  }
0x2c0: {  	v20 =	vmul.f32 v34, v20;
	v41 =	vsub.f32 $1.500000000e+00, v27;
	v35 =	vmul.f32 v21, v17  }
0x2c1: {  	v18 =	vmul.f32 v23, v18;
	v32 =	vmul.f32 v62, v13;
	v38 =	vsub.f32 $1.500000000e+00, v24  }
0x2c2: {  	v22 =	vmul.f32 v41, v63;
	v26 =	vmul.f32 v35, v21  }
0x2c3: {  	v12 =	vmul.f32 v20, v12;
	v23 =	vsub.f32 $1.500000000e+00, v32;
	v19 =	vmul.f32 v38, v19  }
0x2c4: {  	v47 =	vld [tilespmem:$0x54F0];
	v37 =	vmul.f32 v18, v14;
	v46 =	vmul.f32 v22, v11;
	v40 =	vsub.f32 $1.500000000e+00, v26  }
0x2c5: {  	v13 =	vmul.f32 v23, v13;
	v44 =	vmul.f32 v19, v16  }
0x2c6: {  	v27 =	vmul.f32 v46, v22;
	v21 =	vmul.f32 v40, v21  }
0x2c7: {  	v42 =	vmul.f32 v13, v15;
	v25 =	vmul.f32 v44, v19  }
0x2c8: {  	v39 =	vmul.f32 v37, v18;
	v50 =	vsub.f32 $1.500000000e+00, v27;
	v45 =	vmul.f32 v21, v17  }
0x2c9: {  	v54 =	vadd.f32 $1.000000000e+00, v47;
	v43 =	vmul.f32 v42, v13;
	v48 =	vsub.f32 $1.500000000e+00, v25  }
0x2ca: {  	v24 =	vsub.f32 $1.500000000e+00, v39;
	v22 =	vmul.f32 v50, v22;
	v26 =	vmul.f32 v45, v21  }
0x2cb: {  	(erf) = vrcp.f32 v54;
	v23 =	vsub.f32 $1.500000000e+00, v43;
	v19 =	vmul.f32 v48, v19  }
0x2cc: {  	v18 =	vmul.f32 v24, v18;
	v56 =	vmul.f32 v22, v11;
	v49 =	vsub.f32 $1.500000000e+00, v26  }
0x2cd: {  	v13 =	vmul.f32 v23, v13;
	v53 =	vmul.f32 v19, v16  }
0x2ce: {  	v27 =	vmul.f32 v56, v22;
	v21 =	vmul.f32 v49, v21  }
0x2cf: {  	v51 =	vmul.f32 v13, v15;
	v24 =	vmul.f32 v53, v19  }
0x2d0: {  	v12 =	vmul.f32 v12, v20;
	v27 =	vsub.f32 $1.500000000e+00, v27;
	v55 =	vmul.f32 v21, v17  }
0x2d1: {  	v52 =	vmul.f32 v51, v13;
	v58 =	vsub.f32 $1.500000000e+00, v24  }
0x2d2: {  	v12 =	vsub.f32 $1.500000000e+00, v12;
	v22 =	vmul.f32 v27, v22;
	v26 =	vmul.f32 v55, v21  }
0x2d3: {  	v57 =	vsub.f32 $1.500000000e+00, v52;
	v19 =	vmul.f32 v58, v19  }
0x2d4: {  	v12 =	vmul.f32 v12, v20;
	v27 =	vmul.f32 v22, v11;
	v26 =	vsub.f32 $1.500000000e+00, v26  }
0x2d5: {  	v20 =	vmul.f32 v57, v13;
	v61 =	vmul.f32 v19, v16  }
0x2d6: {  	v13 =	vmul.f32 $5.000000000e-01, v54;
	v21 =	vmul.f32 v26, v21  }
0x2d7: {  	v60 =	vmul.f32 v20, v15;
	v62 =	vmul.f32 v61, v19  }
0x2d8: {  	v33 =	vpop (erf);
	v32 =	vmul.f32 v27, v22;
	v26 =	vmul.f32 v21, v17  }
0x2d9: {  	v29 =	vmul.f32 v33, v13;
	v23 =	vmul.f32 v60, v20;
	v28 =	vsub.f32 $1.500000000e+00, v62  }
0x2da: {  	v59 =	vmul.f32 v18, v14;
	v63 =	vmul.f32 v26, v21;
	v26 =	vsub.f32 $1.500000000e+00, v32  }
0x2db: {  	v34 =	vmul.f32 v29, v33;
	v23 =	vsub.f32 $1.500000000e+00, v23;
	v19 =	vmul.f32 v28, v19  }
0x2dc: {  	v24 =	vmul.f32 v59, v18;
	v25 =	vsub.f32 $1.500000000e+00, v63;
	v22 =	vmul.f32 v26, v22  }
0x2dd: {  	v36 =	vsub.f32 $1.500000000e+00, v34;
	v20 =	vmul.f32 v23, v20;
	v35 =	vmul.f32 v19, v16  }
0x2de: {  	v21 =	vmul.f32 v25, v21;
	v38 =	vmul.f32 v22, v11  }
0x2df: {  	v23 =	vmul.f32 v35, v19;
	v25 =	vmul.f32 v36, v33  }
0x2e0: {  	v37 =	vmul.f32 v21, v17;
	v39 =	vmul.f32 v38, v22  }
0x2e1: {  	v24 =	vsub.f32 $1.500000000e+00, v24;
	v23 =	vsub.f32 $1.500000000e+00, v23;
	v40 =	vmul.f32 v25, v13  }
0x2e2: {  	v41 =	vmul.f32 v20, v15;
	v26 =	vmul.f32 v37, v21;
	v27 =	vsub.f32 $1.500000000e+00, v39  }
0x2e3: {  	v19 =	vmul.f32 v23, v19;
	v42 =	vmul.f32 v40, v25  }
0x2e4: {  	v18 =	vmul.f32 v24, v18;
	v26 =	vsub.f32 $1.500000000e+00, v26;
	v22 =	vmul.f32 v27, v22  }
0x2e5: {  	v43 =	vmul.f32 v41, v20;
	v44 =	vmul.f32 v19, v16;
	v23 =	vsub.f32 $1.500000000e+00, v42  }
0x2e6: {  	v21 =	vmul.f32 v26, v21;
	v46 =	vmul.f32 v22, v11  }
0x2e7: {  	v26 =	vmul.f32 v44, v19;
	v23 =	vmul.f32 v23, v25  }
0x2e8: {  	v24 =	vsub.f32 $1.500000000e+00, v43;
	v45 =	vmul.f32 v21, v17;
	v48 =	vmul.f32 v46, v22  }
0x2e9: {  	v26 =	vsub.f32 $1.500000000e+00, v26;
	v50 =	vmul.f32 v23, v13  }
0x2ea: {  	v20 =	vmul.f32 v24, v20;
	v47 =	vmul.f32 v45, v21;
	v52 =	vsub.f32 $1.500000000e+00, v48  }
0x2eb: {  	v19 =	vmul.f32 v26, v19;
	v53 =	vmul.f32 v50, v23  }
0x2ec: {  	v51 =	vsub.f32 $1.500000000e+00, v47;
	v22 =	vmul.f32 v52, v22  }
0x2ed: {  	v54 =	vmul.f32 v20, v15;
	v55 =	vmul.f32 v19, v16;
	v26 =	vsub.f32 $1.500000000e+00, v53  }
0x2ee: {  	v21 =	vmul.f32 v51, v21;
	v57 =	vmul.f32 v22, v11  }
0x2ef: {  	v25 =	vmul.f32 v55, v19;
	v23 =	vmul.f32 v26, v23  }
0x2f0: {  	v56 =	vmul.f32 v21, v17;
	v59 =	vmul.f32 v57, v22  }
0x2f1: {  	v24 =	vmul.f32 v54, v20;
	v25 =	vsub.f32 $1.500000000e+00, v25;
	v60 =	vmul.f32 v23, v13  }
0x2f2: {  	v49 =	vmul.f32 v18, v14;
	v58 =	vmul.f32 v56, v21;
	v27 =	vsub.f32 $1.500000000e+00, v59  }
0x2f3: {  	v24 =	vsub.f32 $1.500000000e+00, v24;
	v19 =	vmul.f32 v25, v19;
	v61 =	vmul.f32 v60, v23  }
0x2f4: {  	v28 =	vmul.f32 v49, v18;
	v26 =	vsub.f32 $1.500000000e+00, v58;
	v22 =	vmul.f32 v27, v22  }
0x2f5: {  	v20 =	vmul.f32 v24, v20;
	v62 =	vmul.f32 v19, v16;
	v25 =	vsub.f32 $1.500000000e+00, v61  }
0x2f6: {  	v21 =	vmul.f32 v26, v21;
	v27 =	vmul.f32 v22, v11  }
0x2f7: {  	v24 =	vmul.f32 v62, v19;
	v23 =	vmul.f32 v25, v23  }
0x2f8: {  	v26 =	vmul.f32 v21, v17;
	v32 =	vmul.f32 v27, v22  }
0x2f9: {  	v28 =	vsub.f32 $1.500000000e+00, v28;
	v24 =	vsub.f32 $1.500000000e+00, v24;
	v33 =	vmul.f32 v23, v13  }
0x2fa: {  	v34 =	vmul.f32 v20, v15;
	v63 =	vmul.f32 v26, v21;
	v26 =	vsub.f32 $1.500000000e+00, v32  }
0x2fb: {  	v19 =	vmul.f32 v24, v19;
	v35 =	vmul.f32 v33, v23  }
0x2fc: {  	v18 =	vmul.f32 v28, v18;
	v25 =	vsub.f32 $1.500000000e+00, v63;
	v22 =	vmul.f32 v26, v22  }
0x2fd: {  	v36 =	vmul.f32 v34, v20;
	v37 =	vmul.f32 v19, v16;
	v24 =	vsub.f32 $1.500000000e+00, v35  }
0x2fe: {  	v21 =	vmul.f32 v25, v21;
	v39 =	vmul.f32 v22, v11  }
0x2ff: {  	v26 =	vmul.f32 v37, v19;
	v23 =	vmul.f32 v24, v23  }
0x300: {  	v40 =	vsub.f32 $1.500000000e+00, v36;
	v38 =	vmul.f32 v21, v17;
	v42 =	vmul.f32 v39, v22  }
0x301: {  	v14 =	vmul.f32 v18, v14;
	v26 =	vsub.f32 $1.500000000e+00, v26;
	v43 =	vmul.f32 v23, v13  }
0x302: {  	v53 =	vld [tilespmem:$0x5500];
	v20 =	vmul.f32 v40, v20;
	v41 =	vmul.f32 v38, v21;
	v45 =	vsub.f32 $1.500000000e+00, v42  }
0x303: {  	v55 =	vld [tilespmem:$0x5510];
	v19 =	vmul.f32 v26, v19;
	v46 =	vmul.f32 v43, v23  }
0x304: {  	v14 =	vmul.f32 v14, v18;
	v44 =	vsub.f32 $1.500000000e+00, v41;
	v22 =	vmul.f32 v45, v22  }
0x305: {  	v15 =	vmul.f32 v20, v15;
	v47 =	vmul.f32 v19, v16;
	v48 =	vsub.f32 $1.500000000e+00, v46  }
0x306: {  	v57 =	vld [tilespmem:$0x5520];
	v21 =	vmul.f32 v44, v21;
	v50 =	vmul.f32 v22, v11  }
0x307: {  	v59 =	vadd.f32 $1.000000000e+00, v53;
	v24 =	vmul.f32 v47, v19;
	v23 =	vmul.f32 v48, v23  }
0x308: {  	v29 =	vadd.f32 $1.000000000e+00, v55;
	v49 =	vmul.f32 v21, v17;
	v52 =	vmul.f32 v50, v22  }
0x309: {  	v15 =	vmul.f32 v15, v20;
	v24 =	vsub.f32 $1.500000000e+00, v24;
	v54 =	vmul.f32 v23, v13  }
0x30a: {  	v58 =	vld [tilespmem:$0x5530];
	(erf) = vrcp.f32 v59;
	v51 =	vmul.f32 v49, v21;
	v26 =	vsub.f32 $1.500000000e+00, v52  }
0x30b: {  	v62 =	vadd.f32 $1.000000000e+00, v57;
	v19 =	vmul.f32 v24, v19;
	v56 =	vmul.f32 v54, v23  }
0x30c: {  	(erf) = vrcp.f32 v29;
	v25 =	vsub.f32 $1.500000000e+00, v51;
	v22 =	vmul.f32 v26, v22  }
0x30d: {  	(erf) = vrcp.f32 v62;
	v16 =	vmul.f32 v19, v16;
	v24 =	vsub.f32 $1.500000000e+00, v56  }
0x30e: {  	v21 =	vmul.f32 v25, v21;
	v60 =	vmul.f32 v22, v11  }
0x30f: {  	v23 =	vmul.f32 v24, v23;
	v16 =	vmul.f32 v16, v19;
	v25 =	vadd.f32 $1.000000000e+00, v58  }
0x310: {  	v15 =	vsub.f32 $1.500000000e+00, v15;
	v17 =	vmul.f32 v21, v17;
	v61 =	vmul.f32 v60, v22  }
0x311: {  	v14 =	vsub.f32 $1.500000000e+00, v14;
	v63 =	vmul.f32 v23, v13;
	(erf) = vrcp.f32 v25  }
0x312: {  	v31 =	vsub.f32 $1.500000000e+00, v16;
	v16 =	vmul.f32 v15, v20;
	v20 =	vmul.f32 $5.000000000e-01, v25  }
0x313: {  	v30 =	vmul.f32 v17, v21;
	v28 =	vmul.f32 v63, v23  }
0x314: {  	v24 =	vsub.f32 $1.500000000e+00, v61;
	v17 =	vmul.f32 v14, v18;
	v18 =	vmul.f32 $5.000000000e-01, v59  }
0x315: {  	v36 =	vpop (erf);
	v15 =	vmul.f32 v31, v19;
	v19 =	vmul.f32 $5.000000000e-01, v29;
	v33 =	vsub.f32 $1.500000000e+00, v30  }
0x316: {  	v38 =	vpop (erf);
	v22 =	vmul.f32 v24, v22;
	v34 =	vsub.f32 $1.500000000e+00, v28;
	v40 =	vmul.f32 v36, v18  }
0x317: {  	v41 =	vmul.f32 v38, v19;
	v14 =	vmul.f32 v33, v21  }
0x318: {  	v35 =	vmul.f32 v22, v11;
	v23 =	vmul.f32 v34, v23  }
0x319: {  	v21 =	vmul.f32 $5.000000000e-01, v62;
	v43 =	vmul.f32 v40, v36  }
0x31a: {  	v42 =	vpop (erf);
	v44 =	vmul.f32 v41, v38;
	v39 =	vmul.f32 v23, v13  }
0x31b: {  	v37 =	vmul.f32 v35, v22;
	v45 =	vmul.f32 v42, v21;
	v31 =	vsub.f32 $1.500000000e+00, v43;
	v32 =	vpop (erf)  }
0x31c: {  	v25 =	vsub.f32 $1.500000000e+00, v44;
	v29 =	vmul.f32 v39, v23;
	v33 =	vmul.f32 v32, v20  }
0x31d: {  	v26 =	vsub.f32 $1.500000000e+00, v37;
	v30 =	vmul.f32 v45, v42;
	v24 =	vmul.f32 v31, v36  }
0x31e: {  	v25 =	vmul.f32 v25, v38;
	v29 =	vsub.f32 $1.500000000e+00, v29;
	v46 =	vmul.f32 v33, v32  }
0x31f: {  	v22 =	vmul.f32 v26, v22;
	v47 =	vsub.f32 $1.500000000e+00, v30;
	v48 =	vmul.f32 v24, v18  }
0x320: {  	v50 =	vmul.f32 v25, v19;
	v23 =	vmul.f32 v29, v23;
	v49 =	vsub.f32 $1.500000000e+00, v46  }
0x321: {  	v26 =	vmul.f32 v47, v42;
	v51 =	vmul.f32 v48, v24  }
0x322: {  	v53 =	vmul.f32 v50, v25;
	v52 =	vmul.f32 v49, v32  }
0x323: {  	v55 =	vmul.f32 v22, v11;
	v54 =	vmul.f32 v26, v21;
	v27 =	vsub.f32 $1.500000000e+00, v51  }
0x324: {  	v56 =	vmul.f32 v23, v13;
	v29 =	vsub.f32 $1.500000000e+00, v53;
	v32 =	vmul.f32 v52, v20  }
0x325: {  	v30 =	vmul.f32 v54, v26;
	v24 =	vmul.f32 v27, v24  }
0x326: {  	v25 =	vmul.f32 v29, v25;
	v59 =	vmul.f32 v56, v23  }
0x327: {  	v57 =	vmul.f32 v32, v52;
	v58 =	vsub.f32 $1.500000000e+00, v30;
	v60 =	vmul.f32 v24, v18  }
0x328: {  	v31 =	vmul.f32 v55, v22;
	v61 =	vmul.f32 v25, v19;
	v63 =	vsub.f32 $1.500000000e+00, v59  }
0x329: {  	v27 =	vsub.f32 $1.500000000e+00, v57;
	v26 =	vmul.f32 v58, v26;
	v62 =	vmul.f32 v60, v24  }
0x32a: {  	v36 =	vmul.f32 v61, v25;
	v23 =	vmul.f32 v63, v23  }
0x32b: {  	v27 =	vmul.f32 v27, v52;
	v37 =	vmul.f32 v26, v21  }
0x32c: {  	v29 =	vsub.f32 $1.500000000e+00, v62;
	v39 =	vsub.f32 $1.500000000e+00, v36;
	v43 =	vmul.f32 v23, v13  }
0x32d: {  	v38 =	vmul.f32 v27, v20;
	v40 =	vmul.f32 v37, v26  }
0x32e: {  	v24 =	vmul.f32 v29, v24;
	v25 =	vmul.f32 v39, v25  }
0x32f: {  	v30 =	vmul.f32 v43, v23;
	v41 =	vmul.f32 v38, v27;
	v42 =	vsub.f32 $1.500000000e+00, v40  }
0x330: {  	v44 =	vmul.f32 v24, v18;
	v45 =	vmul.f32 v25, v19  }
0x331: {  	v30 =	vsub.f32 $1.500000000e+00, v30;
	v29 =	vsub.f32 $1.500000000e+00, v41;
	v26 =	vmul.f32 v42, v26  }
0x332: {  	v31 =	vsub.f32 $1.500000000e+00, v31;
	v46 =	vmul.f32 v44, v24;
	v47 =	vmul.f32 v45, v25  }
0x333: {  	v23 =	vmul.f32 v30, v23;
	v27 =	vmul.f32 v29, v27  }
0x334: {  	v22 =	vmul.f32 v31, v22;
	v48 =	vmul.f32 v26, v21;
	v28 =	vsub.f32 $1.500000000e+00, v46  }
0x335: {  	v29 =	vsub.f32 $1.500000000e+00, v47;
	v61 =	vmul.f32 v23, v13;
	v49 =	vmul.f32 v27, v20  }
0x336: {  	v31 =	vmul.f32 v48, v26;
	v24 =	vmul.f32 v28, v24  }
0x337: {  	v25 =	vmul.f32 v29, v25;
	v51 =	vmul.f32 v49, v27  }
0x338: {  	v53 =	vsub.f32 $1.500000000e+00, v31;
	v54 =	vmul.f32 v24, v18  }
0x339: {  	v36 =	vmul.f32 v61, v23;
	v55 =	vmul.f32 v25, v19;
	v28 =	vsub.f32 $1.500000000e+00, v51  }
0x33a: {  	v26 =	vmul.f32 v53, v26;
	v56 =	vmul.f32 v54, v24  }
0x33b: {  	v40 =	vsub.f32 $1.500000000e+00, v36;
	v57 =	vmul.f32 v55, v25;
	v27 =	vmul.f32 v28, v27  }
0x33c: {  	v50 =	vmul.f32 v22, v11;
	v58 =	vmul.f32 v26, v21;
	v29 =	vsub.f32 $1.500000000e+00, v56  }
0x33d: {  	v23 =	vmul.f32 v40, v23;
	v28 =	vsub.f32 $1.500000000e+00, v57;
	v60 =	vmul.f32 v27, v20  }
0x33e: {  	v30 =	vmul.f32 v58, v26;
	v24 =	vmul.f32 v29, v24  }
0x33f: {  	v25 =	vmul.f32 v28, v25;
	v62 =	vmul.f32 v60, v27  }
0x340: {  	v52 =	vmul.f32 v50, v22;
	v63 =	vsub.f32 $1.500000000e+00, v30;
	v37 =	vmul.f32 v24, v18  }
0x341: {  	v50 =	vmul.f32 v23, v13;
	v38 =	vmul.f32 v25, v19;
	v29 =	vsub.f32 $1.500000000e+00, v62  }
0x342: {  	v26 =	vmul.f32 v63, v26;
	v39 =	vmul.f32 v37, v24  }
0x343: {  	v41 =	vmul.f32 v38, v25;
	v27 =	vmul.f32 v29, v27  }
0x344: {  	v42 =	vmul.f32 v26, v21;
	v28 =	vsub.f32 $1.500000000e+00, v39  }
0x345: {  	v30 =	vmul.f32 v50, v23;
	v45 =	vsub.f32 $1.500000000e+00, v41;
	v44 =	vmul.f32 v27, v20  }
0x346: {  	v46 =	vmul.f32 v42, v26;
	v24 =	vmul.f32 v28, v24  }
0x347: {  	v30 =	vsub.f32 $1.500000000e+00, v30;
	v25 =	vmul.f32 v45, v25;
	v47 =	vmul.f32 v44, v27  }
0x348: {  	v59 =	vsub.f32 $1.500000000e+00, v52;
	v49 =	vsub.f32 $1.500000000e+00, v46;
	v51 =	vmul.f32 v24, v18  }
0x349: {  	v23 =	vmul.f32 v30, v23;
	v52 =	vmul.f32 v25, v19;
	v28 =	vsub.f32 $1.500000000e+00, v47  }
0x34a: {  	v26 =	vmul.f32 v49, v26;
	v53 =	vmul.f32 v51, v24  }
0x34b: {  	v54 =	vmul.f32 v52, v25;
	v27 =	vmul.f32 v28, v27  }
0x34c: {  	v22 =	vmul.f32 v59, v22;
	v55 =	vmul.f32 v26, v21;
	v29 =	vsub.f32 $1.500000000e+00, v53  }
0x34d: {  	v38 =	vmul.f32 v23, v13;
	v28 =	vsub.f32 $1.500000000e+00, v54;
	v56 =	vmul.f32 v27, v20  }
0x34e: {  	v32 =	vmul.f32 v55, v26;
	v24 =	vmul.f32 v29, v24  }
0x34f: {  	v25 =	vmul.f32 v28, v25;
	v57 =	vmul.f32 v56, v27  }
0x350: {  	v43 =	vmul.f32 v22, v11;
	v58 =	vsub.f32 $1.500000000e+00, v32;
	v59 =	vmul.f32 v24, v18  }
0x351: {  	v41 =	vmul.f32 v38, v23;
	v60 =	vmul.f32 v25, v19;
	v29 =	vsub.f32 $1.500000000e+00, v57  }
0x352: {  	v26 =	vmul.f32 v58, v26;
	v61 =	vmul.f32 v59, v24  }
0x353: {  	v45 =	vsub.f32 $1.500000000e+00, v41;
	v62 =	vmul.f32 v60, v25;
	v27 =	vmul.f32 v29, v27  }
0x354: {  	v48 =	vmul.f32 v43, v22;
	v63 =	vmul.f32 v26, v21;
	v28 =	vsub.f32 $1.500000000e+00, v61  }
0x355: {  	v23 =	vmul.f32 v45, v23;
	v29 =	vsub.f32 $1.500000000e+00, v62;
	v37 =	vmul.f32 v27, v20  }
0x356: {  	v31 =	vsub.f32 $1.500000000e+00, v48;
	v30 =	vmul.f32 v63, v26;
	v24 =	vmul.f32 v28, v24  }
0x357: {  	v25 =	vmul.f32 v29, v25;
	v39 =	vmul.f32 v37, v27  }
0x358: {  	v22 =	vmul.f32 v31, v22;
	v40 =	vsub.f32 $1.500000000e+00, v30;
	v42 =	vmul.f32 v24, v18  }
0x359: {  	v53 =	vmul.f32 v23, v13;
	v43 =	vmul.f32 v25, v19;
	v28 =	vsub.f32 $1.500000000e+00, v39  }
0x35a: {  	v26 =	vmul.f32 v40, v26;
	v44 =	vmul.f32 v42, v24  }
0x35b: {  	v46 =	vmul.f32 v43, v25;
	v27 =	vmul.f32 v28, v27  }
0x35c: {  	v36 =	vmul.f32 v22, v11;
	v47 =	vmul.f32 v26, v21;
	v29 =	vsub.f32 $1.500000000e+00, v44  }
0x35d: {  	v30 =	vmul.f32 v53, v23;
	v49 =	vsub.f32 $1.500000000e+00, v46;
	v48 =	vmul.f32 v27, v20  }
0x35e: {  	v50 =	vmul.f32 v47, v26;
	v24 =	vmul.f32 v29, v24  }
0x35f: {  	v30 =	vsub.f32 $1.500000000e+00, v30;
	v25 =	vmul.f32 v49, v25;
	v51 =	vmul.f32 v48, v27  }
0x360: {  	v31 =	vmul.f32 v36, v22;
	v52 =	vsub.f32 $1.500000000e+00, v50;
	v54 =	vmul.f32 v24, v18  }
0x361: {  	v23 =	vmul.f32 v30, v23;
	v55 =	vmul.f32 v25, v19;
	v29 =	vsub.f32 $1.500000000e+00, v51  }
0x362: {  	v31 =	vsub.f32 $1.500000000e+00, v31;
	v26 =	vmul.f32 v52, v26;
	v56 =	vmul.f32 v54, v24  }
0x363: {  	v57 =	vmul.f32 v55, v25;
	v27 =	vmul.f32 v29, v27  }
0x364: {  	v22 =	vmul.f32 v31, v22;
	v58 =	vmul.f32 v26, v21;
	v28 =	vsub.f32 $1.500000000e+00, v56  }
0x365: {  	v40 =	vmul.f32 v23, v13;
	v29 =	vsub.f32 $1.500000000e+00, v57;
	v59 =	vmul.f32 v27, v20  }
0x366: {  	v31 =	vmul.f32 v58, v26;
	v24 =	vmul.f32 v28, v24  }
0x367: {  	v25 =	vmul.f32 v29, v25;
	v61 =	vmul.f32 v59, v27  }
0x368: {  	v63 =	vsub.f32 $1.500000000e+00, v31;
	v33 =	vmul.f32 v24, v18  }
0x369: {  	v43 =	vmul.f32 v40, v23;
	v34 =	vmul.f32 v25, v19;
	v28 =	vsub.f32 $1.500000000e+00, v61  }
0x36a: {  	v26 =	vmul.f32 v63, v26;
	v35 =	vmul.f32 v33, v24  }
0x36b: {  	v47 =	vsub.f32 $1.500000000e+00, v43;
	v36 =	vmul.f32 v34, v25;
	v27 =	vmul.f32 v28, v27  }
0x36c: {  	v37 =	vmul.f32 v26, v21;
	v29 =	vsub.f32 $1.500000000e+00, v35  }
0x36d: {  	v23 =	vmul.f32 v47, v23;
	v28 =	vsub.f32 $1.500000000e+00, v36;
	v39 =	vmul.f32 v27, v20  }
0x36e: {  	v30 =	vmul.f32 v37, v26;
	v24 =	vmul.f32 v29, v24  }
0x36f: {  	v25 =	vmul.f32 v28, v25;
	v41 =	vmul.f32 v39, v27  }
0x370: {  	v42 =	vsub.f32 $1.500000000e+00, v30;
	v44 =	vmul.f32 v24, v18  }
0x371: {  	v57 =	vmul.f32 v23, v13;
	v45 =	vmul.f32 v25, v19;
	v29 =	vsub.f32 $1.500000000e+00, v41  }
0x372: {  	v26 =	vmul.f32 v42, v26;
	v46 =	vmul.f32 v44, v24  }
0x373: {  	v48 =	vmul.f32 v45, v25;
	v27 =	vmul.f32 v29, v27  }
0x374: {  	v60 =	vmul.f32 v22, v11;
	v49 =	vmul.f32 v26, v21;
	v28 =	vsub.f32 $1.500000000e+00, v46  }
0x375: {  	v30 =	vmul.f32 v57, v23;
	v52 =	vsub.f32 $1.500000000e+00, v48;
	v51 =	vmul.f32 v27, v20  }
0x376: {  	v53 =	vmul.f32 v49, v26;
	v24 =	vmul.f32 v28, v24  }
0x377: {  	v30 =	vsub.f32 $1.500000000e+00, v30;
	v25 =	vmul.f32 v52, v25;
	v54 =	vmul.f32 v51, v27  }
0x378: {  	v62 =	vmul.f32 v60, v22;
	v56 =	vsub.f32 $1.500000000e+00, v53;
	v58 =	vmul.f32 v24, v18  }
0x379: {  	v23 =	vmul.f32 v30, v23;
	v59 =	vmul.f32 v25, v19;
	v28 =	vsub.f32 $1.500000000e+00, v54  }
0x37a: {  	v38 =	vsub.f32 $1.500000000e+00, v62;
	v26 =	vmul.f32 v56, v26;
	v60 =	vmul.f32 v58, v24  }
0x37b: {  	v61 =	vmul.f32 v59, v25;
	v27 =	vmul.f32 v28, v27  }
0x37c: {  	v22 =	vmul.f32 v38, v22;
	v62 =	vmul.f32 v26, v21;
	v29 =	vsub.f32 $1.500000000e+00, v60  }
0x37d: {  	v42 =	vmul.f32 v23, v13;
	v28 =	vsub.f32 $1.500000000e+00, v61;
	v63 =	vmul.f32 v27, v20  }
0x37e: {  	v32 =	vmul.f32 v62, v26;
	v24 =	vmul.f32 v29, v24  }
0x37f: {  	v25 =	vmul.f32 v28, v25;
	v33 =	vmul.f32 v63, v27  }
0x380: {  	v50 =	vmul.f32 v22, v11;
	v34 =	vsub.f32 $1.500000000e+00, v32;
	v35 =	vmul.f32 v24, v18  }
0x381: {  	v45 =	vmul.f32 v42, v23;
	v36 =	vmul.f32 v25, v19;
	v29 =	vsub.f32 $1.500000000e+00, v33  }
0x382: {  	v26 =	vmul.f32 v34, v26;
	v37 =	vmul.f32 v35, v24  }
0x383: {  	v49 =	vsub.f32 $1.500000000e+00, v45;
	v38 =	vmul.f32 v36, v25;
	v27 =	vmul.f32 v29, v27  }
0x384: {  	v55 =	vmul.f32 v50, v22;
	v39 =	vmul.f32 v26, v21;
	v28 =	vsub.f32 $1.500000000e+00, v37  }
0x385: {  	v23 =	vmul.f32 v49, v23;
	v29 =	vsub.f32 $1.500000000e+00, v38;
	v41 =	vmul.f32 v27, v20  }
0x386: {  	v31 =	vsub.f32 $1.500000000e+00, v55;
	v30 =	vmul.f32 v39, v26;
	v24 =	vmul.f32 v28, v24  }
0x387: {  	v25 =	vmul.f32 v29, v25;
	v43 =	vmul.f32 v41, v27  }
0x388: {  	v22 =	vmul.f32 v31, v22;
	v44 =	vsub.f32 $1.500000000e+00, v30;
	v46 =	vmul.f32 v24, v18  }
0x389: {  	v57 =	vmul.f32 v23, v13;
	v47 =	vmul.f32 v25, v19;
	v28 =	vsub.f32 $1.500000000e+00, v43  }
0x38a: {  	v26 =	vmul.f32 v44, v26;
	v48 =	vmul.f32 v46, v24  }
0x38b: {  	v50 =	vmul.f32 v47, v25;
	v27 =	vmul.f32 v28, v27  }
0x38c: {  	v40 =	vmul.f32 v22, v11;
	v51 =	vmul.f32 v26, v21;
	v29 =	vsub.f32 $1.500000000e+00, v48  }
0x38d: {  	v30 =	vmul.f32 v57, v23;
	v53 =	vsub.f32 $1.500000000e+00, v50;
	v52 =	vmul.f32 v27, v20  }
0x38e: {  	v54 =	vmul.f32 v51, v26;
	v24 =	vmul.f32 v29, v24  }
0x38f: {  	v30 =	vsub.f32 $1.500000000e+00, v30;
	v25 =	vmul.f32 v53, v25;
	v55 =	vmul.f32 v52, v27  }
0x390: {  	v31 =	vmul.f32 v40, v22;
	v56 =	vsub.f32 $1.500000000e+00, v54;
	v58 =	vmul.f32 v24, v18  }
0x391: {  	v23 =	vmul.f32 v30, v23;
	v59 =	vmul.f32 v25, v19;
	v29 =	vsub.f32 $1.500000000e+00, v55  }
0x392: {  	v31 =	vsub.f32 $1.500000000e+00, v31;
	v26 =	vmul.f32 v56, v26;
	v60 =	vmul.f32 v58, v24  }
0x393: {  	v61 =	vmul.f32 v59, v25;
	v27 =	vmul.f32 v29, v27  }
0x394: {  	v22 =	vmul.f32 v31, v22;
	v62 =	vmul.f32 v26, v21;
	v28 =	vsub.f32 $1.500000000e+00, v60  }
0x395: {  	v47 =	vmul.f32 v23, v13;
	v29 =	vsub.f32 $1.500000000e+00, v61;
	v63 =	vmul.f32 v27, v20  }
0x396: {  	v31 =	vmul.f32 v62, v26;
	v24 =	vmul.f32 v28, v24  }
0x397: {  	v25 =	vmul.f32 v29, v25;
	v37 =	vmul.f32 v63, v27  }
0x398: {  	v36 =	vmul.f32 v22, v11;
	v39 =	vsub.f32 $1.500000000e+00, v31;
	v40 =	vmul.f32 v24, v18  }
0x399: {  	v50 =	vmul.f32 v47, v23;
	v41 =	vmul.f32 v25, v19;
	v28 =	vsub.f32 $1.500000000e+00, v37  }
0x39a: {  	v26 =	vmul.f32 v39, v26;
	v42 =	vmul.f32 v40, v24  }
0x39b: {  	v54 =	vsub.f32 $1.500000000e+00, v50;
	v43 =	vmul.f32 v41, v25;
	v27 =	vmul.f32 v28, v27  }
0x39c: {  	v38 =	vmul.f32 v36, v22;
	v44 =	vmul.f32 v26, v21;
	v29 =	vsub.f32 $1.500000000e+00, v42  }
0x39d: {  	v23 =	vmul.f32 v54, v23;
	v28 =	vsub.f32 $1.500000000e+00, v43;
	v46 =	vmul.f32 v27, v20  }
0x39e: {  	v45 =	vsub.f32 $1.500000000e+00, v38;
	v30 =	vmul.f32 v44, v26;
	v24 =	vmul.f32 v29, v24  }
0x39f: {  	v25 =	vmul.f32 v28, v25;
	v48 =	vmul.f32 v46, v27  }
0x3a0: {  	v22 =	vmul.f32 v45, v22;
	v49 =	vsub.f32 $1.500000000e+00, v30;
	v51 =	vmul.f32 v24, v18  }
0x3a1: {  	v36 =	vmul.f32 v23, v13;
	v52 =	vmul.f32 v25, v19;
	v29 =	vsub.f32 $1.500000000e+00, v48  }
0x3a2: {  	v26 =	vmul.f32 v49, v26;
	v53 =	vmul.f32 v51, v24  }
0x3a3: {  	v55 =	vmul.f32 v52, v25;
	v27 =	vmul.f32 v29, v27  }
0x3a4: {  	v57 =	vmul.f32 v22, v11;
	v56 =	vmul.f32 v26, v21;
	v28 =	vsub.f32 $1.500000000e+00, v53  }
0x3a5: {  	v30 =	vmul.f32 v36, v23;
	v59 =	vsub.f32 $1.500000000e+00, v55;
	v58 =	vmul.f32 v27, v20  }
0x3a6: {  	v60 =	vmul.f32 v56, v26;
	v24 =	vmul.f32 v28, v24  }
0x3a7: {  	v30 =	vsub.f32 $1.500000000e+00, v30;
	v25 =	vmul.f32 v59, v25;
	v61 =	vmul.f32 v58, v27  }
0x3a8: {  	v62 =	vmul.f32 v57, v22;
	v63 =	vsub.f32 $1.500000000e+00, v60;
	v37 =	vmul.f32 v24, v18  }
0x3a9: {  	v23 =	vmul.f32 v30, v23;
	v38 =	vmul.f32 v25, v19;
	v28 =	vsub.f32 $1.500000000e+00, v61  }
0x3aa: {  	v31 =	vsub.f32 $1.500000000e+00, v62;
	v26 =	vmul.f32 v63, v26;
	v39 =	vmul.f32 v37, v24  }
0x3ab: {  	v40 =	vmul.f32 v38, v25;
	v27 =	vmul.f32 v28, v27  }
0x3ac: {  	v22 =	vmul.f32 v31, v22;
	v41 =	vmul.f32 v26, v21;
	v29 =	vsub.f32 $1.500000000e+00, v39  }
0x3ad: {  	v52 =	vmul.f32 v23, v13;
	v28 =	vsub.f32 $1.500000000e+00, v40;
	v42 =	vmul.f32 v27, v20  }
0x3ae: {  	v32 =	vmul.f32 v41, v26;
	v24 =	vmul.f32 v29, v24  }
0x3af: {  	v25 =	vmul.f32 v28, v25;
	v43 =	vmul.f32 v42, v27  }
0x3b0: {  	v50 =	vmul.f32 v22, v11;
	v44 =	vsub.f32 $1.500000000e+00, v32;
	v45 =	vmul.f32 v24, v18  }
0x3b1: {  	v55 =	vmul.f32 v52, v23;
	v46 =	vmul.f32 v25, v19;
	v29 =	vsub.f32 $1.500000000e+00, v43  }
0x3b2: {  	v26 =	vmul.f32 v44, v26;
	v47 =	vmul.f32 v45, v24  }
0x3b3: {  	v59 =	vsub.f32 $1.500000000e+00, v55;
	v48 =	vmul.f32 v46, v25;
	v27 =	vmul.f32 v29, v27  }
0x3b4: {  	v31 =	vmul.f32 v50, v22;
	v49 =	vmul.f32 v26, v21;
	v28 =	vsub.f32 $1.500000000e+00, v47  }
0x3b5: {  	v23 =	vmul.f32 v59, v23;
	v29 =	vsub.f32 $1.500000000e+00, v48;
	v51 =	vmul.f32 v27, v20  }
0x3b6: {  	v31 =	vsub.f32 $1.500000000e+00, v31;
	v30 =	vmul.f32 v49, v26;
	v24 =	vmul.f32 v28, v24  }
0x3b7: {  	v25 =	vmul.f32 v29, v25;
	v53 =	vmul.f32 v51, v27  }
0x3b8: {  	v22 =	vmul.f32 v31, v22;
	v37 =	vmul.f32 v23, v13;
	v54 =	vsub.f32 $1.500000000e+00, v30  }
0x3b9: {  	v56 =	vmul.f32 v24, v18;
	v57 =	vmul.f32 v25, v19;
	v28 =	vsub.f32 $1.500000000e+00, v53  }
0x3ba: {  	v30 =	vmul.f32 v37, v23;
	v26 =	vmul.f32 v54, v26  }
0x3bb: {  	v58 =	vmul.f32 v56, v24;
	v27 =	vmul.f32 v28, v27  }
0x3bc: {  	v60 =	vmul.f32 v57, v25;
	v30 =	vsub.f32 $1.500000000e+00, v30;
	v61 =	vmul.f32 v26, v21  }
0x3bd: {  	v44 =	vmul.f32 v22, v11;
	v29 =	vsub.f32 $1.500000000e+00, v58;
	v62 =	vmul.f32 v27, v20  }
0x3be: {  	v63 =	vsub.f32 $1.500000000e+00, v60;
	v23 =	vmul.f32 v30, v23;
	v34 =	vmul.f32 v61, v26  }
0x3bf: {  	v24 =	vmul.f32 v29, v24;
	v35 =	vmul.f32 v62, v27  }
0x3c0: {  	v46 =	vmul.f32 v44, v22;
	v25 =	vmul.f32 v63, v25;
	v36 =	vsub.f32 $1.500000000e+00, v34  }
0x3c1: {  	v55 =	vmul.f32 v23, v13;
	v38 =	vmul.f32 v24, v18;
	v29 =	vsub.f32 $1.500000000e+00, v35  }
0x3c2: {  	v39 =	vmul.f32 v25, v19;
	v26 =	vmul.f32 v36, v26  }
0x3c3: {  	v59 =	vmul.f32 v55, v23;
	v27 =	vmul.f32 v29, v27  }
0x3c4: {  	v40 =	vmul.f32 v38, v24;
	v42 =	vmul.f32 v26, v21  }
0x3c5: {  	v41 =	vmul.f32 v39, v25;
	v43 =	vmul.f32 v27, v20  }
0x3c6: {  	v50 =	vsub.f32 $1.500000000e+00, v46;
	v28 =	vsub.f32 $1.500000000e+00, v40;
	v31 =	vmul.f32 v42, v26  }
0x3c7: {  	v62 =	vsub.f32 $1.500000000e+00, v59;
	v29 =	vsub.f32 $1.500000000e+00, v41;
	v45 =	vmul.f32 v43, v27  }
0x3c8: {  	v22 =	vmul.f32 v50, v22;
	v24 =	vmul.f32 v28, v24;
	v47 =	vsub.f32 $1.500000000e+00, v31  }
0x3c9: {  	v23 =	vmul.f32 v62, v23;
	v25 =	vmul.f32 v29, v25;
	v28 =	vsub.f32 $1.500000000e+00, v45  }
0x3ca: {  	v48 =	vmul.f32 v24, v18;
	v26 =	vmul.f32 v47, v26  }
0x3cb: {  	v49 =	vmul.f32 v25, v19;
	v27 =	vmul.f32 v28, v27  }
0x3cc: {  	v30 =	vmul.f32 v48, v24;
	v52 =	vmul.f32 v26, v21  }
0x3cd: {  	v51 =	vmul.f32 v49, v25;
	v54 =	vmul.f32 v27, v20  }
0x3ce: {  	v39 =	vmul.f32 v23, v13;
	v53 =	vsub.f32 $1.500000000e+00, v30;
	v31 =	vmul.f32 v52, v26  }
0x3cf: {  	v57 =	vmul.f32 v22, v11;
	v28 =	vsub.f32 $1.500000000e+00, v51;
	v56 =	vmul.f32 v54, v27  }
0x3d0: {  	v41 =	vmul.f32 v39, v23;
	v24 =	vmul.f32 v53, v24;
	v58 =	vsub.f32 $1.500000000e+00, v31  }
0x3d1: {  	v30 =	vmul.f32 v57, v22;
	v25 =	vmul.f32 v28, v25;
	v29 =	vsub.f32 $1.500000000e+00, v56  }
0x3d2: {  	v60 =	vmul.f32 v24, v18;
	v26 =	vmul.f32 v58, v26  }
0x3d3: {  	v61 =	vmul.f32 v25, v19;
	v27 =	vmul.f32 v29, v27  }
0x3d4: {  	v63 =	vmul.f32 v60, v24;
	v37 =	vmul.f32 v26, v21  }
0x3d5: {  	v36 =	vmul.f32 v61, v25;
	v38 =	vmul.f32 v27, v20  }
0x3d6: {  	v47 =	vsub.f32 $1.500000000e+00, v41;
	v31 =	vsub.f32 $1.500000000e+00, v63;
	v32 =	vmul.f32 v37, v26  }
0x3d7: {  	v46 =	vsub.f32 $1.500000000e+00, v30;
	v29 =	vsub.f32 $1.500000000e+00, v36;
	v28 =	vmul.f32 v38, v27  }
0x3d8: {  	v49 =	vmul.f32 v47, v23;
	v24 =	vmul.f32 v31, v24;
	v40 =	vsub.f32 $1.500000000e+00, v32  }
0x3d9: {  	[tilespmem:$0x5420] =	vst v4;
	v4 =	vmul.f32 v46, v22;
	v25 =	vmul.f32 v29, v25;
	v28 =	vsub.f32 $1.500000000e+00, v28  }
0x3da: {  	v42 =	vmul.f32 v24, v18;
	v26 =	vmul.f32 v40, v26  }
0x3db: {  	[tilespmem:$0x5400] =	vst v2;
	v43 =	vmul.f32 v25, v19;
	v27 =	vmul.f32 v28, v27  }
0x3dc: {  	[tilespmem:$0x5410] =	vst v3;
	v2 =	vmul.f32 v42, v24;
	v44 =	vmul.f32 v26, v21  }
0x3dd: {  	[tilespmem:$0x5430] =	vst v5;
	v3 =	vmul.f32 v43, v25;
	v45 =	vmul.f32 v27, v20  }
0x3de: {  	[tilespmem:$0x5440] =	vst v6;
	v53 =	vmul.f32 v49, v13;
	v2 =	vsub.f32 $1.500000000e+00, v2;
	v29 =	vmul.f32 v44, v26  }
0x3df: {  	[tilespmem:$0x5450] =	vst v7;
	v52 =	vmul.f32 v4, v11;
	v3 =	vsub.f32 $1.500000000e+00, v3;
	v48 =	vmul.f32 v45, v27  }
0x3e0: {  	[tilespmem:$0x5470] =	vst v9;
	v9 =	vmul.f32 v53, v49;
	v2 =	vmul.f32 v2, v24;
	v50 =	vsub.f32 $1.500000000e+00, v29  }
0x3e1: {  	[tilespmem:$0x5460] =	vst v8;
	v8 =	vmul.f32 v52, v4;
	v3 =	vmul.f32 v3, v25;
	v5 =	vsub.f32 $1.500000000e+00, v48  }
0x3e2: {  	[tilespmem:$0x5480] =	vst v10;
	v54 =	vmul.f32 v2, v18;
	v51 =	vmul.f32 v50, v26  }
0x3e3: {  	[tilespmem:$0x5490] =	vst v12;
	v55 =	vmul.f32 v3, v19;
	v5 =	vmul.f32 v5, v27  }
0x3e4: {  	[tilespmem:$0x54B0] =	vst v16;
	v9 =	vsub.f32 $1.500000000e+00, v9;
	v10 =	vmul.f32 v54, v2;
	v56 =	vmul.f32 v51, v21  }
0x3e5: {  	[tilespmem:$0x54A0] =	vst v17;
	v8 =	vsub.f32 $1.500000000e+00, v8;
	v11 =	vmul.f32 v55, v3;
	v57 =	vmul.f32 v5, v20  }
0x3e6: {  	[tilespmem:$0x54C0] =	vst v15;
	v6 =	vmul.f32 v9, v49;
	v58 =	vsub.f32 $1.500000000e+00, v10;
	v59 =	vmul.f32 v56, v51  }
0x3e7: {  	[tilespmem:$0x54D0] =	vst v14;
	v4 =	vmul.f32 v8, v4;
	v60 =	vsub.f32 $1.500000000e+00, v11;
	v61 =	vmul.f32 v57, v5  }
0x3e8: {  	[tilespmem:$0x54F0] =	vst v6;
	v2 =	vmul.f32 v58, v2;
	v62 =	vsub.f32 $1.500000000e+00, v59  }
0x3e9: {  	[tilespmem:$0x54E0] =	vst v4;
	v3 =	vmul.f32 v60, v3;
	v63 =	vsub.f32 $1.500000000e+00, v61  }
0x3ea: {  	[tilespmem:$0x5500] =	vst v2;
	v2 =	vmul.f32 v62, v51  }
0x3eb: {  	s15 =	sadd.s32 $0x1, s15;
	[tilespmem:$0x5510] =	vst v3;
	v3 =	vmul.f32 v63, v5  }
0x3ec: {  	p0 =	sne.s32 s15, s9;
	[tilespmem:$0x5520] =	vst v2  }
.Ltmp2:
0x3ed: {  	[tilespmem:$0x5530] =	vst v3;
	(pc) =	sbr.rel @p0 .LBB2_1-.Ltmp2, $4  }
0x3ee: {  	[hbm4b:s8+s3] =	stream.linear.scatter [tilespmem:s14], [sflag:$0x1], $0x140, $0x38;
	[tilespmem:$0x5540] =	vst v63  }
0x3ef: {  	_ =	swait.ge [sflag:s11], $0x140  }
0x3f0: {  	[sflag:s11] =	ssyncset.done $0x0  }
0x3f1: {  	[sflag:s11] =	ssyncadd.s32 $0xFFFFFEC0  }
0x3f2: {  	_ =	sfence.sel $0x180000  }
0x3f3: {  	[bflag:$0x0] =	sbarrier.arrive $0xFFFF  }
0x3f4: {  	p0 =	sne.s32 s0, $0x0;
	_ =	strace $0x90000047  }
0x3f5: {  	s0 =	sadd.s32 @!p0 $0x100000, s1;
	[bflag:$0x2] =	sbarrier.arrive $0xFFFF  }
0x3f6: {  	[sflag:s0] =	ssyncadd.tile.s32 @!p0 $0x1;
	_ =	shalt  }
.Lfunc_end2:
_tile_overlayer_lowered:
.L_overlay_start_2:
0x3f7: {  	(tag) =	ssettag $0x2  }
0x3f8: {  	s0 =	rddreg [dreg:$0x0];
	s2 =	stileid.u32  }
0x3f9: {  	s1 =	rddreg [dreg:$0x1];
	p0 =	sne.s32 s2, $0x0  }
0x3fa: {  	s3 =	rddreg [dreg:$0x2];
	[bflag:$0x3] =	sbarrier.arrive $0xFFFF;
	s2 =	simm.s32 @!p0 $0x1C01  }
0x3fb: {  	[timem:s3], [sflag:s2] =	dma.local @!p0 [hbm:s0], s1  }
0x3fc: {  	s0 =	simm.s32 @!p0 $0x1  }
0x3fd: {  	_ =	swait.ge @!p0 [sflag:s0], s1  }
0x3fe: {  	s1 =	ssub.s32 @!p0 $0x0, s1;
	[sflag:s0] =	ssyncset.done @!p0 $0x0  }
0x3ff: {  	[sflag:s0] =	ssyncadd.s32 @!p0 s1  }
0x400: {  	[bflag:$0x3] =	sbarrier.arrive $0xFFFF  }
0x401: {  	_ =	shalt  }

</sc_bundles>
